<compile_context>
chip_gen: v7x
topology: tpu7x:2x2x1
jax: 0.10.2.dev20260603
libtpu: 0.0.44.dev20260713+nightly
codegen_flags: <defaults>
</compile_context>

<pallas_src>
import functools

import jax
import jax.numpy as jnp
from jax import lax
from jax.experimental import pallas as pl
from jax.experimental.pallas import tpu as pltpu
from jax.experimental.pallas import tpu_sc as plsc

NUM_CORES = 2
NUM_SUBCORES = 16
NUM_WORKERS = NUM_CORES * NUM_SUBCORES
LANES = 16
BCHUNK = 128
NT = 3


def _make_kernel(B, L, D, V):
    n_bblk = B // BCHUNK
    n_chunks = L * n_bblk
    n_chunks_w = n_chunks // NUM_WORKERS
    DM = NT * D
    mesh = plsc.VectorSubcoreMesh(core_axis_name="c", subcore_axis_name="s")

    @functools.partial(
        pl.kernel,
        mesh=mesh,
        compiler_params=pltpu.CompilerParams(use_tc_tiling_on_sc=False,
                                             needs_layout_passes=False),
        out_type=jax.ShapeDtypeStruct((L, DM // 8, B // BCHUNK, 8, BCHUNK),
                                      jnp.float32),
        scratch_types=[
            pltpu.VMEM((NT, BCHUNK), jnp.int32),
            pltpu.VMEM((NT, BCHUNK), jnp.int32),
            pltpu.VMEM((NT, BCHUNK), jnp.int32),
            pltpu.VMEM((NT, BCHUNK, D), jnp.float32),
            pltpu.VMEM((NT, BCHUNK, D), jnp.float32),
            pltpu.VMEM((NT, BCHUNK, D), jnp.float32),
            pltpu.VMEM((DM // 8, 8, BCHUNK + 1), jnp.float32),
            pltpu.VMEM((DM // 8, 8, BCHUNK + 1), jnp.float32),
            pltpu.VMEM((DM // 8, 8, BCHUNK + 1), jnp.float32),
            pltpu.VMEM((L, DM), jnp.float32),
            pltpu.SemaphoreType.DMA,
            pltpu.SemaphoreType.DMA,
            pltpu.SemaphoreType.DMA,
            pltpu.SemaphoreType.DMA,
            pltpu.SemaphoreType.DMA,
            pltpu.SemaphoreType.DMA,
        ],
    )
    def emb_kernel(idxB, t0, t1, t2, pos, out,
                   iv0, iv1, iv2, r0, r1, r2, ct0, ct1, ct2, pv,
                   sg0, sg1, sg2, sw0, sw1, sw2):
        wid = lax.axis_index("s") * NUM_CORES + lax.axis_index("c")
        tables = (t0, t1, t2)
        lane = lax.iota(jnp.int32, LANES)

        pltpu.sync_copy(pos.at[pl.ds(0, L), pl.ds(0, DM)], pv)

        def coords(c):
            gc = wid * n_chunks_w + c
            return gc // n_bblk, gc % n_bblk

        def load_idx(c, iv):
            l, cg = coords(c)
            for j in range(NT):
                pltpu.sync_copy(idxB.at[j, l, pl.ds(cg * BCHUNK, BCHUNK)],
                                iv.at[j])

        def fire_gathers(iv, r, sem):
            for j in range(NT):
                pltpu.async_copy(tables[j].at[iv.at[j]], r.at[j], sem)

        def wait_gathers(iv, r, sem):
            for j in range(NT):
                pltpu.make_async_copy(tables[j].at[iv.at[j]],
                                      r.at[j], sem).wait()

        def add_transpose(c, r, ct):
            l, _ = coords(c)
            pvecs = [pv[l, pl.ds(h * LANES, LANES)] for h in range(DM // LANES)]
            dl = [(h * LANES) + lane for h in range(DM // LANES)]
            rgv = [lax.shift_right_logical(d, 1 + 1 + 1) for d in dl]
            rv = [lax.bitwise_and(d, 7) for d in dl]

            @plsc.parallel_loop(0, BCHUNK, unroll=4)
            def tok_body(t):
                bvec = lane * 0 + t
                for j in range(NT):
                    for hh in range(D // LANES):
                        h = j * (D // LANES) + hh
                        x = r[j, t, pl.ds(hh * LANES, LANES)] + pvecs[h]
                        plsc.store_scatter(ct, [rgv[h], rv[h], bvec], x)

        def start_write(c, ct, sem):
            l, cg = coords(c)
            return pltpu.async_copy(ct.at[:, :, pl.ds(0, BCHUNK)],
                                    out.at[l, :, cg], sem)

        def wait_write(c, ct, sem):
            l, cg = coords(c)
            pltpu.make_async_copy(ct.at[:, :, pl.ds(0, BCHUNK)],
                                  out.at[l, :, cg], sem).wait()

        bufs = ((iv0, r0, ct0, sg0, sw0), (iv1, r1, ct1, sg1, sw1),
                (iv2, r2, ct2, sg2, sw2))

        load_idx(0, iv0)
        fire_gathers(iv0, r0, sg0)
        load_idx(1, iv1)
        fire_gathers(iv1, r1, sg1)
        load_idx(2, iv2)

        def triple_body(i, carry):
            for ph in range(3):
                c = 3 * i + ph
                iv_c, r_c, ct_c, sg_c, sw_c = bufs[ph]
                iv_n, r_n, ct_n, sg_n, sw_n = bufs[(ph + 2) % 3]

                @pl.when(c + 2 < n_chunks_w)
                def _():
                    fire_gathers(iv_n, r_n, sg_n)

                wait_gathers(iv_c, r_c, sg_c)

                @pl.when(c + 3 < n_chunks_w)
                def _():
                    load_idx(c + 3, iv_c)

                @pl.when(c >= 3)
                def _():
                    wait_write(c - 3, ct_c, sw_c)

                add_transpose(c, r_c, ct_c)
                start_write(c, ct_c, sw_c)
            return carry

        lax.fori_loop(0, n_chunks_w // 3, triple_body, 0)

        for c in range(3 * (n_chunks_w // 3), n_chunks_w):
            iv_c, r_c, ct_c, sg_c, sw_c = bufs[c % 3]
            wait_gathers(iv_c, r_c, sg_c)
            wait_write(c - 3, ct_c, sw_c)
            add_transpose(c, r_c, ct_c)
            start_write(c, ct_c, sw_c)
        for c in range(n_chunks_w - 3, n_chunks_w):
            _, _, ct_c, _, sw_c = bufs[c % 3]
            wait_write(c, ct_c, sw_c)

    return emb_kernel


def kernel(batch, W_opcode, W_operand1, W_operand2, W_pos):
    B, L, nt = batch.shape
    V, D = W_opcode.shape
    assert nt == NT and B % BCHUNK == 0
    assert (L * (B // BCHUNK)) % (2 * NUM_WORKERS) == 0

    idxB = batch.astype(jnp.int32).transpose(2, 1, 0)
    out = _make_kernel(B, L, D, V)(
        idxB, W_opcode, W_operand1, W_operand2, W_pos)
    return out.transpose(2, 4, 0, 1, 3).reshape(B, L, NT * D)

# --- scband reference (transcript-rebuilt; emitter-appended) ---
"""Pipeline reference for scband-bottom-embedding-65747359367471 (READ-ONLY COPY).

The authoritative reference and input builder live on the scoring server;
editing this copy changes nothing except your own understanding.
"""

import jax, jax.numpy as jnp
import numpy as np

B = 1024
L = 200
VOCAB = 100000
PER_OP_DIM = 32
D_MODEL = 96
MAX_LENGTH = 512


def setup_inputs(seed: int = 0) -> dict:
    key = jax.random.key(seed)
    k1, k2, k3, k4, k5 = jax.random.split(key, 5)
    batch = jax.random.randint(k1, (B, L, 3), 0, VOCAB, dtype=jnp.int64 if jax.config.jax_enable_x64 else jnp.int32)
    W_opcode = jax.random.normal(k2, (VOCAB, PER_OP_DIM), dtype=jnp.float32)
    W_operand1 = jax.random.normal(k3, (VOCAB, PER_OP_DIM), dtype=jnp.float32)
    W_operand2 = jax.random.normal(k4, (VOCAB, PER_OP_DIM), dtype=jnp.float32)
    W_pos = jax.random.normal(k5, (MAX_LENGTH, D_MODEL), dtype=jnp.float32)
    return {"batch": batch, "W_opcode": W_opcode, "W_operand1": W_operand1, "W_operand2": W_operand2, "W_pos": W_pos}


def reference(batch, W_opcode, W_operand1, W_operand2, W_pos):
    # opcode/operand embedding lookups (gather)
    opcode_embs = jnp.take(W_opcode, batch[:, :, 0], axis=0)
    operand_1_embs = jnp.take(W_operand1, batch[:, :, 1], axis=0)
    operand_2_embs = jnp.take(W_operand2, batch[:, :, 2], axis=0)
    input_embs = jnp.concatenate((opcode_embs, operand_1_embs, operand_2_embs), axis=-1)
    # position embedding: arange(max_length) expanded to batch, sliced to seq len
    position = jnp.broadcast_to(jnp.arange(MAX_LENGTH), (batch.shape[0], MAX_LENGTH))[:, :batch.shape[1]]
    position_embs = jnp.take(W_pos, position, axis=0)
    return position_embs + input_embs

if __name__ == "__main__":
    import jax
    _d = setup_inputs()
    print(jax.jit(kernel)(*tuple(_d.values())))

</pallas_src>

<mosaic_0001>
#map = affine_map<(d0, d1) -> (0, 0, 0)>
#map1 = affine_map<(d0, d1) -> (0, 0)>
#map2 = affine_map<(d0, d1) -> (0, 0, 0, 0, 0)>
module attributes {stable_mosaic.version = 14 : i64} {
  func.func @emb_kernel(%arg0: i32, %arg1: i32, %arg2: memref<3x200x1024xi32, #tpu.memory_space<hbm>>, %arg3: memref<100000x32xf32, #tpu.memory_space<hbm>>, %arg4: memref<100000x32xf32, #tpu.memory_space<hbm>>, %arg5: memref<100000x32xf32, #tpu.memory_space<hbm>>, %arg6: memref<512x96xf32, #tpu.memory_space<hbm>>, %arg7: memref<200x12x8x8x128xf32, #tpu.memory_space<hbm>>, %arg8: memref<3x128xi32, #tpu.memory_space<vmem>>, %arg9: memref<3x128xi32, #tpu.memory_space<vmem>>, %arg10: memref<3x128xi32, #tpu.memory_space<vmem>>, %arg11: memref<3x128x32xf32, #tpu.memory_space<vmem>>, %arg12: memref<3x128x32xf32, #tpu.memory_space<vmem>>, %arg13: memref<3x128x32xf32, #tpu.memory_space<vmem>>, %arg14: memref<12x8x129xf32, #tpu.memory_space<vmem>>, %arg15: memref<12x8x129xf32, #tpu.memory_space<vmem>>, %arg16: memref<12x8x129xf32, #tpu.memory_space<vmem>>, %arg17: memref<200x96xf32, #tpu.memory_space<vmem>>, %arg18: memref<!tpu.dma_semaphore, #tpu.memory_space<semaphore_mem>>, %arg19: memref<!tpu.dma_semaphore, #tpu.memory_space<semaphore_mem>>, %arg20: memref<!tpu.dma_semaphore, #tpu.memory_space<semaphore_mem>>, %arg21: memref<!tpu.dma_semaphore, #tpu.memory_space<semaphore_mem>>, %arg22: memref<!tpu.dma_semaphore, #tpu.memory_space<semaphore_mem>>, %arg23: memref<!tpu.dma_semaphore, #tpu.memory_space<semaphore_mem>>) attributes {dimension_semantics = [#tpu.dimension_semantics<core_parallel>, #tpu.dimension_semantics<subcore_parallel>], iteration_bounds = array<i64: 2, 16>, scalar_prefetch = 0 : i64, scratch_operands = 16 : i64, tpu.core_type = #tpu.core_type<sc_vector_subcore>, window_params = [{transform_indices = #map}, {transform_indices = #map1}, {transform_indices = #map1}, {transform_indices = #map1}, {transform_indices = #map1}, {transform_indices = #map2}]} {
    %mul3A = arith.constant 2 : i32
    %mul3A_0 = arith.muli %arg1, %mul3A : i32
    %add3A = arith.addi %mul3A_0, %arg0 : i32
    %iota3A = tpu.iota {dimensions = array<i32: 0>} : vector<16xi32>
    "tpu.region"() ({
      %run_scoped3A_974 = tpu.sem_alloc : memref<!tpu.dma_semaphore, #tpu.memory_space<semaphore_mem>>
      %dma_start3A_975 = arith.constant 0 : i32
      %dma_start3A_976 = arith.constant 0 : i32
      %dma_start3A_977 = tpu.memref_slice %arg6[%dma_start3A_975, %dma_start3A_976] : memref<512x96xf32, #tpu.memory_space<hbm>> -> memref<200x96xf32, #tpu.memory_space<hbm>>
      %dma_start3A_978 = arith.constant 0 : i32
      %dma_start3A_979 = arith.constant 0 : i32
      %dma_start3A_980 = tpu.memref_slice %arg6[%dma_start3A_978, %dma_start3A_979] : memref<512x96xf32, #tpu.memory_space<hbm>> -> memref<200x96xf32, #tpu.memory_space<hbm>>
      tpu.enqueue_dma source(%dma_start3A_980 : memref<200x96xf32, #tpu.memory_space<hbm>>) target(%arg17 : memref<200x96xf32, #tpu.memory_space<vmem>>) target_semaphore(%run_scoped3A_974 : memref<!tpu.dma_semaphore, #tpu.memory_space<semaphore_mem>>)
      %dma_wait3A_981 = arith.constant 0 : i32
      %dma_wait3A_982 = arith.constant 0 : i32
      %dma_wait3A_983 = tpu.memref_slice %arg6[%dma_wait3A_981, %dma_wait3A_982] : memref<512x96xf32, #tpu.memory_space<hbm>> -> memref<200x96xf32, #tpu.memory_space<hbm>>
      %dma_wait3A_984 = arith.constant 0 : i32
      %dma_wait3A_985 = arith.constant 0 : i32
      %dma_wait3A_986 = tpu.memref_slice %arg6[%dma_wait3A_984, %dma_wait3A_985] : memref<512x96xf32, #tpu.memory_space<hbm>> -> memref<200x96xf32, #tpu.memory_space<hbm>>
      tpu.wait_dma2 semaphore(%run_scoped3A_974 : memref<!tpu.dma_semaphore, #tpu.memory_space<semaphore_mem>>) src(%dma_wait3A_986 : memref<200x96xf32, #tpu.memory_space<hbm>>) dst(%arg17 : memref<200x96xf32, #tpu.memory_space<vmem>>)
      tpu.yield
    }) : () -> ()
    %mul3A_1 = arith.constant 50 : i32
    %mul3A_2 = arith.muli %add3A, %mul3A_1 : i32
    %add3A_3 = arith.constant 0 : i32
    %add3A_4 = arith.addi %mul3A_2, %add3A_3 : i32
    %jit3A = arith.constant 8 : i32
    %div3A = arith.divsi %add3A_4, %jit3A : i32
    %sign3A = arith.constant 0 : i32
    %sign3A_5 = arith.cmpi sgt, %add3A_4, %sign3A : i32
    %sign3A_6 = arith.extui %sign3A_5 : i1 to i32
    %sign3A_7 = arith.constant 0 : i32
    %sign3A_8 = arith.cmpi slt, %add3A_4, %sign3A_7 : i32
    %sign3A_9 = arith.extui %sign3A_8 : i1 to i32
    %sign3A_10 = arith.subi %sign3A_6, %sign3A_9 : i32
    %sign3A_11 = arith.constant 0 : i32
    %sign3A_12 = arith.cmpi sgt, %jit3A, %sign3A_11 : i32
    %sign3A_13 = arith.extui %sign3A_12 : i1 to i32
    %sign3A_14 = arith.constant 0 : i32
    %sign3A_15 = arith.cmpi slt, %jit3A, %sign3A_14 : i32
    %sign3A_16 = arith.extui %sign3A_15 : i1 to i32
    %sign3A_17 = arith.subi %sign3A_13, %sign3A_16 : i32
    %ne3A = arith.cmpi ne, %sign3A_10, %sign3A_17 : i32
    %rem3A = arith.remsi %add3A_4, %jit3A : i32
    %ne3A_18 = arith.constant 0 : i32
    %ne3A_19 = arith.cmpi ne, %rem3A, %ne3A_18 : i32
    %and3A = arith.andi %ne3A, %ne3A_19 : i1
    %sub3A = arith.constant 1 : i32
    %sub3A_20 = arith.subi %div3A, %sub3A : i32
    %select_n3A = arith.select %and3A, %sub3A_20, %div3A : i32
    %jit3A_21 = arith.constant 8 : i32
    %eq3A = arith.constant 0 : i32
    %eq3A_22 = arith.cmpi eq, %jit3A_21, %eq3A : i32
    %jit3A_23 = arith.constant 1 : i32
    %select_n3A_24 = arith.select %eq3A_22, %jit3A_23, %jit3A_21 : i32
    %rem3A_25 = arith.remsi %add3A_4, %select_n3A_24 : i32
    %ne3A_26 = arith.constant 0 : i32
    %ne3A_27 = arith.cmpi ne, %rem3A_25, %ne3A_26 : i32
    %lt3A = arith.constant 0 : i32
    %lt3A_28 = arith.cmpi slt, %rem3A_25, %lt3A : i32
    %lt3A_29 = arith.constant 0 : i32
    %lt3A_30 = arith.cmpi slt, %select_n3A_24, %lt3A_29 : i32
    %ne3A_31 = arith.xori %lt3A_28, %lt3A_30 : i1
    %and3A_32 = arith.andi %ne3A_31, %ne3A_27 : i1
    %add3A_33 = arith.addi %rem3A_25, %select_n3A_24 : i32
    %select_n3A_34 = arith.select %and3A_32, %add3A_33, %rem3A_25 : i32
    %mul3A_35 = arith.constant 128 : i32
    %mul3A_36 = arith.muli %select_n3A_34, %mul3A_35 : i32
    %run_scoped3A = arith.constant 0 : i32
    %run_scoped3A_37 = arith.constant 0 : i32
    "tpu.region"() ({
      %run_scoped3A_974 = tpu.sem_alloc : memref<!tpu.dma_semaphore, #tpu.memory_space<semaphore_mem>>
      %dma_start3A_975 = arith.constant 0 : i32
      %dma_start3A_976 = tpu.memref_slice %arg8[%run_scoped3A_37, %dma_start3A_975] : memref<3x128xi32, #tpu.memory_space<vmem>> -> memref<1x128xi32, #tpu.memory_space<vmem>>
      %dma_start3A_977 = tpu.memref_squeeze %dma_start3A_976 : memref<1x128xi32, #tpu.memory_space<vmem>> -> memref<128xi32, #tpu.memory_space<vmem>>
      %dma_start3A_978 = tpu.memref_slice %arg2[%run_scoped3A, %select_n3A, %mul3A_36] : memref<3x200x1024xi32, #tpu.memory_space<hbm>> -> memref<1x1x128xi32, #tpu.memory_space<hbm>>
      %dma_start3A_979 = tpu.memref_squeeze %dma_start3A_978 : memref<1x1x128xi32, #tpu.memory_space<hbm>> -> memref<128xi32, #tpu.memory_space<hbm>>
      %dma_start3A_980 = arith.constant 0 : i32
      %dma_start3A_981 = tpu.memref_slice %arg8[%run_scoped3A_37, %dma_start3A_980] : memref<3x128xi32, #tpu.memory_space<vmem>> -> memref<1x128xi32, #tpu.memory_space<vmem>>
      %dma_start3A_982 = tpu.memref_squeeze %dma_start3A_981 : memref<1x128xi32, #tpu.memory_space<vmem>> -> memref<128xi32, #tpu.memory_space<vmem>>
      %dma_start3A_983 = tpu.memref_slice %arg2[%run_scoped3A, %select_n3A, %mul3A_36] : memref<3x200x1024xi32, #tpu.memory_space<hbm>> -> memref<1x1x128xi32, #tpu.memory_space<hbm>>
      %dma_start3A_984 = tpu.memref_squeeze %dma_start3A_983 : memref<1x1x128xi32, #tpu.memory_space<hbm>> -> memref<128xi32, #tpu.memory_space<hbm>>
      tpu.enqueue_dma source(%dma_start3A_984 : memref<128xi32, #tpu.memory_space<hbm>>) target(%dma_start3A_982 : memref<128xi32, #tpu.memory_space<vmem>>) target_semaphore(%run_scoped3A_974 : memref<!tpu.dma_semaphore, #tpu.memory_space<semaphore_mem>>)
      %dma_wait3A_985 = arith.constant 0 : i32
      %dma_wait3A_986 = tpu.memref_slice %arg8[%run_scoped3A_37, %dma_wait3A_985] : memref<3x128xi32, #tpu.memory_space<vmem>> -> memref<1x128xi32, #tpu.memory_space<vmem>>
      %dma_wait3A_987 = tpu.memref_squeeze %dma_wait3A_986 : memref<1x128xi32, #tpu.memory_space<vmem>> -> memref<128xi32, #tpu.memory_space<vmem>>
      %dma_wait3A_988 = tpu.memref_slice %arg2[%run_scoped3A, %select_n3A, %mul3A_36] : memref<3x200x1024xi32, #tpu.memory_space<hbm>> -> memref<1x1x128xi32, #tpu.memory_space<hbm>>
      %dma_wait3A_989 = tpu.memref_squeeze %dma_wait3A_988 : memref<1x1x128xi32, #tpu.memory_space<hbm>> -> memref<128xi32, #tpu.memory_space<hbm>>
      %dma_wait3A_990 = arith.constant 0 : i32
      %dma_wait3A_991 = tpu.memref_slice %arg8[%run_scoped3A_37, %dma_wait3A_990] : memref<3x128xi32, #tpu.memory_space<vmem>> -> memref<1x128xi32, #tpu.memory_space<vmem>>
      %dma_wait3A_992 = tpu.memref_squeeze %dma_wait3A_991 : memref<1x128xi32, #tpu.memory_space<vmem>> -> memref<128xi32, #tpu.memory_space<vmem>>
      %dma_wait3A_993 = tpu.memref_slice %arg2[%run_scoped3A, %select_n3A, %mul3A_36] : memref<3x200x1024xi32, #tpu.memory_space<hbm>> -> memref<1x1x128xi32, #tpu.memory_space<hbm>>
      %dma_wait3A_994 = tpu.memref_squeeze %dma_wait3A_993 : memref<1x1x128xi32, #tpu.memory_space<hbm>> -> memref<128xi32, #tpu.memory_space<hbm>>
      tpu.wait_dma2 semaphore(%run_scoped3A_974 : memref<!tpu.dma_semaphore, #tpu.memory_space<semaphore_mem>>) src(%dma_wait3A_994 : memref<128xi32, #tpu.memory_space<hbm>>) dst(%dma_wait3A_992 : memref<128xi32, #tpu.memory_space<vmem>>)
      tpu.yield
    }) : () -> ()
    %mul3A_38 = arith.constant 128 : i32
    %mul3A_39 = arith.muli %select_n3A_34, %mul3A_38 : i32
    %run_scoped3A_40 = arith.constant 1 : i32
    %run_scoped3A_41 = arith.constant 1 : i32
    "tpu.region"() ({
      %run_scoped3A_974 = tpu.sem_alloc : memref<!tpu.dma_semaphore, #tpu.memory_space<semaphore_mem>>
      %dma_start3A_975 = arith.constant 0 : i32
      %dma_start3A_976 = tpu.memref_slice %arg8[%run_scoped3A_41, %dma_start3A_975] : memref<3x128xi32, #tpu.memory_space<vmem>> -> memref<1x128xi32, #tpu.memory_space<vmem>>
      %dma_start3A_977 = tpu.memref_squeeze %dma_start3A_976 : memref<1x128xi32, #tpu.memory_space<vmem>> -> memref<128xi32, #tpu.memory_space<vmem>>
      %dma_start3A_978 = tpu.memref_slice %arg2[%run_scoped3A_40, %select_n3A, %mul3A_39] : memref<3x200x1024xi32, #tpu.memory_space<hbm>> -> memref<1x1x128xi32, #tpu.memory_space<hbm>>
      %dma_start3A_979 = tpu.memref_squeeze %dma_start3A_978 : memref<1x1x128xi32, #tpu.memory_space<hbm>> -> memref<128xi32, #tpu.memory_space<hbm>>
      %dma_start3A_980 = arith.constant 0 : i32
      %dma_start3A_981 = tpu.memref_slice %arg8[%run_scoped3A_41, %dma_start3A_980] : memref<3x128xi32, #tpu.memory_space<vmem>> -> memref<1x128xi32, #tpu.memory_space<vmem>>
      %dma_start3A_982 = tpu.memref_squeeze %dma_start3A_981 : memref<1x128xi32, #tpu.memory_space<vmem>> -> memref<128xi32, #tpu.memory_space<vmem>>
      %dma_start3A_983 = tpu.memref_slice %arg2[%run_scoped3A_40, %select_n3A, %mul3A_39] : memref<3x200x1024xi32, #tpu.memory_space<hbm>> -> memref<1x1x128xi32, #tpu.memory_space<hbm>>
      %dma_start3A_984 = tpu.memref_squeeze %dma_start3A_983 : memref<1x1x128xi32, #tpu.memory_space<hbm>> -> memref<128xi32, #tpu.memory_space<hbm>>
      tpu.enqueue_dma source(%dma_start3A_984 : memref<128xi32, #tpu.memory_space<hbm>>) target(%dma_start3A_982 : memref<128xi32, #tpu.memory_space<vmem>>) target_semaphore(%run_scoped3A_974 : memref<!tpu.dma_semaphore, #tpu.memory_space<semaphore_mem>>)
      %dma_wait3A_985 = arith.constant 0 : i32
      %dma_wait3A_986 = tpu.memref_slice %arg8[%run_scoped3A_41, %dma_wait3A_985] : memref<3x128xi32, #tpu.memory_space<vmem>> -> memref<1x128xi32, #tpu.memory_space<vmem>>
      %dma_wait3A_987 = tpu.memref_squeeze %dma_wait3A_986 : memref<1x128xi32, #tpu.memory_space<vmem>> -> memref<128xi32, #tpu.memory_space<vmem>>
      %dma_wait3A_988 = tpu.memref_slice %arg2[%run_scoped3A_40, %select_n3A, %mul3A_39] : memref<3x200x1024xi32, #tpu.memory_space<hbm>> -> memref<1x1x128xi32, #tpu.memory_space<hbm>>
      %dma_wait3A_989 = tpu.memref_squeeze %dma_wait3A_988 : memref<1x1x128xi32, #tpu.memory_space<hbm>> -> memref<128xi32, #tpu.memory_space<hbm>>
      %dma_wait3A_990 = arith.constant 0 : i32
      %dma_wait3A_991 = tpu.memref_slice %arg8[%run_scoped3A_41, %dma_wait3A_990] : memref<3x128xi32, #tpu.memory_space<vmem>> -> memref<1x128xi32, #tpu.memory_space<vmem>>
      %dma_wait3A_992 = tpu.memref_squeeze %dma_wait3A_991 : memref<1x128xi32, #tpu.memory_space<vmem>> -> memref<128xi32, #tpu.memory_space<vmem>>
      %dma_wait3A_993 = tpu.memref_slice %arg2[%run_scoped3A_40, %select_n3A, %mul3A_39] : memref<3x200x1024xi32, #tpu.memory_space<hbm>> -> memref<1x1x128xi32, #tpu.memory_space<hbm>>
      %dma_wait3A_994 = tpu.memref_squeeze %dma_wait3A_993 : memref<1x1x128xi32, #tpu.memory_space<hbm>> -> memref<128xi32, #tpu.memory_space<hbm>>
      tpu.wait_dma2 semaphore(%run_scoped3A_974 : memref<!tpu.dma_semaphore, #tpu.memory_space<semaphore_mem>>) src(%dma_wait3A_994 : memref<128xi32, #tpu.memory_space<hbm>>) dst(%dma_wait3A_992 : memref<128xi32, #tpu.memory_space<vmem>>)
      tpu.yield
    }) : () -> ()
    %mul3A_42 = arith.constant 128 : i32
    %mul3A_43 = arith.muli %select_n3A_34, %mul3A_42 : i32
    %run_scoped3A_44 = arith.constant 2 : i32
    %run_scoped3A_45 = arith.constant 2 : i32
    "tpu.region"() ({
      %run_scoped3A_974 = tpu.sem_alloc : memref<!tpu.dma_semaphore, #tpu.memory_space<semaphore_mem>>
      %dma_start3A_975 = arith.constant 0 : i32
      %dma_start3A_976 = tpu.memref_slice %arg8[%run_scoped3A_45, %dma_start3A_975] : memref<3x128xi32, #tpu.memory_space<vmem>> -> memref<1x128xi32, #tpu.memory_space<vmem>>
      %dma_start3A_977 = tpu.memref_squeeze %dma_start3A_976 : memref<1x128xi32, #tpu.memory_space<vmem>> -> memref<128xi32, #tpu.memory_space<vmem>>
      %dma_start3A_978 = tpu.memref_slice %arg2[%run_scoped3A_44, %select_n3A, %mul3A_43] : memref<3x200x1024xi32, #tpu.memory_space<hbm>> -> memref<1x1x128xi32, #tpu.memory_space<hbm>>
      %dma_start3A_979 = tpu.memref_squeeze %dma_start3A_978 : memref<1x1x128xi32, #tpu.memory_space<hbm>> -> memref<128xi32, #tpu.memory_space<hbm>>
      %dma_start3A_980 = arith.constant 0 : i32
      %dma_start3A_981 = tpu.memref_slice %arg8[%run_scoped3A_45, %dma_start3A_980] : memref<3x128xi32, #tpu.memory_space<vmem>> -> memref<1x128xi32, #tpu.memory_space<vmem>>
      %dma_start3A_982 = tpu.memref_squeeze %dma_start3A_981 : memref<1x128xi32, #tpu.memory_space<vmem>> -> memref<128xi32, #tpu.memory_space<vmem>>
      %dma_start3A_983 = tpu.memref_slice %arg2[%run_scoped3A_44, %select_n3A, %mul3A_43] : memref<3x200x1024xi32, #tpu.memory_space<hbm>> -> memref<1x1x128xi32, #tpu.memory_space<hbm>>
      %dma_start3A_984 = tpu.memref_squeeze %dma_start3A_983 : memref<1x1x128xi32, #tpu.memory_space<hbm>> -> memref<128xi32, #tpu.memory_space<hbm>>
      tpu.enqueue_dma source(%dma_start3A_984 : memref<128xi32, #tpu.memory_space<hbm>>) target(%dma_start3A_982 : memref<128xi32, #tpu.memory_space<vmem>>) target_semaphore(%run_scoped3A_974 : memref<!tpu.dma_semaphore, #tpu.memory_space<semaphore_mem>>)
      %dma_wait3A_985 = arith.constant 0 : i32
      %dma_wait3A_986 = tpu.memref_slice %arg8[%run_scoped3A_45, %dma_wait3A_985] : memref<3x128xi32, #tpu.memory_space<vmem>> -> memref<1x128xi32, #tpu.memory_space<vmem>>
      %dma_wait3A_987 = tpu.memref_squeeze %dma_wait3A_986 : memref<1x128xi32, #tpu.memory_space<vmem>> -> memref<128xi32, #tpu.memory_space<vmem>>
      %dma_wait3A_988 = tpu.memref_slice %arg2[%run_scoped3A_44, %select_n3A, %mul3A_43] : memref<3x200x1024xi32, #tpu.memory_space<hbm>> -> memref<1x1x128xi32, #tpu.memory_space<hbm>>
      %dma_wait3A_989 = tpu.memref_squeeze %dma_wait3A_988 : memref<1x1x128xi32, #tpu.memory_space<hbm>> -> memref<128xi32, #tpu.memory_space<hbm>>
      %dma_wait3A_990 = arith.constant 0 : i32
      %dma_wait3A_991 = tpu.memref_slice %arg8[%run_scoped3A_45, %dma_wait3A_990] : memref<3x128xi32, #tpu.memory_space<vmem>> -> memref<1x128xi32, #tpu.memory_space<vmem>>
      %dma_wait3A_992 = tpu.memref_squeeze %dma_wait3A_991 : memref<1x128xi32, #tpu.memory_space<vmem>> -> memref<128xi32, #tpu.memory_space<vmem>>
      %dma_wait3A_993 = tpu.memref_slice %arg2[%run_scoped3A_44, %select_n3A, %mul3A_43] : memref<3x200x1024xi32, #tpu.memory_space<hbm>> -> memref<1x1x128xi32, #tpu.memory_space<hbm>>
      %dma_wait3A_994 = tpu.memref_squeeze %dma_wait3A_993 : memref<1x1x128xi32, #tpu.memory_space<hbm>> -> memref<128xi32, #tpu.memory_space<hbm>>
      tpu.wait_dma2 semaphore(%run_scoped3A_974 : memref<!tpu.dma_semaphore, #tpu.memory_space<semaphore_mem>>) src(%dma_wait3A_994 : memref<128xi32, #tpu.memory_space<hbm>>) dst(%dma_wait3A_992 : memref<128xi32, #tpu.memory_space<vmem>>)
      tpu.yield
    }) : () -> ()
    %dma_start3A = arith.constant 0 : i32
    %dma_start3A_46 = arith.constant 0 : i32
    %dma_start3A_47 = arith.constant 0 : i32
    %dma_start3A_48 = arith.constant 0 : i32
    %dma_start3A_49 = tpu.memref_slice %arg11[%dma_start3A_46, %dma_start3A_47, %dma_start3A_48] : memref<3x128x32xf32, #tpu.memory_space<vmem>> -> memref<1x128x32xf32, #tpu.memory_space<vmem>>
    %dma_start3A_50 = tpu.memref_squeeze %dma_start3A_49 : memref<1x128x32xf32, #tpu.memory_space<vmem>> -> memref<128x32xf32, #tpu.memory_space<vmem>>
    %dma_start3A_51 = arith.constant 0 : i32
    %dma_start3A_52 = tpu.memref_slice %arg8[%dma_start3A, %dma_start3A_51] : memref<3x128xi32, #tpu.memory_space<vmem>> -> memref<1x128xi32, #tpu.memory_space<vmem>>
    %dma_start3A_53 = tpu.memref_squeeze %dma_start3A_52 : memref<1x128xi32, #tpu.memory_space<vmem>> -> memref<128xi32, #tpu.memory_space<vmem>>
    %dma_start3A_54 = arith.constant 0 : i32
    %dma_start3A_55 = arith.constant 0 : i32
    %dma_start3A_56 = tpu.memref_slice %arg3[%dma_start3A_54, %dma_start3A_55] : memref<100000x32xf32, #tpu.memory_space<hbm>> -> memref<100000x32xf32, #tpu.memory_space<hbm>>
    tpu.enqueue_indirect_dma source(%dma_start3A_56 : memref<100000x32xf32, #tpu.memory_space<hbm>>) target(%dma_start3A_50 : memref<128x32xf32, #tpu.memory_space<vmem>>) offsets(%dma_start3A_53 : memref<128xi32, #tpu.memory_space<vmem>>) semaphore(%arg18 : memref<!tpu.dma_semaphore, #tpu.memory_space<semaphore_mem>>)
    %dma_start3A_57 = arith.constant 1 : i32
    %dma_start3A_58 = arith.constant 1 : i32
    %dma_start3A_59 = arith.constant 0 : i32
    %dma_start3A_60 = arith.constant 0 : i32
    %dma_start3A_61 = tpu.memref_slice %arg11[%dma_start3A_58, %dma_start3A_59, %dma_start3A_60] : memref<3x128x32xf32, #tpu.memory_space<vmem>> -> memref<1x128x32xf32, #tpu.memory_space<vmem>>
    %dma_start3A_62 = tpu.memref_squeeze %dma_start3A_61 : memref<1x128x32xf32, #tpu.memory_space<vmem>> -> memref<128x32xf32, #tpu.memory_space<vmem>>
    %dma_start3A_63 = arith.constant 0 : i32
    %dma_start3A_64 = tpu.memref_slice %arg8[%dma_start3A_57, %dma_start3A_63] : memref<3x128xi32, #tpu.memory_space<vmem>> -> memref<1x128xi32, #tpu.memory_space<vmem>>
    %dma_start3A_65 = tpu.memref_squeeze %dma_start3A_64 : memref<1x128xi32, #tpu.memory_space<vmem>> -> memref<128xi32, #tpu.memory_space<vmem>>
    %dma_start3A_66 = arith.constant 0 : i32
    %dma_start3A_67 = arith.constant 0 : i32
    %dma_start3A_68 = tpu.memref_slice %arg4[%dma_start3A_66, %dma_start3A_67] : memref<100000x32xf32, #tpu.memory_space<hbm>> -> memref<100000x32xf32, #tpu.memory_space<hbm>>
    tpu.enqueue_indirect_dma source(%dma_start3A_68 : memref<100000x32xf32, #tpu.memory_space<hbm>>) target(%dma_start3A_62 : memref<128x32xf32, #tpu.memory_space<vmem>>) offsets(%dma_start3A_65 : memref<128xi32, #tpu.memory_space<vmem>>) semaphore(%arg18 : memref<!tpu.dma_semaphore, #tpu.memory_space<semaphore_mem>>)
    %dma_start3A_69 = arith.constant 2 : i32
    %dma_start3A_70 = arith.constant 2 : i32
    %dma_start3A_71 = arith.constant 0 : i32
    %dma_start3A_72 = arith.constant 0 : i32
    %dma_start3A_73 = tpu.memref_slice %arg11[%dma_start3A_70, %dma_start3A_71, %dma_start3A_72] : memref<3x128x32xf32, #tpu.memory_space<vmem>> -> memref<1x128x32xf32, #tpu.memory_space<vmem>>
    %dma_start3A_74 = tpu.memref_squeeze %dma_start3A_73 : memref<1x128x32xf32, #tpu.memory_space<vmem>> -> memref<128x32xf32, #tpu.memory_space<vmem>>
    %dma_start3A_75 = arith.constant 0 : i32
    %dma_start3A_76 = tpu.memref_slice %arg8[%dma_start3A_69, %dma_start3A_75] : memref<3x128xi32, #tpu.memory_space<vmem>> -> memref<1x128xi32, #tpu.memory_space<vmem>>
    %dma_start3A_77 = tpu.memref_squeeze %dma_start3A_76 : memref<1x128xi32, #tpu.memory_space<vmem>> -> memref<128xi32, #tpu.memory_space<vmem>>
    %dma_start3A_78 = arith.constant 0 : i32
    %dma_start3A_79 = arith.constant 0 : i32
    %dma_start3A_80 = tpu.memref_slice %arg5[%dma_start3A_78, %dma_start3A_79] : memref<100000x32xf32, #tpu.memory_space<hbm>> -> memref<100000x32xf32, #tpu.memory_space<hbm>>
    tpu.enqueue_indirect_dma source(%dma_start3A_80 : memref<100000x32xf32, #tpu.memory_space<hbm>>) target(%dma_start3A_74 : memref<128x32xf32, #tpu.memory_space<vmem>>) offsets(%dma_start3A_77 : memref<128xi32, #tpu.memory_space<vmem>>) semaphore(%arg18 : memref<!tpu.dma_semaphore, #tpu.memory_space<semaphore_mem>>)
    %mul3A_81 = arith.constant 50 : i32
    %mul3A_82 = arith.muli %add3A, %mul3A_81 : i32
    %add3A_83 = arith.constant 1 : i32
    %add3A_84 = arith.addi %mul3A_82, %add3A_83 : i32
    %jit3A_85 = arith.constant 8 : i32
    %div3A_86 = arith.divsi %add3A_84, %jit3A_85 : i32
    %sign3A_87 = arith.constant 0 : i32
    %sign3A_88 = arith.cmpi sgt, %add3A_84, %sign3A_87 : i32
    %sign3A_89 = arith.extui %sign3A_88 : i1 to i32
    %sign3A_90 = arith.constant 0 : i32
    %sign3A_91 = arith.cmpi slt, %add3A_84, %sign3A_90 : i32
    %sign3A_92 = arith.extui %sign3A_91 : i1 to i32
    %sign3A_93 = arith.subi %sign3A_89, %sign3A_92 : i32
    %sign3A_94 = arith.constant 0 : i32
    %sign3A_95 = arith.cmpi sgt, %jit3A_85, %sign3A_94 : i32
    %sign3A_96 = arith.extui %sign3A_95 : i1 to i32
    %sign3A_97 = arith.constant 0 : i32
    %sign3A_98 = arith.cmpi slt, %jit3A_85, %sign3A_97 : i32
    %sign3A_99 = arith.extui %sign3A_98 : i1 to i32
    %sign3A_100 = arith.subi %sign3A_96, %sign3A_99 : i32
    %ne3A_101 = arith.cmpi ne, %sign3A_93, %sign3A_100 : i32
    %rem3A_102 = arith.remsi %add3A_84, %jit3A_85 : i32
    %ne3A_103 = arith.constant 0 : i32
    %ne3A_104 = arith.cmpi ne, %rem3A_102, %ne3A_103 : i32
    %and3A_105 = arith.andi %ne3A_101, %ne3A_104 : i1
    %sub3A_106 = arith.constant 1 : i32
    %sub3A_107 = arith.subi %div3A_86, %sub3A_106 : i32
    %select_n3A_108 = arith.select %and3A_105, %sub3A_107, %div3A_86 : i32
    %jit3A_109 = arith.constant 8 : i32
    %eq3A_110 = arith.constant 0 : i32
    %eq3A_111 = arith.cmpi eq, %jit3A_109, %eq3A_110 : i32
    %jit3A_112 = arith.constant 1 : i32
    %select_n3A_113 = arith.select %eq3A_111, %jit3A_112, %jit3A_109 : i32
    %rem3A_114 = arith.remsi %add3A_84, %select_n3A_113 : i32
    %ne3A_115 = arith.constant 0 : i32
    %ne3A_116 = arith.cmpi ne, %rem3A_114, %ne3A_115 : i32
    %lt3A_117 = arith.constant 0 : i32
    %lt3A_118 = arith.cmpi slt, %rem3A_114, %lt3A_117 : i32
    %lt3A_119 = arith.constant 0 : i32
    %lt3A_120 = arith.cmpi slt, %select_n3A_113, %lt3A_119 : i32
    %ne3A_121 = arith.xori %lt3A_118, %lt3A_120 : i1
    %and3A_122 = arith.andi %ne3A_121, %ne3A_116 : i1
    %add3A_123 = arith.addi %rem3A_114, %select_n3A_113 : i32
    %select_n3A_124 = arith.select %and3A_122, %add3A_123, %rem3A_114 : i32
    %mul3A_125 = arith.constant 128 : i32
    %mul3A_126 = arith.muli %select_n3A_124, %mul3A_125 : i32
    %run_scoped3A_127 = arith.constant 0 : i32
    %run_scoped3A_128 = arith.constant 0 : i32
    "tpu.region"() ({
      %run_scoped3A_974 = tpu.sem_alloc : memref<!tpu.dma_semaphore, #tpu.memory_space<semaphore_mem>>
      %dma_start3A_975 = arith.constant 0 : i32
      %dma_start3A_976 = tpu.memref_slice %arg9[%run_scoped3A_128, %dma_start3A_975] : memref<3x128xi32, #tpu.memory_space<vmem>> -> memref<1x128xi32, #tpu.memory_space<vmem>>
      %dma_start3A_977 = tpu.memref_squeeze %dma_start3A_976 : memref<1x128xi32, #tpu.memory_space<vmem>> -> memref<128xi32, #tpu.memory_space<vmem>>
      %dma_start3A_978 = tpu.memref_slice %arg2[%run_scoped3A_127, %select_n3A_108, %mul3A_126] : memref<3x200x1024xi32, #tpu.memory_space<hbm>> -> memref<1x1x128xi32, #tpu.memory_space<hbm>>
      %dma_start3A_979 = tpu.memref_squeeze %dma_start3A_978 : memref<1x1x128xi32, #tpu.memory_space<hbm>> -> memref<128xi32, #tpu.memory_space<hbm>>
      %dma_start3A_980 = arith.constant 0 : i32
      %dma_start3A_981 = tpu.memref_slice %arg9[%run_scoped3A_128, %dma_start3A_980] : memref<3x128xi32, #tpu.memory_space<vmem>> -> memref<1x128xi32, #tpu.memory_space<vmem>>
      %dma_start3A_982 = tpu.memref_squeeze %dma_start3A_981 : memref<1x128xi32, #tpu.memory_space<vmem>> -> memref<128xi32, #tpu.memory_space<vmem>>
      %dma_start3A_983 = tpu.memref_slice %arg2[%run_scoped3A_127, %select_n3A_108, %mul3A_126] : memref<3x200x1024xi32, #tpu.memory_space<hbm>> -> memref<1x1x128xi32, #tpu.memory_space<hbm>>
      %dma_start3A_984 = tpu.memref_squeeze %dma_start3A_983 : memref<1x1x128xi32, #tpu.memory_space<hbm>> -> memref<128xi32, #tpu.memory_space<hbm>>
      tpu.enqueue_dma source(%dma_start3A_984 : memref<128xi32, #tpu.memory_space<hbm>>) target(%dma_start3A_982 : memref<128xi32, #tpu.memory_space<vmem>>) target_semaphore(%run_scoped3A_974 : memref<!tpu.dma_semaphore, #tpu.memory_space<semaphore_mem>>)
      %dma_wait3A_985 = arith.constant 0 : i32
      %dma_wait3A_986 = tpu.memref_slice %arg9[%run_scoped3A_128, %dma_wait3A_985] : memref<3x128xi32, #tpu.memory_space<vmem>> -> memref<1x128xi32, #tpu.memory_space<vmem>>
      %dma_wait3A_987 = tpu.memref_squeeze %dma_wait3A_986 : memref<1x128xi32, #tpu.memory_space<vmem>> -> memref<128xi32, #tpu.memory_space<vmem>>
      %dma_wait3A_988 = tpu.memref_slice %arg2[%run_scoped3A_127, %select_n3A_108, %mul3A_126] : memref<3x200x1024xi32, #tpu.memory_space<hbm>> -> memref<1x1x128xi32, #tpu.memory_space<hbm>>
      %dma_wait3A_989 = tpu.memref_squeeze %dma_wait3A_988 : memref<1x1x128xi32, #tpu.memory_space<hbm>> -> memref<128xi32, #tpu.memory_space<hbm>>
      %dma_wait3A_990 = arith.constant 0 : i32
      %dma_wait3A_991 = tpu.memref_slice %arg9[%run_scoped3A_128, %dma_wait3A_990] : memref<3x128xi32, #tpu.memory_space<vmem>> -> memref<1x128xi32, #tpu.memory_space<vmem>>
      %dma_wait3A_992 = tpu.memref_squeeze %dma_wait3A_991 : memref<1x128xi32, #tpu.memory_space<vmem>> -> memref<128xi32, #tpu.memory_space<vmem>>
      %dma_wait3A_993 = tpu.memref_slice %arg2[%run_scoped3A_127, %select_n3A_108, %mul3A_126] : memref<3x200x1024xi32, #tpu.memory_space<hbm>> -> memref<1x1x128xi32, #tpu.memory_space<hbm>>
      %dma_wait3A_994 = tpu.memref_squeeze %dma_wait3A_993 : memref<1x1x128xi32, #tpu.memory_space<hbm>> -> memref<128xi32, #tpu.memory_space<hbm>>
      tpu.wait_dma2 semaphore(%run_scoped3A_974 : memref<!tpu.dma_semaphore, #tpu.memory_space<semaphore_mem>>) src(%dma_wait3A_994 : memref<128xi32, #tpu.memory_space<hbm>>) dst(%dma_wait3A_992 : memref<128xi32, #tpu.memory_space<vmem>>)
      tpu.yield
    }) : () -> ()
    %mul3A_129 = arith.constant 128 : i32
    %mul3A_130 = arith.muli %select_n3A_124, %mul3A_129 : i32
    %run_scoped3A_131 = arith.constant 1 : i32
    %run_scoped3A_132 = arith.constant 1 : i32
    "tpu.region"() ({
      %run_scoped3A_974 = tpu.sem_alloc : memref<!tpu.dma_semaphore, #tpu.memory_space<semaphore_mem>>
      %dma_start3A_975 = arith.constant 0 : i32
      %dma_start3A_976 = tpu.memref_slice %arg9[%run_scoped3A_132, %dma_start3A_975] : memref<3x128xi32, #tpu.memory_space<vmem>> -> memref<1x128xi32, #tpu.memory_space<vmem>>
      %dma_start3A_977 = tpu.memref_squeeze %dma_start3A_976 : memref<1x128xi32, #tpu.memory_space<vmem>> -> memref<128xi32, #tpu.memory_space<vmem>>
      %dma_start3A_978 = tpu.memref_slice %arg2[%run_scoped3A_131, %select_n3A_108, %mul3A_130] : memref<3x200x1024xi32, #tpu.memory_space<hbm>> -> memref<1x1x128xi32, #tpu.memory_space<hbm>>
      %dma_start3A_979 = tpu.memref_squeeze %dma_start3A_978 : memref<1x1x128xi32, #tpu.memory_space<hbm>> -> memref<128xi32, #tpu.memory_space<hbm>>
      %dma_start3A_980 = arith.constant 0 : i32
      %dma_start3A_981 = tpu.memref_slice %arg9[%run_scoped3A_132, %dma_start3A_980] : memref<3x128xi32, #tpu.memory_space<vmem>> -> memref<1x128xi32, #tpu.memory_space<vmem>>
      %dma_start3A_982 = tpu.memref_squeeze %dma_start3A_981 : memref<1x128xi32, #tpu.memory_space<vmem>> -> memref<128xi32, #tpu.memory_space<vmem>>
      %dma_start3A_983 = tpu.memref_slice %arg2[%run_scoped3A_131, %select_n3A_108, %mul3A_130] : memref<3x200x1024xi32, #tpu.memory_space<hbm>> -> memref<1x1x128xi32, #tpu.memory_space<hbm>>
      %dma_start3A_984 = tpu.memref_squeeze %dma_start3A_983 : memref<1x1x128xi32, #tpu.memory_space<hbm>> -> memref<128xi32, #tpu.memory_space<hbm>>
      tpu.enqueue_dma source(%dma_start3A_984 : memref<128xi32, #tpu.memory_space<hbm>>) target(%dma_start3A_982 : memref<128xi32, #tpu.memory_space<vmem>>) target_semaphore(%run_scoped3A_974 : memref<!tpu.dma_semaphore, #tpu.memory_space<semaphore_mem>>)
      %dma_wait3A_985 = arith.constant 0 : i32
      %dma_wait3A_986 = tpu.memref_slice %arg9[%run_scoped3A_132, %dma_wait3A_985] : memref<3x128xi32, #tpu.memory_space<vmem>> -> memref<1x128xi32, #tpu.memory_space<vmem>>
      %dma_wait3A_987 = tpu.memref_squeeze %dma_wait3A_986 : memref<1x128xi32, #tpu.memory_space<vmem>> -> memref<128xi32, #tpu.memory_space<vmem>>
      %dma_wait3A_988 = tpu.memref_slice %arg2[%run_scoped3A_131, %select_n3A_108, %mul3A_130] : memref<3x200x1024xi32, #tpu.memory_space<hbm>> -> memref<1x1x128xi32, #tpu.memory_space<hbm>>
      %dma_wait3A_989 = tpu.memref_squeeze %dma_wait3A_988 : memref<1x1x128xi32, #tpu.memory_space<hbm>> -> memref<128xi32, #tpu.memory_space<hbm>>
      %dma_wait3A_990 = arith.constant 0 : i32
      %dma_wait3A_991 = tpu.memref_slice %arg9[%run_scoped3A_132, %dma_wait3A_990] : memref<3x128xi32, #tpu.memory_space<vmem>> -> memref<1x128xi32, #tpu.memory_space<vmem>>
      %dma_wait3A_992 = tpu.memref_squeeze %dma_wait3A_991 : memref<1x128xi32, #tpu.memory_space<vmem>> -> memref<128xi32, #tpu.memory_space<vmem>>
      %dma_wait3A_993 = tpu.memref_slice %arg2[%run_scoped3A_131, %select_n3A_108, %mul3A_130] : memref<3x200x1024xi32, #tpu.memory_space<hbm>> -> memref<1x1x128xi32, #tpu.memory_space<hbm>>
      %dma_wait3A_994 = tpu.memref_squeeze %dma_wait3A_993 : memref<1x1x128xi32, #tpu.memory_space<hbm>> -> memref<128xi32, #tpu.memory_space<hbm>>
      tpu.wait_dma2 semaphore(%run_scoped3A_974 : memref<!tpu.dma_semaphore, #tpu.memory_space<semaphore_mem>>) src(%dma_wait3A_994 : memref<128xi32, #tpu.memory_space<hbm>>) dst(%dma_wait3A_992 : memref<128xi32, #tpu.memory_space<vmem>>)
      tpu.yield
    }) : () -> ()
    %mul3A_133 = arith.constant 128 : i32
    %mul3A_134 = arith.muli %select_n3A_124, %mul3A_133 : i32
    %run_scoped3A_135 = arith.constant 2 : i32
    %run_scoped3A_136 = arith.constant 2 : i32
    "tpu.region"() ({
      %run_scoped3A_974 = tpu.sem_alloc : memref<!tpu.dma_semaphore, #tpu.memory_space<semaphore_mem>>
      %dma_start3A_975 = arith.constant 0 : i32
      %dma_start3A_976 = tpu.memref_slice %arg9[%run_scoped3A_136, %dma_start3A_975] : memref<3x128xi32, #tpu.memory_space<vmem>> -> memref<1x128xi32, #tpu.memory_space<vmem>>
      %dma_start3A_977 = tpu.memref_squeeze %dma_start3A_976 : memref<1x128xi32, #tpu.memory_space<vmem>> -> memref<128xi32, #tpu.memory_space<vmem>>
      %dma_start3A_978 = tpu.memref_slice %arg2[%run_scoped3A_135, %select_n3A_108, %mul3A_134] : memref<3x200x1024xi32, #tpu.memory_space<hbm>> -> memref<1x1x128xi32, #tpu.memory_space<hbm>>
      %dma_start3A_979 = tpu.memref_squeeze %dma_start3A_978 : memref<1x1x128xi32, #tpu.memory_space<hbm>> -> memref<128xi32, #tpu.memory_space<hbm>>
      %dma_start3A_980 = arith.constant 0 : i32
      %dma_start3A_981 = tpu.memref_slice %arg9[%run_scoped3A_136, %dma_start3A_980] : memref<3x128xi32, #tpu.memory_space<vmem>> -> memref<1x128xi32, #tpu.memory_space<vmem>>
      %dma_start3A_982 = tpu.memref_squeeze %dma_start3A_981 : memref<1x128xi32, #tpu.memory_space<vmem>> -> memref<128xi32, #tpu.memory_space<vmem>>
      %dma_start3A_983 = tpu.memref_slice %arg2[%run_scoped3A_135, %select_n3A_108, %mul3A_134] : memref<3x200x1024xi32, #tpu.memory_space<hbm>> -> memref<1x1x128xi32, #tpu.memory_space<hbm>>
      %dma_start3A_984 = tpu.memref_squeeze %dma_start3A_983 : memref<1x1x128xi32, #tpu.memory_space<hbm>> -> memref<128xi32, #tpu.memory_space<hbm>>
      tpu.enqueue_dma source(%dma_start3A_984 : memref<128xi32, #tpu.memory_space<hbm>>) target(%dma_start3A_982 : memref<128xi32, #tpu.memory_space<vmem>>) target_semaphore(%run_scoped3A_974 : memref<!tpu.dma_semaphore, #tpu.memory_space<semaphore_mem>>)
      %dma_wait3A_985 = arith.constant 0 : i32
      %dma_wait3A_986 = tpu.memref_slice %arg9[%run_scoped3A_136, %dma_wait3A_985] : memref<3x128xi32, #tpu.memory_space<vmem>> -> memref<1x128xi32, #tpu.memory_space<vmem>>
      %dma_wait3A_987 = tpu.memref_squeeze %dma_wait3A_986 : memref<1x128xi32, #tpu.memory_space<vmem>> -> memref<128xi32, #tpu.memory_space<vmem>>
      %dma_wait3A_988 = tpu.memref_slice %arg2[%run_scoped3A_135, %select_n3A_108, %mul3A_134] : memref<3x200x1024xi32, #tpu.memory_space<hbm>> -> memref<1x1x128xi32, #tpu.memory_space<hbm>>
      %dma_wait3A_989 = tpu.memref_squeeze %dma_wait3A_988 : memref<1x1x128xi32, #tpu.memory_space<hbm>> -> memref<128xi32, #tpu.memory_space<hbm>>
      %dma_wait3A_990 = arith.constant 0 : i32
      %dma_wait3A_991 = tpu.memref_slice %arg9[%run_scoped3A_136, %dma_wait3A_990] : memref<3x128xi32, #tpu.memory_space<vmem>> -> memref<1x128xi32, #tpu.memory_space<vmem>>
      %dma_wait3A_992 = tpu.memref_squeeze %dma_wait3A_991 : memref<1x128xi32, #tpu.memory_space<vmem>> -> memref<128xi32, #tpu.memory_space<vmem>>
      %dma_wait3A_993 = tpu.memref_slice %arg2[%run_scoped3A_135, %select_n3A_108, %mul3A_134] : memref<3x200x1024xi32, #tpu.memory_space<hbm>> -> memref<1x1x128xi32, #tpu.memory_space<hbm>>
      %dma_wait3A_994 = tpu.memref_squeeze %dma_wait3A_993 : memref<1x1x128xi32, #tpu.memory_space<hbm>> -> memref<128xi32, #tpu.memory_space<hbm>>
      tpu.wait_dma2 semaphore(%run_scoped3A_974 : memref<!tpu.dma_semaphore, #tpu.memory_space<semaphore_mem>>) src(%dma_wait3A_994 : memref<128xi32, #tpu.memory_space<hbm>>) dst(%dma_wait3A_992 : memref<128xi32, #tpu.memory_space<vmem>>)
      tpu.yield
    }) : () -> ()
    %dma_start3A_137 = arith.constant 0 : i32
    %dma_start3A_138 = arith.constant 0 : i32
    %dma_start3A_139 = arith.constant 0 : i32
    %dma_start3A_140 = arith.constant 0 : i32
    %dma_start3A_141 = tpu.memref_slice %arg12[%dma_start3A_138, %dma_start3A_139, %dma_start3A_140] : memref<3x128x32xf32, #tpu.memory_space<vmem>> -> memref<1x128x32xf32, #tpu.memory_space<vmem>>
    %dma_start3A_142 = tpu.memref_squeeze %dma_start3A_141 : memref<1x128x32xf32, #tpu.memory_space<vmem>> -> memref<128x32xf32, #tpu.memory_space<vmem>>
    %dma_start3A_143 = arith.constant 0 : i32
    %dma_start3A_144 = tpu.memref_slice %arg9[%dma_start3A_137, %dma_start3A_143] : memref<3x128xi32, #tpu.memory_space<vmem>> -> memref<1x128xi32, #tpu.memory_space<vmem>>
    %dma_start3A_145 = tpu.memref_squeeze %dma_start3A_144 : memref<1x128xi32, #tpu.memory_space<vmem>> -> memref<128xi32, #tpu.memory_space<vmem>>
    %dma_start3A_146 = arith.constant 0 : i32
    %dma_start3A_147 = arith.constant 0 : i32
    %dma_start3A_148 = tpu.memref_slice %arg3[%dma_start3A_146, %dma_start3A_147] : memref<100000x32xf32, #tpu.memory_space<hbm>> -> memref<100000x32xf32, #tpu.memory_space<hbm>>
    tpu.enqueue_indirect_dma source(%dma_start3A_148 : memref<100000x32xf32, #tpu.memory_space<hbm>>) target(%dma_start3A_142 : memref<128x32xf32, #tpu.memory_space<vmem>>) offsets(%dma_start3A_145 : memref<128xi32, #tpu.memory_space<vmem>>) semaphore(%arg19 : memref<!tpu.dma_semaphore, #tpu.memory_space<semaphore_mem>>)
    %dma_start3A_149 = arith.constant 1 : i32
    %dma_start3A_150 = arith.constant 1 : i32
    %dma_start3A_151 = arith.constant 0 : i32
    %dma_start3A_152 = arith.constant 0 : i32
    %dma_start3A_153 = tpu.memref_slice %arg12[%dma_start3A_150, %dma_start3A_151, %dma_start3A_152] : memref<3x128x32xf32, #tpu.memory_space<vmem>> -> memref<1x128x32xf32, #tpu.memory_space<vmem>>
    %dma_start3A_154 = tpu.memref_squeeze %dma_start3A_153 : memref<1x128x32xf32, #tpu.memory_space<vmem>> -> memref<128x32xf32, #tpu.memory_space<vmem>>
    %dma_start3A_155 = arith.constant 0 : i32
    %dma_start3A_156 = tpu.memref_slice %arg9[%dma_start3A_149, %dma_start3A_155] : memref<3x128xi32, #tpu.memory_space<vmem>> -> memref<1x128xi32, #tpu.memory_space<vmem>>
    %dma_start3A_157 = tpu.memref_squeeze %dma_start3A_156 : memref<1x128xi32, #tpu.memory_space<vmem>> -> memref<128xi32, #tpu.memory_space<vmem>>
    %dma_start3A_158 = arith.constant 0 : i32
    %dma_start3A_159 = arith.constant 0 : i32
    %dma_start3A_160 = tpu.memref_slice %arg4[%dma_start3A_158, %dma_start3A_159] : memref<100000x32xf32, #tpu.memory_space<hbm>> -> memref<100000x32xf32, #tpu.memory_space<hbm>>
    tpu.enqueue_indirect_dma source(%dma_start3A_160 : memref<100000x32xf32, #tpu.memory_space<hbm>>) target(%dma_start3A_154 : memref<128x32xf32, #tpu.memory_space<vmem>>) offsets(%dma_start3A_157 : memref<128xi32, #tpu.memory_space<vmem>>) semaphore(%arg19 : memref<!tpu.dma_semaphore, #tpu.memory_space<semaphore_mem>>)
    %dma_start3A_161 = arith.constant 2 : i32
    %dma_start3A_162 = arith.constant 2 : i32
    %dma_start3A_163 = arith.constant 0 : i32
    %dma_start3A_164 = arith.constant 0 : i32
    %dma_start3A_165 = tpu.memref_slice %arg12[%dma_start3A_162, %dma_start3A_163, %dma_start3A_164] : memref<3x128x32xf32, #tpu.memory_space<vmem>> -> memref<1x128x32xf32, #tpu.memory_space<vmem>>
    %dma_start3A_166 = tpu.memref_squeeze %dma_start3A_165 : memref<1x128x32xf32, #tpu.memory_space<vmem>> -> memref<128x32xf32, #tpu.memory_space<vmem>>
    %dma_start3A_167 = arith.constant 0 : i32
    %dma_start3A_168 = tpu.memref_slice %arg9[%dma_start3A_161, %dma_start3A_167] : memref<3x128xi32, #tpu.memory_space<vmem>> -> memref<1x128xi32, #tpu.memory_space<vmem>>
    %dma_start3A_169 = tpu.memref_squeeze %dma_start3A_168 : memref<1x128xi32, #tpu.memory_space<vmem>> -> memref<128xi32, #tpu.memory_space<vmem>>
    %dma_start3A_170 = arith.constant 0 : i32
    %dma_start3A_171 = arith.constant 0 : i32
    %dma_start3A_172 = tpu.memref_slice %arg5[%dma_start3A_170, %dma_start3A_171] : memref<100000x32xf32, #tpu.memory_space<hbm>> -> memref<100000x32xf32, #tpu.memory_space<hbm>>
    tpu.enqueue_indirect_dma source(%dma_start3A_172 : memref<100000x32xf32, #tpu.memory_space<hbm>>) target(%dma_start3A_166 : memref<128x32xf32, #tpu.memory_space<vmem>>) offsets(%dma_start3A_169 : memref<128xi32, #tpu.memory_space<vmem>>) semaphore(%arg19 : memref<!tpu.dma_semaphore, #tpu.memory_space<semaphore_mem>>)
    %mul3A_173 = arith.constant 50 : i32
    %mul3A_174 = arith.muli %add3A, %mul3A_173 : i32
    %add3A_175 = arith.constant 2 : i32
    %add3A_176 = arith.addi %mul3A_174, %add3A_175 : i32
    %jit3A_177 = arith.constant 8 : i32
    %div3A_178 = arith.divsi %add3A_176, %jit3A_177 : i32
    %sign3A_179 = arith.constant 0 : i32
    %sign3A_180 = arith.cmpi sgt, %add3A_176, %sign3A_179 : i32
    %sign3A_181 = arith.extui %sign3A_180 : i1 to i32
    %sign3A_182 = arith.constant 0 : i32
    %sign3A_183 = arith.cmpi slt, %add3A_176, %sign3A_182 : i32
    %sign3A_184 = arith.extui %sign3A_183 : i1 to i32
    %sign3A_185 = arith.subi %sign3A_181, %sign3A_184 : i32
    %sign3A_186 = arith.constant 0 : i32
    %sign3A_187 = arith.cmpi sgt, %jit3A_177, %sign3A_186 : i32
    %sign3A_188 = arith.extui %sign3A_187 : i1 to i32
    %sign3A_189 = arith.constant 0 : i32
    %sign3A_190 = arith.cmpi slt, %jit3A_177, %sign3A_189 : i32
    %sign3A_191 = arith.extui %sign3A_190 : i1 to i32
    %sign3A_192 = arith.subi %sign3A_188, %sign3A_191 : i32
    %ne3A_193 = arith.cmpi ne, %sign3A_185, %sign3A_192 : i32
    %rem3A_194 = arith.remsi %add3A_176, %jit3A_177 : i32
    %ne3A_195 = arith.constant 0 : i32
    %ne3A_196 = arith.cmpi ne, %rem3A_194, %ne3A_195 : i32
    %and3A_197 = arith.andi %ne3A_193, %ne3A_196 : i1
    %sub3A_198 = arith.constant 1 : i32
    %sub3A_199 = arith.subi %div3A_178, %sub3A_198 : i32
    %select_n3A_200 = arith.select %and3A_197, %sub3A_199, %div3A_178 : i32
    %jit3A_201 = arith.constant 8 : i32
    %eq3A_202 = arith.constant 0 : i32
    %eq3A_203 = arith.cmpi eq, %jit3A_201, %eq3A_202 : i32
    %jit3A_204 = arith.constant 1 : i32
    %select_n3A_205 = arith.select %eq3A_203, %jit3A_204, %jit3A_201 : i32
    %rem3A_206 = arith.remsi %add3A_176, %select_n3A_205 : i32
    %ne3A_207 = arith.constant 0 : i32
    %ne3A_208 = arith.cmpi ne, %rem3A_206, %ne3A_207 : i32
    %lt3A_209 = arith.constant 0 : i32
    %lt3A_210 = arith.cmpi slt, %rem3A_206, %lt3A_209 : i32
    %lt3A_211 = arith.constant 0 : i32
    %lt3A_212 = arith.cmpi slt, %select_n3A_205, %lt3A_211 : i32
    %ne3A_213 = arith.xori %lt3A_210, %lt3A_212 : i1
    %and3A_214 = arith.andi %ne3A_213, %ne3A_208 : i1
    %add3A_215 = arith.addi %rem3A_206, %select_n3A_205 : i32
    %select_n3A_216 = arith.select %and3A_214, %add3A_215, %rem3A_206 : i32
    %mul3A_217 = arith.constant 128 : i32
    %mul3A_218 = arith.muli %select_n3A_216, %mul3A_217 : i32
    %run_scoped3A_219 = arith.constant 0 : i32
    %run_scoped3A_220 = arith.constant 0 : i32
    "tpu.region"() ({
      %run_scoped3A_974 = tpu.sem_alloc : memref<!tpu.dma_semaphore, #tpu.memory_space<semaphore_mem>>
      %dma_start3A_975 = arith.constant 0 : i32
      %dma_start3A_976 = tpu.memref_slice %arg10[%run_scoped3A_220, %dma_start3A_975] : memref<3x128xi32, #tpu.memory_space<vmem>> -> memref<1x128xi32, #tpu.memory_space<vmem>>
      %dma_start3A_977 = tpu.memref_squeeze %dma_start3A_976 : memref<1x128xi32, #tpu.memory_space<vmem>> -> memref<128xi32, #tpu.memory_space<vmem>>
      %dma_start3A_978 = tpu.memref_slice %arg2[%run_scoped3A_219, %select_n3A_200, %mul3A_218] : memref<3x200x1024xi32, #tpu.memory_space<hbm>> -> memref<1x1x128xi32, #tpu.memory_space<hbm>>
      %dma_start3A_979 = tpu.memref_squeeze %dma_start3A_978 : memref<1x1x128xi32, #tpu.memory_space<hbm>> -> memref<128xi32, #tpu.memory_space<hbm>>
      %dma_start3A_980 = arith.constant 0 : i32
      %dma_start3A_981 = tpu.memref_slice %arg10[%run_scoped3A_220, %dma_start3A_980] : memref<3x128xi32, #tpu.memory_space<vmem>> -> memref<1x128xi32, #tpu.memory_space<vmem>>
      %dma_start3A_982 = tpu.memref_squeeze %dma_start3A_981 : memref<1x128xi32, #tpu.memory_space<vmem>> -> memref<128xi32, #tpu.memory_space<vmem>>
      %dma_start3A_983 = tpu.memref_slice %arg2[%run_scoped3A_219, %select_n3A_200, %mul3A_218] : memref<3x200x1024xi32, #tpu.memory_space<hbm>> -> memref<1x1x128xi32, #tpu.memory_space<hbm>>
      %dma_start3A_984 = tpu.memref_squeeze %dma_start3A_983 : memref<1x1x128xi32, #tpu.memory_space<hbm>> -> memref<128xi32, #tpu.memory_space<hbm>>
      tpu.enqueue_dma source(%dma_start3A_984 : memref<128xi32, #tpu.memory_space<hbm>>) target(%dma_start3A_982 : memref<128xi32, #tpu.memory_space<vmem>>) target_semaphore(%run_scoped3A_974 : memref<!tpu.dma_semaphore, #tpu.memory_space<semaphore_mem>>)
      %dma_wait3A_985 = arith.constant 0 : i32
      %dma_wait3A_986 = tpu.memref_slice %arg10[%run_scoped3A_220, %dma_wait3A_985] : memref<3x128xi32, #tpu.memory_space<vmem>> -> memref<1x128xi32, #tpu.memory_space<vmem>>
      %dma_wait3A_987 = tpu.memref_squeeze %dma_wait3A_986 : memref<1x128xi32, #tpu.memory_space<vmem>> -> memref<128xi32, #tpu.memory_space<vmem>>
      %dma_wait3A_988 = tpu.memref_slice %arg2[%run_scoped3A_219, %select_n3A_200, %mul3A_218] : memref<3x200x1024xi32, #tpu.memory_space<hbm>> -> memref<1x1x128xi32, #tpu.memory_space<hbm>>
      %dma_wait3A_989 = tpu.memref_squeeze %dma_wait3A_988 : memref<1x1x128xi32, #tpu.memory_space<hbm>> -> memref<128xi32, #tpu.memory_space<hbm>>
      %dma_wait3A_990 = arith.constant 0 : i32
      %dma_wait3A_991 = tpu.memref_slice %arg10[%run_scoped3A_220, %dma_wait3A_990] : memref<3x128xi32, #tpu.memory_space<vmem>> -> memref<1x128xi32, #tpu.memory_space<vmem>>
      %dma_wait3A_992 = tpu.memref_squeeze %dma_wait3A_991 : memref<1x128xi32, #tpu.memory_space<vmem>> -> memref<128xi32, #tpu.memory_space<vmem>>
      %dma_wait3A_993 = tpu.memref_slice %arg2[%run_scoped3A_219, %select_n3A_200, %mul3A_218] : memref<3x200x1024xi32, #tpu.memory_space<hbm>> -> memref<1x1x128xi32, #tpu.memory_space<hbm>>
      %dma_wait3A_994 = tpu.memref_squeeze %dma_wait3A_993 : memref<1x1x128xi32, #tpu.memory_space<hbm>> -> memref<128xi32, #tpu.memory_space<hbm>>
      tpu.wait_dma2 semaphore(%run_scoped3A_974 : memref<!tpu.dma_semaphore, #tpu.memory_space<semaphore_mem>>) src(%dma_wait3A_994 : memref<128xi32, #tpu.memory_space<hbm>>) dst(%dma_wait3A_992 : memref<128xi32, #tpu.memory_space<vmem>>)
      tpu.yield
    }) : () -> ()
    %mul3A_221 = arith.constant 128 : i32
    %mul3A_222 = arith.muli %select_n3A_216, %mul3A_221 : i32
    %run_scoped3A_223 = arith.constant 1 : i32
    %run_scoped3A_224 = arith.constant 1 : i32
    "tpu.region"() ({
      %run_scoped3A_974 = tpu.sem_alloc : memref<!tpu.dma_semaphore, #tpu.memory_space<semaphore_mem>>
      %dma_start3A_975 = arith.constant 0 : i32
      %dma_start3A_976 = tpu.memref_slice %arg10[%run_scoped3A_224, %dma_start3A_975] : memref<3x128xi32, #tpu.memory_space<vmem>> -> memref<1x128xi32, #tpu.memory_space<vmem>>
      %dma_start3A_977 = tpu.memref_squeeze %dma_start3A_976 : memref<1x128xi32, #tpu.memory_space<vmem>> -> memref<128xi32, #tpu.memory_space<vmem>>
      %dma_start3A_978 = tpu.memref_slice %arg2[%run_scoped3A_223, %select_n3A_200, %mul3A_222] : memref<3x200x1024xi32, #tpu.memory_space<hbm>> -> memref<1x1x128xi32, #tpu.memory_space<hbm>>
      %dma_start3A_979 = tpu.memref_squeeze %dma_start3A_978 : memref<1x1x128xi32, #tpu.memory_space<hbm>> -> memref<128xi32, #tpu.memory_space<hbm>>
      %dma_start3A_980 = arith.constant 0 : i32
      %dma_start3A_981 = tpu.memref_slice %arg10[%run_scoped3A_224, %dma_start3A_980] : memref<3x128xi32, #tpu.memory_space<vmem>> -> memref<1x128xi32, #tpu.memory_space<vmem>>
      %dma_start3A_982 = tpu.memref_squeeze %dma_start3A_981 : memref<1x128xi32, #tpu.memory_space<vmem>> -> memref<128xi32, #tpu.memory_space<vmem>>
      %dma_start3A_983 = tpu.memref_slice %arg2[%run_scoped3A_223, %select_n3A_200, %mul3A_222] : memref<3x200x1024xi32, #tpu.memory_space<hbm>> -> memref<1x1x128xi32, #tpu.memory_space<hbm>>
      %dma_start3A_984 = tpu.memref_squeeze %dma_start3A_983 : memref<1x1x128xi32, #tpu.memory_space<hbm>> -> memref<128xi32, #tpu.memory_space<hbm>>
      tpu.enqueue_dma source(%dma_start3A_984 : memref<128xi32, #tpu.memory_space<hbm>>) target(%dma_start3A_982 : memref<128xi32, #tpu.memory_space<vmem>>) target_semaphore(%run_scoped3A_974 : memref<!tpu.dma_semaphore, #tpu.memory_space<semaphore_mem>>)
      %dma_wait3A_985 = arith.constant 0 : i32
      %dma_wait3A_986 = tpu.memref_slice %arg10[%run_scoped3A_224, %dma_wait3A_985] : memref<3x128xi32, #tpu.memory_space<vmem>> -> memref<1x128xi32, #tpu.memory_space<vmem>>
      %dma_wait3A_987 = tpu.memref_squeeze %dma_wait3A_986 : memref<1x128xi32, #tpu.memory_space<vmem>> -> memref<128xi32, #tpu.memory_space<vmem>>
      %dma_wait3A_988 = tpu.memref_slice %arg2[%run_scoped3A_223, %select_n3A_200, %mul3A_222] : memref<3x200x1024xi32, #tpu.memory_space<hbm>> -> memref<1x1x128xi32, #tpu.memory_space<hbm>>
      %dma_wait3A_989 = tpu.memref_squeeze %dma_wait3A_988 : memref<1x1x128xi32, #tpu.memory_space<hbm>> -> memref<128xi32, #tpu.memory_space<hbm>>
      %dma_wait3A_990 = arith.constant 0 : i32
      %dma_wait3A_991 = tpu.memref_slice %arg10[%run_scoped3A_224, %dma_wait3A_990] : memref<3x128xi32, #tpu.memory_space<vmem>> -> memref<1x128xi32, #tpu.memory_space<vmem>>
      %dma_wait3A_992 = tpu.memref_squeeze %dma_wait3A_991 : memref<1x128xi32, #tpu.memory_space<vmem>> -> memref<128xi32, #tpu.memory_space<vmem>>
      %dma_wait3A_993 = tpu.memref_slice %arg2[%run_scoped3A_223, %select_n3A_200, %mul3A_222] : memref<3x200x1024xi32, #tpu.memory_space<hbm>> -> memref<1x1x128xi32, #tpu.memory_space<hbm>>
      %dma_wait3A_994 = tpu.memref_squeeze %dma_wait3A_993 : memref<1x1x128xi32, #tpu.memory_space<hbm>> -> memref<128xi32, #tpu.memory_space<hbm>>
      tpu.wait_dma2 semaphore(%run_scoped3A_974 : memref<!tpu.dma_semaphore, #tpu.memory_space<semaphore_mem>>) src(%dma_wait3A_994 : memref<128xi32, #tpu.memory_space<hbm>>) dst(%dma_wait3A_992 : memref<128xi32, #tpu.memory_space<vmem>>)
      tpu.yield
    }) : () -> ()
    %mul3A_225 = arith.constant 128 : i32
    %mul3A_226 = arith.muli %select_n3A_216, %mul3A_225 : i32
    %run_scoped3A_227 = arith.constant 2 : i32
    %run_scoped3A_228 = arith.constant 2 : i32
    "tpu.region"() ({
      %run_scoped3A_974 = tpu.sem_alloc : memref<!tpu.dma_semaphore, #tpu.memory_space<semaphore_mem>>
      %dma_start3A_975 = arith.constant 0 : i32
      %dma_start3A_976 = tpu.memref_slice %arg10[%run_scoped3A_228, %dma_start3A_975] : memref<3x128xi32, #tpu.memory_space<vmem>> -> memref<1x128xi32, #tpu.memory_space<vmem>>
      %dma_start3A_977 = tpu.memref_squeeze %dma_start3A_976 : memref<1x128xi32, #tpu.memory_space<vmem>> -> memref<128xi32, #tpu.memory_space<vmem>>
      %dma_start3A_978 = tpu.memref_slice %arg2[%run_scoped3A_227, %select_n3A_200, %mul3A_226] : memref<3x200x1024xi32, #tpu.memory_space<hbm>> -> memref<1x1x128xi32, #tpu.memory_space<hbm>>
      %dma_start3A_979 = tpu.memref_squeeze %dma_start3A_978 : memref<1x1x128xi32, #tpu.memory_space<hbm>> -> memref<128xi32, #tpu.memory_space<hbm>>
      %dma_start3A_980 = arith.constant 0 : i32
      %dma_start3A_981 = tpu.memref_slice %arg10[%run_scoped3A_228, %dma_start3A_980] : memref<3x128xi32, #tpu.memory_space<vmem>> -> memref<1x128xi32, #tpu.memory_space<vmem>>
      %dma_start3A_982 = tpu.memref_squeeze %dma_start3A_981 : memref<1x128xi32, #tpu.memory_space<vmem>> -> memref<128xi32, #tpu.memory_space<vmem>>
      %dma_start3A_983 = tpu.memref_slice %arg2[%run_scoped3A_227, %select_n3A_200, %mul3A_226] : memref<3x200x1024xi32, #tpu.memory_space<hbm>> -> memref<1x1x128xi32, #tpu.memory_space<hbm>>
      %dma_start3A_984 = tpu.memref_squeeze %dma_start3A_983 : memref<1x1x128xi32, #tpu.memory_space<hbm>> -> memref<128xi32, #tpu.memory_space<hbm>>
      tpu.enqueue_dma source(%dma_start3A_984 : memref<128xi32, #tpu.memory_space<hbm>>) target(%dma_start3A_982 : memref<128xi32, #tpu.memory_space<vmem>>) target_semaphore(%run_scoped3A_974 : memref<!tpu.dma_semaphore, #tpu.memory_space<semaphore_mem>>)
      %dma_wait3A_985 = arith.constant 0 : i32
      %dma_wait3A_986 = tpu.memref_slice %arg10[%run_scoped3A_228, %dma_wait3A_985] : memref<3x128xi32, #tpu.memory_space<vmem>> -> memref<1x128xi32, #tpu.memory_space<vmem>>
      %dma_wait3A_987 = tpu.memref_squeeze %dma_wait3A_986 : memref<1x128xi32, #tpu.memory_space<vmem>> -> memref<128xi32, #tpu.memory_space<vmem>>
      %dma_wait3A_988 = tpu.memref_slice %arg2[%run_scoped3A_227, %select_n3A_200, %mul3A_226] : memref<3x200x1024xi32, #tpu.memory_space<hbm>> -> memref<1x1x128xi32, #tpu.memory_space<hbm>>
      %dma_wait3A_989 = tpu.memref_squeeze %dma_wait3A_988 : memref<1x1x128xi32, #tpu.memory_space<hbm>> -> memref<128xi32, #tpu.memory_space<hbm>>
      %dma_wait3A_990 = arith.constant 0 : i32
      %dma_wait3A_991 = tpu.memref_slice %arg10[%run_scoped3A_228, %dma_wait3A_990] : memref<3x128xi32, #tpu.memory_space<vmem>> -> memref<1x128xi32, #tpu.memory_space<vmem>>
      %dma_wait3A_992 = tpu.memref_squeeze %dma_wait3A_991 : memref<1x128xi32, #tpu.memory_space<vmem>> -> memref<128xi32, #tpu.memory_space<vmem>>
      %dma_wait3A_993 = tpu.memref_slice %arg2[%run_scoped3A_227, %select_n3A_200, %mul3A_226] : memref<3x200x1024xi32, #tpu.memory_space<hbm>> -> memref<1x1x128xi32, #tpu.memory_space<hbm>>
      %dma_wait3A_994 = tpu.memref_squeeze %dma_wait3A_993 : memref<1x1x128xi32, #tpu.memory_space<hbm>> -> memref<128xi32, #tpu.memory_space<hbm>>
      tpu.wait_dma2 semaphore(%run_scoped3A_974 : memref<!tpu.dma_semaphore, #tpu.memory_space<semaphore_mem>>) src(%dma_wait3A_994 : memref<128xi32, #tpu.memory_space<hbm>>) dst(%dma_wait3A_992 : memref<128xi32, #tpu.memory_space<vmem>>)
      tpu.yield
    }) : () -> ()
    %scan3A = arith.constant 0 : i32
    %scan3A_229 = arith.constant 0 : i32
    %scan3A_230 = arith.constant 16 : i32
    %scan3A_231 = arith.addi %scan3A_229, %scan3A_230 : i32
    %scan3A_232 = arith.constant 1 : i32
    scf.for %scan3A_974 = %scan3A_229 to %scan3A_231 step %scan3A_232  : i32 {
      %mul3A_975 = arith.constant 3 : i32
      %mul3A_976 = arith.muli %mul3A_975, %scan3A_974 : i32
      %add3A_977 = arith.constant 0 : i32
      %add3A_978 = arith.addi %mul3A_976, %add3A_977 : i32
      %add3A_979 = arith.constant 2 : i32
      %add3A_980 = arith.addi %add3A_978, %add3A_979 : i32
      %lt3A_981 = arith.constant 50 : i32
      %lt3A_982 = arith.cmpi slt, %add3A_980, %lt3A_981 : i32
      %convert_element_type3A = arith.extui %lt3A_982 : i1 to i32
      %cond3A = arith.constant 0 : i32
      %cond3A_983 = arith.cmpi ne, %convert_element_type3A, %cond3A : i32
      scf.if %cond3A_983 {
        %dma_start3A_1686 = arith.constant 0 : i32
        %dma_start3A_1687 = arith.constant 0 : i32
        %dma_start3A_1688 = arith.constant 0 : i32
        %dma_start3A_1689 = arith.constant 0 : i32
        %dma_start3A_1690 = tpu.memref_slice %arg13[%dma_start3A_1687, %dma_start3A_1688, %dma_start3A_1689] : memref<3x128x32xf32, #tpu.memory_space<vmem>> -> memref<1x128x32xf32, #tpu.memory_space<vmem>>
        %dma_start3A_1691 = tpu.memref_squeeze %dma_start3A_1690 : memref<1x128x32xf32, #tpu.memory_space<vmem>> -> memref<128x32xf32, #tpu.memory_space<vmem>>
        %dma_start3A_1692 = arith.constant 0 : i32
        %dma_start3A_1693 = tpu.memref_slice %arg10[%dma_start3A_1686, %dma_start3A_1692] : memref<3x128xi32, #tpu.memory_space<vmem>> -> memref<1x128xi32, #tpu.memory_space<vmem>>
        %dma_start3A_1694 = tpu.memref_squeeze %dma_start3A_1693 : memref<1x128xi32, #tpu.memory_space<vmem>> -> memref<128xi32, #tpu.memory_space<vmem>>
        %dma_start3A_1695 = arith.constant 0 : i32
        %dma_start3A_1696 = arith.constant 0 : i32
        %dma_start3A_1697 = tpu.memref_slice %arg3[%dma_start3A_1695, %dma_start3A_1696] : memref<100000x32xf32, #tpu.memory_space<hbm>> -> memref<100000x32xf32, #tpu.memory_space<hbm>>
        tpu.enqueue_indirect_dma source(%dma_start3A_1697 : memref<100000x32xf32, #tpu.memory_space<hbm>>) target(%dma_start3A_1691 : memref<128x32xf32, #tpu.memory_space<vmem>>) offsets(%dma_start3A_1694 : memref<128xi32, #tpu.memory_space<vmem>>) semaphore(%arg20 : memref<!tpu.dma_semaphore, #tpu.memory_space<semaphore_mem>>)
        %dma_start3A_1698 = arith.constant 1 : i32
        %dma_start3A_1699 = arith.constant 1 : i32
        %dma_start3A_1700 = arith.constant 0 : i32
        %dma_start3A_1701 = arith.constant 0 : i32
        %dma_start3A_1702 = tpu.memref_slice %arg13[%dma_start3A_1699, %dma_start3A_1700, %dma_start3A_1701] : memref<3x128x32xf32, #tpu.memory_space<vmem>> -> memref<1x128x32xf32, #tpu.memory_space<vmem>>
        %dma_start3A_1703 = tpu.memref_squeeze %dma_start3A_1702 : memref<1x128x32xf32, #tpu.memory_space<vmem>> -> memref<128x32xf32, #tpu.memory_space<vmem>>
        %dma_start3A_1704 = arith.constant 0 : i32
        %dma_start3A_1705 = tpu.memref_slice %arg10[%dma_start3A_1698, %dma_start3A_1704] : memref<3x128xi32, #tpu.memory_space<vmem>> -> memref<1x128xi32, #tpu.memory_space<vmem>>
        %dma_start3A_1706 = tpu.memref_squeeze %dma_start3A_1705 : memref<1x128xi32, #tpu.memory_space<vmem>> -> memref<128xi32, #tpu.memory_space<vmem>>
        %dma_start3A_1707 = arith.constant 0 : i32
        %dma_start3A_1708 = arith.constant 0 : i32
        %dma_start3A_1709 = tpu.memref_slice %arg4[%dma_start3A_1707, %dma_start3A_1708] : memref<100000x32xf32, #tpu.memory_space<hbm>> -> memref<100000x32xf32, #tpu.memory_space<hbm>>
        tpu.enqueue_indirect_dma source(%dma_start3A_1709 : memref<100000x32xf32, #tpu.memory_space<hbm>>) target(%dma_start3A_1703 : memref<128x32xf32, #tpu.memory_space<vmem>>) offsets(%dma_start3A_1706 : memref<128xi32, #tpu.memory_space<vmem>>) semaphore(%arg20 : memref<!tpu.dma_semaphore, #tpu.memory_space<semaphore_mem>>)
        %dma_start3A_1710 = arith.constant 2 : i32
        %dma_start3A_1711 = arith.constant 2 : i32
        %dma_start3A_1712 = arith.constant 0 : i32
        %dma_start3A_1713 = arith.constant 0 : i32
        %dma_start3A_1714 = tpu.memref_slice %arg13[%dma_start3A_1711, %dma_start3A_1712, %dma_start3A_1713] : memref<3x128x32xf32, #tpu.memory_space<vmem>> -> memref<1x128x32xf32, #tpu.memory_space<vmem>>
        %dma_start3A_1715 = tpu.memref_squeeze %dma_start3A_1714 : memref<1x128x32xf32, #tpu.memory_space<vmem>> -> memref<128x32xf32, #tpu.memory_space<vmem>>
        %dma_start3A_1716 = arith.constant 0 : i32
        %dma_start3A_1717 = tpu.memref_slice %arg10[%dma_start3A_1710, %dma_start3A_1716] : memref<3x128xi32, #tpu.memory_space<vmem>> -> memref<1x128xi32, #tpu.memory_space<vmem>>
        %dma_start3A_1718 = tpu.memref_squeeze %dma_start3A_1717 : memref<1x128xi32, #tpu.memory_space<vmem>> -> memref<128xi32, #tpu.memory_space<vmem>>
        %dma_start3A_1719 = arith.constant 0 : i32
        %dma_start3A_1720 = arith.constant 0 : i32
        %dma_start3A_1721 = tpu.memref_slice %arg5[%dma_start3A_1719, %dma_start3A_1720] : memref<100000x32xf32, #tpu.memory_space<hbm>> -> memref<100000x32xf32, #tpu.memory_space<hbm>>
        tpu.enqueue_indirect_dma source(%dma_start3A_1721 : memref<100000x32xf32, #tpu.memory_space<hbm>>) target(%dma_start3A_1715 : memref<128x32xf32, #tpu.memory_space<vmem>>) offsets(%dma_start3A_1718 : memref<128xi32, #tpu.memory_space<vmem>>) semaphore(%arg20 : memref<!tpu.dma_semaphore, #tpu.memory_space<semaphore_mem>>)
      } else {
      }
      %dma_wait3A_984 = arith.constant 0 : i32
      %dma_wait3A_985 = arith.constant 0 : i32
      %dma_wait3A_986 = arith.constant 0 : i32
      %dma_wait3A_987 = arith.constant 0 : i32
      %dma_wait3A_988 = tpu.memref_slice %arg11[%dma_wait3A_985, %dma_wait3A_986, %dma_wait3A_987] : memref<3x128x32xf32, #tpu.memory_space<vmem>> -> memref<1x128x32xf32, #tpu.memory_space<vmem>>
      %dma_wait3A_989 = tpu.memref_squeeze %dma_wait3A_988 : memref<1x128x32xf32, #tpu.memory_space<vmem>> -> memref<128x32xf32, #tpu.memory_space<vmem>>
      %dma_wait3A_990 = arith.constant 0 : i32
      %dma_wait3A_991 = tpu.memref_slice %arg8[%dma_wait3A_984, %dma_wait3A_990] : memref<3x128xi32, #tpu.memory_space<vmem>> -> memref<1x128xi32, #tpu.memory_space<vmem>>
      %dma_wait3A_992 = tpu.memref_squeeze %dma_wait3A_991 : memref<1x128xi32, #tpu.memory_space<vmem>> -> memref<128xi32, #tpu.memory_space<vmem>>
      %dma_wait3A_993 = arith.constant 0 : i32
      %dma_wait3A_994 = arith.constant 0 : i32
      %dma_wait3A_995 = tpu.memref_slice %arg3[%dma_wait3A_993, %dma_wait3A_994] : memref<100000x32xf32, #tpu.memory_space<hbm>> -> memref<100000x32xf32, #tpu.memory_space<hbm>>
      tpu.wait_indirect_dma semaphore(%arg18 : memref<!tpu.dma_semaphore, #tpu.memory_space<semaphore_mem>>) src(%dma_wait3A_995 : memref<100000x32xf32, #tpu.memory_space<hbm>>) dst(%dma_wait3A_989 : memref<128x32xf32, #tpu.memory_space<vmem>>)
      %dma_wait3A_996 = arith.constant 1 : i32
      %dma_wait3A_997 = arith.constant 1 : i32
      %dma_wait3A_998 = arith.constant 0 : i32
      %dma_wait3A_999 = arith.constant 0 : i32
      %dma_wait3A_1000 = tpu.memref_slice %arg11[%dma_wait3A_997, %dma_wait3A_998, %dma_wait3A_999] : memref<3x128x32xf32, #tpu.memory_space<vmem>> -> memref<1x128x32xf32, #tpu.memory_space<vmem>>
      %dma_wait3A_1001 = tpu.memref_squeeze %dma_wait3A_1000 : memref<1x128x32xf32, #tpu.memory_space<vmem>> -> memref<128x32xf32, #tpu.memory_space<vmem>>
      %dma_wait3A_1002 = arith.constant 0 : i32
      %dma_wait3A_1003 = tpu.memref_slice %arg8[%dma_wait3A_996, %dma_wait3A_1002] : memref<3x128xi32, #tpu.memory_space<vmem>> -> memref<1x128xi32, #tpu.memory_space<vmem>>
      %dma_wait3A_1004 = tpu.memref_squeeze %dma_wait3A_1003 : memref<1x128xi32, #tpu.memory_space<vmem>> -> memref<128xi32, #tpu.memory_space<vmem>>
      %dma_wait3A_1005 = arith.constant 0 : i32
      %dma_wait3A_1006 = arith.constant 0 : i32
      %dma_wait3A_1007 = tpu.memref_slice %arg4[%dma_wait3A_1005, %dma_wait3A_1006] : memref<100000x32xf32, #tpu.memory_space<hbm>> -> memref<100000x32xf32, #tpu.memory_space<hbm>>
      tpu.wait_indirect_dma semaphore(%arg18 : memref<!tpu.dma_semaphore, #tpu.memory_space<semaphore_mem>>) src(%dma_wait3A_1007 : memref<100000x32xf32, #tpu.memory_space<hbm>>) dst(%dma_wait3A_1001 : memref<128x32xf32, #tpu.memory_space<vmem>>)
      %dma_wait3A_1008 = arith.constant 2 : i32
      %dma_wait3A_1009 = arith.constant 2 : i32
      %dma_wait3A_1010 = arith.constant 0 : i32
      %dma_wait3A_1011 = arith.constant 0 : i32
      %dma_wait3A_1012 = tpu.memref_slice %arg11[%dma_wait3A_1009, %dma_wait3A_1010, %dma_wait3A_1011] : memref<3x128x32xf32, #tpu.memory_space<vmem>> -> memref<1x128x32xf32, #tpu.memory_space<vmem>>
      %dma_wait3A_1013 = tpu.memref_squeeze %dma_wait3A_1012 : memref<1x128x32xf32, #tpu.memory_space<vmem>> -> memref<128x32xf32, #tpu.memory_space<vmem>>
      %dma_wait3A_1014 = arith.constant 0 : i32
      %dma_wait3A_1015 = tpu.memref_slice %arg8[%dma_wait3A_1008, %dma_wait3A_1014] : memref<3x128xi32, #tpu.memory_space<vmem>> -> memref<1x128xi32, #tpu.memory_space<vmem>>
      %dma_wait3A_1016 = tpu.memref_squeeze %dma_wait3A_1015 : memref<1x128xi32, #tpu.memory_space<vmem>> -> memref<128xi32, #tpu.memory_space<vmem>>
      %dma_wait3A_1017 = arith.constant 0 : i32
      %dma_wait3A_1018 = arith.constant 0 : i32
      %dma_wait3A_1019 = tpu.memref_slice %arg5[%dma_wait3A_1017, %dma_wait3A_1018] : memref<100000x32xf32, #tpu.memory_space<hbm>> -> memref<100000x32xf32, #tpu.memory_space<hbm>>
      tpu.wait_indirect_dma semaphore(%arg18 : memref<!tpu.dma_semaphore, #tpu.memory_space<semaphore_mem>>) src(%dma_wait3A_1019 : memref<100000x32xf32, #tpu.memory_space<hbm>>) dst(%dma_wait3A_1013 : memref<128x32xf32, #tpu.memory_space<vmem>>)
      %add3A_1020 = arith.constant 3 : i32
      %add3A_1021 = arith.addi %add3A_978, %add3A_1020 : i32
      %lt3A_1022 = arith.constant 50 : i32
      %lt3A_1023 = arith.cmpi slt, %add3A_1021, %lt3A_1022 : i32
      %convert_element_type3A_1024 = arith.extui %lt3A_1023 : i1 to i32
      %cond3A_1025 = arith.constant 0 : i32
      %cond3A_1026 = arith.cmpi ne, %convert_element_type3A_1024, %cond3A_1025 : i32
      scf.if %cond3A_1026 {
        %add3A_1686 = arith.constant 3 : i32
        %add3A_1687 = arith.addi %add3A_978, %add3A_1686 : i32
        %mul3A_1688 = arith.constant 50 : i32
        %mul3A_1689 = arith.muli %add3A, %mul3A_1688 : i32
        %add3A_1690 = arith.addi %mul3A_1689, %add3A_1687 : i32
        %jit3A_1691 = arith.constant 8 : i32
        %div3A_1692 = arith.divsi %add3A_1690, %jit3A_1691 : i32
        %sign3A_1693 = arith.constant 0 : i32
        %sign3A_1694 = arith.cmpi sgt, %add3A_1690, %sign3A_1693 : i32
        %sign3A_1695 = arith.extui %sign3A_1694 : i1 to i32
        %sign3A_1696 = arith.constant 0 : i32
        %sign3A_1697 = arith.cmpi slt, %add3A_1690, %sign3A_1696 : i32
        %sign3A_1698 = arith.extui %sign3A_1697 : i1 to i32
        %sign3A_1699 = arith.subi %sign3A_1695, %sign3A_1698 : i32
        %sign3A_1700 = arith.constant 0 : i32
        %sign3A_1701 = arith.cmpi sgt, %jit3A_1691, %sign3A_1700 : i32
        %sign3A_1702 = arith.extui %sign3A_1701 : i1 to i32
        %sign3A_1703 = arith.constant 0 : i32
        %sign3A_1704 = arith.cmpi slt, %jit3A_1691, %sign3A_1703 : i32
        %sign3A_1705 = arith.extui %sign3A_1704 : i1 to i32
        %sign3A_1706 = arith.subi %sign3A_1702, %sign3A_1705 : i32
        %ne3A_1707 = arith.cmpi ne, %sign3A_1699, %sign3A_1706 : i32
        %rem3A_1708 = arith.remsi %add3A_1690, %jit3A_1691 : i32
        %ne3A_1709 = arith.constant 0 : i32
        %ne3A_1710 = arith.cmpi ne, %rem3A_1708, %ne3A_1709 : i32
        %and3A_1711 = arith.andi %ne3A_1707, %ne3A_1710 : i1
        %sub3A_1712 = arith.constant 1 : i32
        %sub3A_1713 = arith.subi %div3A_1692, %sub3A_1712 : i32
        %select_n3A_1714 = arith.select %and3A_1711, %sub3A_1713, %div3A_1692 : i32
        %jit3A_1715 = arith.constant 8 : i32
        %eq3A_1716 = arith.constant 0 : i32
        %eq3A_1717 = arith.cmpi eq, %jit3A_1715, %eq3A_1716 : i32
        %jit3A_1718 = arith.constant 1 : i32
        %select_n3A_1719 = arith.select %eq3A_1717, %jit3A_1718, %jit3A_1715 : i32
        %rem3A_1720 = arith.remsi %add3A_1690, %select_n3A_1719 : i32
        %ne3A_1721 = arith.constant 0 : i32
        %ne3A_1722 = arith.cmpi ne, %rem3A_1720, %ne3A_1721 : i32
        %lt3A_1723 = arith.constant 0 : i32
        %lt3A_1724 = arith.cmpi slt, %rem3A_1720, %lt3A_1723 : i32
        %lt3A_1725 = arith.constant 0 : i32
        %lt3A_1726 = arith.cmpi slt, %select_n3A_1719, %lt3A_1725 : i32
        %ne3A_1727 = arith.xori %lt3A_1724, %lt3A_1726 : i1
        %and3A_1728 = arith.andi %ne3A_1727, %ne3A_1722 : i1
        %add3A_1729 = arith.addi %rem3A_1720, %select_n3A_1719 : i32
        %select_n3A_1730 = arith.select %and3A_1728, %add3A_1729, %rem3A_1720 : i32
        %mul3A_1731 = arith.constant 128 : i32
        %mul3A_1732 = arith.muli %select_n3A_1730, %mul3A_1731 : i32
        %run_scoped3A_1733 = arith.constant 0 : i32
        %run_scoped3A_1734 = arith.constant 0 : i32
        "tpu.region"() ({
          %run_scoped3A_1743 = tpu.sem_alloc : memref<!tpu.dma_semaphore, #tpu.memory_space<semaphore_mem>>
          %dma_start3A_1744 = arith.constant 0 : i32
          %dma_start3A_1745 = tpu.memref_slice %arg8[%run_scoped3A_1734, %dma_start3A_1744] : memref<3x128xi32, #tpu.memory_space<vmem>> -> memref<1x128xi32, #tpu.memory_space<vmem>>
          %dma_start3A_1746 = tpu.memref_squeeze %dma_start3A_1745 : memref<1x128xi32, #tpu.memory_space<vmem>> -> memref<128xi32, #tpu.memory_space<vmem>>
          %dma_start3A_1747 = tpu.memref_slice %arg2[%run_scoped3A_1733, %select_n3A_1714, %mul3A_1732] : memref<3x200x1024xi32, #tpu.memory_space<hbm>> -> memref<1x1x128xi32, #tpu.memory_space<hbm>>
          %dma_start3A_1748 = tpu.memref_squeeze %dma_start3A_1747 : memref<1x1x128xi32, #tpu.memory_space<hbm>> -> memref<128xi32, #tpu.memory_space<hbm>>
          %dma_start3A_1749 = arith.constant 0 : i32
          %dma_start3A_1750 = tpu.memref_slice %arg8[%run_scoped3A_1734, %dma_start3A_1749] : memref<3x128xi32, #tpu.memory_space<vmem>> -> memref<1x128xi32, #tpu.memory_space<vmem>>
          %dma_start3A_1751 = tpu.memref_squeeze %dma_start3A_1750 : memref<1x128xi32, #tpu.memory_space<vmem>> -> memref<128xi32, #tpu.memory_space<vmem>>
          %dma_start3A_1752 = tpu.memref_slice %arg2[%run_scoped3A_1733, %select_n3A_1714, %mul3A_1732] : memref<3x200x1024xi32, #tpu.memory_space<hbm>> -> memref<1x1x128xi32, #tpu.memory_space<hbm>>
          %dma_start3A_1753 = tpu.memref_squeeze %dma_start3A_1752 : memref<1x1x128xi32, #tpu.memory_space<hbm>> -> memref<128xi32, #tpu.memory_space<hbm>>
          tpu.enqueue_dma source(%dma_start3A_1753 : memref<128xi32, #tpu.memory_space<hbm>>) target(%dma_start3A_1751 : memref<128xi32, #tpu.memory_space<vmem>>) target_semaphore(%run_scoped3A_1743 : memref<!tpu.dma_semaphore, #tpu.memory_space<semaphore_mem>>)
          %dma_wait3A_1754 = arith.constant 0 : i32
          %dma_wait3A_1755 = tpu.memref_slice %arg8[%run_scoped3A_1734, %dma_wait3A_1754] : memref<3x128xi32, #tpu.memory_space<vmem>> -> memref<1x128xi32, #tpu.memory_space<vmem>>
          %dma_wait3A_1756 = tpu.memref_squeeze %dma_wait3A_1755 : memref<1x128xi32, #tpu.memory_space<vmem>> -> memref<128xi32, #tpu.memory_space<vmem>>
          %dma_wait3A_1757 = tpu.memref_slice %arg2[%run_scoped3A_1733, %select_n3A_1714, %mul3A_1732] : memref<3x200x1024xi32, #tpu.memory_space<hbm>> -> memref<1x1x128xi32, #tpu.memory_space<hbm>>
          %dma_wait3A_1758 = tpu.memref_squeeze %dma_wait3A_1757 : memref<1x1x128xi32, #tpu.memory_space<hbm>> -> memref<128xi32, #tpu.memory_space<hbm>>
          %dma_wait3A_1759 = arith.constant 0 : i32
          %dma_wait3A_1760 = tpu.memref_slice %arg8[%run_scoped3A_1734, %dma_wait3A_1759] : memref<3x128xi32, #tpu.memory_space<vmem>> -> memref<1x128xi32, #tpu.memory_space<vmem>>
          %dma_wait3A_1761 = tpu.memref_squeeze %dma_wait3A_1760 : memref<1x128xi32, #tpu.memory_space<vmem>> -> memref<128xi32, #tpu.memory_space<vmem>>
          %dma_wait3A_1762 = tpu.memref_slice %arg2[%run_scoped3A_1733, %select_n3A_1714, %mul3A_1732] : memref<3x200x1024xi32, #tpu.memory_space<hbm>> -> memref<1x1x128xi32, #tpu.memory_space<hbm>>
          %dma_wait3A_1763 = tpu.memref_squeeze %dma_wait3A_1762 : memref<1x1x128xi32, #tpu.memory_space<hbm>> -> memref<128xi32, #tpu.memory_space<hbm>>
          tpu.wait_dma2 semaphore(%run_scoped3A_1743 : memref<!tpu.dma_semaphore, #tpu.memory_space<semaphore_mem>>) src(%dma_wait3A_1763 : memref<128xi32, #tpu.memory_space<hbm>>) dst(%dma_wait3A_1761 : memref<128xi32, #tpu.memory_space<vmem>>)
          tpu.yield
        }) : () -> ()
        %mul3A_1735 = arith.constant 128 : i32
        %mul3A_1736 = arith.muli %select_n3A_1730, %mul3A_1735 : i32
        %run_scoped3A_1737 = arith.constant 1 : i32
        %run_scoped3A_1738 = arith.constant 1 : i32
        "tpu.region"() ({
          %run_scoped3A_1743 = tpu.sem_alloc : memref<!tpu.dma_semaphore, #tpu.memory_space<semaphore_mem>>
          %dma_start3A_1744 = arith.constant 0 : i32
          %dma_start3A_1745 = tpu.memref_slice %arg8[%run_scoped3A_1738, %dma_start3A_1744] : memref<3x128xi32, #tpu.memory_space<vmem>> -> memref<1x128xi32, #tpu.memory_space<vmem>>
          %dma_start3A_1746 = tpu.memref_squeeze %dma_start3A_1745 : memref<1x128xi32, #tpu.memory_space<vmem>> -> memref<128xi32, #tpu.memory_space<vmem>>
          %dma_start3A_1747 = tpu.memref_slice %arg2[%run_scoped3A_1737, %select_n3A_1714, %mul3A_1736] : memref<3x200x1024xi32, #tpu.memory_space<hbm>> -> memref<1x1x128xi32, #tpu.memory_space<hbm>>
          %dma_start3A_1748 = tpu.memref_squeeze %dma_start3A_1747 : memref<1x1x128xi32, #tpu.memory_space<hbm>> -> memref<128xi32, #tpu.memory_space<hbm>>
          %dma_start3A_1749 = arith.constant 0 : i32
          %dma_start3A_1750 = tpu.memref_slice %arg8[%run_scoped3A_1738, %dma_start3A_1749] : memref<3x128xi32, #tpu.memory_space<vmem>> -> memref<1x128xi32, #tpu.memory_space<vmem>>
          %dma_start3A_1751 = tpu.memref_squeeze %dma_start3A_1750 : memref<1x128xi32, #tpu.memory_space<vmem>> -> memref<128xi32, #tpu.memory_space<vmem>>
          %dma_start3A_1752 = tpu.memref_slice %arg2[%run_scoped3A_1737, %select_n3A_1714, %mul3A_1736] : memref<3x200x1024xi32, #tpu.memory_space<hbm>> -> memref<1x1x128xi32, #tpu.memory_space<hbm>>
          %dma_start3A_1753 = tpu.memref_squeeze %dma_start3A_1752 : memref<1x1x128xi32, #tpu.memory_space<hbm>> -> memref<128xi32, #tpu.memory_space<hbm>>
          tpu.enqueue_dma source(%dma_start3A_1753 : memref<128xi32, #tpu.memory_space<hbm>>) target(%dma_start3A_1751 : memref<128xi32, #tpu.memory_space<vmem>>) target_semaphore(%run_scoped3A_1743 : memref<!tpu.dma_semaphore, #tpu.memory_space<semaphore_mem>>)
          %dma_wait3A_1754 = arith.constant 0 : i32
          %dma_wait3A_1755 = tpu.memref_slice %arg8[%run_scoped3A_1738, %dma_wait3A_1754] : memref<3x128xi32, #tpu.memory_space<vmem>> -> memref<1x128xi32, #tpu.memory_space<vmem>>
          %dma_wait3A_1756 = tpu.memref_squeeze %dma_wait3A_1755 : memref<1x128xi32, #tpu.memory_space<vmem>> -> memref<128xi32, #tpu.memory_space<vmem>>
          %dma_wait3A_1757 = tpu.memref_slice %arg2[%run_scoped3A_1737, %select_n3A_1714, %mul3A_1736] : memref<3x200x1024xi32, #tpu.memory_space<hbm>> -> memref<1x1x128xi32, #tpu.memory_space<hbm>>
          %dma_wait3A_1758 = tpu.memref_squeeze %dma_wait3A_1757 : memref<1x1x128xi32, #tpu.memory_space<hbm>> -> memref<128xi32, #tpu.memory_space<hbm>>
          %dma_wait3A_1759 = arith.constant 0 : i32
          %dma_wait3A_1760 = tpu.memref_slice %arg8[%run_scoped3A_1738, %dma_wait3A_1759] : memref<3x128xi32, #tpu.memory_space<vmem>> -> memref<1x128xi32, #tpu.memory_space<vmem>>
          %dma_wait3A_1761 = tpu.memref_squeeze %dma_wait3A_1760 : memref<1x128xi32, #tpu.memory_space<vmem>> -> memref<128xi32, #tpu.memory_space<vmem>>
          %dma_wait3A_1762 = tpu.memref_slice %arg2[%run_scoped3A_1737, %select_n3A_1714, %mul3A_1736] : memref<3x200x1024xi32, #tpu.memory_space<hbm>> -> memref<1x1x128xi32, #tpu.memory_space<hbm>>
          %dma_wait3A_1763 = tpu.memref_squeeze %dma_wait3A_1762 : memref<1x1x128xi32, #tpu.memory_space<hbm>> -> memref<128xi32, #tpu.memory_space<hbm>>
          tpu.wait_dma2 semaphore(%run_scoped3A_1743 : memref<!tpu.dma_semaphore, #tpu.memory_space<semaphore_mem>>) src(%dma_wait3A_1763 : memref<128xi32, #tpu.memory_space<hbm>>) dst(%dma_wait3A_1761 : memref<128xi32, #tpu.memory_space<vmem>>)
          tpu.yield
        }) : () -> ()
        %mul3A_1739 = arith.constant 128 : i32
        %mul3A_1740 = arith.muli %select_n3A_1730, %mul3A_1739 : i32
        %run_scoped3A_1741 = arith.constant 2 : i32
        %run_scoped3A_1742 = arith.constant 2 : i32
        "tpu.region"() ({
          %run_scoped3A_1743 = tpu.sem_alloc : memref<!tpu.dma_semaphore, #tpu.memory_space<semaphore_mem>>
          %dma_start3A_1744 = arith.constant 0 : i32
          %dma_start3A_1745 = tpu.memref_slice %arg8[%run_scoped3A_1742, %dma_start3A_1744] : memref<3x128xi32, #tpu.memory_space<vmem>> -> memref<1x128xi32, #tpu.memory_space<vmem>>
          %dma_start3A_1746 = tpu.memref_squeeze %dma_start3A_1745 : memref<1x128xi32, #tpu.memory_space<vmem>> -> memref<128xi32, #tpu.memory_space<vmem>>
          %dma_start3A_1747 = tpu.memref_slice %arg2[%run_scoped3A_1741, %select_n3A_1714, %mul3A_1740] : memref<3x200x1024xi32, #tpu.memory_space<hbm>> -> memref<1x1x128xi32, #tpu.memory_space<hbm>>
          %dma_start3A_1748 = tpu.memref_squeeze %dma_start3A_1747 : memref<1x1x128xi32, #tpu.memory_space<hbm>> -> memref<128xi32, #tpu.memory_space<hbm>>
          %dma_start3A_1749 = arith.constant 0 : i32
          %dma_start3A_1750 = tpu.memref_slice %arg8[%run_scoped3A_1742, %dma_start3A_1749] : memref<3x128xi32, #tpu.memory_space<vmem>> -> memref<1x128xi32, #tpu.memory_space<vmem>>
          %dma_start3A_1751 = tpu.memref_squeeze %dma_start3A_1750 : memref<1x128xi32, #tpu.memory_space<vmem>> -> memref<128xi32, #tpu.memory_space<vmem>>
          %dma_start3A_1752 = tpu.memref_slice %arg2[%run_scoped3A_1741, %select_n3A_1714, %mul3A_1740] : memref<3x200x1024xi32, #tpu.memory_space<hbm>> -> memref<1x1x128xi32, #tpu.memory_space<hbm>>
          %dma_start3A_1753 = tpu.memref_squeeze %dma_start3A_1752 : memref<1x1x128xi32, #tpu.memory_space<hbm>> -> memref<128xi32, #tpu.memory_space<hbm>>
          tpu.enqueue_dma source(%dma_start3A_1753 : memref<128xi32, #tpu.memory_space<hbm>>) target(%dma_start3A_1751 : memref<128xi32, #tpu.memory_space<vmem>>) target_semaphore(%run_scoped3A_1743 : memref<!tpu.dma_semaphore, #tpu.memory_space<semaphore_mem>>)
          %dma_wait3A_1754 = arith.constant 0 : i32
          %dma_wait3A_1755 = tpu.memref_slice %arg8[%run_scoped3A_1742, %dma_wait3A_1754] : memref<3x128xi32, #tpu.memory_space<vmem>> -> memref<1x128xi32, #tpu.memory_space<vmem>>
          %dma_wait3A_1756 = tpu.memref_squeeze %dma_wait3A_1755 : memref<1x128xi32, #tpu.memory_space<vmem>> -> memref<128xi32, #tpu.memory_space<vmem>>
          %dma_wait3A_1757 = tpu.memref_slice %arg2[%run_scoped3A_1741, %select_n3A_1714, %mul3A_1740] : memref<3x200x1024xi32, #tpu.memory_space<hbm>> -> memref<1x1x128xi32, #tpu.memory_space<hbm>>
          %dma_wait3A_1758 = tpu.memref_squeeze %dma_wait3A_1757 : memref<1x1x128xi32, #tpu.memory_space<hbm>> -> memref<128xi32, #tpu.memory_space<hbm>>
          %dma_wait3A_1759 = arith.constant 0 : i32
          %dma_wait3A_1760 = tpu.memref_slice %arg8[%run_scoped3A_1742, %dma_wait3A_1759] : memref<3x128xi32, #tpu.memory_space<vmem>> -> memref<1x128xi32, #tpu.memory_space<vmem>>
          %dma_wait3A_1761 = tpu.memref_squeeze %dma_wait3A_1760 : memref<1x128xi32, #tpu.memory_space<vmem>> -> memref<128xi32, #tpu.memory_space<vmem>>
          %dma_wait3A_1762 = tpu.memref_slice %arg2[%run_scoped3A_1741, %select_n3A_1714, %mul3A_1740] : memref<3x200x1024xi32, #tpu.memory_space<hbm>> -> memref<1x1x128xi32, #tpu.memory_space<hbm>>
          %dma_wait3A_1763 = tpu.memref_squeeze %dma_wait3A_1762 : memref<1x1x128xi32, #tpu.memory_space<hbm>> -> memref<128xi32, #tpu.memory_space<hbm>>
          tpu.wait_dma2 semaphore(%run_scoped3A_1743 : memref<!tpu.dma_semaphore, #tpu.memory_space<semaphore_mem>>) src(%dma_wait3A_1763 : memref<128xi32, #tpu.memory_space<hbm>>) dst(%dma_wait3A_1761 : memref<128xi32, #tpu.memory_space<vmem>>)
          tpu.yield
        }) : () -> ()
      } else {
      }
      %ge3A = arith.constant 3 : i32
      %ge3A_1027 = arith.cmpi sge, %add3A_978, %ge3A : i32
      %convert_element_type3A_1028 = arith.extui %ge3A_1027 : i1 to i32
      %cond3A_1029 = arith.constant 0 : i32
      %cond3A_1030 = arith.cmpi ne, %convert_element_type3A_1028, %cond3A_1029 : i32
      scf.if %cond3A_1030 {
        %sub3A_1686 = arith.constant 3 : i32
        %sub3A_1687 = arith.subi %add3A_978, %sub3A_1686 : i32
        %mul3A_1688 = arith.constant 50 : i32
        %mul3A_1689 = arith.muli %add3A, %mul3A_1688 : i32
        %add3A_1690 = arith.addi %mul3A_1689, %sub3A_1687 : i32
        %jit3A_1691 = arith.constant 8 : i32
        %div3A_1692 = arith.divsi %add3A_1690, %jit3A_1691 : i32
        %sign3A_1693 = arith.constant 0 : i32
        %sign3A_1694 = arith.cmpi sgt, %add3A_1690, %sign3A_1693 : i32
        %sign3A_1695 = arith.extui %sign3A_1694 : i1 to i32
        %sign3A_1696 = arith.constant 0 : i32
        %sign3A_1697 = arith.cmpi slt, %add3A_1690, %sign3A_1696 : i32
        %sign3A_1698 = arith.extui %sign3A_1697 : i1 to i32
        %sign3A_1699 = arith.subi %sign3A_1695, %sign3A_1698 : i32
        %sign3A_1700 = arith.constant 0 : i32
        %sign3A_1701 = arith.cmpi sgt, %jit3A_1691, %sign3A_1700 : i32
        %sign3A_1702 = arith.extui %sign3A_1701 : i1 to i32
        %sign3A_1703 = arith.constant 0 : i32
        %sign3A_1704 = arith.cmpi slt, %jit3A_1691, %sign3A_1703 : i32
        %sign3A_1705 = arith.extui %sign3A_1704 : i1 to i32
        %sign3A_1706 = arith.subi %sign3A_1702, %sign3A_1705 : i32
        %ne3A_1707 = arith.cmpi ne, %sign3A_1699, %sign3A_1706 : i32
        %rem3A_1708 = arith.remsi %add3A_1690, %jit3A_1691 : i32
        %ne3A_1709 = arith.constant 0 : i32
        %ne3A_1710 = arith.cmpi ne, %rem3A_1708, %ne3A_1709 : i32
        %and3A_1711 = arith.andi %ne3A_1707, %ne3A_1710 : i1
        %sub3A_1712 = arith.constant 1 : i32
        %sub3A_1713 = arith.subi %div3A_1692, %sub3A_1712 : i32
        %select_n3A_1714 = arith.select %and3A_1711, %sub3A_1713, %div3A_1692 : i32
        %jit3A_1715 = arith.constant 8 : i32
        %eq3A_1716 = arith.constant 0 : i32
        %eq3A_1717 = arith.cmpi eq, %jit3A_1715, %eq3A_1716 : i32
        %jit3A_1718 = arith.constant 1 : i32
        %select_n3A_1719 = arith.select %eq3A_1717, %jit3A_1718, %jit3A_1715 : i32
        %rem3A_1720 = arith.remsi %add3A_1690, %select_n3A_1719 : i32
        %ne3A_1721 = arith.constant 0 : i32
        %ne3A_1722 = arith.cmpi ne, %rem3A_1720, %ne3A_1721 : i32
        %lt3A_1723 = arith.constant 0 : i32
        %lt3A_1724 = arith.cmpi slt, %rem3A_1720, %lt3A_1723 : i32
        %lt3A_1725 = arith.constant 0 : i32
        %lt3A_1726 = arith.cmpi slt, %select_n3A_1719, %lt3A_1725 : i32
        %ne3A_1727 = arith.xori %lt3A_1724, %lt3A_1726 : i1
        %and3A_1728 = arith.andi %ne3A_1727, %ne3A_1722 : i1
        %add3A_1729 = arith.addi %rem3A_1720, %select_n3A_1719 : i32
        %select_n3A_1730 = arith.select %and3A_1728, %add3A_1729, %rem3A_1720 : i32
        %dma_wait3A_1731 = arith.constant 0 : i32
        %dma_wait3A_1732 = arith.constant 0 : i32
        %dma_wait3A_1733 = arith.constant 0 : i32
        %dma_wait3A_1734 = tpu.memref_slice %arg14[%dma_wait3A_1731, %dma_wait3A_1732, %dma_wait3A_1733] : memref<12x8x129xf32, #tpu.memory_space<vmem>> -> memref<12x8x128xf32, #tpu.memory_space<vmem>>
        %dma_wait3A_1735 = arith.constant 0 : i32
        %dma_wait3A_1736 = arith.constant 0 : i32
        %dma_wait3A_1737 = arith.constant 0 : i32
        %dma_wait3A_1738 = tpu.memref_slice %arg7[%select_n3A_1714, %dma_wait3A_1735, %select_n3A_1730, %dma_wait3A_1736, %dma_wait3A_1737] : memref<200x12x8x8x128xf32, #tpu.memory_space<hbm>> -> memref<1x12x1x8x128xf32, #tpu.memory_space<hbm>>
        %dma_wait3A_1739 = tpu.memref_squeeze %dma_wait3A_1738 : memref<1x12x1x8x128xf32, #tpu.memory_space<hbm>> -> memref<12x8x128xf32, #tpu.memory_space<hbm>>
        %dma_wait3A_1740 = arith.constant 0 : i32
        %dma_wait3A_1741 = arith.constant 0 : i32
        %dma_wait3A_1742 = arith.constant 0 : i32
        %dma_wait3A_1743 = tpu.memref_slice %arg7[%select_n3A_1714, %dma_wait3A_1740, %select_n3A_1730, %dma_wait3A_1741, %dma_wait3A_1742] : memref<200x12x8x8x128xf32, #tpu.memory_space<hbm>> -> memref<1x12x1x8x128xf32, #tpu.memory_space<hbm>>
        %dma_wait3A_1744 = tpu.memref_squeeze %dma_wait3A_1743 : memref<1x12x1x8x128xf32, #tpu.memory_space<hbm>> -> memref<12x8x128xf32, #tpu.memory_space<hbm>>
        %dma_wait3A_1745 = arith.constant 0 : i32
        %dma_wait3A_1746 = arith.constant 0 : i32
        %dma_wait3A_1747 = arith.constant 0 : i32
        %dma_wait3A_1748 = tpu.memref_slice %arg14[%dma_wait3A_1745, %dma_wait3A_1746, %dma_wait3A_1747] : memref<12x8x129xf32, #tpu.memory_space<vmem>> -> memref<12x8x128xf32, #tpu.memory_space<vmem>>
        tpu.wait_dma2 semaphore(%arg21 : memref<!tpu.dma_semaphore, #tpu.memory_space<semaphore_mem>>) src(%dma_wait3A_1748 : memref<12x8x128xf32, #tpu.memory_space<vmem>>) dst(%dma_wait3A_1744 : memref<12x8x128xf32, #tpu.memory_space<hbm>>)
      } else {
      }
      %mul3A_1031 = arith.constant 50 : i32
      %mul3A_1032 = arith.muli %add3A, %mul3A_1031 : i32
      %add3A_1033 = arith.addi %mul3A_1032, %add3A_978 : i32
      %jit3A_1034 = arith.constant 8 : i32
      %div3A_1035 = arith.divsi %add3A_1033, %jit3A_1034 : i32
      %sign3A_1036 = arith.constant 0 : i32
      %sign3A_1037 = arith.cmpi sgt, %add3A_1033, %sign3A_1036 : i32
      %sign3A_1038 = arith.extui %sign3A_1037 : i1 to i32
      %sign3A_1039 = arith.constant 0 : i32
      %sign3A_1040 = arith.cmpi slt, %add3A_1033, %sign3A_1039 : i32
      %sign3A_1041 = arith.extui %sign3A_1040 : i1 to i32
      %sign3A_1042 = arith.subi %sign3A_1038, %sign3A_1041 : i32
      %sign3A_1043 = arith.constant 0 : i32
      %sign3A_1044 = arith.cmpi sgt, %jit3A_1034, %sign3A_1043 : i32
      %sign3A_1045 = arith.extui %sign3A_1044 : i1 to i32
      %sign3A_1046 = arith.constant 0 : i32
      %sign3A_1047 = arith.cmpi slt, %jit3A_1034, %sign3A_1046 : i32
      %sign3A_1048 = arith.extui %sign3A_1047 : i1 to i32
      %sign3A_1049 = arith.subi %sign3A_1045, %sign3A_1048 : i32
      %ne3A_1050 = arith.cmpi ne, %sign3A_1042, %sign3A_1049 : i32
      %rem3A_1051 = arith.remsi %add3A_1033, %jit3A_1034 : i32
      %ne3A_1052 = arith.constant 0 : i32
      %ne3A_1053 = arith.cmpi ne, %rem3A_1051, %ne3A_1052 : i32
      %and3A_1054 = arith.andi %ne3A_1050, %ne3A_1053 : i1
      %sub3A_1055 = arith.constant 1 : i32
      %sub3A_1056 = arith.subi %div3A_1035, %sub3A_1055 : i32
      %select_n3A_1057 = arith.select %and3A_1054, %sub3A_1056, %div3A_1035 : i32
      %jit3A_1058 = arith.constant 8 : i32
      %eq3A_1059 = arith.constant 0 : i32
      %eq3A_1060 = arith.cmpi eq, %jit3A_1058, %eq3A_1059 : i32
      %jit3A_1061 = arith.constant 1 : i32
      %select_n3A_1062 = arith.select %eq3A_1060, %jit3A_1061, %jit3A_1058 : i32
      %rem3A_1063 = arith.remsi %add3A_1033, %select_n3A_1062 : i32
      %ne3A_1064 = arith.constant 0 : i32
      %ne3A_1065 = arith.cmpi ne, %rem3A_1063, %ne3A_1064 : i32
      %lt3A_1066 = arith.constant 0 : i32
      %lt3A_1067 = arith.cmpi slt, %rem3A_1063, %lt3A_1066 : i32
      %lt3A_1068 = arith.constant 0 : i32
      %lt3A_1069 = arith.cmpi slt, %select_n3A_1062, %lt3A_1068 : i32
      %ne3A_1070 = arith.xori %lt3A_1067, %lt3A_1069 : i1
      %and3A_1071 = arith.andi %ne3A_1070, %ne3A_1065 : i1
      %add3A_1072 = arith.addi %rem3A_1063, %select_n3A_1062 : i32
      %select_n3A_1073 = arith.select %and3A_1071, %add3A_1072, %rem3A_1063 : i32
      %get3A_1074 = arith.index_cast %select_n3A_1057 : i32 to index
      %get3A_1075 = arith.constant 0 : index
      %get3A_1076 = tpu.vector_load %arg17[%get3A_1074, %get3A_1075] {strides = array<i32>} : memref<200x96xf32, #tpu.memory_space<vmem>>, vector<16xf32>,
      %get3A_1077 = arith.index_cast %select_n3A_1057 : i32 to index
      %get3A_1078 = arith.constant 16 : index
      %get3A_1079 = tpu.vector_load %arg17[%get3A_1077, %get3A_1078] {strides = array<i32>} : memref<200x96xf32, #tpu.memory_space<vmem>>, vector<16xf32>,
      %get3A_1080 = arith.index_cast %select_n3A_1057 : i32 to index
      %get3A_1081 = arith.constant 32 : index
      %get3A_1082 = tpu.vector_load %arg17[%get3A_1080, %get3A_1081] {strides = array<i32>} : memref<200x96xf32, #tpu.memory_space<vmem>>, vector<16xf32>,
      %get3A_1083 = arith.index_cast %select_n3A_1057 : i32 to index
      %get3A_1084 = arith.constant 48 : index
      %get3A_1085 = tpu.vector_load %arg17[%get3A_1083, %get3A_1084] {strides = array<i32>} : memref<200x96xf32, #tpu.memory_space<vmem>>, vector<16xf32>,
      %get3A_1086 = arith.index_cast %select_n3A_1057 : i32 to index
      %get3A_1087 = arith.constant 64 : index
      %get3A_1088 = tpu.vector_load %arg17[%get3A_1086, %get3A_1087] {strides = array<i32>} : memref<200x96xf32, #tpu.memory_space<vmem>>, vector<16xf32>,
      %get3A_1089 = arith.index_cast %select_n3A_1057 : i32 to index
      %get3A_1090 = arith.constant 80 : index
      %get3A_1091 = tpu.vector_load %arg17[%get3A_1089, %get3A_1090] {strides = array<i32>} : memref<200x96xf32, #tpu.memory_space<vmem>>, vector<16xf32>,
      %add3A_1092 = arith.constant 0 : i32
      %add3A_1093 = vector.broadcast %add3A_1092 : i32 to vector<16xi32>
      %add3A_1094 = arith.addi %add3A_1093, %iota3A : vector<16xi32>
      %add3A_1095 = arith.constant 16 : i32
      %add3A_1096 = vector.broadcast %add3A_1095 : i32 to vector<16xi32>
      %add3A_1097 = arith.addi %add3A_1096, %iota3A : vector<16xi32>
      %add3A_1098 = arith.constant 32 : i32
      %add3A_1099 = vector.broadcast %add3A_1098 : i32 to vector<16xi32>
      %add3A_1100 = arith.addi %add3A_1099, %iota3A : vector<16xi32>
      %add3A_1101 = arith.constant 48 : i32
      %add3A_1102 = vector.broadcast %add3A_1101 : i32 to vector<16xi32>
      %add3A_1103 = arith.addi %add3A_1102, %iota3A : vector<16xi32>
      %add3A_1104 = arith.constant 64 : i32
      %add3A_1105 = vector.broadcast %add3A_1104 : i32 to vector<16xi32>
      %add3A_1106 = arith.addi %add3A_1105, %iota3A : vector<16xi32>
      %add3A_1107 = arith.constant 80 : i32
      %add3A_1108 = vector.broadcast %add3A_1107 : i32 to vector<16xi32>
      %add3A_1109 = arith.addi %add3A_1108, %iota3A : vector<16xi32>
      %shift_right_logical3A_1110 = arith.constant 3 : i32
      %shift_right_logical3A_1111 = vector.broadcast %shift_right_logical3A_1110 : i32 to vector<16xi32>
      %shift_right_logical3A_1112 = arith.shrui %add3A_1094, %shift_right_logical3A_1111 : vector<16xi32>
      %shift_right_logical3A_1113 = arith.constant 3 : i32
      %shift_right_logical3A_1114 = vector.broadcast %shift_right_logical3A_1113 : i32 to vector<16xi32>
      %shift_right_logical3A_1115 = arith.shrui %add3A_1097, %shift_right_logical3A_1114 : vector<16xi32>
      %shift_right_logical3A_1116 = arith.constant 3 : i32
      %shift_right_logical3A_1117 = vector.broadcast %shift_right_logical3A_1116 : i32 to vector<16xi32>
      %shift_right_logical3A_1118 = arith.shrui %add3A_1100, %shift_right_logical3A_1117 : vector<16xi32>
      %shift_right_logical3A_1119 = arith.constant 3 : i32
      %shift_right_logical3A_1120 = vector.broadcast %shift_right_logical3A_1119 : i32 to vector<16xi32>
      %shift_right_logical3A_1121 = arith.shrui %add3A_1103, %shift_right_logical3A_1120 : vector<16xi32>
      %shift_right_logical3A_1122 = arith.constant 3 : i32
      %shift_right_logical3A_1123 = vector.broadcast %shift_right_logical3A_1122 : i32 to vector<16xi32>
      %shift_right_logical3A_1124 = arith.shrui %add3A_1106, %shift_right_logical3A_1123 : vector<16xi32>
      %shift_right_logical3A_1125 = arith.constant 3 : i32
      %shift_right_logical3A_1126 = vector.broadcast %shift_right_logical3A_1125 : i32 to vector<16xi32>
      %shift_right_logical3A_1127 = arith.shrui %add3A_1109, %shift_right_logical3A_1126 : vector<16xi32>
      %and3A_1128 = arith.constant 7 : i32
      %and3A_1129 = vector.broadcast %and3A_1128 : i32 to vector<16xi32>
      %and3A_1130 = arith.andi %add3A_1094, %and3A_1129 : vector<16xi32>
      %and3A_1131 = arith.constant 7 : i32
      %and3A_1132 = vector.broadcast %and3A_1131 : i32 to vector<16xi32>
      %and3A_1133 = arith.andi %add3A_1097, %and3A_1132 : vector<16xi32>
      %and3A_1134 = arith.constant 7 : i32
      %and3A_1135 = vector.broadcast %and3A_1134 : i32 to vector<16xi32>
      %and3A_1136 = arith.andi %add3A_1100, %and3A_1135 : vector<16xi32>
      %and3A_1137 = arith.constant 7 : i32
      %and3A_1138 = vector.broadcast %and3A_1137 : i32 to vector<16xi32>
      %and3A_1139 = arith.andi %add3A_1103, %and3A_1138 : vector<16xi32>
      %and3A_1140 = arith.constant 7 : i32
      %and3A_1141 = vector.broadcast %and3A_1140 : i32 to vector<16xi32>
      %and3A_1142 = arith.andi %add3A_1106, %and3A_1141 : vector<16xi32>
      %and3A_1143 = arith.constant 7 : i32
      %and3A_1144 = vector.broadcast %and3A_1143 : i32 to vector<16xi32>
      %and3A_1145 = arith.andi %add3A_1109, %and3A_1144 : vector<16xi32>
      %parallel_loop3A_1146 = arith.constant 0 : i32
      %parallel_loop3A_1147 = arith.constant 128 : i32
      %parallel_loop3A_1148 = arith.constant 1 : i32
      scf.for %parallel_loop3A_1686 = %parallel_loop3A_1146 to %parallel_loop3A_1147 step %parallel_loop3A_1148  : i32 {
        %parallel_loop3A_1687 = arith.constant 0 : i32
        %parallel_loop3A_1688 = vector.broadcast %parallel_loop3A_1687 : i32 to vector<16xi32>
        %parallel_loop3A_1689 = arith.muli %iota3A, %parallel_loop3A_1688 : vector<16xi32>
        %parallel_loop3A_1690 = vector.broadcast %parallel_loop3A_1686 : i32 to vector<16xi32>
        %parallel_loop3A_1691 = arith.addi %parallel_loop3A_1689, %parallel_loop3A_1690 : vector<16xi32>
        %parallel_loop3A_1692 = arith.constant 0 : i32
        %parallel_loop3A_1693 = arith.index_cast %parallel_loop3A_1692 : i32 to index
        %parallel_loop3A_1694 = arith.index_cast %parallel_loop3A_1686 : i32 to index
        %parallel_loop3A_1695 = arith.constant 0 : index
        %parallel_loop3A_1696 = tpu.vector_load %arg11[%parallel_loop3A_1693, %parallel_loop3A_1694, %parallel_loop3A_1695] {strides = array<i32>} : memref<3x128x32xf32, #tpu.memory_space<vmem>>, vector<16xf32>,
        %parallel_loop3A_1697 = arith.addf %parallel_loop3A_1696, %get3A_1076 : vector<16xf32>
        tpu.vector_store_idx %arg14[%shift_right_logical3A_1112, %and3A_1130, %parallel_loop3A_1691], %parallel_loop3A_1697 : memref<12x8x129xf32, #tpu.memory_space<vmem>>[vector<16xi32>, vector<16xi32>, vector<16xi32>], vector<16xf32>,
        %parallel_loop3A_1698 = arith.constant 0 : i32
        %parallel_loop3A_1699 = arith.index_cast %parallel_loop3A_1698 : i32 to index
        %parallel_loop3A_1700 = arith.index_cast %parallel_loop3A_1686 : i32 to index
        %parallel_loop3A_1701 = arith.constant 16 : index
        %parallel_loop3A_1702 = tpu.vector_load %arg11[%parallel_loop3A_1699, %parallel_loop3A_1700, %parallel_loop3A_1701] {strides = array<i32>} : memref<3x128x32xf32, #tpu.memory_space<vmem>>, vector<16xf32>,
        %parallel_loop3A_1703 = arith.addf %parallel_loop3A_1702, %get3A_1079 : vector<16xf32>
        tpu.vector_store_idx %arg14[%shift_right_logical3A_1115, %and3A_1133, %parallel_loop3A_1691], %parallel_loop3A_1703 : memref<12x8x129xf32, #tpu.memory_space<vmem>>[vector<16xi32>, vector<16xi32>, vector<16xi32>], vector<16xf32>,
        %parallel_loop3A_1704 = arith.constant 1 : i32
        %parallel_loop3A_1705 = arith.index_cast %parallel_loop3A_1704 : i32 to index
        %parallel_loop3A_1706 = arith.index_cast %parallel_loop3A_1686 : i32 to index
        %parallel_loop3A_1707 = arith.constant 0 : index
        %parallel_loop3A_1708 = tpu.vector_load %arg11[%parallel_loop3A_1705, %parallel_loop3A_1706, %parallel_loop3A_1707] {strides = array<i32>} : memref<3x128x32xf32, #tpu.memory_space<vmem>>, vector<16xf32>,
        %parallel_loop3A_1709 = arith.addf %parallel_loop3A_1708, %get3A_1082 : vector<16xf32>
        tpu.vector_store_idx %arg14[%shift_right_logical3A_1118, %and3A_1136, %parallel_loop3A_1691], %parallel_loop3A_1709 : memref<12x8x129xf32, #tpu.memory_space<vmem>>[vector<16xi32>, vector<16xi32>, vector<16xi32>], vector<16xf32>,
        %parallel_loop3A_1710 = arith.constant 1 : i32
        %parallel_loop3A_1711 = arith.index_cast %parallel_loop3A_1710 : i32 to index
        %parallel_loop3A_1712 = arith.index_cast %parallel_loop3A_1686 : i32 to index
        %parallel_loop3A_1713 = arith.constant 16 : index
        %parallel_loop3A_1714 = tpu.vector_load %arg11[%parallel_loop3A_1711, %parallel_loop3A_1712, %parallel_loop3A_1713] {strides = array<i32>} : memref<3x128x32xf32, #tpu.memory_space<vmem>>, vector<16xf32>,
        %parallel_loop3A_1715 = arith.addf %parallel_loop3A_1714, %get3A_1085 : vector<16xf32>
        tpu.vector_store_idx %arg14[%shift_right_logical3A_1121, %and3A_1139, %parallel_loop3A_1691], %parallel_loop3A_1715 : memref<12x8x129xf32, #tpu.memory_space<vmem>>[vector<16xi32>, vector<16xi32>, vector<16xi32>], vector<16xf32>,
        %parallel_loop3A_1716 = arith.constant 2 : i32
        %parallel_loop3A_1717 = arith.index_cast %parallel_loop3A_1716 : i32 to index
        %parallel_loop3A_1718 = arith.index_cast %parallel_loop3A_1686 : i32 to index
        %parallel_loop3A_1719 = arith.constant 0 : index
        %parallel_loop3A_1720 = tpu.vector_load %arg11[%parallel_loop3A_1717, %parallel_loop3A_1718, %parallel_loop3A_1719] {strides = array<i32>} : memref<3x128x32xf32, #tpu.memory_space<vmem>>, vector<16xf32>,
        %parallel_loop3A_1721 = arith.addf %parallel_loop3A_1720, %get3A_1088 : vector<16xf32>
        tpu.vector_store_idx %arg14[%shift_right_logical3A_1124, %and3A_1142, %parallel_loop3A_1691], %parallel_loop3A_1721 : memref<12x8x129xf32, #tpu.memory_space<vmem>>[vector<16xi32>, vector<16xi32>, vector<16xi32>], vector<16xf32>,
        %parallel_loop3A_1722 = arith.constant 2 : i32
        %parallel_loop3A_1723 = arith.index_cast %parallel_loop3A_1722 : i32 to index
        %parallel_loop3A_1724 = arith.index_cast %parallel_loop3A_1686 : i32 to index
        %parallel_loop3A_1725 = arith.constant 16 : index
        %parallel_loop3A_1726 = tpu.vector_load %arg11[%parallel_loop3A_1723, %parallel_loop3A_1724, %parallel_loop3A_1725] {strides = array<i32>} : memref<3x128x32xf32, #tpu.memory_space<vmem>>, vector<16xf32>,
        %parallel_loop3A_1727 = arith.addf %parallel_loop3A_1726, %get3A_1091 : vector<16xf32>
        tpu.vector_store_idx %arg14[%shift_right_logical3A_1127, %and3A_1145, %parallel_loop3A_1691], %parallel_loop3A_1727 : memref<12x8x129xf32, #tpu.memory_space<vmem>>[vector<16xi32>, vector<16xi32>, vector<16xi32>], vector<16xf32>,
      } {sc.loop_unroll_factor = 4 : i64, sc.parallel_access}
      %mul3A_1149 = arith.constant 50 : i32
      %mul3A_1150 = arith.muli %add3A, %mul3A_1149 : i32
      %add3A_1151 = arith.addi %mul3A_1150, %add3A_978 : i32
      %jit3A_1152 = arith.constant 8 : i32
      %div3A_1153 = arith.divsi %add3A_1151, %jit3A_1152 : i32
      %sign3A_1154 = arith.constant 0 : i32
      %sign3A_1155 = arith.cmpi sgt, %add3A_1151, %sign3A_1154 : i32
      %sign3A_1156 = arith.extui %sign3A_1155 : i1 to i32
      %sign3A_1157 = arith.constant 0 : i32
      %sign3A_1158 = arith.cmpi slt, %add3A_1151, %sign3A_1157 : i32
      %sign3A_1159 = arith.extui %sign3A_1158 : i1 to i32
      %sign3A_1160 = arith.subi %sign3A_1156, %sign3A_1159 : i32
      %sign3A_1161 = arith.constant 0 : i32
      %sign3A_1162 = arith.cmpi sgt, %jit3A_1152, %sign3A_1161 : i32
      %sign3A_1163 = arith.extui %sign3A_1162 : i1 to i32
      %sign3A_1164 = arith.constant 0 : i32
      %sign3A_1165 = arith.cmpi slt, %jit3A_1152, %sign3A_1164 : i32
      %sign3A_1166 = arith.extui %sign3A_1165 : i1 to i32
      %sign3A_1167 = arith.subi %sign3A_1163, %sign3A_1166 : i32
      %ne3A_1168 = arith.cmpi ne, %sign3A_1160, %sign3A_1167 : i32
      %rem3A_1169 = arith.remsi %add3A_1151, %jit3A_1152 : i32
      %ne3A_1170 = arith.constant 0 : i32
      %ne3A_1171 = arith.cmpi ne, %rem3A_1169, %ne3A_1170 : i32
      %and3A_1172 = arith.andi %ne3A_1168, %ne3A_1171 : i1
      %sub3A_1173 = arith.constant 1 : i32
      %sub3A_1174 = arith.subi %div3A_1153, %sub3A_1173 : i32
      %select_n3A_1175 = arith.select %and3A_1172, %sub3A_1174, %div3A_1153 : i32
      %jit3A_1176 = arith.constant 8 : i32
      %eq3A_1177 = arith.constant 0 : i32
      %eq3A_1178 = arith.cmpi eq, %jit3A_1176, %eq3A_1177 : i32
      %jit3A_1179 = arith.constant 1 : i32
      %select_n3A_1180 = arith.select %eq3A_1178, %jit3A_1179, %jit3A_1176 : i32
      %rem3A_1181 = arith.remsi %add3A_1151, %select_n3A_1180 : i32
      %ne3A_1182 = arith.constant 0 : i32
      %ne3A_1183 = arith.cmpi ne, %rem3A_1181, %ne3A_1182 : i32
      %lt3A_1184 = arith.constant 0 : i32
      %lt3A_1185 = arith.cmpi slt, %rem3A_1181, %lt3A_1184 : i32
      %lt3A_1186 = arith.constant 0 : i32
      %lt3A_1187 = arith.cmpi slt, %select_n3A_1180, %lt3A_1186 : i32
      %ne3A_1188 = arith.xori %lt3A_1185, %lt3A_1187 : i1
      %and3A_1189 = arith.andi %ne3A_1188, %ne3A_1183 : i1
      %add3A_1190 = arith.addi %rem3A_1181, %select_n3A_1180 : i32
      %select_n3A_1191 = arith.select %and3A_1189, %add3A_1190, %rem3A_1181 : i32
      %dma_start3A_1192 = arith.constant 0 : i32
      %dma_start3A_1193 = arith.constant 0 : i32
      %dma_start3A_1194 = arith.constant 0 : i32
      %dma_start3A_1195 = tpu.memref_slice %arg14[%dma_start3A_1192, %dma_start3A_1193, %dma_start3A_1194] : memref<12x8x129xf32, #tpu.memory_space<vmem>> -> memref<12x8x128xf32, #tpu.memory_space<vmem>>
      %dma_start3A_1196 = arith.constant 0 : i32
      %dma_start3A_1197 = arith.constant 0 : i32
      %dma_start3A_1198 = arith.constant 0 : i32
      %dma_start3A_1199 = tpu.memref_slice %arg7[%select_n3A_1175, %dma_start3A_1196, %select_n3A_1191, %dma_start3A_1197, %dma_start3A_1198] : memref<200x12x8x8x128xf32, #tpu.memory_space<hbm>> -> memref<1x12x1x8x128xf32, #tpu.memory_space<hbm>>
      %dma_start3A_1200 = tpu.memref_squeeze %dma_start3A_1199 : memref<1x12x1x8x128xf32, #tpu.memory_space<hbm>> -> memref<12x8x128xf32, #tpu.memory_space<hbm>>
      %dma_start3A_1201 = arith.constant 0 : i32
      %dma_start3A_1202 = arith.constant 0 : i32
      %dma_start3A_1203 = arith.constant 0 : i32
      %dma_start3A_1204 = tpu.memref_slice %arg7[%select_n3A_1175, %dma_start3A_1201, %select_n3A_1191, %dma_start3A_1202, %dma_start3A_1203] : memref<200x12x8x8x128xf32, #tpu.memory_space<hbm>> -> memref<1x12x1x8x128xf32, #tpu.memory_space<hbm>>
      %dma_start3A_1205 = tpu.memref_squeeze %dma_start3A_1204 : memref<1x12x1x8x128xf32, #tpu.memory_space<hbm>> -> memref<12x8x128xf32, #tpu.memory_space<hbm>>
      %dma_start3A_1206 = arith.constant 0 : i32
      %dma_start3A_1207 = arith.constant 0 : i32
      %dma_start3A_1208 = arith.constant 0 : i32
      %dma_start3A_1209 = tpu.memref_slice %arg14[%dma_start3A_1206, %dma_start3A_1207, %dma_start3A_1208] : memref<12x8x129xf32, #tpu.memory_space<vmem>> -> memref<12x8x128xf32, #tpu.memory_space<vmem>>
      tpu.enqueue_dma source(%dma_start3A_1209 : memref<12x8x128xf32, #tpu.memory_space<vmem>>) target(%dma_start3A_1205 : memref<12x8x128xf32, #tpu.memory_space<hbm>>) target_semaphore(%arg21 : memref<!tpu.dma_semaphore, #tpu.memory_space<semaphore_mem>>)
      %mul3A_1210 = arith.constant 3 : i32
      %mul3A_1211 = arith.muli %mul3A_1210, %scan3A_974 : i32
      %add3A_1212 = arith.constant 1 : i32
      %add3A_1213 = arith.addi %mul3A_1211, %add3A_1212 : i32
      %add3A_1214 = arith.constant 2 : i32
      %add3A_1215 = arith.addi %add3A_1213, %add3A_1214 : i32
      %lt3A_1216 = arith.constant 50 : i32
      %lt3A_1217 = arith.cmpi slt, %add3A_1215, %lt3A_1216 : i32
      %convert_element_type3A_1218 = arith.extui %lt3A_1217 : i1 to i32
      %cond3A_1219 = arith.constant 0 : i32
      %cond3A_1220 = arith.cmpi ne, %convert_element_type3A_1218, %cond3A_1219 : i32
      scf.if %cond3A_1220 {
        %dma_start3A_1686 = arith.constant 0 : i32
        %dma_start3A_1687 = arith.constant 0 : i32
        %dma_start3A_1688 = arith.constant 0 : i32
        %dma_start3A_1689 = arith.constant 0 : i32
        %dma_start3A_1690 = tpu.memref_slice %arg11[%dma_start3A_1687, %dma_start3A_1688, %dma_start3A_1689] : memref<3x128x32xf32, #tpu.memory_space<vmem>> -> memref<1x128x32xf32, #tpu.memory_space<vmem>>
        %dma_start3A_1691 = tpu.memref_squeeze %dma_start3A_1690 : memref<1x128x32xf32, #tpu.memory_space<vmem>> -> memref<128x32xf32, #tpu.memory_space<vmem>>
        %dma_start3A_1692 = arith.constant 0 : i32
        %dma_start3A_1693 = tpu.memref_slice %arg8[%dma_start3A_1686, %dma_start3A_1692] : memref<3x128xi32, #tpu.memory_space<vmem>> -> memref<1x128xi32, #tpu.memory_space<vmem>>
        %dma_start3A_1694 = tpu.memref_squeeze %dma_start3A_1693 : memref<1x128xi32, #tpu.memory_space<vmem>> -> memref<128xi32, #tpu.memory_space<vmem>>
        %dma_start3A_1695 = arith.constant 0 : i32
        %dma_start3A_1696 = arith.constant 0 : i32
        %dma_start3A_1697 = tpu.memref_slice %arg3[%dma_start3A_1695, %dma_start3A_1696] : memref<100000x32xf32, #tpu.memory_space<hbm>> -> memref<100000x32xf32, #tpu.memory_space<hbm>>
        tpu.enqueue_indirect_dma source(%dma_start3A_1697 : memref<100000x32xf32, #tpu.memory_space<hbm>>) target(%dma_start3A_1691 : memref<128x32xf32, #tpu.memory_space<vmem>>) offsets(%dma_start3A_1694 : memref<128xi32, #tpu.memory_space<vmem>>) semaphore(%arg18 : memref<!tpu.dma_semaphore, #tpu.memory_space<semaphore_mem>>)
        %dma_start3A_1698 = arith.constant 1 : i32
        %dma_start3A_1699 = arith.constant 1 : i32
        %dma_start3A_1700 = arith.constant 0 : i32
        %dma_start3A_1701 = arith.constant 0 : i32
        %dma_start3A_1702 = tpu.memref_slice %arg11[%dma_start3A_1699, %dma_start3A_1700, %dma_start3A_1701] : memref<3x128x32xf32, #tpu.memory_space<vmem>> -> memref<1x128x32xf32, #tpu.memory_space<vmem>>
        %dma_start3A_1703 = tpu.memref_squeeze %dma_start3A_1702 : memref<1x128x32xf32, #tpu.memory_space<vmem>> -> memref<128x32xf32, #tpu.memory_space<vmem>>
        %dma_start3A_1704 = arith.constant 0 : i32
        %dma_start3A_1705 = tpu.memref_slice %arg8[%dma_start3A_1698, %dma_start3A_1704] : memref<3x128xi32, #tpu.memory_space<vmem>> -> memref<1x128xi32, #tpu.memory_space<vmem>>
        %dma_start3A_1706 = tpu.memref_squeeze %dma_start3A_1705 : memref<1x128xi32, #tpu.memory_space<vmem>> -> memref<128xi32, #tpu.memory_space<vmem>>
        %dma_start3A_1707 = arith.constant 0 : i32
        %dma_start3A_1708 = arith.constant 0 : i32
        %dma_start3A_1709 = tpu.memref_slice %arg4[%dma_start3A_1707, %dma_start3A_1708] : memref<100000x32xf32, #tpu.memory_space<hbm>> -> memref<100000x32xf32, #tpu.memory_space<hbm>>
        tpu.enqueue_indirect_dma source(%dma_start3A_1709 : memref<100000x32xf32, #tpu.memory_space<hbm>>) target(%dma_start3A_1703 : memref<128x32xf32, #tpu.memory_space<vmem>>) offsets(%dma_start3A_1706 : memref<128xi32, #tpu.memory_space<vmem>>) semaphore(%arg18 : memref<!tpu.dma_semaphore, #tpu.memory_space<semaphore_mem>>)
        %dma_start3A_1710 = arith.constant 2 : i32
        %dma_start3A_1711 = arith.constant 2 : i32
        %dma_start3A_1712 = arith.constant 0 : i32
        %dma_start3A_1713 = arith.constant 0 : i32
        %dma_start3A_1714 = tpu.memref_slice %arg11[%dma_start3A_1711, %dma_start3A_1712, %dma_start3A_1713] : memref<3x128x32xf32, #tpu.memory_space<vmem>> -> memref<1x128x32xf32, #tpu.memory_space<vmem>>
        %dma_start3A_1715 = tpu.memref_squeeze %dma_start3A_1714 : memref<1x128x32xf32, #tpu.memory_space<vmem>> -> memref<128x32xf32, #tpu.memory_space<vmem>>
        %dma_start3A_1716 = arith.constant 0 : i32
        %dma_start3A_1717 = tpu.memref_slice %arg8[%dma_start3A_1710, %dma_start3A_1716] : memref<3x128xi32, #tpu.memory_space<vmem>> -> memref<1x128xi32, #tpu.memory_space<vmem>>
        %dma_start3A_1718 = tpu.memref_squeeze %dma_start3A_1717 : memref<1x128xi32, #tpu.memory_space<vmem>> -> memref<128xi32, #tpu.memory_space<vmem>>
        %dma_start3A_1719 = arith.constant 0 : i32
        %dma_start3A_1720 = arith.constant 0 : i32
        %dma_start3A_1721 = tpu.memref_slice %arg5[%dma_start3A_1719, %dma_start3A_1720] : memref<100000x32xf32, #tpu.memory_space<hbm>> -> memref<100000x32xf32, #tpu.memory_space<hbm>>
        tpu.enqueue_indirect_dma source(%dma_start3A_1721 : memref<100000x32xf32, #tpu.memory_space<hbm>>) target(%dma_start3A_1715 : memref<128x32xf32, #tpu.memory_space<vmem>>) offsets(%dma_start3A_1718 : memref<128xi32, #tpu.memory_space<vmem>>) semaphore(%arg18 : memref<!tpu.dma_semaphore, #tpu.memory_space<semaphore_mem>>)
      } else {
      }
      %dma_wait3A_1221 = arith.constant 0 : i32
      %dma_wait3A_1222 = arith.constant 0 : i32
      %dma_wait3A_1223 = arith.constant 0 : i32
      %dma_wait3A_1224 = arith.constant 0 : i32
      %dma_wait3A_1225 = tpu.memref_slice %arg12[%dma_wait3A_1222, %dma_wait3A_1223, %dma_wait3A_1224] : memref<3x128x32xf32, #tpu.memory_space<vmem>> -> memref<1x128x32xf32, #tpu.memory_space<vmem>>
      %dma_wait3A_1226 = tpu.memref_squeeze %dma_wait3A_1225 : memref<1x128x32xf32, #tpu.memory_space<vmem>> -> memref<128x32xf32, #tpu.memory_space<vmem>>
      %dma_wait3A_1227 = arith.constant 0 : i32
      %dma_wait3A_1228 = tpu.memref_slice %arg9[%dma_wait3A_1221, %dma_wait3A_1227] : memref<3x128xi32, #tpu.memory_space<vmem>> -> memref<1x128xi32, #tpu.memory_space<vmem>>
      %dma_wait3A_1229 = tpu.memref_squeeze %dma_wait3A_1228 : memref<1x128xi32, #tpu.memory_space<vmem>> -> memref<128xi32, #tpu.memory_space<vmem>>
      %dma_wait3A_1230 = arith.constant 0 : i32
      %dma_wait3A_1231 = arith.constant 0 : i32
      %dma_wait3A_1232 = tpu.memref_slice %arg3[%dma_wait3A_1230, %dma_wait3A_1231] : memref<100000x32xf32, #tpu.memory_space<hbm>> -> memref<100000x32xf32, #tpu.memory_space<hbm>>
      tpu.wait_indirect_dma semaphore(%arg19 : memref<!tpu.dma_semaphore, #tpu.memory_space<semaphore_mem>>) src(%dma_wait3A_1232 : memref<100000x32xf32, #tpu.memory_space<hbm>>) dst(%dma_wait3A_1226 : memref<128x32xf32, #tpu.memory_space<vmem>>)
      %dma_wait3A_1233 = arith.constant 1 : i32
      %dma_wait3A_1234 = arith.constant 1 : i32
      %dma_wait3A_1235 = arith.constant 0 : i32
      %dma_wait3A_1236 = arith.constant 0 : i32
      %dma_wait3A_1237 = tpu.memref_slice %arg12[%dma_wait3A_1234, %dma_wait3A_1235, %dma_wait3A_1236] : memref<3x128x32xf32, #tpu.memory_space<vmem>> -> memref<1x128x32xf32, #tpu.memory_space<vmem>>
      %dma_wait3A_1238 = tpu.memref_squeeze %dma_wait3A_1237 : memref<1x128x32xf32, #tpu.memory_space<vmem>> -> memref<128x32xf32, #tpu.memory_space<vmem>>
      %dma_wait3A_1239 = arith.constant 0 : i32
      %dma_wait3A_1240 = tpu.memref_slice %arg9[%dma_wait3A_1233, %dma_wait3A_1239] : memref<3x128xi32, #tpu.memory_space<vmem>> -> memref<1x128xi32, #tpu.memory_space<vmem>>
      %dma_wait3A_1241 = tpu.memref_squeeze %dma_wait3A_1240 : memref<1x128xi32, #tpu.memory_space<vmem>> -> memref<128xi32, #tpu.memory_space<vmem>>
      %dma_wait3A_1242 = arith.constant 0 : i32
      %dma_wait3A_1243 = arith.constant 0 : i32
      %dma_wait3A_1244 = tpu.memref_slice %arg4[%dma_wait3A_1242, %dma_wait3A_1243] : memref<100000x32xf32, #tpu.memory_space<hbm>> -> memref<100000x32xf32, #tpu.memory_space<hbm>>
      tpu.wait_indirect_dma semaphore(%arg19 : memref<!tpu.dma_semaphore, #tpu.memory_space<semaphore_mem>>) src(%dma_wait3A_1244 : memref<100000x32xf32, #tpu.memory_space<hbm>>) dst(%dma_wait3A_1238 : memref<128x32xf32, #tpu.memory_space<vmem>>)
      %dma_wait3A_1245 = arith.constant 2 : i32
      %dma_wait3A_1246 = arith.constant 2 : i32
      %dma_wait3A_1247 = arith.constant 0 : i32
      %dma_wait3A_1248 = arith.constant 0 : i32
      %dma_wait3A_1249 = tpu.memref_slice %arg12[%dma_wait3A_1246, %dma_wait3A_1247, %dma_wait3A_1248] : memref<3x128x32xf32, #tpu.memory_space<vmem>> -> memref<1x128x32xf32, #tpu.memory_space<vmem>>
      %dma_wait3A_1250 = tpu.memref_squeeze %dma_wait3A_1249 : memref<1x128x32xf32, #tpu.memory_space<vmem>> -> memref<128x32xf32, #tpu.memory_space<vmem>>
      %dma_wait3A_1251 = arith.constant 0 : i32
      %dma_wait3A_1252 = tpu.memref_slice %arg9[%dma_wait3A_1245, %dma_wait3A_1251] : memref<3x128xi32, #tpu.memory_space<vmem>> -> memref<1x128xi32, #tpu.memory_space<vmem>>
      %dma_wait3A_1253 = tpu.memref_squeeze %dma_wait3A_1252 : memref<1x128xi32, #tpu.memory_space<vmem>> -> memref<128xi32, #tpu.memory_space<vmem>>
      %dma_wait3A_1254 = arith.constant 0 : i32
      %dma_wait3A_1255 = arith.constant 0 : i32
      %dma_wait3A_1256 = tpu.memref_slice %arg5[%dma_wait3A_1254, %dma_wait3A_1255] : memref<100000x32xf32, #tpu.memory_space<hbm>> -> memref<100000x32xf32, #tpu.memory_space<hbm>>
      tpu.wait_indirect_dma semaphore(%arg19 : memref<!tpu.dma_semaphore, #tpu.memory_space<semaphore_mem>>) src(%dma_wait3A_1256 : memref<100000x32xf32, #tpu.memory_space<hbm>>) dst(%dma_wait3A_1250 : memref<128x32xf32, #tpu.memory_space<vmem>>)
      %add3A_1257 = arith.constant 3 : i32
      %add3A_1258 = arith.addi %add3A_1213, %add3A_1257 : i32
      %lt3A_1259 = arith.constant 50 : i32
      %lt3A_1260 = arith.cmpi slt, %add3A_1258, %lt3A_1259 : i32
      %convert_element_type3A_1261 = arith.extui %lt3A_1260 : i1 to i32
      %cond3A_1262 = arith.constant 0 : i32
      %cond3A_1263 = arith.cmpi ne, %convert_element_type3A_1261, %cond3A_1262 : i32
      scf.if %cond3A_1263 {
        %add3A_1686 = arith.constant 3 : i32
        %add3A_1687 = arith.addi %add3A_1213, %add3A_1686 : i32
        %mul3A_1688 = arith.constant 50 : i32
        %mul3A_1689 = arith.muli %add3A, %mul3A_1688 : i32
        %add3A_1690 = arith.addi %mul3A_1689, %add3A_1687 : i32
        %jit3A_1691 = arith.constant 8 : i32
        %div3A_1692 = arith.divsi %add3A_1690, %jit3A_1691 : i32
        %sign3A_1693 = arith.constant 0 : i32
        %sign3A_1694 = arith.cmpi sgt, %add3A_1690, %sign3A_1693 : i32
        %sign3A_1695 = arith.extui %sign3A_1694 : i1 to i32
        %sign3A_1696 = arith.constant 0 : i32
        %sign3A_1697 = arith.cmpi slt, %add3A_1690, %sign3A_1696 : i32
        %sign3A_1698 = arith.extui %sign3A_1697 : i1 to i32
        %sign3A_1699 = arith.subi %sign3A_1695, %sign3A_1698 : i32
        %sign3A_1700 = arith.constant 0 : i32
        %sign3A_1701 = arith.cmpi sgt, %jit3A_1691, %sign3A_1700 : i32
        %sign3A_1702 = arith.extui %sign3A_1701 : i1 to i32
        %sign3A_1703 = arith.constant 0 : i32
        %sign3A_1704 = arith.cmpi slt, %jit3A_1691, %sign3A_1703 : i32
        %sign3A_1705 = arith.extui %sign3A_1704 : i1 to i32
        %sign3A_1706 = arith.subi %sign3A_1702, %sign3A_1705 : i32
        %ne3A_1707 = arith.cmpi ne, %sign3A_1699, %sign3A_1706 : i32
        %rem3A_1708 = arith.remsi %add3A_1690, %jit3A_1691 : i32
        %ne3A_1709 = arith.constant 0 : i32
        %ne3A_1710 = arith.cmpi ne, %rem3A_1708, %ne3A_1709 : i32
        %and3A_1711 = arith.andi %ne3A_1707, %ne3A_1710 : i1
        %sub3A_1712 = arith.constant 1 : i32
        %sub3A_1713 = arith.subi %div3A_1692, %sub3A_1712 : i32
        %select_n3A_1714 = arith.select %and3A_1711, %sub3A_1713, %div3A_1692 : i32
        %jit3A_1715 = arith.constant 8 : i32
        %eq3A_1716 = arith.constant 0 : i32
        %eq3A_1717 = arith.cmpi eq, %jit3A_1715, %eq3A_1716 : i32
        %jit3A_1718 = arith.constant 1 : i32
        %select_n3A_1719 = arith.select %eq3A_1717, %jit3A_1718, %jit3A_1715 : i32
        %rem3A_1720 = arith.remsi %add3A_1690, %select_n3A_1719 : i32
        %ne3A_1721 = arith.constant 0 : i32
        %ne3A_1722 = arith.cmpi ne, %rem3A_1720, %ne3A_1721 : i32
        %lt3A_1723 = arith.constant 0 : i32
        %lt3A_1724 = arith.cmpi slt, %rem3A_1720, %lt3A_1723 : i32
        %lt3A_1725 = arith.constant 0 : i32
        %lt3A_1726 = arith.cmpi slt, %select_n3A_1719, %lt3A_1725 : i32
        %ne3A_1727 = arith.xori %lt3A_1724, %lt3A_1726 : i1
        %and3A_1728 = arith.andi %ne3A_1727, %ne3A_1722 : i1
        %add3A_1729 = arith.addi %rem3A_1720, %select_n3A_1719 : i32
        %select_n3A_1730 = arith.select %and3A_1728, %add3A_1729, %rem3A_1720 : i32
        %mul3A_1731 = arith.constant 128 : i32
        %mul3A_1732 = arith.muli %select_n3A_1730, %mul3A_1731 : i32
        %run_scoped3A_1733 = arith.constant 0 : i32
        %run_scoped3A_1734 = arith.constant 0 : i32
        "tpu.region"() ({
          %run_scoped3A_1743 = tpu.sem_alloc : memref<!tpu.dma_semaphore, #tpu.memory_space<semaphore_mem>>
          %dma_start3A_1744 = arith.constant 0 : i32
          %dma_start3A_1745 = tpu.memref_slice %arg9[%run_scoped3A_1734, %dma_start3A_1744] : memref<3x128xi32, #tpu.memory_space<vmem>> -> memref<1x128xi32, #tpu.memory_space<vmem>>
          %dma_start3A_1746 = tpu.memref_squeeze %dma_start3A_1745 : memref<1x128xi32, #tpu.memory_space<vmem>> -> memref<128xi32, #tpu.memory_space<vmem>>
          %dma_start3A_1747 = tpu.memref_slice %arg2[%run_scoped3A_1733, %select_n3A_1714, %mul3A_1732] : memref<3x200x1024xi32, #tpu.memory_space<hbm>> -> memref<1x1x128xi32, #tpu.memory_space<hbm>>
          %dma_start3A_1748 = tpu.memref_squeeze %dma_start3A_1747 : memref<1x1x128xi32, #tpu.memory_space<hbm>> -> memref<128xi32, #tpu.memory_space<hbm>>
          %dma_start3A_1749 = arith.constant 0 : i32
          %dma_start3A_1750 = tpu.memref_slice %arg9[%run_scoped3A_1734, %dma_start3A_1749] : memref<3x128xi32, #tpu.memory_space<vmem>> -> memref<1x128xi32, #tpu.memory_space<vmem>>
          %dma_start3A_1751 = tpu.memref_squeeze %dma_start3A_1750 : memref<1x128xi32, #tpu.memory_space<vmem>> -> memref<128xi32, #tpu.memory_space<vmem>>
          %dma_start3A_1752 = tpu.memref_slice %arg2[%run_scoped3A_1733, %select_n3A_1714, %mul3A_1732] : memref<3x200x1024xi32, #tpu.memory_space<hbm>> -> memref<1x1x128xi32, #tpu.memory_space<hbm>>
          %dma_start3A_1753 = tpu.memref_squeeze %dma_start3A_1752 : memref<1x1x128xi32, #tpu.memory_space<hbm>> -> memref<128xi32, #tpu.memory_space<hbm>>
          tpu.enqueue_dma source(%dma_start3A_1753 : memref<128xi32, #tpu.memory_space<hbm>>) target(%dma_start3A_1751 : memref<128xi32, #tpu.memory_space<vmem>>) target_semaphore(%run_scoped3A_1743 : memref<!tpu.dma_semaphore, #tpu.memory_space<semaphore_mem>>)
          %dma_wait3A_1754 = arith.constant 0 : i32
          %dma_wait3A_1755 = tpu.memref_slice %arg9[%run_scoped3A_1734, %dma_wait3A_1754] : memref<3x128xi32, #tpu.memory_space<vmem>> -> memref<1x128xi32, #tpu.memory_space<vmem>>
          %dma_wait3A_1756 = tpu.memref_squeeze %dma_wait3A_1755 : memref<1x128xi32, #tpu.memory_space<vmem>> -> memref<128xi32, #tpu.memory_space<vmem>>
          %dma_wait3A_1757 = tpu.memref_slice %arg2[%run_scoped3A_1733, %select_n3A_1714, %mul3A_1732] : memref<3x200x1024xi32, #tpu.memory_space<hbm>> -> memref<1x1x128xi32, #tpu.memory_space<hbm>>
          %dma_wait3A_1758 = tpu.memref_squeeze %dma_wait3A_1757 : memref<1x1x128xi32, #tpu.memory_space<hbm>> -> memref<128xi32, #tpu.memory_space<hbm>>
          %dma_wait3A_1759 = arith.constant 0 : i32
          %dma_wait3A_1760 = tpu.memref_slice %arg9[%run_scoped3A_1734, %dma_wait3A_1759] : memref<3x128xi32, #tpu.memory_space<vmem>> -> memref<1x128xi32, #tpu.memory_space<vmem>>
          %dma_wait3A_1761 = tpu.memref_squeeze %dma_wait3A_1760 : memref<1x128xi32, #tpu.memory_space<vmem>> -> memref<128xi32, #tpu.memory_space<vmem>>
          %dma_wait3A_1762 = tpu.memref_slice %arg2[%run_scoped3A_1733, %select_n3A_1714, %mul3A_1732] : memref<3x200x1024xi32, #tpu.memory_space<hbm>> -> memref<1x1x128xi32, #tpu.memory_space<hbm>>
          %dma_wait3A_1763 = tpu.memref_squeeze %dma_wait3A_1762 : memref<1x1x128xi32, #tpu.memory_space<hbm>> -> memref<128xi32, #tpu.memory_space<hbm>>
          tpu.wait_dma2 semaphore(%run_scoped3A_1743 : memref<!tpu.dma_semaphore, #tpu.memory_space<semaphore_mem>>) src(%dma_wait3A_1763 : memref<128xi32, #tpu.memory_space<hbm>>) dst(%dma_wait3A_1761 : memref<128xi32, #tpu.memory_space<vmem>>)
          tpu.yield
        }) : () -> ()
        %mul3A_1735 = arith.constant 128 : i32
        %mul3A_1736 = arith.muli %select_n3A_1730, %mul3A_1735 : i32
        %run_scoped3A_1737 = arith.constant 1 : i32
        %run_scoped3A_1738 = arith.constant 1 : i32
        "tpu.region"() ({
          %run_scoped3A_1743 = tpu.sem_alloc : memref<!tpu.dma_semaphore, #tpu.memory_space<semaphore_mem>>
          %dma_start3A_1744 = arith.constant 0 : i32
          %dma_start3A_1745 = tpu.memref_slice %arg9[%run_scoped3A_1738, %dma_start3A_1744] : memref<3x128xi32, #tpu.memory_space<vmem>> -> memref<1x128xi32, #tpu.memory_space<vmem>>
          %dma_start3A_1746 = tpu.memref_squeeze %dma_start3A_1745 : memref<1x128xi32, #tpu.memory_space<vmem>> -> memref<128xi32, #tpu.memory_space<vmem>>
          %dma_start3A_1747 = tpu.memref_slice %arg2[%run_scoped3A_1737, %select_n3A_1714, %mul3A_1736] : memref<3x200x1024xi32, #tpu.memory_space<hbm>> -> memref<1x1x128xi32, #tpu.memory_space<hbm>>
          %dma_start3A_1748 = tpu.memref_squeeze %dma_start3A_1747 : memref<1x1x128xi32, #tpu.memory_space<hbm>> -> memref<128xi32, #tpu.memory_space<hbm>>
          %dma_start3A_1749 = arith.constant 0 : i32
          %dma_start3A_1750 = tpu.memref_slice %arg9[%run_scoped3A_1738, %dma_start3A_1749] : memref<3x128xi32, #tpu.memory_space<vmem>> -> memref<1x128xi32, #tpu.memory_space<vmem>>
          %dma_start3A_1751 = tpu.memref_squeeze %dma_start3A_1750 : memref<1x128xi32, #tpu.memory_space<vmem>> -> memref<128xi32, #tpu.memory_space<vmem>>
          %dma_start3A_1752 = tpu.memref_slice %arg2[%run_scoped3A_1737, %select_n3A_1714, %mul3A_1736] : memref<3x200x1024xi32, #tpu.memory_space<hbm>> -> memref<1x1x128xi32, #tpu.memory_space<hbm>>
          %dma_start3A_1753 = tpu.memref_squeeze %dma_start3A_1752 : memref<1x1x128xi32, #tpu.memory_space<hbm>> -> memref<128xi32, #tpu.memory_space<hbm>>
          tpu.enqueue_dma source(%dma_start3A_1753 : memref<128xi32, #tpu.memory_space<hbm>>) target(%dma_start3A_1751 : memref<128xi32, #tpu.memory_space<vmem>>) target_semaphore(%run_scoped3A_1743 : memref<!tpu.dma_semaphore, #tpu.memory_space<semaphore_mem>>)
          %dma_wait3A_1754 = arith.constant 0 : i32
          %dma_wait3A_1755 = tpu.memref_slice %arg9[%run_scoped3A_1738, %dma_wait3A_1754] : memref<3x128xi32, #tpu.memory_space<vmem>> -> memref<1x128xi32, #tpu.memory_space<vmem>>
          %dma_wait3A_1756 = tpu.memref_squeeze %dma_wait3A_1755 : memref<1x128xi32, #tpu.memory_space<vmem>> -> memref<128xi32, #tpu.memory_space<vmem>>
          %dma_wait3A_1757 = tpu.memref_slice %arg2[%run_scoped3A_1737, %select_n3A_1714, %mul3A_1736] : memref<3x200x1024xi32, #tpu.memory_space<hbm>> -> memref<1x1x128xi32, #tpu.memory_space<hbm>>
          %dma_wait3A_1758 = tpu.memref_squeeze %dma_wait3A_1757 : memref<1x1x128xi32, #tpu.memory_space<hbm>> -> memref<128xi32, #tpu.memory_space<hbm>>
          %dma_wait3A_1759 = arith.constant 0 : i32
          %dma_wait3A_1760 = tpu.memref_slice %arg9[%run_scoped3A_1738, %dma_wait3A_1759] : memref<3x128xi32, #tpu.memory_space<vmem>> -> memref<1x128xi32, #tpu.memory_space<vmem>>
          %dma_wait3A_1761 = tpu.memref_squeeze %dma_wait3A_1760 : memref<1x128xi32, #tpu.memory_space<vmem>> -> memref<128xi32, #tpu.memory_space<vmem>>
          %dma_wait3A_1762 = tpu.memref_slice %arg2[%run_scoped3A_1737, %select_n3A_1714, %mul3A_1736] : memref<3x200x1024xi32, #tpu.memory_space<hbm>> -> memref<1x1x128xi32, #tpu.memory_space<hbm>>
          %dma_wait3A_1763 = tpu.memref_squeeze %dma_wait3A_1762 : memref<1x1x128xi32, #tpu.memory_space<hbm>> -> memref<128xi32, #tpu.memory_space<hbm>>
          tpu.wait_dma2 semaphore(%run_scoped3A_1743 : memref<!tpu.dma_semaphore, #tpu.memory_space<semaphore_mem>>) src(%dma_wait3A_1763 : memref<128xi32, #tpu.memory_space<hbm>>) dst(%dma_wait3A_1761 : memref<128xi32, #tpu.memory_space<vmem>>)
          tpu.yield
        }) : () -> ()
        %mul3A_1739 = arith.constant 128 : i32
        %mul3A_1740 = arith.muli %select_n3A_1730, %mul3A_1739 : i32
        %run_scoped3A_1741 = arith.constant 2 : i32
        %run_scoped3A_1742 = arith.constant 2 : i32
        "tpu.region"() ({
          %run_scoped3A_1743 = tpu.sem_alloc : memref<!tpu.dma_semaphore, #tpu.memory_space<semaphore_mem>>
          %dma_start3A_1744 = arith.constant 0 : i32
          %dma_start3A_1745 = tpu.memref_slice %arg9[%run_scoped3A_1742, %dma_start3A_1744] : memref<3x128xi32, #tpu.memory_space<vmem>> -> memref<1x128xi32, #tpu.memory_space<vmem>>
          %dma_start3A_1746 = tpu.memref_squeeze %dma_start3A_1745 : memref<1x128xi32, #tpu.memory_space<vmem>> -> memref<128xi32, #tpu.memory_space<vmem>>
          %dma_start3A_1747 = tpu.memref_slice %arg2[%run_scoped3A_1741, %select_n3A_1714, %mul3A_1740] : memref<3x200x1024xi32, #tpu.memory_space<hbm>> -> memref<1x1x128xi32, #tpu.memory_space<hbm>>
          %dma_start3A_1748 = tpu.memref_squeeze %dma_start3A_1747 : memref<1x1x128xi32, #tpu.memory_space<hbm>> -> memref<128xi32, #tpu.memory_space<hbm>>
          %dma_start3A_1749 = arith.constant 0 : i32
          %dma_start3A_1750 = tpu.memref_slice %arg9[%run_scoped3A_1742, %dma_start3A_1749] : memref<3x128xi32, #tpu.memory_space<vmem>> -> memref<1x128xi32, #tpu.memory_space<vmem>>
          %dma_start3A_1751 = tpu.memref_squeeze %dma_start3A_1750 : memref<1x128xi32, #tpu.memory_space<vmem>> -> memref<128xi32, #tpu.memory_space<vmem>>
          %dma_start3A_1752 = tpu.memref_slice %arg2[%run_scoped3A_1741, %select_n3A_1714, %mul3A_1740] : memref<3x200x1024xi32, #tpu.memory_space<hbm>> -> memref<1x1x128xi32, #tpu.memory_space<hbm>>
          %dma_start3A_1753 = tpu.memref_squeeze %dma_start3A_1752 : memref<1x1x128xi32, #tpu.memory_space<hbm>> -> memref<128xi32, #tpu.memory_space<hbm>>
          tpu.enqueue_dma source(%dma_start3A_1753 : memref<128xi32, #tpu.memory_space<hbm>>) target(%dma_start3A_1751 : memref<128xi32, #tpu.memory_space<vmem>>) target_semaphore(%run_scoped3A_1743 : memref<!tpu.dma_semaphore, #tpu.memory_space<semaphore_mem>>)
          %dma_wait3A_1754 = arith.constant 0 : i32
          %dma_wait3A_1755 = tpu.memref_slice %arg9[%run_scoped3A_1742, %dma_wait3A_1754] : memref<3x128xi32, #tpu.memory_space<vmem>> -> memref<1x128xi32, #tpu.memory_space<vmem>>
          %dma_wait3A_1756 = tpu.memref_squeeze %dma_wait3A_1755 : memref<1x128xi32, #tpu.memory_space<vmem>> -> memref<128xi32, #tpu.memory_space<vmem>>
          %dma_wait3A_1757 = tpu.memref_slice %arg2[%run_scoped3A_1741, %select_n3A_1714, %mul3A_1740] : memref<3x200x1024xi32, #tpu.memory_space<hbm>> -> memref<1x1x128xi32, #tpu.memory_space<hbm>>
          %dma_wait3A_1758 = tpu.memref_squeeze %dma_wait3A_1757 : memref<1x1x128xi32, #tpu.memory_space<hbm>> -> memref<128xi32, #tpu.memory_space<hbm>>
          %dma_wait3A_1759 = arith.constant 0 : i32
          %dma_wait3A_1760 = tpu.memref_slice %arg9[%run_scoped3A_1742, %dma_wait3A_1759] : memref<3x128xi32, #tpu.memory_space<vmem>> -> memref<1x128xi32, #tpu.memory_space<vmem>>
          %dma_wait3A_1761 = tpu.memref_squeeze %dma_wait3A_1760 : memref<1x128xi32, #tpu.memory_space<vmem>> -> memref<128xi32, #tpu.memory_space<vmem>>
          %dma_wait3A_1762 = tpu.memref_slice %arg2[%run_scoped3A_1741, %select_n3A_1714, %mul3A_1740] : memref<3x200x1024xi32, #tpu.memory_space<hbm>> -> memref<1x1x128xi32, #tpu.memory_space<hbm>>
          %dma_wait3A_1763 = tpu.memref_squeeze %dma_wait3A_1762 : memref<1x1x128xi32, #tpu.memory_space<hbm>> -> memref<128xi32, #tpu.memory_space<hbm>>
          tpu.wait_dma2 semaphore(%run_scoped3A_1743 : memref<!tpu.dma_semaphore, #tpu.memory_space<semaphore_mem>>) src(%dma_wait3A_1763 : memref<128xi32, #tpu.memory_space<hbm>>) dst(%dma_wait3A_1761 : memref<128xi32, #tpu.memory_space<vmem>>)
          tpu.yield
        }) : () -> ()
      } else {
      }
      %ge3A_1264 = arith.constant 3 : i32
      %ge3A_1265 = arith.cmpi sge, %add3A_1213, %ge3A_1264 : i32
      %convert_element_type3A_1266 = arith.extui %ge3A_1265 : i1 to i32
      %cond3A_1267 = arith.constant 0 : i32
      %cond3A_1268 = arith.cmpi ne, %convert_element_type3A_1266, %cond3A_1267 : i32
      scf.if %cond3A_1268 {
        %sub3A_1686 = arith.constant 3 : i32
        %sub3A_1687 = arith.subi %add3A_1213, %sub3A_1686 : i32
        %mul3A_1688 = arith.constant 50 : i32
        %mul3A_1689 = arith.muli %add3A, %mul3A_1688 : i32
        %add3A_1690 = arith.addi %mul3A_1689, %sub3A_1687 : i32
        %jit3A_1691 = arith.constant 8 : i32
        %div3A_1692 = arith.divsi %add3A_1690, %jit3A_1691 : i32
        %sign3A_1693 = arith.constant 0 : i32
        %sign3A_1694 = arith.cmpi sgt, %add3A_1690, %sign3A_1693 : i32
        %sign3A_1695 = arith.extui %sign3A_1694 : i1 to i32
        %sign3A_1696 = arith.constant 0 : i32
        %sign3A_1697 = arith.cmpi slt, %add3A_1690, %sign3A_1696 : i32
        %sign3A_1698 = arith.extui %sign3A_1697 : i1 to i32
        %sign3A_1699 = arith.subi %sign3A_1695, %sign3A_1698 : i32
        %sign3A_1700 = arith.constant 0 : i32
        %sign3A_1701 = arith.cmpi sgt, %jit3A_1691, %sign3A_1700 : i32
        %sign3A_1702 = arith.extui %sign3A_1701 : i1 to i32
        %sign3A_1703 = arith.constant 0 : i32
        %sign3A_1704 = arith.cmpi slt, %jit3A_1691, %sign3A_1703 : i32
        %sign3A_1705 = arith.extui %sign3A_1704 : i1 to i32
        %sign3A_1706 = arith.subi %sign3A_1702, %sign3A_1705 : i32
        %ne3A_1707 = arith.cmpi ne, %sign3A_1699, %sign3A_1706 : i32
        %rem3A_1708 = arith.remsi %add3A_1690, %jit3A_1691 : i32
        %ne3A_1709 = arith.constant 0 : i32
        %ne3A_1710 = arith.cmpi ne, %rem3A_1708, %ne3A_1709 : i32
        %and3A_1711 = arith.andi %ne3A_1707, %ne3A_1710 : i1
        %sub3A_1712 = arith.constant 1 : i32
        %sub3A_1713 = arith.subi %div3A_1692, %sub3A_1712 : i32
        %select_n3A_1714 = arith.select %and3A_1711, %sub3A_1713, %div3A_1692 : i32
        %jit3A_1715 = arith.constant 8 : i32
        %eq3A_1716 = arith.constant 0 : i32
        %eq3A_1717 = arith.cmpi eq, %jit3A_1715, %eq3A_1716 : i32
        %jit3A_1718 = arith.constant 1 : i32
        %select_n3A_1719 = arith.select %eq3A_1717, %jit3A_1718, %jit3A_1715 : i32
        %rem3A_1720 = arith.remsi %add3A_1690, %select_n3A_1719 : i32
        %ne3A_1721 = arith.constant 0 : i32
        %ne3A_1722 = arith.cmpi ne, %rem3A_1720, %ne3A_1721 : i32
        %lt3A_1723 = arith.constant 0 : i32
        %lt3A_1724 = arith.cmpi slt, %rem3A_1720, %lt3A_1723 : i32
        %lt3A_1725 = arith.constant 0 : i32
        %lt3A_1726 = arith.cmpi slt, %select_n3A_1719, %lt3A_1725 : i32
        %ne3A_1727 = arith.xori %lt3A_1724, %lt3A_1726 : i1
        %and3A_1728 = arith.andi %ne3A_1727, %ne3A_1722 : i1
        %add3A_1729 = arith.addi %rem3A_1720, %select_n3A_1719 : i32
        %select_n3A_1730 = arith.select %and3A_1728, %add3A_1729, %rem3A_1720 : i32
        %dma_wait3A_1731 = arith.constant 0 : i32
        %dma_wait3A_1732 = arith.constant 0 : i32
        %dma_wait3A_1733 = arith.constant 0 : i32
        %dma_wait3A_1734 = tpu.memref_slice %arg15[%dma_wait3A_1731, %dma_wait3A_1732, %dma_wait3A_1733] : memref<12x8x129xf32, #tpu.memory_space<vmem>> -> memref<12x8x128xf32, #tpu.memory_space<vmem>>
        %dma_wait3A_1735 = arith.constant 0 : i32
        %dma_wait3A_1736 = arith.constant 0 : i32
        %dma_wait3A_1737 = arith.constant 0 : i32
        %dma_wait3A_1738 = tpu.memref_slice %arg7[%select_n3A_1714, %dma_wait3A_1735, %select_n3A_1730, %dma_wait3A_1736, %dma_wait3A_1737] : memref<200x12x8x8x128xf32, #tpu.memory_space<hbm>> -> memref<1x12x1x8x128xf32, #tpu.memory_space<hbm>>
        %dma_wait3A_1739 = tpu.memref_squeeze %dma_wait3A_1738 : memref<1x12x1x8x128xf32, #tpu.memory_space<hbm>> -> memref<12x8x128xf32, #tpu.memory_space<hbm>>
        %dma_wait3A_1740 = arith.constant 0 : i32
        %dma_wait3A_1741 = arith.constant 0 : i32
        %dma_wait3A_1742 = arith.constant 0 : i32
        %dma_wait3A_1743 = tpu.memref_slice %arg7[%select_n3A_1714, %dma_wait3A_1740, %select_n3A_1730, %dma_wait3A_1741, %dma_wait3A_1742] : memref<200x12x8x8x128xf32, #tpu.memory_space<hbm>> -> memref<1x12x1x8x128xf32, #tpu.memory_space<hbm>>
        %dma_wait3A_1744 = tpu.memref_squeeze %dma_wait3A_1743 : memref<1x12x1x8x128xf32, #tpu.memory_space<hbm>> -> memref<12x8x128xf32, #tpu.memory_space<hbm>>
        %dma_wait3A_1745 = arith.constant 0 : i32
        %dma_wait3A_1746 = arith.constant 0 : i32
        %dma_wait3A_1747 = arith.constant 0 : i32
        %dma_wait3A_1748 = tpu.memref_slice %arg15[%dma_wait3A_1745, %dma_wait3A_1746, %dma_wait3A_1747] : memref<12x8x129xf32, #tpu.memory_space<vmem>> -> memref<12x8x128xf32, #tpu.memory_space<vmem>>
        tpu.wait_dma2 semaphore(%arg22 : memref<!tpu.dma_semaphore, #tpu.memory_space<semaphore_mem>>) src(%dma_wait3A_1748 : memref<12x8x128xf32, #tpu.memory_space<vmem>>) dst(%dma_wait3A_1744 : memref<12x8x128xf32, #tpu.memory_space<hbm>>)
      } else {
      }
      %mul3A_1269 = arith.constant 50 : i32
      %mul3A_1270 = arith.muli %add3A, %mul3A_1269 : i32
      %add3A_1271 = arith.addi %mul3A_1270, %add3A_1213 : i32
      %jit3A_1272 = arith.constant 8 : i32
      %div3A_1273 = arith.divsi %add3A_1271, %jit3A_1272 : i32
      %sign3A_1274 = arith.constant 0 : i32
      %sign3A_1275 = arith.cmpi sgt, %add3A_1271, %sign3A_1274 : i32
      %sign3A_1276 = arith.extui %sign3A_1275 : i1 to i32
      %sign3A_1277 = arith.constant 0 : i32
      %sign3A_1278 = arith.cmpi slt, %add3A_1271, %sign3A_1277 : i32
      %sign3A_1279 = arith.extui %sign3A_1278 : i1 to i32
      %sign3A_1280 = arith.subi %sign3A_1276, %sign3A_1279 : i32
      %sign3A_1281 = arith.constant 0 : i32
      %sign3A_1282 = arith.cmpi sgt, %jit3A_1272, %sign3A_1281 : i32
      %sign3A_1283 = arith.extui %sign3A_1282 : i1 to i32
      %sign3A_1284 = arith.constant 0 : i32
      %sign3A_1285 = arith.cmpi slt, %jit3A_1272, %sign3A_1284 : i32
      %sign3A_1286 = arith.extui %sign3A_1285 : i1 to i32
      %sign3A_1287 = arith.subi %sign3A_1283, %sign3A_1286 : i32
      %ne3A_1288 = arith.cmpi ne, %sign3A_1280, %sign3A_1287 : i32
      %rem3A_1289 = arith.remsi %add3A_1271, %jit3A_1272 : i32
      %ne3A_1290 = arith.constant 0 : i32
      %ne3A_1291 = arith.cmpi ne, %rem3A_1289, %ne3A_1290 : i32
      %and3A_1292 = arith.andi %ne3A_1288, %ne3A_1291 : i1
      %sub3A_1293 = arith.constant 1 : i32
      %sub3A_1294 = arith.subi %div3A_1273, %sub3A_1293 : i32
      %select_n3A_1295 = arith.select %and3A_1292, %sub3A_1294, %div3A_1273 : i32
      %jit3A_1296 = arith.constant 8 : i32
      %eq3A_1297 = arith.constant 0 : i32
      %eq3A_1298 = arith.cmpi eq, %jit3A_1296, %eq3A_1297 : i32
      %jit3A_1299 = arith.constant 1 : i32
      %select_n3A_1300 = arith.select %eq3A_1298, %jit3A_1299, %jit3A_1296 : i32
      %rem3A_1301 = arith.remsi %add3A_1271, %select_n3A_1300 : i32
      %ne3A_1302 = arith.constant 0 : i32
      %ne3A_1303 = arith.cmpi ne, %rem3A_1301, %ne3A_1302 : i32
      %lt3A_1304 = arith.constant 0 : i32
      %lt3A_1305 = arith.cmpi slt, %rem3A_1301, %lt3A_1304 : i32
      %lt3A_1306 = arith.constant 0 : i32
      %lt3A_1307 = arith.cmpi slt, %select_n3A_1300, %lt3A_1306 : i32
      %ne3A_1308 = arith.xori %lt3A_1305, %lt3A_1307 : i1
      %and3A_1309 = arith.andi %ne3A_1308, %ne3A_1303 : i1
      %add3A_1310 = arith.addi %rem3A_1301, %select_n3A_1300 : i32
      %select_n3A_1311 = arith.select %and3A_1309, %add3A_1310, %rem3A_1301 : i32
      %get3A_1312 = arith.index_cast %select_n3A_1295 : i32 to index
      %get3A_1313 = arith.constant 0 : index
      %get3A_1314 = tpu.vector_load %arg17[%get3A_1312, %get3A_1313] {strides = array<i32>} : memref<200x96xf32, #tpu.memory_space<vmem>>, vector<16xf32>,
      %get3A_1315 = arith.index_cast %select_n3A_1295 : i32 to index
      %get3A_1316 = arith.constant 16 : index
      %get3A_1317 = tpu.vector_load %arg17[%get3A_1315, %get3A_1316] {strides = array<i32>} : memref<200x96xf32, #tpu.memory_space<vmem>>, vector<16xf32>,
      %get3A_1318 = arith.index_cast %select_n3A_1295 : i32 to index
      %get3A_1319 = arith.constant 32 : index
      %get3A_1320 = tpu.vector_load %arg17[%get3A_1318, %get3A_1319] {strides = array<i32>} : memref<200x96xf32, #tpu.memory_space<vmem>>, vector<16xf32>,
      %get3A_1321 = arith.index_cast %select_n3A_1295 : i32 to index
      %get3A_1322 = arith.constant 48 : index
      %get3A_1323 = tpu.vector_load %arg17[%get3A_1321, %get3A_1322] {strides = array<i32>} : memref<200x96xf32, #tpu.memory_space<vmem>>, vector<16xf32>,
      %get3A_1324 = arith.index_cast %select_n3A_1295 : i32 to index
      %get3A_1325 = arith.constant 64 : index
      %get3A_1326 = tpu.vector_load %arg17[%get3A_1324, %get3A_1325] {strides = array<i32>} : memref<200x96xf32, #tpu.memory_space<vmem>>, vector<16xf32>,
      %get3A_1327 = arith.index_cast %select_n3A_1295 : i32 to index
      %get3A_1328 = arith.constant 80 : index
      %get3A_1329 = tpu.vector_load %arg17[%get3A_1327, %get3A_1328] {strides = array<i32>} : memref<200x96xf32, #tpu.memory_space<vmem>>, vector<16xf32>,
      %add3A_1330 = arith.constant 0 : i32
      %add3A_1331 = vector.broadcast %add3A_1330 : i32 to vector<16xi32>
      %add3A_1332 = arith.addi %add3A_1331, %iota3A : vector<16xi32>
      %add3A_1333 = arith.constant 16 : i32
      %add3A_1334 = vector.broadcast %add3A_1333 : i32 to vector<16xi32>
      %add3A_1335 = arith.addi %add3A_1334, %iota3A : vector<16xi32>
      %add3A_1336 = arith.constant 32 : i32
      %add3A_1337 = vector.broadcast %add3A_1336 : i32 to vector<16xi32>
      %add3A_1338 = arith.addi %add3A_1337, %iota3A : vector<16xi32>
      %add3A_1339 = arith.constant 48 : i32
      %add3A_1340 = vector.broadcast %add3A_1339 : i32 to vector<16xi32>
      %add3A_1341 = arith.addi %add3A_1340, %iota3A : vector<16xi32>
      %add3A_1342 = arith.constant 64 : i32
      %add3A_1343 = vector.broadcast %add3A_1342 : i32 to vector<16xi32>
      %add3A_1344 = arith.addi %add3A_1343, %iota3A : vector<16xi32>
      %add3A_1345 = arith.constant 80 : i32
      %add3A_1346 = vector.broadcast %add3A_1345 : i32 to vector<16xi32>
      %add3A_1347 = arith.addi %add3A_1346, %iota3A : vector<16xi32>
      %shift_right_logical3A_1348 = arith.constant 3 : i32
      %shift_right_logical3A_1349 = vector.broadcast %shift_right_logical3A_1348 : i32 to vector<16xi32>
      %shift_right_logical3A_1350 = arith.shrui %add3A_1332, %shift_right_logical3A_1349 : vector<16xi32>
      %shift_right_logical3A_1351 = arith.constant 3 : i32
      %shift_right_logical3A_1352 = vector.broadcast %shift_right_logical3A_1351 : i32 to vector<16xi32>
      %shift_right_logical3A_1353 = arith.shrui %add3A_1335, %shift_right_logical3A_1352 : vector<16xi32>
      %shift_right_logical3A_1354 = arith.constant 3 : i32
      %shift_right_logical3A_1355 = vector.broadcast %shift_right_logical3A_1354 : i32 to vector<16xi32>
      %shift_right_logical3A_1356 = arith.shrui %add3A_1338, %shift_right_logical3A_1355 : vector<16xi32>
      %shift_right_logical3A_1357 = arith.constant 3 : i32
      %shift_right_logical3A_1358 = vector.broadcast %shift_right_logical3A_1357 : i32 to vector<16xi32>
      %shift_right_logical3A_1359 = arith.shrui %add3A_1341, %shift_right_logical3A_1358 : vector<16xi32>
      %shift_right_logical3A_1360 = arith.constant 3 : i32
      %shift_right_logical3A_1361 = vector.broadcast %shift_right_logical3A_1360 : i32 to vector<16xi32>
      %shift_right_logical3A_1362 = arith.shrui %add3A_1344, %shift_right_logical3A_1361 : vector<16xi32>
      %shift_right_logical3A_1363 = arith.constant 3 : i32
      %shift_right_logical3A_1364 = vector.broadcast %shift_right_logical3A_1363 : i32 to vector<16xi32>
      %shift_right_logical3A_1365 = arith.shrui %add3A_1347, %shift_right_logical3A_1364 : vector<16xi32>
      %and3A_1366 = arith.constant 7 : i32
      %and3A_1367 = vector.broadcast %and3A_1366 : i32 to vector<16xi32>
      %and3A_1368 = arith.andi %add3A_1332, %and3A_1367 : vector<16xi32>
      %and3A_1369 = arith.constant 7 : i32
      %and3A_1370 = vector.broadcast %and3A_1369 : i32 to vector<16xi32>
      %and3A_1371 = arith.andi %add3A_1335, %and3A_1370 : vector<16xi32>
      %and3A_1372 = arith.constant 7 : i32
      %and3A_1373 = vector.broadcast %and3A_1372 : i32 to vector<16xi32>
      %and3A_1374 = arith.andi %add3A_1338, %and3A_1373 : vector<16xi32>
      %and3A_1375 = arith.constant 7 : i32
      %and3A_1376 = vector.broadcast %and3A_1375 : i32 to vector<16xi32>
      %and3A_1377 = arith.andi %add3A_1341, %and3A_1376 : vector<16xi32>
      %and3A_1378 = arith.constant 7 : i32
      %and3A_1379 = vector.broadcast %and3A_1378 : i32 to vector<16xi32>
      %and3A_1380 = arith.andi %add3A_1344, %and3A_1379 : vector<16xi32>
      %and3A_1381 = arith.constant 7 : i32
      %and3A_1382 = vector.broadcast %and3A_1381 : i32 to vector<16xi32>
      %and3A_1383 = arith.andi %add3A_1347, %and3A_1382 : vector<16xi32>
      %parallel_loop3A_1384 = arith.constant 0 : i32
      %parallel_loop3A_1385 = arith.constant 128 : i32
      %parallel_loop3A_1386 = arith.constant 1 : i32
      scf.for %parallel_loop3A_1686 = %parallel_loop3A_1384 to %parallel_loop3A_1385 step %parallel_loop3A_1386  : i32 {
        %parallel_loop3A_1687 = arith.constant 0 : i32
        %parallel_loop3A_1688 = vector.broadcast %parallel_loop3A_1687 : i32 to vector<16xi32>
        %parallel_loop3A_1689 = arith.muli %iota3A, %parallel_loop3A_1688 : vector<16xi32>
        %parallel_loop3A_1690 = vector.broadcast %parallel_loop3A_1686 : i32 to vector<16xi32>
        %parallel_loop3A_1691 = arith.addi %parallel_loop3A_1689, %parallel_loop3A_1690 : vector<16xi32>
        %parallel_loop3A_1692 = arith.constant 0 : i32
        %parallel_loop3A_1693 = arith.index_cast %parallel_loop3A_1692 : i32 to index
        %parallel_loop3A_1694 = arith.index_cast %parallel_loop3A_1686 : i32 to index
        %parallel_loop3A_1695 = arith.constant 0 : index
        %parallel_loop3A_1696 = tpu.vector_load %arg12[%parallel_loop3A_1693, %parallel_loop3A_1694, %parallel_loop3A_1695] {strides = array<i32>} : memref<3x128x32xf32, #tpu.memory_space<vmem>>, vector<16xf32>,
        %parallel_loop3A_1697 = arith.addf %parallel_loop3A_1696, %get3A_1314 : vector<16xf32>
        tpu.vector_store_idx %arg15[%shift_right_logical3A_1350, %and3A_1368, %parallel_loop3A_1691], %parallel_loop3A_1697 : memref<12x8x129xf32, #tpu.memory_space<vmem>>[vector<16xi32>, vector<16xi32>, vector<16xi32>], vector<16xf32>,
        %parallel_loop3A_1698 = arith.constant 0 : i32
        %parallel_loop3A_1699 = arith.index_cast %parallel_loop3A_1698 : i32 to index
        %parallel_loop3A_1700 = arith.index_cast %parallel_loop3A_1686 : i32 to index
        %parallel_loop3A_1701 = arith.constant 16 : index
        %parallel_loop3A_1702 = tpu.vector_load %arg12[%parallel_loop3A_1699, %parallel_loop3A_1700, %parallel_loop3A_1701] {strides = array<i32>} : memref<3x128x32xf32, #tpu.memory_space<vmem>>, vector<16xf32>,
        %parallel_loop3A_1703 = arith.addf %parallel_loop3A_1702, %get3A_1317 : vector<16xf32>
        tpu.vector_store_idx %arg15[%shift_right_logical3A_1353, %and3A_1371, %parallel_loop3A_1691], %parallel_loop3A_1703 : memref<12x8x129xf32, #tpu.memory_space<vmem>>[vector<16xi32>, vector<16xi32>, vector<16xi32>], vector<16xf32>,
        %parallel_loop3A_1704 = arith.constant 1 : i32
        %parallel_loop3A_1705 = arith.index_cast %parallel_loop3A_1704 : i32 to index
        %parallel_loop3A_1706 = arith.index_cast %parallel_loop3A_1686 : i32 to index
        %parallel_loop3A_1707 = arith.constant 0 : index
        %parallel_loop3A_1708 = tpu.vector_load %arg12[%parallel_loop3A_1705, %parallel_loop3A_1706, %parallel_loop3A_1707] {strides = array<i32>} : memref<3x128x32xf32, #tpu.memory_space<vmem>>, vector<16xf32>,
        %parallel_loop3A_1709 = arith.addf %parallel_loop3A_1708, %get3A_1320 : vector<16xf32>
        tpu.vector_store_idx %arg15[%shift_right_logical3A_1356, %and3A_1374, %parallel_loop3A_1691], %parallel_loop3A_1709 : memref<12x8x129xf32, #tpu.memory_space<vmem>>[vector<16xi32>, vector<16xi32>, vector<16xi32>], vector<16xf32>,
        %parallel_loop3A_1710 = arith.constant 1 : i32
        %parallel_loop3A_1711 = arith.index_cast %parallel_loop3A_1710 : i32 to index
        %parallel_loop3A_1712 = arith.index_cast %parallel_loop3A_1686 : i32 to index
        %parallel_loop3A_1713 = arith.constant 16 : index
        %parallel_loop3A_1714 = tpu.vector_load %arg12[%parallel_loop3A_1711, %parallel_loop3A_1712, %parallel_loop3A_1713] {strides = array<i32>} : memref<3x128x32xf32, #tpu.memory_space<vmem>>, vector<16xf32>,
        %parallel_loop3A_1715 = arith.addf %parallel_loop3A_1714, %get3A_1323 : vector<16xf32>
        tpu.vector_store_idx %arg15[%shift_right_logical3A_1359, %and3A_1377, %parallel_loop3A_1691], %parallel_loop3A_1715 : memref<12x8x129xf32, #tpu.memory_space<vmem>>[vector<16xi32>, vector<16xi32>, vector<16xi32>], vector<16xf32>,
        %parallel_loop3A_1716 = arith.constant 2 : i32
        %parallel_loop3A_1717 = arith.index_cast %parallel_loop3A_1716 : i32 to index
        %parallel_loop3A_1718 = arith.index_cast %parallel_loop3A_1686 : i32 to index
        %parallel_loop3A_1719 = arith.constant 0 : index
        %parallel_loop3A_1720 = tpu.vector_load %arg12[%parallel_loop3A_1717, %parallel_loop3A_1718, %parallel_loop3A_1719] {strides = array<i32>} : memref<3x128x32xf32, #tpu.memory_space<vmem>>, vector<16xf32>,
        %parallel_loop3A_1721 = arith.addf %parallel_loop3A_1720, %get3A_1326 : vector<16xf32>
        tpu.vector_store_idx %arg15[%shift_right_logical3A_1362, %and3A_1380, %parallel_loop3A_1691], %parallel_loop3A_1721 : memref<12x8x129xf32, #tpu.memory_space<vmem>>[vector<16xi32>, vector<16xi32>, vector<16xi32>], vector<16xf32>,
        %parallel_loop3A_1722 = arith.constant 2 : i32
        %parallel_loop3A_1723 = arith.index_cast %parallel_loop3A_1722 : i32 to index
        %parallel_loop3A_1724 = arith.index_cast %parallel_loop3A_1686 : i32 to index
        %parallel_loop3A_1725 = arith.constant 16 : index
        %parallel_loop3A_1726 = tpu.vector_load %arg12[%parallel_loop3A_1723, %parallel_loop3A_1724, %parallel_loop3A_1725] {strides = array<i32>} : memref<3x128x32xf32, #tpu.memory_space<vmem>>, vector<16xf32>,
        %parallel_loop3A_1727 = arith.addf %parallel_loop3A_1726, %get3A_1329 : vector<16xf32>
        tpu.vector_store_idx %arg15[%shift_right_logical3A_1365, %and3A_1383, %parallel_loop3A_1691], %parallel_loop3A_1727 : memref<12x8x129xf32, #tpu.memory_space<vmem>>[vector<16xi32>, vector<16xi32>, vector<16xi32>], vector<16xf32>,
      } {sc.loop_unroll_factor = 4 : i64, sc.parallel_access}
      %mul3A_1387 = arith.constant 50 : i32
      %mul3A_1388 = arith.muli %add3A, %mul3A_1387 : i32
      %add3A_1389 = arith.addi %mul3A_1388, %add3A_1213 : i32
      %jit3A_1390 = arith.constant 8 : i32
      %div3A_1391 = arith.divsi %add3A_1389, %jit3A_1390 : i32
      %sign3A_1392 = arith.constant 0 : i32
      %sign3A_1393 = arith.cmpi sgt, %add3A_1389, %sign3A_1392 : i32
      %sign3A_1394 = arith.extui %sign3A_1393 : i1 to i32
      %sign3A_1395 = arith.constant 0 : i32
      %sign3A_1396 = arith.cmpi slt, %add3A_1389, %sign3A_1395 : i32
      %sign3A_1397 = arith.extui %sign3A_1396 : i1 to i32
      %sign3A_1398 = arith.subi %sign3A_1394, %sign3A_1397 : i32
      %sign3A_1399 = arith.constant 0 : i32
      %sign3A_1400 = arith.cmpi sgt, %jit3A_1390, %sign3A_1399 : i32
      %sign3A_1401 = arith.extui %sign3A_1400 : i1 to i32
      %sign3A_1402 = arith.constant 0 : i32
      %sign3A_1403 = arith.cmpi slt, %jit3A_1390, %sign3A_1402 : i32
      %sign3A_1404 = arith.extui %sign3A_1403 : i1 to i32
      %sign3A_1405 = arith.subi %sign3A_1401, %sign3A_1404 : i32
      %ne3A_1406 = arith.cmpi ne, %sign3A_1398, %sign3A_1405 : i32
      %rem3A_1407 = arith.remsi %add3A_1389, %jit3A_1390 : i32
      %ne3A_1408 = arith.constant 0 : i32
      %ne3A_1409 = arith.cmpi ne, %rem3A_1407, %ne3A_1408 : i32
      %and3A_1410 = arith.andi %ne3A_1406, %ne3A_1409 : i1
      %sub3A_1411 = arith.constant 1 : i32
      %sub3A_1412 = arith.subi %div3A_1391, %sub3A_1411 : i32
      %select_n3A_1413 = arith.select %and3A_1410, %sub3A_1412, %div3A_1391 : i32
      %jit3A_1414 = arith.constant 8 : i32
      %eq3A_1415 = arith.constant 0 : i32
      %eq3A_1416 = arith.cmpi eq, %jit3A_1414, %eq3A_1415 : i32
      %jit3A_1417 = arith.constant 1 : i32
      %select_n3A_1418 = arith.select %eq3A_1416, %jit3A_1417, %jit3A_1414 : i32
      %rem3A_1419 = arith.remsi %add3A_1389, %select_n3A_1418 : i32
      %ne3A_1420 = arith.constant 0 : i32
      %ne3A_1421 = arith.cmpi ne, %rem3A_1419, %ne3A_1420 : i32
      %lt3A_1422 = arith.constant 0 : i32
      %lt3A_1423 = arith.cmpi slt, %rem3A_1419, %lt3A_1422 : i32
      %lt3A_1424 = arith.constant 0 : i32
      %lt3A_1425 = arith.cmpi slt, %select_n3A_1418, %lt3A_1424 : i32
      %ne3A_1426 = arith.xori %lt3A_1423, %lt3A_1425 : i1
      %and3A_1427 = arith.andi %ne3A_1426, %ne3A_1421 : i1
      %add3A_1428 = arith.addi %rem3A_1419, %select_n3A_1418 : i32
      %select_n3A_1429 = arith.select %and3A_1427, %add3A_1428, %rem3A_1419 : i32
      %dma_start3A_1430 = arith.constant 0 : i32
      %dma_start3A_1431 = arith.constant 0 : i32
      %dma_start3A_1432 = arith.constant 0 : i32
      %dma_start3A_1433 = tpu.memref_slice %arg15[%dma_start3A_1430, %dma_start3A_1431, %dma_start3A_1432] : memref<12x8x129xf32, #tpu.memory_space<vmem>> -> memref<12x8x128xf32, #tpu.memory_space<vmem>>
      %dma_start3A_1434 = arith.constant 0 : i32
      %dma_start3A_1435 = arith.constant 0 : i32
      %dma_start3A_1436 = arith.constant 0 : i32
      %dma_start3A_1437 = tpu.memref_slice %arg7[%select_n3A_1413, %dma_start3A_1434, %select_n3A_1429, %dma_start3A_1435, %dma_start3A_1436] : memref<200x12x8x8x128xf32, #tpu.memory_space<hbm>> -> memref<1x12x1x8x128xf32, #tpu.memory_space<hbm>>
      %dma_start3A_1438 = tpu.memref_squeeze %dma_start3A_1437 : memref<1x12x1x8x128xf32, #tpu.memory_space<hbm>> -> memref<12x8x128xf32, #tpu.memory_space<hbm>>
      %dma_start3A_1439 = arith.constant 0 : i32
      %dma_start3A_1440 = arith.constant 0 : i32
      %dma_start3A_1441 = arith.constant 0 : i32
      %dma_start3A_1442 = tpu.memref_slice %arg7[%select_n3A_1413, %dma_start3A_1439, %select_n3A_1429, %dma_start3A_1440, %dma_start3A_1441] : memref<200x12x8x8x128xf32, #tpu.memory_space<hbm>> -> memref<1x12x1x8x128xf32, #tpu.memory_space<hbm>>
      %dma_start3A_1443 = tpu.memref_squeeze %dma_start3A_1442 : memref<1x12x1x8x128xf32, #tpu.memory_space<hbm>> -> memref<12x8x128xf32, #tpu.memory_space<hbm>>
      %dma_start3A_1444 = arith.constant 0 : i32
      %dma_start3A_1445 = arith.constant 0 : i32
      %dma_start3A_1446 = arith.constant 0 : i32
      %dma_start3A_1447 = tpu.memref_slice %arg15[%dma_start3A_1444, %dma_start3A_1445, %dma_start3A_1446] : memref<12x8x129xf32, #tpu.memory_space<vmem>> -> memref<12x8x128xf32, #tpu.memory_space<vmem>>
      tpu.enqueue_dma source(%dma_start3A_1447 : memref<12x8x128xf32, #tpu.memory_space<vmem>>) target(%dma_start3A_1443 : memref<12x8x128xf32, #tpu.memory_space<hbm>>) target_semaphore(%arg22 : memref<!tpu.dma_semaphore, #tpu.memory_space<semaphore_mem>>)
      %mul3A_1448 = arith.constant 3 : i32
      %mul3A_1449 = arith.muli %mul3A_1448, %scan3A_974 : i32
      %add3A_1450 = arith.constant 2 : i32
      %add3A_1451 = arith.addi %mul3A_1449, %add3A_1450 : i32
      %add3A_1452 = arith.constant 2 : i32
      %add3A_1453 = arith.addi %add3A_1451, %add3A_1452 : i32
      %lt3A_1454 = arith.constant 50 : i32
      %lt3A_1455 = arith.cmpi slt, %add3A_1453, %lt3A_1454 : i32
      %convert_element_type3A_1456 = arith.extui %lt3A_1455 : i1 to i32
      %cond3A_1457 = arith.constant 0 : i32
      %cond3A_1458 = arith.cmpi ne, %convert_element_type3A_1456, %cond3A_1457 : i32
      scf.if %cond3A_1458 {
        %dma_start3A_1686 = arith.constant 0 : i32
        %dma_start3A_1687 = arith.constant 0 : i32
        %dma_start3A_1688 = arith.constant 0 : i32
        %dma_start3A_1689 = arith.constant 0 : i32
        %dma_start3A_1690 = tpu.memref_slice %arg12[%dma_start3A_1687, %dma_start3A_1688, %dma_start3A_1689] : memref<3x128x32xf32, #tpu.memory_space<vmem>> -> memref<1x128x32xf32, #tpu.memory_space<vmem>>
        %dma_start3A_1691 = tpu.memref_squeeze %dma_start3A_1690 : memref<1x128x32xf32, #tpu.memory_space<vmem>> -> memref<128x32xf32, #tpu.memory_space<vmem>>
        %dma_start3A_1692 = arith.constant 0 : i32
        %dma_start3A_1693 = tpu.memref_slice %arg9[%dma_start3A_1686, %dma_start3A_1692] : memref<3x128xi32, #tpu.memory_space<vmem>> -> memref<1x128xi32, #tpu.memory_space<vmem>>
        %dma_start3A_1694 = tpu.memref_squeeze %dma_start3A_1693 : memref<1x128xi32, #tpu.memory_space<vmem>> -> memref<128xi32, #tpu.memory_space<vmem>>
        %dma_start3A_1695 = arith.constant 0 : i32
        %dma_start3A_1696 = arith.constant 0 : i32
        %dma_start3A_1697 = tpu.memref_slice %arg3[%dma_start3A_1695, %dma_start3A_1696] : memref<100000x32xf32, #tpu.memory_space<hbm>> -> memref<100000x32xf32, #tpu.memory_space<hbm>>
        tpu.enqueue_indirect_dma source(%dma_start3A_1697 : memref<100000x32xf32, #tpu.memory_space<hbm>>) target(%dma_start3A_1691 : memref<128x32xf32, #tpu.memory_space<vmem>>) offsets(%dma_start3A_1694 : memref<128xi32, #tpu.memory_space<vmem>>) semaphore(%arg19 : memref<!tpu.dma_semaphore, #tpu.memory_space<semaphore_mem>>)
        %dma_start3A_1698 = arith.constant 1 : i32
        %dma_start3A_1699 = arith.constant 1 : i32
        %dma_start3A_1700 = arith.constant 0 : i32
        %dma_start3A_1701 = arith.constant 0 : i32
        %dma_start3A_1702 = tpu.memref_slice %arg12[%dma_start3A_1699, %dma_start3A_1700, %dma_start3A_1701] : memref<3x128x32xf32, #tpu.memory_space<vmem>> -> memref<1x128x32xf32, #tpu.memory_space<vmem>>
        %dma_start3A_1703 = tpu.memref_squeeze %dma_start3A_1702 : memref<1x128x32xf32, #tpu.memory_space<vmem>> -> memref<128x32xf32, #tpu.memory_space<vmem>>
        %dma_start3A_1704 = arith.constant 0 : i32
        %dma_start3A_1705 = tpu.memref_slice %arg9[%dma_start3A_1698, %dma_start3A_1704] : memref<3x128xi32, #tpu.memory_space<vmem>> -> memref<1x128xi32, #tpu.memory_space<vmem>>
        %dma_start3A_1706 = tpu.memref_squeeze %dma_start3A_1705 : memref<1x128xi32, #tpu.memory_space<vmem>> -> memref<128xi32, #tpu.memory_space<vmem>>
        %dma_start3A_1707 = arith.constant 0 : i32
        %dma_start3A_1708 = arith.constant 0 : i32
        %dma_start3A_1709 = tpu.memref_slice %arg4[%dma_start3A_1707, %dma_start3A_1708] : memref<100000x32xf32, #tpu.memory_space<hbm>> -> memref<100000x32xf32, #tpu.memory_space<hbm>>
        tpu.enqueue_indirect_dma source(%dma_start3A_1709 : memref<100000x32xf32, #tpu.memory_space<hbm>>) target(%dma_start3A_1703 : memref<128x32xf32, #tpu.memory_space<vmem>>) offsets(%dma_start3A_1706 : memref<128xi32, #tpu.memory_space<vmem>>) semaphore(%arg19 : memref<!tpu.dma_semaphore, #tpu.memory_space<semaphore_mem>>)
        %dma_start3A_1710 = arith.constant 2 : i32
        %dma_start3A_1711 = arith.constant 2 : i32
        %dma_start3A_1712 = arith.constant 0 : i32
        %dma_start3A_1713 = arith.constant 0 : i32
        %dma_start3A_1714 = tpu.memref_slice %arg12[%dma_start3A_1711, %dma_start3A_1712, %dma_start3A_1713] : memref<3x128x32xf32, #tpu.memory_space<vmem>> -> memref<1x128x32xf32, #tpu.memory_space<vmem>>
        %dma_start3A_1715 = tpu.memref_squeeze %dma_start3A_1714 : memref<1x128x32xf32, #tpu.memory_space<vmem>> -> memref<128x32xf32, #tpu.memory_space<vmem>>
        %dma_start3A_1716 = arith.constant 0 : i32
        %dma_start3A_1717 = tpu.memref_slice %arg9[%dma_start3A_1710, %dma_start3A_1716] : memref<3x128xi32, #tpu.memory_space<vmem>> -> memref<1x128xi32, #tpu.memory_space<vmem>>
        %dma_start3A_1718 = tpu.memref_squeeze %dma_start3A_1717 : memref<1x128xi32, #tpu.memory_space<vmem>> -> memref<128xi32, #tpu.memory_space<vmem>>
        %dma_start3A_1719 = arith.constant 0 : i32
        %dma_start3A_1720 = arith.constant 0 : i32
        %dma_start3A_1721 = tpu.memref_slice %arg5[%dma_start3A_1719, %dma_start3A_1720] : memref<100000x32xf32, #tpu.memory_space<hbm>> -> memref<100000x32xf32, #tpu.memory_space<hbm>>
        tpu.enqueue_indirect_dma source(%dma_start3A_1721 : memref<100000x32xf32, #tpu.memory_space<hbm>>) target(%dma_start3A_1715 : memref<128x32xf32, #tpu.memory_space<vmem>>) offsets(%dma_start3A_1718 : memref<128xi32, #tpu.memory_space<vmem>>) semaphore(%arg19 : memref<!tpu.dma_semaphore, #tpu.memory_space<semaphore_mem>>)
      } else {
      }
      %dma_wait3A_1459 = arith.constant 0 : i32
      %dma_wait3A_1460 = arith.constant 0 : i32
      %dma_wait3A_1461 = arith.constant 0 : i32
      %dma_wait3A_1462 = arith.constant 0 : i32
      %dma_wait3A_1463 = tpu.memref_slice %arg13[%dma_wait3A_1460, %dma_wait3A_1461, %dma_wait3A_1462] : memref<3x128x32xf32, #tpu.memory_space<vmem>> -> memref<1x128x32xf32, #tpu.memory_space<vmem>>
      %dma_wait3A_1464 = tpu.memref_squeeze %dma_wait3A_1463 : memref<1x128x32xf32, #tpu.memory_space<vmem>> -> memref<128x32xf32, #tpu.memory_space<vmem>>
      %dma_wait3A_1465 = arith.constant 0 : i32
      %dma_wait3A_1466 = tpu.memref_slice %arg10[%dma_wait3A_1459, %dma_wait3A_1465] : memref<3x128xi32, #tpu.memory_space<vmem>> -> memref<1x128xi32, #tpu.memory_space<vmem>>
      %dma_wait3A_1467 = tpu.memref_squeeze %dma_wait3A_1466 : memref<1x128xi32, #tpu.memory_space<vmem>> -> memref<128xi32, #tpu.memory_space<vmem>>
      %dma_wait3A_1468 = arith.constant 0 : i32
      %dma_wait3A_1469 = arith.constant 0 : i32
      %dma_wait3A_1470 = tpu.memref_slice %arg3[%dma_wait3A_1468, %dma_wait3A_1469] : memref<100000x32xf32, #tpu.memory_space<hbm>> -> memref<100000x32xf32, #tpu.memory_space<hbm>>
      tpu.wait_indirect_dma semaphore(%arg20 : memref<!tpu.dma_semaphore, #tpu.memory_space<semaphore_mem>>) src(%dma_wait3A_1470 : memref<100000x32xf32, #tpu.memory_space<hbm>>) dst(%dma_wait3A_1464 : memref<128x32xf32, #tpu.memory_space<vmem>>)
      %dma_wait3A_1471 = arith.constant 1 : i32
      %dma_wait3A_1472 = arith.constant 1 : i32
      %dma_wait3A_1473 = arith.constant 0 : i32
      %dma_wait3A_1474 = arith.constant 0 : i32
      %dma_wait3A_1475 = tpu.memref_slice %arg13[%dma_wait3A_1472, %dma_wait3A_1473, %dma_wait3A_1474] : memref<3x128x32xf32, #tpu.memory_space<vmem>> -> memref<1x128x32xf32, #tpu.memory_space<vmem>>
      %dma_wait3A_1476 = tpu.memref_squeeze %dma_wait3A_1475 : memref<1x128x32xf32, #tpu.memory_space<vmem>> -> memref<128x32xf32, #tpu.memory_space<vmem>>
      %dma_wait3A_1477 = arith.constant 0 : i32
      %dma_wait3A_1478 = tpu.memref_slice %arg10[%dma_wait3A_1471, %dma_wait3A_1477] : memref<3x128xi32, #tpu.memory_space<vmem>> -> memref<1x128xi32, #tpu.memory_space<vmem>>
      %dma_wait3A_1479 = tpu.memref_squeeze %dma_wait3A_1478 : memref<1x128xi32, #tpu.memory_space<vmem>> -> memref<128xi32, #tpu.memory_space<vmem>>
      %dma_wait3A_1480 = arith.constant 0 : i32
      %dma_wait3A_1481 = arith.constant 0 : i32
      %dma_wait3A_1482 = tpu.memref_slice %arg4[%dma_wait3A_1480, %dma_wait3A_1481] : memref<100000x32xf32, #tpu.memory_space<hbm>> -> memref<100000x32xf32, #tpu.memory_space<hbm>>
      tpu.wait_indirect_dma semaphore(%arg20 : memref<!tpu.dma_semaphore, #tpu.memory_space<semaphore_mem>>) src(%dma_wait3A_1482 : memref<100000x32xf32, #tpu.memory_space<hbm>>) dst(%dma_wait3A_1476 : memref<128x32xf32, #tpu.memory_space<vmem>>)
      %dma_wait3A_1483 = arith.constant 2 : i32
      %dma_wait3A_1484 = arith.constant 2 : i32
      %dma_wait3A_1485 = arith.constant 0 : i32
      %dma_wait3A_1486 = arith.constant 0 : i32
      %dma_wait3A_1487 = tpu.memref_slice %arg13[%dma_wait3A_1484, %dma_wait3A_1485, %dma_wait3A_1486] : memref<3x128x32xf32, #tpu.memory_space<vmem>> -> memref<1x128x32xf32, #tpu.memory_space<vmem>>
      %dma_wait3A_1488 = tpu.memref_squeeze %dma_wait3A_1487 : memref<1x128x32xf32, #tpu.memory_space<vmem>> -> memref<128x32xf32, #tpu.memory_space<vmem>>
      %dma_wait3A_1489 = arith.constant 0 : i32
      %dma_wait3A_1490 = tpu.memref_slice %arg10[%dma_wait3A_1483, %dma_wait3A_1489] : memref<3x128xi32, #tpu.memory_space<vmem>> -> memref<1x128xi32, #tpu.memory_space<vmem>>
      %dma_wait3A_1491 = tpu.memref_squeeze %dma_wait3A_1490 : memref<1x128xi32, #tpu.memory_space<vmem>> -> memref<128xi32, #tpu.memory_space<vmem>>
      %dma_wait3A_1492 = arith.constant 0 : i32
      %dma_wait3A_1493 = arith.constant 0 : i32
      %dma_wait3A_1494 = tpu.memref_slice %arg5[%dma_wait3A_1492, %dma_wait3A_1493] : memref<100000x32xf32, #tpu.memory_space<hbm>> -> memref<100000x32xf32, #tpu.memory_space<hbm>>
      tpu.wait_indirect_dma semaphore(%arg20 : memref<!tpu.dma_semaphore, #tpu.memory_space<semaphore_mem>>) src(%dma_wait3A_1494 : memref<100000x32xf32, #tpu.memory_space<hbm>>) dst(%dma_wait3A_1488 : memref<128x32xf32, #tpu.memory_space<vmem>>)
      %add3A_1495 = arith.constant 3 : i32
      %add3A_1496 = arith.addi %add3A_1451, %add3A_1495 : i32
      %lt3A_1497 = arith.constant 50 : i32
      %lt3A_1498 = arith.cmpi slt, %add3A_1496, %lt3A_1497 : i32
      %convert_element_type3A_1499 = arith.extui %lt3A_1498 : i1 to i32
      %cond3A_1500 = arith.constant 0 : i32
      %cond3A_1501 = arith.cmpi ne, %convert_element_type3A_1499, %cond3A_1500 : i32
      scf.if %cond3A_1501 {
        %add3A_1686 = arith.constant 3 : i32
        %add3A_1687 = arith.addi %add3A_1451, %add3A_1686 : i32
        %mul3A_1688 = arith.constant 50 : i32
        %mul3A_1689 = arith.muli %add3A, %mul3A_1688 : i32
        %add3A_1690 = arith.addi %mul3A_1689, %add3A_1687 : i32
        %jit3A_1691 = arith.constant 8 : i32
        %div3A_1692 = arith.divsi %add3A_1690, %jit3A_1691 : i32
        %sign3A_1693 = arith.constant 0 : i32
        %sign3A_1694 = arith.cmpi sgt, %add3A_1690, %sign3A_1693 : i32
        %sign3A_1695 = arith.extui %sign3A_1694 : i1 to i32
        %sign3A_1696 = arith.constant 0 : i32
        %sign3A_1697 = arith.cmpi slt, %add3A_1690, %sign3A_1696 : i32
        %sign3A_1698 = arith.extui %sign3A_1697 : i1 to i32
        %sign3A_1699 = arith.subi %sign3A_1695, %sign3A_1698 : i32
        %sign3A_1700 = arith.constant 0 : i32
        %sign3A_1701 = arith.cmpi sgt, %jit3A_1691, %sign3A_1700 : i32
        %sign3A_1702 = arith.extui %sign3A_1701 : i1 to i32
        %sign3A_1703 = arith.constant 0 : i32
        %sign3A_1704 = arith.cmpi slt, %jit3A_1691, %sign3A_1703 : i32
        %sign3A_1705 = arith.extui %sign3A_1704 : i1 to i32
        %sign3A_1706 = arith.subi %sign3A_1702, %sign3A_1705 : i32
        %ne3A_1707 = arith.cmpi ne, %sign3A_1699, %sign3A_1706 : i32
        %rem3A_1708 = arith.remsi %add3A_1690, %jit3A_1691 : i32
        %ne3A_1709 = arith.constant 0 : i32
        %ne3A_1710 = arith.cmpi ne, %rem3A_1708, %ne3A_1709 : i32
        %and3A_1711 = arith.andi %ne3A_1707, %ne3A_1710 : i1
        %sub3A_1712 = arith.constant 1 : i32
        %sub3A_1713 = arith.subi %div3A_1692, %sub3A_1712 : i32
        %select_n3A_1714 = arith.select %and3A_1711, %sub3A_1713, %div3A_1692 : i32
        %jit3A_1715 = arith.constant 8 : i32
        %eq3A_1716 = arith.constant 0 : i32
        %eq3A_1717 = arith.cmpi eq, %jit3A_1715, %eq3A_1716 : i32
        %jit3A_1718 = arith.constant 1 : i32
        %select_n3A_1719 = arith.select %eq3A_1717, %jit3A_1718, %jit3A_1715 : i32
        %rem3A_1720 = arith.remsi %add3A_1690, %select_n3A_1719 : i32
        %ne3A_1721 = arith.constant 0 : i32
        %ne3A_1722 = arith.cmpi ne, %rem3A_1720, %ne3A_1721 : i32
        %lt3A_1723 = arith.constant 0 : i32
        %lt3A_1724 = arith.cmpi slt, %rem3A_1720, %lt3A_1723 : i32
        %lt3A_1725 = arith.constant 0 : i32
        %lt3A_1726 = arith.cmpi slt, %select_n3A_1719, %lt3A_1725 : i32
        %ne3A_1727 = arith.xori %lt3A_1724, %lt3A_1726 : i1
        %and3A_1728 = arith.andi %ne3A_1727, %ne3A_1722 : i1
        %add3A_1729 = arith.addi %rem3A_1720, %select_n3A_1719 : i32
        %select_n3A_1730 = arith.select %and3A_1728, %add3A_1729, %rem3A_1720 : i32
        %mul3A_1731 = arith.constant 128 : i32
        %mul3A_1732 = arith.muli %select_n3A_1730, %mul3A_1731 : i32
        %run_scoped3A_1733 = arith.constant 0 : i32
        %run_scoped3A_1734 = arith.constant 0 : i32
        "tpu.region"() ({
          %run_scoped3A_1743 = tpu.sem_alloc : memref<!tpu.dma_semaphore, #tpu.memory_space<semaphore_mem>>
          %dma_start3A_1744 = arith.constant 0 : i32
          %dma_start3A_1745 = tpu.memref_slice %arg10[%run_scoped3A_1734, %dma_start3A_1744] : memref<3x128xi32, #tpu.memory_space<vmem>> -> memref<1x128xi32, #tpu.memory_space<vmem>>
          %dma_start3A_1746 = tpu.memref_squeeze %dma_start3A_1745 : memref<1x128xi32, #tpu.memory_space<vmem>> -> memref<128xi32, #tpu.memory_space<vmem>>
          %dma_start3A_1747 = tpu.memref_slice %arg2[%run_scoped3A_1733, %select_n3A_1714, %mul3A_1732] : memref<3x200x1024xi32, #tpu.memory_space<hbm>> -> memref<1x1x128xi32, #tpu.memory_space<hbm>>
          %dma_start3A_1748 = tpu.memref_squeeze %dma_start3A_1747 : memref<1x1x128xi32, #tpu.memory_space<hbm>> -> memref<128xi32, #tpu.memory_space<hbm>>
          %dma_start3A_1749 = arith.constant 0 : i32
          %dma_start3A_1750 = tpu.memref_slice %arg10[%run_scoped3A_1734, %dma_start3A_1749] : memref<3x128xi32, #tpu.memory_space<vmem>> -> memref<1x128xi32, #tpu.memory_space<vmem>>
          %dma_start3A_1751 = tpu.memref_squeeze %dma_start3A_1750 : memref<1x128xi32, #tpu.memory_space<vmem>> -> memref<128xi32, #tpu.memory_space<vmem>>
          %dma_start3A_1752 = tpu.memref_slice %arg2[%run_scoped3A_1733, %select_n3A_1714, %mul3A_1732] : memref<3x200x1024xi32, #tpu.memory_space<hbm>> -> memref<1x1x128xi32, #tpu.memory_space<hbm>>
          %dma_start3A_1753 = tpu.memref_squeeze %dma_start3A_1752 : memref<1x1x128xi32, #tpu.memory_space<hbm>> -> memref<128xi32, #tpu.memory_space<hbm>>
          tpu.enqueue_dma source(%dma_start3A_1753 : memref<128xi32, #tpu.memory_space<hbm>>) target(%dma_start3A_1751 : memref<128xi32, #tpu.memory_space<vmem>>) target_semaphore(%run_scoped3A_1743 : memref<!tpu.dma_semaphore, #tpu.memory_space<semaphore_mem>>)
          %dma_wait3A_1754 = arith.constant 0 : i32
          %dma_wait3A_1755 = tpu.memref_slice %arg10[%run_scoped3A_1734, %dma_wait3A_1754] : memref<3x128xi32, #tpu.memory_space<vmem>> -> memref<1x128xi32, #tpu.memory_space<vmem>>
          %dma_wait3A_1756 = tpu.memref_squeeze %dma_wait3A_1755 : memref<1x128xi32, #tpu.memory_space<vmem>> -> memref<128xi32, #tpu.memory_space<vmem>>
          %dma_wait3A_1757 = tpu.memref_slice %arg2[%run_scoped3A_1733, %select_n3A_1714, %mul3A_1732] : memref<3x200x1024xi32, #tpu.memory_space<hbm>> -> memref<1x1x128xi32, #tpu.memory_space<hbm>>
          %dma_wait3A_1758 = tpu.memref_squeeze %dma_wait3A_1757 : memref<1x1x128xi32, #tpu.memory_space<hbm>> -> memref<128xi32, #tpu.memory_space<hbm>>
          %dma_wait3A_1759 = arith.constant 0 : i32
          %dma_wait3A_1760 = tpu.memref_slice %arg10[%run_scoped3A_1734, %dma_wait3A_1759] : memref<3x128xi32, #tpu.memory_space<vmem>> -> memref<1x128xi32, #tpu.memory_space<vmem>>
          %dma_wait3A_1761 = tpu.memref_squeeze %dma_wait3A_1760 : memref<1x128xi32, #tpu.memory_space<vmem>> -> memref<128xi32, #tpu.memory_space<vmem>>
          %dma_wait3A_1762 = tpu.memref_slice %arg2[%run_scoped3A_1733, %select_n3A_1714, %mul3A_1732] : memref<3x200x1024xi32, #tpu.memory_space<hbm>> -> memref<1x1x128xi32, #tpu.memory_space<hbm>>
          %dma_wait3A_1763 = tpu.memref_squeeze %dma_wait3A_1762 : memref<1x1x128xi32, #tpu.memory_space<hbm>> -> memref<128xi32, #tpu.memory_space<hbm>>
          tpu.wait_dma2 semaphore(%run_scoped3A_1743 : memref<!tpu.dma_semaphore, #tpu.memory_space<semaphore_mem>>) src(%dma_wait3A_1763 : memref<128xi32, #tpu.memory_space<hbm>>) dst(%dma_wait3A_1761 : memref<128xi32, #tpu.memory_space<vmem>>)
          tpu.yield
        }) : () -> ()
        %mul3A_1735 = arith.constant 128 : i32
        %mul3A_1736 = arith.muli %select_n3A_1730, %mul3A_1735 : i32
        %run_scoped3A_1737 = arith.constant 1 : i32
        %run_scoped3A_1738 = arith.constant 1 : i32
        "tpu.region"() ({
          %run_scoped3A_1743 = tpu.sem_alloc : memref<!tpu.dma_semaphore, #tpu.memory_space<semaphore_mem>>
          %dma_start3A_1744 = arith.constant 0 : i32
          %dma_start3A_1745 = tpu.memref_slice %arg10[%run_scoped3A_1738, %dma_start3A_1744] : memref<3x128xi32, #tpu.memory_space<vmem>> -> memref<1x128xi32, #tpu.memory_space<vmem>>
          %dma_start3A_1746 = tpu.memref_squeeze %dma_start3A_1745 : memref<1x128xi32, #tpu.memory_space<vmem>> -> memref<128xi32, #tpu.memory_space<vmem>>
          %dma_start3A_1747 = tpu.memref_slice %arg2[%run_scoped3A_1737, %select_n3A_1714, %mul3A_1736] : memref<3x200x1024xi32, #tpu.memory_space<hbm>> -> memref<1x1x128xi32, #tpu.memory_space<hbm>>
          %dma_start3A_1748 = tpu.memref_squeeze %dma_start3A_1747 : memref<1x1x128xi32, #tpu.memory_space<hbm>> -> memref<128xi32, #tpu.memory_space<hbm>>
          %dma_start3A_1749 = arith.constant 0 : i32
          %dma_start3A_1750 = tpu.memref_slice %arg10[%run_scoped3A_1738, %dma_start3A_1749] : memref<3x128xi32, #tpu.memory_space<vmem>> -> memref<1x128xi32, #tpu.memory_space<vmem>>
          %dma_start3A_1751 = tpu.memref_squeeze %dma_start3A_1750 : memref<1x128xi32, #tpu.memory_space<vmem>> -> memref<128xi32, #tpu.memory_space<vmem>>
          %dma_start3A_1752 = tpu.memref_slice %arg2[%run_scoped3A_1737, %select_n3A_1714, %mul3A_1736] : memref<3x200x1024xi32, #tpu.memory_space<hbm>> -> memref<1x1x128xi32, #tpu.memory_space<hbm>>
          %dma_start3A_1753 = tpu.memref_squeeze %dma_start3A_1752 : memref<1x1x128xi32, #tpu.memory_space<hbm>> -> memref<128xi32, #tpu.memory_space<hbm>>
          tpu.enqueue_dma source(%dma_start3A_1753 : memref<128xi32, #tpu.memory_space<hbm>>) target(%dma_start3A_1751 : memref<128xi32, #tpu.memory_space<vmem>>) target_semaphore(%run_scoped3A_1743 : memref<!tpu.dma_semaphore, #tpu.memory_space<semaphore_mem>>)
          %dma_wait3A_1754 = arith.constant 0 : i32
          %dma_wait3A_1755 = tpu.memref_slice %arg10[%run_scoped3A_1738, %dma_wait3A_1754] : memref<3x128xi32, #tpu.memory_space<vmem>> -> memref<1x128xi32, #tpu.memory_space<vmem>>
          %dma_wait3A_1756 = tpu.memref_squeeze %dma_wait3A_1755 : memref<1x128xi32, #tpu.memory_space<vmem>> -> memref<128xi32, #tpu.memory_space<vmem>>
          %dma_wait3A_1757 = tpu.memref_slice %arg2[%run_scoped3A_1737, %select_n3A_1714, %mul3A_1736] : memref<3x200x1024xi32, #tpu.memory_space<hbm>> -> memref<1x1x128xi32, #tpu.memory_space<hbm>>
          %dma_wait3A_1758 = tpu.memref_squeeze %dma_wait3A_1757 : memref<1x1x128xi32, #tpu.memory_space<hbm>> -> memref<128xi32, #tpu.memory_space<hbm>>
          %dma_wait3A_1759 = arith.constant 0 : i32
          %dma_wait3A_1760 = tpu.memref_slice %arg10[%run_scoped3A_1738, %dma_wait3A_1759] : memref<3x128xi32, #tpu.memory_space<vmem>> -> memref<1x128xi32, #tpu.memory_space<vmem>>
          %dma_wait3A_1761 = tpu.memref_squeeze %dma_wait3A_1760 : memref<1x128xi32, #tpu.memory_space<vmem>> -> memref<128xi32, #tpu.memory_space<vmem>>
          %dma_wait3A_1762 = tpu.memref_slice %arg2[%run_scoped3A_1737, %select_n3A_1714, %mul3A_1736] : memref<3x200x1024xi32, #tpu.memory_space<hbm>> -> memref<1x1x128xi32, #tpu.memory_space<hbm>>
          %dma_wait3A_1763 = tpu.memref_squeeze %dma_wait3A_1762 : memref<1x1x128xi32, #tpu.memory_space<hbm>> -> memref<128xi32, #tpu.memory_space<hbm>>
          tpu.wait_dma2 semaphore(%run_scoped3A_1743 : memref<!tpu.dma_semaphore, #tpu.memory_space<semaphore_mem>>) src(%dma_wait3A_1763 : memref<128xi32, #tpu.memory_space<hbm>>) dst(%dma_wait3A_1761 : memref<128xi32, #tpu.memory_space<vmem>>)
          tpu.yield
        }) : () -> ()
        %mul3A_1739 = arith.constant 128 : i32
        %mul3A_1740 = arith.muli %select_n3A_1730, %mul3A_1739 : i32
        %run_scoped3A_1741 = arith.constant 2 : i32
        %run_scoped3A_1742 = arith.constant 2 : i32
        "tpu.region"() ({
          %run_scoped3A_1743 = tpu.sem_alloc : memref<!tpu.dma_semaphore, #tpu.memory_space<semaphore_mem>>
          %dma_start3A_1744 = arith.constant 0 : i32
          %dma_start3A_1745 = tpu.memref_slice %arg10[%run_scoped3A_1742, %dma_start3A_1744] : memref<3x128xi32, #tpu.memory_space<vmem>> -> memref<1x128xi32, #tpu.memory_space<vmem>>
          %dma_start3A_1746 = tpu.memref_squeeze %dma_start3A_1745 : memref<1x128xi32, #tpu.memory_space<vmem>> -> memref<128xi32, #tpu.memory_space<vmem>>
          %dma_start3A_1747 = tpu.memref_slice %arg2[%run_scoped3A_1741, %select_n3A_1714, %mul3A_1740] : memref<3x200x1024xi32, #tpu.memory_space<hbm>> -> memref<1x1x128xi32, #tpu.memory_space<hbm>>
          %dma_start3A_1748 = tpu.memref_squeeze %dma_start3A_1747 : memref<1x1x128xi32, #tpu.memory_space<hbm>> -> memref<128xi32, #tpu.memory_space<hbm>>
          %dma_start3A_1749 = arith.constant 0 : i32
          %dma_start3A_1750 = tpu.memref_slice %arg10[%run_scoped3A_1742, %dma_start3A_1749] : memref<3x128xi32, #tpu.memory_space<vmem>> -> memref<1x128xi32, #tpu.memory_space<vmem>>
          %dma_start3A_1751 = tpu.memref_squeeze %dma_start3A_1750 : memref<1x128xi32, #tpu.memory_space<vmem>> -> memref<128xi32, #tpu.memory_space<vmem>>
          %dma_start3A_1752 = tpu.memref_slice %arg2[%run_scoped3A_1741, %select_n3A_1714, %mul3A_1740] : memref<3x200x1024xi32, #tpu.memory_space<hbm>> -> memref<1x1x128xi32, #tpu.memory_space<hbm>>
          %dma_start3A_1753 = tpu.memref_squeeze %dma_start3A_1752 : memref<1x1x128xi32, #tpu.memory_space<hbm>> -> memref<128xi32, #tpu.memory_space<hbm>>
          tpu.enqueue_dma source(%dma_start3A_1753 : memref<128xi32, #tpu.memory_space<hbm>>) target(%dma_start3A_1751 : memref<128xi32, #tpu.memory_space<vmem>>) target_semaphore(%run_scoped3A_1743 : memref<!tpu.dma_semaphore, #tpu.memory_space<semaphore_mem>>)
          %dma_wait3A_1754 = arith.constant 0 : i32
          %dma_wait3A_1755 = tpu.memref_slice %arg10[%run_scoped3A_1742, %dma_wait3A_1754] : memref<3x128xi32, #tpu.memory_space<vmem>> -> memref<1x128xi32, #tpu.memory_space<vmem>>
          %dma_wait3A_1756 = tpu.memref_squeeze %dma_wait3A_1755 : memref<1x128xi32, #tpu.memory_space<vmem>> -> memref<128xi32, #tpu.memory_space<vmem>>
          %dma_wait3A_1757 = tpu.memref_slice %arg2[%run_scoped3A_1741, %select_n3A_1714, %mul3A_1740] : memref<3x200x1024xi32, #tpu.memory_space<hbm>> -> memref<1x1x128xi32, #tpu.memory_space<hbm>>
          %dma_wait3A_1758 = tpu.memref_squeeze %dma_wait3A_1757 : memref<1x1x128xi32, #tpu.memory_space<hbm>> -> memref<128xi32, #tpu.memory_space<hbm>>
          %dma_wait3A_1759 = arith.constant 0 : i32
          %dma_wait3A_1760 = tpu.memref_slice %arg10[%run_scoped3A_1742, %dma_wait3A_1759] : memref<3x128xi32, #tpu.memory_space<vmem>> -> memref<1x128xi32, #tpu.memory_space<vmem>>
          %dma_wait3A_1761 = tpu.memref_squeeze %dma_wait3A_1760 : memref<1x128xi32, #tpu.memory_space<vmem>> -> memref<128xi32, #tpu.memory_space<vmem>>
          %dma_wait3A_1762 = tpu.memref_slice %arg2[%run_scoped3A_1741, %select_n3A_1714, %mul3A_1740] : memref<3x200x1024xi32, #tpu.memory_space<hbm>> -> memref<1x1x128xi32, #tpu.memory_space<hbm>>
          %dma_wait3A_1763 = tpu.memref_squeeze %dma_wait3A_1762 : memref<1x1x128xi32, #tpu.memory_space<hbm>> -> memref<128xi32, #tpu.memory_space<hbm>>
          tpu.wait_dma2 semaphore(%run_scoped3A_1743 : memref<!tpu.dma_semaphore, #tpu.memory_space<semaphore_mem>>) src(%dma_wait3A_1763 : memref<128xi32, #tpu.memory_space<hbm>>) dst(%dma_wait3A_1761 : memref<128xi32, #tpu.memory_space<vmem>>)
          tpu.yield
        }) : () -> ()
      } else {
      }
      %ge3A_1502 = arith.constant 3 : i32
      %ge3A_1503 = arith.cmpi sge, %add3A_1451, %ge3A_1502 : i32
      %convert_element_type3A_1504 = arith.extui %ge3A_1503 : i1 to i32
      %cond3A_1505 = arith.constant 0 : i32
      %cond3A_1506 = arith.cmpi ne, %convert_element_type3A_1504, %cond3A_1505 : i32
      scf.if %cond3A_1506 {
        %sub3A_1686 = arith.constant 3 : i32
        %sub3A_1687 = arith.subi %add3A_1451, %sub3A_1686 : i32
        %mul3A_1688 = arith.constant 50 : i32
        %mul3A_1689 = arith.muli %add3A, %mul3A_1688 : i32
        %add3A_1690 = arith.addi %mul3A_1689, %sub3A_1687 : i32
        %jit3A_1691 = arith.constant 8 : i32
        %div3A_1692 = arith.divsi %add3A_1690, %jit3A_1691 : i32
        %sign3A_1693 = arith.constant 0 : i32
        %sign3A_1694 = arith.cmpi sgt, %add3A_1690, %sign3A_1693 : i32
        %sign3A_1695 = arith.extui %sign3A_1694 : i1 to i32
        %sign3A_1696 = arith.constant 0 : i32
        %sign3A_1697 = arith.cmpi slt, %add3A_1690, %sign3A_1696 : i32
        %sign3A_1698 = arith.extui %sign3A_1697 : i1 to i32
        %sign3A_1699 = arith.subi %sign3A_1695, %sign3A_1698 : i32
        %sign3A_1700 = arith.constant 0 : i32
        %sign3A_1701 = arith.cmpi sgt, %jit3A_1691, %sign3A_1700 : i32
        %sign3A_1702 = arith.extui %sign3A_1701 : i1 to i32
        %sign3A_1703 = arith.constant 0 : i32
        %sign3A_1704 = arith.cmpi slt, %jit3A_1691, %sign3A_1703 : i32
        %sign3A_1705 = arith.extui %sign3A_1704 : i1 to i32
        %sign3A_1706 = arith.subi %sign3A_1702, %sign3A_1705 : i32
        %ne3A_1707 = arith.cmpi ne, %sign3A_1699, %sign3A_1706 : i32
        %rem3A_1708 = arith.remsi %add3A_1690, %jit3A_1691 : i32
        %ne3A_1709 = arith.constant 0 : i32
        %ne3A_1710 = arith.cmpi ne, %rem3A_1708, %ne3A_1709 : i32
        %and3A_1711 = arith.andi %ne3A_1707, %ne3A_1710 : i1
        %sub3A_1712 = arith.constant 1 : i32
        %sub3A_1713 = arith.subi %div3A_1692, %sub3A_1712 : i32
        %select_n3A_1714 = arith.select %and3A_1711, %sub3A_1713, %div3A_1692 : i32
        %jit3A_1715 = arith.constant 8 : i32
        %eq3A_1716 = arith.constant 0 : i32
        %eq3A_1717 = arith.cmpi eq, %jit3A_1715, %eq3A_1716 : i32
        %jit3A_1718 = arith.constant 1 : i32
        %select_n3A_1719 = arith.select %eq3A_1717, %jit3A_1718, %jit3A_1715 : i32
        %rem3A_1720 = arith.remsi %add3A_1690, %select_n3A_1719 : i32
        %ne3A_1721 = arith.constant 0 : i32
        %ne3A_1722 = arith.cmpi ne, %rem3A_1720, %ne3A_1721 : i32
        %lt3A_1723 = arith.constant 0 : i32
        %lt3A_1724 = arith.cmpi slt, %rem3A_1720, %lt3A_1723 : i32
        %lt3A_1725 = arith.constant 0 : i32
        %lt3A_1726 = arith.cmpi slt, %select_n3A_1719, %lt3A_1725 : i32
        %ne3A_1727 = arith.xori %lt3A_1724, %lt3A_1726 : i1
        %and3A_1728 = arith.andi %ne3A_1727, %ne3A_1722 : i1
        %add3A_1729 = arith.addi %rem3A_1720, %select_n3A_1719 : i32
        %select_n3A_1730 = arith.select %and3A_1728, %add3A_1729, %rem3A_1720 : i32
        %dma_wait3A_1731 = arith.constant 0 : i32
        %dma_wait3A_1732 = arith.constant 0 : i32
        %dma_wait3A_1733 = arith.constant 0 : i32
        %dma_wait3A_1734 = tpu.memref_slice %arg16[%dma_wait3A_1731, %dma_wait3A_1732, %dma_wait3A_1733] : memref<12x8x129xf32, #tpu.memory_space<vmem>> -> memref<12x8x128xf32, #tpu.memory_space<vmem>>
        %dma_wait3A_1735 = arith.constant 0 : i32
        %dma_wait3A_1736 = arith.constant 0 : i32
        %dma_wait3A_1737 = arith.constant 0 : i32
        %dma_wait3A_1738 = tpu.memref_slice %arg7[%select_n3A_1714, %dma_wait3A_1735, %select_n3A_1730, %dma_wait3A_1736, %dma_wait3A_1737] : memref<200x12x8x8x128xf32, #tpu.memory_space<hbm>> -> memref<1x12x1x8x128xf32, #tpu.memory_space<hbm>>
        %dma_wait3A_1739 = tpu.memref_squeeze %dma_wait3A_1738 : memref<1x12x1x8x128xf32, #tpu.memory_space<hbm>> -> memref<12x8x128xf32, #tpu.memory_space<hbm>>
        %dma_wait3A_1740 = arith.constant 0 : i32
        %dma_wait3A_1741 = arith.constant 0 : i32
        %dma_wait3A_1742 = arith.constant 0 : i32
        %dma_wait3A_1743 = tpu.memref_slice %arg7[%select_n3A_1714, %dma_wait3A_1740, %select_n3A_1730, %dma_wait3A_1741, %dma_wait3A_1742] : memref<200x12x8x8x128xf32, #tpu.memory_space<hbm>> -> memref<1x12x1x8x128xf32, #tpu.memory_space<hbm>>
        %dma_wait3A_1744 = tpu.memref_squeeze %dma_wait3A_1743 : memref<1x12x1x8x128xf32, #tpu.memory_space<hbm>> -> memref<12x8x128xf32, #tpu.memory_space<hbm>>
        %dma_wait3A_1745 = arith.constant 0 : i32
        %dma_wait3A_1746 = arith.constant 0 : i32
        %dma_wait3A_1747 = arith.constant 0 : i32
        %dma_wait3A_1748 = tpu.memref_slice %arg16[%dma_wait3A_1745, %dma_wait3A_1746, %dma_wait3A_1747] : memref<12x8x129xf32, #tpu.memory_space<vmem>> -> memref<12x8x128xf32, #tpu.memory_space<vmem>>
        tpu.wait_dma2 semaphore(%arg23 : memref<!tpu.dma_semaphore, #tpu.memory_space<semaphore_mem>>) src(%dma_wait3A_1748 : memref<12x8x128xf32, #tpu.memory_space<vmem>>) dst(%dma_wait3A_1744 : memref<12x8x128xf32, #tpu.memory_space<hbm>>)
      } else {
      }
      %mul3A_1507 = arith.constant 50 : i32
      %mul3A_1508 = arith.muli %add3A, %mul3A_1507 : i32
      %add3A_1509 = arith.addi %mul3A_1508, %add3A_1451 : i32
      %jit3A_1510 = arith.constant 8 : i32
      %div3A_1511 = arith.divsi %add3A_1509, %jit3A_1510 : i32
      %sign3A_1512 = arith.constant 0 : i32
      %sign3A_1513 = arith.cmpi sgt, %add3A_1509, %sign3A_1512 : i32
      %sign3A_1514 = arith.extui %sign3A_1513 : i1 to i32
      %sign3A_1515 = arith.constant 0 : i32
      %sign3A_1516 = arith.cmpi slt, %add3A_1509, %sign3A_1515 : i32
      %sign3A_1517 = arith.extui %sign3A_1516 : i1 to i32
      %sign3A_1518 = arith.subi %sign3A_1514, %sign3A_1517 : i32
      %sign3A_1519 = arith.constant 0 : i32
      %sign3A_1520 = arith.cmpi sgt, %jit3A_1510, %sign3A_1519 : i32
      %sign3A_1521 = arith.extui %sign3A_1520 : i1 to i32
      %sign3A_1522 = arith.constant 0 : i32
      %sign3A_1523 = arith.cmpi slt, %jit3A_1510, %sign3A_1522 : i32
      %sign3A_1524 = arith.extui %sign3A_1523 : i1 to i32
      %sign3A_1525 = arith.subi %sign3A_1521, %sign3A_1524 : i32
      %ne3A_1526 = arith.cmpi ne, %sign3A_1518, %sign3A_1525 : i32
      %rem3A_1527 = arith.remsi %add3A_1509, %jit3A_1510 : i32
      %ne3A_1528 = arith.constant 0 : i32
      %ne3A_1529 = arith.cmpi ne, %rem3A_1527, %ne3A_1528 : i32
      %and3A_1530 = arith.andi %ne3A_1526, %ne3A_1529 : i1
      %sub3A_1531 = arith.constant 1 : i32
      %sub3A_1532 = arith.subi %div3A_1511, %sub3A_1531 : i32
      %select_n3A_1533 = arith.select %and3A_1530, %sub3A_1532, %div3A_1511 : i32
      %jit3A_1534 = arith.constant 8 : i32
      %eq3A_1535 = arith.constant 0 : i32
      %eq3A_1536 = arith.cmpi eq, %jit3A_1534, %eq3A_1535 : i32
      %jit3A_1537 = arith.constant 1 : i32
      %select_n3A_1538 = arith.select %eq3A_1536, %jit3A_1537, %jit3A_1534 : i32
      %rem3A_1539 = arith.remsi %add3A_1509, %select_n3A_1538 : i32
      %ne3A_1540 = arith.constant 0 : i32
      %ne3A_1541 = arith.cmpi ne, %rem3A_1539, %ne3A_1540 : i32
      %lt3A_1542 = arith.constant 0 : i32
      %lt3A_1543 = arith.cmpi slt, %rem3A_1539, %lt3A_1542 : i32
      %lt3A_1544 = arith.constant 0 : i32
      %lt3A_1545 = arith.cmpi slt, %select_n3A_1538, %lt3A_1544 : i32
      %ne3A_1546 = arith.xori %lt3A_1543, %lt3A_1545 : i1
      %and3A_1547 = arith.andi %ne3A_1546, %ne3A_1541 : i1
      %add3A_1548 = arith.addi %rem3A_1539, %select_n3A_1538 : i32
      %select_n3A_1549 = arith.select %and3A_1547, %add3A_1548, %rem3A_1539 : i32
      %get3A_1550 = arith.index_cast %select_n3A_1533 : i32 to index
      %get3A_1551 = arith.constant 0 : index
      %get3A_1552 = tpu.vector_load %arg17[%get3A_1550, %get3A_1551] {strides = array<i32>} : memref<200x96xf32, #tpu.memory_space<vmem>>, vector<16xf32>,
      %get3A_1553 = arith.index_cast %select_n3A_1533 : i32 to index
      %get3A_1554 = arith.constant 16 : index
      %get3A_1555 = tpu.vector_load %arg17[%get3A_1553, %get3A_1554] {strides = array<i32>} : memref<200x96xf32, #tpu.memory_space<vmem>>, vector<16xf32>,
      %get3A_1556 = arith.index_cast %select_n3A_1533 : i32 to index
      %get3A_1557 = arith.constant 32 : index
      %get3A_1558 = tpu.vector_load %arg17[%get3A_1556, %get3A_1557] {strides = array<i32>} : memref<200x96xf32, #tpu.memory_space<vmem>>, vector<16xf32>,
      %get3A_1559 = arith.index_cast %select_n3A_1533 : i32 to index
      %get3A_1560 = arith.constant 48 : index
      %get3A_1561 = tpu.vector_load %arg17[%get3A_1559, %get3A_1560] {strides = array<i32>} : memref<200x96xf32, #tpu.memory_space<vmem>>, vector<16xf32>,
      %get3A_1562 = arith.index_cast %select_n3A_1533 : i32 to index
      %get3A_1563 = arith.constant 64 : index
      %get3A_1564 = tpu.vector_load %arg17[%get3A_1562, %get3A_1563] {strides = array<i32>} : memref<200x96xf32, #tpu.memory_space<vmem>>, vector<16xf32>,
      %get3A_1565 = arith.index_cast %select_n3A_1533 : i32 to index
      %get3A_1566 = arith.constant 80 : index
      %get3A_1567 = tpu.vector_load %arg17[%get3A_1565, %get3A_1566] {strides = array<i32>} : memref<200x96xf32, #tpu.memory_space<vmem>>, vector<16xf32>,
      %add3A_1568 = arith.constant 0 : i32
      %add3A_1569 = vector.broadcast %add3A_1568 : i32 to vector<16xi32>
      %add3A_1570 = arith.addi %add3A_1569, %iota3A : vector<16xi32>
      %add3A_1571 = arith.constant 16 : i32
      %add3A_1572 = vector.broadcast %add3A_1571 : i32 to vector<16xi32>
      %add3A_1573 = arith.addi %add3A_1572, %iota3A : vector<16xi32>
      %add3A_1574 = arith.constant 32 : i32
      %add3A_1575 = vector.broadcast %add3A_1574 : i32 to vector<16xi32>
      %add3A_1576 = arith.addi %add3A_1575, %iota3A : vector<16xi32>
      %add3A_1577 = arith.constant 48 : i32
      %add3A_1578 = vector.broadcast %add3A_1577 : i32 to vector<16xi32>
      %add3A_1579 = arith.addi %add3A_1578, %iota3A : vector<16xi32>
      %add3A_1580 = arith.constant 64 : i32
      %add3A_1581 = vector.broadcast %add3A_1580 : i32 to vector<16xi32>
      %add3A_1582 = arith.addi %add3A_1581, %iota3A : vector<16xi32>
      %add3A_1583 = arith.constant 80 : i32
      %add3A_1584 = vector.broadcast %add3A_1583 : i32 to vector<16xi32>
      %add3A_1585 = arith.addi %add3A_1584, %iota3A : vector<16xi32>
      %shift_right_logical3A_1586 = arith.constant 3 : i32
      %shift_right_logical3A_1587 = vector.broadcast %shift_right_logical3A_1586 : i32 to vector<16xi32>
      %shift_right_logical3A_1588 = arith.shrui %add3A_1570, %shift_right_logical3A_1587 : vector<16xi32>
      %shift_right_logical3A_1589 = arith.constant 3 : i32
      %shift_right_logical3A_1590 = vector.broadcast %shift_right_logical3A_1589 : i32 to vector<16xi32>
      %shift_right_logical3A_1591 = arith.shrui %add3A_1573, %shift_right_logical3A_1590 : vector<16xi32>
      %shift_right_logical3A_1592 = arith.constant 3 : i32
      %shift_right_logical3A_1593 = vector.broadcast %shift_right_logical3A_1592 : i32 to vector<16xi32>
      %shift_right_logical3A_1594 = arith.shrui %add3A_1576, %shift_right_logical3A_1593 : vector<16xi32>
      %shift_right_logical3A_1595 = arith.constant 3 : i32
      %shift_right_logical3A_1596 = vector.broadcast %shift_right_logical3A_1595 : i32 to vector<16xi32>
      %shift_right_logical3A_1597 = arith.shrui %add3A_1579, %shift_right_logical3A_1596 : vector<16xi32>
      %shift_right_logical3A_1598 = arith.constant 3 : i32
      %shift_right_logical3A_1599 = vector.broadcast %shift_right_logical3A_1598 : i32 to vector<16xi32>
      %shift_right_logical3A_1600 = arith.shrui %add3A_1582, %shift_right_logical3A_1599 : vector<16xi32>
      %shift_right_logical3A_1601 = arith.constant 3 : i32
      %shift_right_logical3A_1602 = vector.broadcast %shift_right_logical3A_1601 : i32 to vector<16xi32>
      %shift_right_logical3A_1603 = arith.shrui %add3A_1585, %shift_right_logical3A_1602 : vector<16xi32>
      %and3A_1604 = arith.constant 7 : i32
      %and3A_1605 = vector.broadcast %and3A_1604 : i32 to vector<16xi32>
      %and3A_1606 = arith.andi %add3A_1570, %and3A_1605 : vector<16xi32>
      %and3A_1607 = arith.constant 7 : i32
      %and3A_1608 = vector.broadcast %and3A_1607 : i32 to vector<16xi32>
      %and3A_1609 = arith.andi %add3A_1573, %and3A_1608 : vector<16xi32>
      %and3A_1610 = arith.constant 7 : i32
      %and3A_1611 = vector.broadcast %and3A_1610 : i32 to vector<16xi32>
      %and3A_1612 = arith.andi %add3A_1576, %and3A_1611 : vector<16xi32>
      %and3A_1613 = arith.constant 7 : i32
      %and3A_1614 = vector.broadcast %and3A_1613 : i32 to vector<16xi32>
      %and3A_1615 = arith.andi %add3A_1579, %and3A_1614 : vector<16xi32>
      %and3A_1616 = arith.constant 7 : i32
      %and3A_1617 = vector.broadcast %and3A_1616 : i32 to vector<16xi32>
      %and3A_1618 = arith.andi %add3A_1582, %and3A_1617 : vector<16xi32>
      %and3A_1619 = arith.constant 7 : i32
      %and3A_1620 = vector.broadcast %and3A_1619 : i32 to vector<16xi32>
      %and3A_1621 = arith.andi %add3A_1585, %and3A_1620 : vector<16xi32>
      %parallel_loop3A_1622 = arith.constant 0 : i32
      %parallel_loop3A_1623 = arith.constant 128 : i32
      %parallel_loop3A_1624 = arith.constant 1 : i32
      scf.for %parallel_loop3A_1686 = %parallel_loop3A_1622 to %parallel_loop3A_1623 step %parallel_loop3A_1624  : i32 {
        %parallel_loop3A_1687 = arith.constant 0 : i32
        %parallel_loop3A_1688 = vector.broadcast %parallel_loop3A_1687 : i32 to vector<16xi32>
        %parallel_loop3A_1689 = arith.muli %iota3A, %parallel_loop3A_1688 : vector<16xi32>
        %parallel_loop3A_1690 = vector.broadcast %parallel_loop3A_1686 : i32 to vector<16xi32>
        %parallel_loop3A_1691 = arith.addi %parallel_loop3A_1689, %parallel_loop3A_1690 : vector<16xi32>
        %parallel_loop3A_1692 = arith.constant 0 : i32
        %parallel_loop3A_1693 = arith.index_cast %parallel_loop3A_1692 : i32 to index
        %parallel_loop3A_1694 = arith.index_cast %parallel_loop3A_1686 : i32 to index
        %parallel_loop3A_1695 = arith.constant 0 : index
        %parallel_loop3A_1696 = tpu.vector_load %arg13[%parallel_loop3A_1693, %parallel_loop3A_1694, %parallel_loop3A_1695] {strides = array<i32>} : memref<3x128x32xf32, #tpu.memory_space<vmem>>, vector<16xf32>,
        %parallel_loop3A_1697 = arith.addf %parallel_loop3A_1696, %get3A_1552 : vector<16xf32>
        tpu.vector_store_idx %arg16[%shift_right_logical3A_1588, %and3A_1606, %parallel_loop3A_1691], %parallel_loop3A_1697 : memref<12x8x129xf32, #tpu.memory_space<vmem>>[vector<16xi32>, vector<16xi32>, vector<16xi32>], vector<16xf32>,
        %parallel_loop3A_1698 = arith.constant 0 : i32
        %parallel_loop3A_1699 = arith.index_cast %parallel_loop3A_1698 : i32 to index
        %parallel_loop3A_1700 = arith.index_cast %parallel_loop3A_1686 : i32 to index
        %parallel_loop3A_1701 = arith.constant 16 : index
        %parallel_loop3A_1702 = tpu.vector_load %arg13[%parallel_loop3A_1699, %parallel_loop3A_1700, %parallel_loop3A_1701] {strides = array<i32>} : memref<3x128x32xf32, #tpu.memory_space<vmem>>, vector<16xf32>,
        %parallel_loop3A_1703 = arith.addf %parallel_loop3A_1702, %get3A_1555 : vector<16xf32>
        tpu.vector_store_idx %arg16[%shift_right_logical3A_1591, %and3A_1609, %parallel_loop3A_1691], %parallel_loop3A_1703 : memref<12x8x129xf32, #tpu.memory_space<vmem>>[vector<16xi32>, vector<16xi32>, vector<16xi32>], vector<16xf32>,
        %parallel_loop3A_1704 = arith.constant 1 : i32
        %parallel_loop3A_1705 = arith.index_cast %parallel_loop3A_1704 : i32 to index
        %parallel_loop3A_1706 = arith.index_cast %parallel_loop3A_1686 : i32 to index
        %parallel_loop3A_1707 = arith.constant 0 : index
        %parallel_loop3A_1708 = tpu.vector_load %arg13[%parallel_loop3A_1705, %parallel_loop3A_1706, %parallel_loop3A_1707] {strides = array<i32>} : memref<3x128x32xf32, #tpu.memory_space<vmem>>, vector<16xf32>,
        %parallel_loop3A_1709 = arith.addf %parallel_loop3A_1708, %get3A_1558 : vector<16xf32>
        tpu.vector_store_idx %arg16[%shift_right_logical3A_1594, %and3A_1612, %parallel_loop3A_1691], %parallel_loop3A_1709 : memref<12x8x129xf32, #tpu.memory_space<vmem>>[vector<16xi32>, vector<16xi32>, vector<16xi32>], vector<16xf32>,
        %parallel_loop3A_1710 = arith.constant 1 : i32
        %parallel_loop3A_1711 = arith.index_cast %parallel_loop3A_1710 : i32 to index
        %parallel_loop3A_1712 = arith.index_cast %parallel_loop3A_1686 : i32 to index
        %parallel_loop3A_1713 = arith.constant 16 : index
        %parallel_loop3A_1714 = tpu.vector_load %arg13[%parallel_loop3A_1711, %parallel_loop3A_1712, %parallel_loop3A_1713] {strides = array<i32>} : memref<3x128x32xf32, #tpu.memory_space<vmem>>, vector<16xf32>,
        %parallel_loop3A_1715 = arith.addf %parallel_loop3A_1714, %get3A_1561 : vector<16xf32>
        tpu.vector_store_idx %arg16[%shift_right_logical3A_1597, %and3A_1615, %parallel_loop3A_1691], %parallel_loop3A_1715 : memref<12x8x129xf32, #tpu.memory_space<vmem>>[vector<16xi32>, vector<16xi32>, vector<16xi32>], vector<16xf32>,
        %parallel_loop3A_1716 = arith.constant 2 : i32
        %parallel_loop3A_1717 = arith.index_cast %parallel_loop3A_1716 : i32 to index
        %parallel_loop3A_1718 = arith.index_cast %parallel_loop3A_1686 : i32 to index
        %parallel_loop3A_1719 = arith.constant 0 : index
        %parallel_loop3A_1720 = tpu.vector_load %arg13[%parallel_loop3A_1717, %parallel_loop3A_1718, %parallel_loop3A_1719] {strides = array<i32>} : memref<3x128x32xf32, #tpu.memory_space<vmem>>, vector<16xf32>,
        %parallel_loop3A_1721 = arith.addf %parallel_loop3A_1720, %get3A_1564 : vector<16xf32>
        tpu.vector_store_idx %arg16[%shift_right_logical3A_1600, %and3A_1618, %parallel_loop3A_1691], %parallel_loop3A_1721 : memref<12x8x129xf32, #tpu.memory_space<vmem>>[vector<16xi32>, vector<16xi32>, vector<16xi32>], vector<16xf32>,
        %parallel_loop3A_1722 = arith.constant 2 : i32
        %parallel_loop3A_1723 = arith.index_cast %parallel_loop3A_1722 : i32 to index
        %parallel_loop3A_1724 = arith.index_cast %parallel_loop3A_1686 : i32 to index
        %parallel_loop3A_1725 = arith.constant 16 : index
        %parallel_loop3A_1726 = tpu.vector_load %arg13[%parallel_loop3A_1723, %parallel_loop3A_1724, %parallel_loop3A_1725] {strides = array<i32>} : memref<3x128x32xf32, #tpu.memory_space<vmem>>, vector<16xf32>,
        %parallel_loop3A_1727 = arith.addf %parallel_loop3A_1726, %get3A_1567 : vector<16xf32>
        tpu.vector_store_idx %arg16[%shift_right_logical3A_1603, %and3A_1621, %parallel_loop3A_1691], %parallel_loop3A_1727 : memref<12x8x129xf32, #tpu.memory_space<vmem>>[vector<16xi32>, vector<16xi32>, vector<16xi32>], vector<16xf32>,
      } {sc.loop_unroll_factor = 4 : i64, sc.parallel_access}
      %mul3A_1625 = arith.constant 50 : i32
      %mul3A_1626 = arith.muli %add3A, %mul3A_1625 : i32
      %add3A_1627 = arith.addi %mul3A_1626, %add3A_1451 : i32
      %jit3A_1628 = arith.constant 8 : i32
      %div3A_1629 = arith.divsi %add3A_1627, %jit3A_1628 : i32
      %sign3A_1630 = arith.constant 0 : i32
      %sign3A_1631 = arith.cmpi sgt, %add3A_1627, %sign3A_1630 : i32
      %sign3A_1632 = arith.extui %sign3A_1631 : i1 to i32
      %sign3A_1633 = arith.constant 0 : i32
      %sign3A_1634 = arith.cmpi slt, %add3A_1627, %sign3A_1633 : i32
      %sign3A_1635 = arith.extui %sign3A_1634 : i1 to i32
      %sign3A_1636 = arith.subi %sign3A_1632, %sign3A_1635 : i32
      %sign3A_1637 = arith.constant 0 : i32
      %sign3A_1638 = arith.cmpi sgt, %jit3A_1628, %sign3A_1637 : i32
      %sign3A_1639 = arith.extui %sign3A_1638 : i1 to i32
      %sign3A_1640 = arith.constant 0 : i32
      %sign3A_1641 = arith.cmpi slt, %jit3A_1628, %sign3A_1640 : i32
      %sign3A_1642 = arith.extui %sign3A_1641 : i1 to i32
      %sign3A_1643 = arith.subi %sign3A_1639, %sign3A_1642 : i32
      %ne3A_1644 = arith.cmpi ne, %sign3A_1636, %sign3A_1643 : i32
      %rem3A_1645 = arith.remsi %add3A_1627, %jit3A_1628 : i32
      %ne3A_1646 = arith.constant 0 : i32
      %ne3A_1647 = arith.cmpi ne, %rem3A_1645, %ne3A_1646 : i32
      %and3A_1648 = arith.andi %ne3A_1644, %ne3A_1647 : i1
      %sub3A_1649 = arith.constant 1 : i32
      %sub3A_1650 = arith.subi %div3A_1629, %sub3A_1649 : i32
      %select_n3A_1651 = arith.select %and3A_1648, %sub3A_1650, %div3A_1629 : i32
      %jit3A_1652 = arith.constant 8 : i32
      %eq3A_1653 = arith.constant 0 : i32
      %eq3A_1654 = arith.cmpi eq, %jit3A_1652, %eq3A_1653 : i32
      %jit3A_1655 = arith.constant 1 : i32
      %select_n3A_1656 = arith.select %eq3A_1654, %jit3A_1655, %jit3A_1652 : i32
      %rem3A_1657 = arith.remsi %add3A_1627, %select_n3A_1656 : i32
      %ne3A_1658 = arith.constant 0 : i32
      %ne3A_1659 = arith.cmpi ne, %rem3A_1657, %ne3A_1658 : i32
      %lt3A_1660 = arith.constant 0 : i32
      %lt3A_1661 = arith.cmpi slt, %rem3A_1657, %lt3A_1660 : i32
      %lt3A_1662 = arith.constant 0 : i32
      %lt3A_1663 = arith.cmpi slt, %select_n3A_1656, %lt3A_1662 : i32
      %ne3A_1664 = arith.xori %lt3A_1661, %lt3A_1663 : i1
      %and3A_1665 = arith.andi %ne3A_1664, %ne3A_1659 : i1
      %add3A_1666 = arith.addi %rem3A_1657, %select_n3A_1656 : i32
      %select_n3A_1667 = arith.select %and3A_1665, %add3A_1666, %rem3A_1657 : i32
      %dma_start3A_1668 = arith.constant 0 : i32
      %dma_start3A_1669 = arith.constant 0 : i32
      %dma_start3A_1670 = arith.constant 0 : i32
      %dma_start3A_1671 = tpu.memref_slice %arg16[%dma_start3A_1668, %dma_start3A_1669, %dma_start3A_1670] : memref<12x8x129xf32, #tpu.memory_space<vmem>> -> memref<12x8x128xf32, #tpu.memory_space<vmem>>
      %dma_start3A_1672 = arith.constant 0 : i32
      %dma_start3A_1673 = arith.constant 0 : i32
      %dma_start3A_1674 = arith.constant 0 : i32
      %dma_start3A_1675 = tpu.memref_slice %arg7[%select_n3A_1651, %dma_start3A_1672, %select_n3A_1667, %dma_start3A_1673, %dma_start3A_1674] : memref<200x12x8x8x128xf32, #tpu.memory_space<hbm>> -> memref<1x12x1x8x128xf32, #tpu.memory_space<hbm>>
      %dma_start3A_1676 = tpu.memref_squeeze %dma_start3A_1675 : memref<1x12x1x8x128xf32, #tpu.memory_space<hbm>> -> memref<12x8x128xf32, #tpu.memory_space<hbm>>
      %dma_start3A_1677 = arith.constant 0 : i32
      %dma_start3A_1678 = arith.constant 0 : i32
      %dma_start3A_1679 = arith.constant 0 : i32
      %dma_start3A_1680 = tpu.memref_slice %arg7[%select_n3A_1651, %dma_start3A_1677, %select_n3A_1667, %dma_start3A_1678, %dma_start3A_1679] : memref<200x12x8x8x128xf32, #tpu.memory_space<hbm>> -> memref<1x12x1x8x128xf32, #tpu.memory_space<hbm>>
      %dma_start3A_1681 = tpu.memref_squeeze %dma_start3A_1680 : memref<1x12x1x8x128xf32, #tpu.memory_space<hbm>> -> memref<12x8x128xf32, #tpu.memory_space<hbm>>
      %dma_start3A_1682 = arith.constant 0 : i32
      %dma_start3A_1683 = arith.constant 0 : i32
      %dma_start3A_1684 = arith.constant 0 : i32
      %dma_start3A_1685 = tpu.memref_slice %arg16[%dma_start3A_1682, %dma_start3A_1683, %dma_start3A_1684] : memref<12x8x129xf32, #tpu.memory_space<vmem>> -> memref<12x8x128xf32, #tpu.memory_space<vmem>>
      tpu.enqueue_dma source(%dma_start3A_1685 : memref<12x8x128xf32, #tpu.memory_space<vmem>>) target(%dma_start3A_1681 : memref<12x8x128xf32, #tpu.memory_space<hbm>>) target_semaphore(%arg23 : memref<!tpu.dma_semaphore, #tpu.memory_space<semaphore_mem>>)
    }
    %scan3A_233 = arith.constant 16 : i32
    %dma_wait3A = arith.constant 0 : i32
    %dma_wait3A_234 = arith.constant 0 : i32
    %dma_wait3A_235 = arith.constant 0 : i32
    %dma_wait3A_236 = arith.constant 0 : i32
    %dma_wait3A_237 = tpu.memref_slice %arg11[%dma_wait3A_234, %dma_wait3A_235, %dma_wait3A_236] : memref<3x128x32xf32, #tpu.memory_space<vmem>> -> memref<1x128x32xf32, #tpu.memory_space<vmem>>
    %dma_wait3A_238 = tpu.memref_squeeze %dma_wait3A_237 : memref<1x128x32xf32, #tpu.memory_space<vmem>> -> memref<128x32xf32, #tpu.memory_space<vmem>>
    %dma_wait3A_239 = arith.constant 0 : i32
    %dma_wait3A_240 = tpu.memref_slice %arg8[%dma_wait3A, %dma_wait3A_239] : memref<3x128xi32, #tpu.memory_space<vmem>> -> memref<1x128xi32, #tpu.memory_space<vmem>>
    %dma_wait3A_241 = tpu.memref_squeeze %dma_wait3A_240 : memref<1x128xi32, #tpu.memory_space<vmem>> -> memref<128xi32, #tpu.memory_space<vmem>>
    %dma_wait3A_242 = arith.constant 0 : i32
    %dma_wait3A_243 = arith.constant 0 : i32
    %dma_wait3A_244 = tpu.memref_slice %arg3[%dma_wait3A_242, %dma_wait3A_243] : memref<100000x32xf32, #tpu.memory_space<hbm>> -> memref<100000x32xf32, #tpu.memory_space<hbm>>
    tpu.wait_indirect_dma semaphore(%arg18 : memref<!tpu.dma_semaphore, #tpu.memory_space<semaphore_mem>>) src(%dma_wait3A_244 : memref<100000x32xf32, #tpu.memory_space<hbm>>) dst(%dma_wait3A_238 : memref<128x32xf32, #tpu.memory_space<vmem>>)
    %dma_wait3A_245 = arith.constant 1 : i32
    %dma_wait3A_246 = arith.constant 1 : i32
    %dma_wait3A_247 = arith.constant 0 : i32
    %dma_wait3A_248 = arith.constant 0 : i32
    %dma_wait3A_249 = tpu.memref_slice %arg11[%dma_wait3A_246, %dma_wait3A_247, %dma_wait3A_248] : memref<3x128x32xf32, #tpu.memory_space<vmem>> -> memref<1x128x32xf32, #tpu.memory_space<vmem>>
    %dma_wait3A_250 = tpu.memref_squeeze %dma_wait3A_249 : memref<1x128x32xf32, #tpu.memory_space<vmem>> -> memref<128x32xf32, #tpu.memory_space<vmem>>
    %dma_wait3A_251 = arith.constant 0 : i32
    %dma_wait3A_252 = tpu.memref_slice %arg8[%dma_wait3A_245, %dma_wait3A_251] : memref<3x128xi32, #tpu.memory_space<vmem>> -> memref<1x128xi32, #tpu.memory_space<vmem>>
    %dma_wait3A_253 = tpu.memref_squeeze %dma_wait3A_252 : memref<1x128xi32, #tpu.memory_space<vmem>> -> memref<128xi32, #tpu.memory_space<vmem>>
    %dma_wait3A_254 = arith.constant 0 : i32
    %dma_wait3A_255 = arith.constant 0 : i32
    %dma_wait3A_256 = tpu.memref_slice %arg4[%dma_wait3A_254, %dma_wait3A_255] : memref<100000x32xf32, #tpu.memory_space<hbm>> -> memref<100000x32xf32, #tpu.memory_space<hbm>>
    tpu.wait_indirect_dma semaphore(%arg18 : memref<!tpu.dma_semaphore, #tpu.memory_space<semaphore_mem>>) src(%dma_wait3A_256 : memref<100000x32xf32, #tpu.memory_space<hbm>>) dst(%dma_wait3A_250 : memref<128x32xf32, #tpu.memory_space<vmem>>)
    %dma_wait3A_257 = arith.constant 2 : i32
    %dma_wait3A_258 = arith.constant 2 : i32
    %dma_wait3A_259 = arith.constant 0 : i32
    %dma_wait3A_260 = arith.constant 0 : i32
    %dma_wait3A_261 = tpu.memref_slice %arg11[%dma_wait3A_258, %dma_wait3A_259, %dma_wait3A_260] : memref<3x128x32xf32, #tpu.memory_space<vmem>> -> memref<1x128x32xf32, #tpu.memory_space<vmem>>
    %dma_wait3A_262 = tpu.memref_squeeze %dma_wait3A_261 : memref<1x128x32xf32, #tpu.memory_space<vmem>> -> memref<128x32xf32, #tpu.memory_space<vmem>>
    %dma_wait3A_263 = arith.constant 0 : i32
    %dma_wait3A_264 = tpu.memref_slice %arg8[%dma_wait3A_257, %dma_wait3A_263] : memref<3x128xi32, #tpu.memory_space<vmem>> -> memref<1x128xi32, #tpu.memory_space<vmem>>
    %dma_wait3A_265 = tpu.memref_squeeze %dma_wait3A_264 : memref<1x128xi32, #tpu.memory_space<vmem>> -> memref<128xi32, #tpu.memory_space<vmem>>
    %dma_wait3A_266 = arith.constant 0 : i32
    %dma_wait3A_267 = arith.constant 0 : i32
    %dma_wait3A_268 = tpu.memref_slice %arg5[%dma_wait3A_266, %dma_wait3A_267] : memref<100000x32xf32, #tpu.memory_space<hbm>> -> memref<100000x32xf32, #tpu.memory_space<hbm>>
    tpu.wait_indirect_dma semaphore(%arg18 : memref<!tpu.dma_semaphore, #tpu.memory_space<semaphore_mem>>) src(%dma_wait3A_268 : memref<100000x32xf32, #tpu.memory_space<hbm>>) dst(%dma_wait3A_262 : memref<128x32xf32, #tpu.memory_space<vmem>>)
    %mul3A_269 = arith.constant 50 : i32
    %mul3A_270 = arith.muli %add3A, %mul3A_269 : i32
    %add3A_271 = arith.constant 45 : i32
    %add3A_272 = arith.addi %mul3A_270, %add3A_271 : i32
    %jit3A_273 = arith.constant 8 : i32
    %div3A_274 = arith.divsi %add3A_272, %jit3A_273 : i32
    %sign3A_275 = arith.constant 0 : i32
    %sign3A_276 = arith.cmpi sgt, %add3A_272, %sign3A_275 : i32
    %sign3A_277 = arith.extui %sign3A_276 : i1 to i32
    %sign3A_278 = arith.constant 0 : i32
    %sign3A_279 = arith.cmpi slt, %add3A_272, %sign3A_278 : i32
    %sign3A_280 = arith.extui %sign3A_279 : i1 to i32
    %sign3A_281 = arith.subi %sign3A_277, %sign3A_280 : i32
    %sign3A_282 = arith.constant 0 : i32
    %sign3A_283 = arith.cmpi sgt, %jit3A_273, %sign3A_282 : i32
    %sign3A_284 = arith.extui %sign3A_283 : i1 to i32
    %sign3A_285 = arith.constant 0 : i32
    %sign3A_286 = arith.cmpi slt, %jit3A_273, %sign3A_285 : i32
    %sign3A_287 = arith.extui %sign3A_286 : i1 to i32
    %sign3A_288 = arith.subi %sign3A_284, %sign3A_287 : i32
    %ne3A_289 = arith.cmpi ne, %sign3A_281, %sign3A_288 : i32
    %rem3A_290 = arith.remsi %add3A_272, %jit3A_273 : i32
    %ne3A_291 = arith.constant 0 : i32
    %ne3A_292 = arith.cmpi ne, %rem3A_290, %ne3A_291 : i32
    %and3A_293 = arith.andi %ne3A_289, %ne3A_292 : i1
    %sub3A_294 = arith.constant 1 : i32
    %sub3A_295 = arith.subi %div3A_274, %sub3A_294 : i32
    %select_n3A_296 = arith.select %and3A_293, %sub3A_295, %div3A_274 : i32
    %jit3A_297 = arith.constant 8 : i32
    %eq3A_298 = arith.constant 0 : i32
    %eq3A_299 = arith.cmpi eq, %jit3A_297, %eq3A_298 : i32
    %jit3A_300 = arith.constant 1 : i32
    %select_n3A_301 = arith.select %eq3A_299, %jit3A_300, %jit3A_297 : i32
    %rem3A_302 = arith.remsi %add3A_272, %select_n3A_301 : i32
    %ne3A_303 = arith.constant 0 : i32
    %ne3A_304 = arith.cmpi ne, %rem3A_302, %ne3A_303 : i32
    %lt3A_305 = arith.constant 0 : i32
    %lt3A_306 = arith.cmpi slt, %rem3A_302, %lt3A_305 : i32
    %lt3A_307 = arith.constant 0 : i32
    %lt3A_308 = arith.cmpi slt, %select_n3A_301, %lt3A_307 : i32
    %ne3A_309 = arith.xori %lt3A_306, %lt3A_308 : i1
    %and3A_310 = arith.andi %ne3A_309, %ne3A_304 : i1
    %add3A_311 = arith.addi %rem3A_302, %select_n3A_301 : i32
    %select_n3A_312 = arith.select %and3A_310, %add3A_311, %rem3A_302 : i32
    %dma_wait3A_313 = arith.constant 0 : i32
    %dma_wait3A_314 = arith.constant 0 : i32
    %dma_wait3A_315 = arith.constant 0 : i32
    %dma_wait3A_316 = tpu.memref_slice %arg14[%dma_wait3A_313, %dma_wait3A_314, %dma_wait3A_315] : memref<12x8x129xf32, #tpu.memory_space<vmem>> -> memref<12x8x128xf32, #tpu.memory_space<vmem>>
    %dma_wait3A_317 = arith.constant 0 : i32
    %dma_wait3A_318 = arith.constant 0 : i32
    %dma_wait3A_319 = arith.constant 0 : i32
    %dma_wait3A_320 = tpu.memref_slice %arg7[%select_n3A_296, %dma_wait3A_317, %select_n3A_312, %dma_wait3A_318, %dma_wait3A_319] : memref<200x12x8x8x128xf32, #tpu.memory_space<hbm>> -> memref<1x12x1x8x128xf32, #tpu.memory_space<hbm>>
    %dma_wait3A_321 = tpu.memref_squeeze %dma_wait3A_320 : memref<1x12x1x8x128xf32, #tpu.memory_space<hbm>> -> memref<12x8x128xf32, #tpu.memory_space<hbm>>
    %dma_wait3A_322 = arith.constant 0 : i32
    %dma_wait3A_323 = arith.constant 0 : i32
    %dma_wait3A_324 = arith.constant 0 : i32
    %dma_wait3A_325 = tpu.memref_slice %arg7[%select_n3A_296, %dma_wait3A_322, %select_n3A_312, %dma_wait3A_323, %dma_wait3A_324] : memref<200x12x8x8x128xf32, #tpu.memory_space<hbm>> -> memref<1x12x1x8x128xf32, #tpu.memory_space<hbm>>
    %dma_wait3A_326 = tpu.memref_squeeze %dma_wait3A_325 : memref<1x12x1x8x128xf32, #tpu.memory_space<hbm>> -> memref<12x8x128xf32, #tpu.memory_space<hbm>>
    %dma_wait3A_327 = arith.constant 0 : i32
    %dma_wait3A_328 = arith.constant 0 : i32
    %dma_wait3A_329 = arith.constant 0 : i32
    %dma_wait3A_330 = tpu.memref_slice %arg14[%dma_wait3A_327, %dma_wait3A_328, %dma_wait3A_329] : memref<12x8x129xf32, #tpu.memory_space<vmem>> -> memref<12x8x128xf32, #tpu.memory_space<vmem>>
    tpu.wait_dma2 semaphore(%arg21 : memref<!tpu.dma_semaphore, #tpu.memory_space<semaphore_mem>>) src(%dma_wait3A_330 : memref<12x8x128xf32, #tpu.memory_space<vmem>>) dst(%dma_wait3A_326 : memref<12x8x128xf32, #tpu.memory_space<hbm>>)
    %mul3A_331 = arith.constant 50 : i32
    %mul3A_332 = arith.muli %add3A, %mul3A_331 : i32
    %add3A_333 = arith.constant 48 : i32
    %add3A_334 = arith.addi %mul3A_332, %add3A_333 : i32
    %jit3A_335 = arith.constant 8 : i32
    %div3A_336 = arith.divsi %add3A_334, %jit3A_335 : i32
    %sign3A_337 = arith.constant 0 : i32
    %sign3A_338 = arith.cmpi sgt, %add3A_334, %sign3A_337 : i32
    %sign3A_339 = arith.extui %sign3A_338 : i1 to i32
    %sign3A_340 = arith.constant 0 : i32
    %sign3A_341 = arith.cmpi slt, %add3A_334, %sign3A_340 : i32
    %sign3A_342 = arith.extui %sign3A_341 : i1 to i32
    %sign3A_343 = arith.subi %sign3A_339, %sign3A_342 : i32
    %sign3A_344 = arith.constant 0 : i32
    %sign3A_345 = arith.cmpi sgt, %jit3A_335, %sign3A_344 : i32
    %sign3A_346 = arith.extui %sign3A_345 : i1 to i32
    %sign3A_347 = arith.constant 0 : i32
    %sign3A_348 = arith.cmpi slt, %jit3A_335, %sign3A_347 : i32
    %sign3A_349 = arith.extui %sign3A_348 : i1 to i32
    %sign3A_350 = arith.subi %sign3A_346, %sign3A_349 : i32
    %ne3A_351 = arith.cmpi ne, %sign3A_343, %sign3A_350 : i32
    %rem3A_352 = arith.remsi %add3A_334, %jit3A_335 : i32
    %ne3A_353 = arith.constant 0 : i32
    %ne3A_354 = arith.cmpi ne, %rem3A_352, %ne3A_353 : i32
    %and3A_355 = arith.andi %ne3A_351, %ne3A_354 : i1
    %sub3A_356 = arith.constant 1 : i32
    %sub3A_357 = arith.subi %div3A_336, %sub3A_356 : i32
    %select_n3A_358 = arith.select %and3A_355, %sub3A_357, %div3A_336 : i32
    %jit3A_359 = arith.constant 8 : i32
    %eq3A_360 = arith.constant 0 : i32
    %eq3A_361 = arith.cmpi eq, %jit3A_359, %eq3A_360 : i32
    %jit3A_362 = arith.constant 1 : i32
    %select_n3A_363 = arith.select %eq3A_361, %jit3A_362, %jit3A_359 : i32
    %rem3A_364 = arith.remsi %add3A_334, %select_n3A_363 : i32
    %ne3A_365 = arith.constant 0 : i32
    %ne3A_366 = arith.cmpi ne, %rem3A_364, %ne3A_365 : i32
    %lt3A_367 = arith.constant 0 : i32
    %lt3A_368 = arith.cmpi slt, %rem3A_364, %lt3A_367 : i32
    %lt3A_369 = arith.constant 0 : i32
    %lt3A_370 = arith.cmpi slt, %select_n3A_363, %lt3A_369 : i32
    %ne3A_371 = arith.xori %lt3A_368, %lt3A_370 : i1
    %and3A_372 = arith.andi %ne3A_371, %ne3A_366 : i1
    %add3A_373 = arith.addi %rem3A_364, %select_n3A_363 : i32
    %select_n3A_374 = arith.select %and3A_372, %add3A_373, %rem3A_364 : i32
    %get3A = arith.index_cast %select_n3A_358 : i32 to index
    %get3A_375 = arith.constant 0 : index
    %get3A_376 = tpu.vector_load %arg17[%get3A, %get3A_375] {strides = array<i32>} : memref<200x96xf32, #tpu.memory_space<vmem>>, vector<16xf32>,
    %get3A_377 = arith.index_cast %select_n3A_358 : i32 to index
    %get3A_378 = arith.constant 16 : index
    %get3A_379 = tpu.vector_load %arg17[%get3A_377, %get3A_378] {strides = array<i32>} : memref<200x96xf32, #tpu.memory_space<vmem>>, vector<16xf32>,
    %get3A_380 = arith.index_cast %select_n3A_358 : i32 to index
    %get3A_381 = arith.constant 32 : index
    %get3A_382 = tpu.vector_load %arg17[%get3A_380, %get3A_381] {strides = array<i32>} : memref<200x96xf32, #tpu.memory_space<vmem>>, vector<16xf32>,
    %get3A_383 = arith.index_cast %select_n3A_358 : i32 to index
    %get3A_384 = arith.constant 48 : index
    %get3A_385 = tpu.vector_load %arg17[%get3A_383, %get3A_384] {strides = array<i32>} : memref<200x96xf32, #tpu.memory_space<vmem>>, vector<16xf32>,
    %get3A_386 = arith.index_cast %select_n3A_358 : i32 to index
    %get3A_387 = arith.constant 64 : index
    %get3A_388 = tpu.vector_load %arg17[%get3A_386, %get3A_387] {strides = array<i32>} : memref<200x96xf32, #tpu.memory_space<vmem>>, vector<16xf32>,
    %get3A_389 = arith.index_cast %select_n3A_358 : i32 to index
    %get3A_390 = arith.constant 80 : index
    %get3A_391 = tpu.vector_load %arg17[%get3A_389, %get3A_390] {strides = array<i32>} : memref<200x96xf32, #tpu.memory_space<vmem>>, vector<16xf32>,
    %add3A_392 = arith.constant 0 : i32
    %add3A_393 = vector.broadcast %add3A_392 : i32 to vector<16xi32>
    %add3A_394 = arith.addi %add3A_393, %iota3A : vector<16xi32>
    %add3A_395 = arith.constant 16 : i32
    %add3A_396 = vector.broadcast %add3A_395 : i32 to vector<16xi32>
    %add3A_397 = arith.addi %add3A_396, %iota3A : vector<16xi32>
    %add3A_398 = arith.constant 32 : i32
    %add3A_399 = vector.broadcast %add3A_398 : i32 to vector<16xi32>
    %add3A_400 = arith.addi %add3A_399, %iota3A : vector<16xi32>
    %add3A_401 = arith.constant 48 : i32
    %add3A_402 = vector.broadcast %add3A_401 : i32 to vector<16xi32>
    %add3A_403 = arith.addi %add3A_402, %iota3A : vector<16xi32>
    %add3A_404 = arith.constant 64 : i32
    %add3A_405 = vector.broadcast %add3A_404 : i32 to vector<16xi32>
    %add3A_406 = arith.addi %add3A_405, %iota3A : vector<16xi32>
    %add3A_407 = arith.constant 80 : i32
    %add3A_408 = vector.broadcast %add3A_407 : i32 to vector<16xi32>
    %add3A_409 = arith.addi %add3A_408, %iota3A : vector<16xi32>
    %shift_right_logical3A = arith.constant 3 : i32
    %shift_right_logical3A_410 = vector.broadcast %shift_right_logical3A : i32 to vector<16xi32>
    %shift_right_logical3A_411 = arith.shrui %add3A_394, %shift_right_logical3A_410 : vector<16xi32>
    %shift_right_logical3A_412 = arith.constant 3 : i32
    %shift_right_logical3A_413 = vector.broadcast %shift_right_logical3A_412 : i32 to vector<16xi32>
    %shift_right_logical3A_414 = arith.shrui %add3A_397, %shift_right_logical3A_413 : vector<16xi32>
    %shift_right_logical3A_415 = arith.constant 3 : i32
    %shift_right_logical3A_416 = vector.broadcast %shift_right_logical3A_415 : i32 to vector<16xi32>
    %shift_right_logical3A_417 = arith.shrui %add3A_400, %shift_right_logical3A_416 : vector<16xi32>
    %shift_right_logical3A_418 = arith.constant 3 : i32
    %shift_right_logical3A_419 = vector.broadcast %shift_right_logical3A_418 : i32 to vector<16xi32>
    %shift_right_logical3A_420 = arith.shrui %add3A_403, %shift_right_logical3A_419 : vector<16xi32>
    %shift_right_logical3A_421 = arith.constant 3 : i32
    %shift_right_logical3A_422 = vector.broadcast %shift_right_logical3A_421 : i32 to vector<16xi32>
    %shift_right_logical3A_423 = arith.shrui %add3A_406, %shift_right_logical3A_422 : vector<16xi32>
    %shift_right_logical3A_424 = arith.constant 3 : i32
    %shift_right_logical3A_425 = vector.broadcast %shift_right_logical3A_424 : i32 to vector<16xi32>
    %shift_right_logical3A_426 = arith.shrui %add3A_409, %shift_right_logical3A_425 : vector<16xi32>
    %and3A_427 = arith.constant 7 : i32
    %and3A_428 = vector.broadcast %and3A_427 : i32 to vector<16xi32>
    %and3A_429 = arith.andi %add3A_394, %and3A_428 : vector<16xi32>
    %and3A_430 = arith.constant 7 : i32
    %and3A_431 = vector.broadcast %and3A_430 : i32 to vector<16xi32>
    %and3A_432 = arith.andi %add3A_397, %and3A_431 : vector<16xi32>
    %and3A_433 = arith.constant 7 : i32
    %and3A_434 = vector.broadcast %and3A_433 : i32 to vector<16xi32>
    %and3A_435 = arith.andi %add3A_400, %and3A_434 : vector<16xi32>
    %and3A_436 = arith.constant 7 : i32
    %and3A_437 = vector.broadcast %and3A_436 : i32 to vector<16xi32>
    %and3A_438 = arith.andi %add3A_403, %and3A_437 : vector<16xi32>
    %and3A_439 = arith.constant 7 : i32
    %and3A_440 = vector.broadcast %and3A_439 : i32 to vector<16xi32>
    %and3A_441 = arith.andi %add3A_406, %and3A_440 : vector<16xi32>
    %and3A_442 = arith.constant 7 : i32
    %and3A_443 = vector.broadcast %and3A_442 : i32 to vector<16xi32>
    %and3A_444 = arith.andi %add3A_409, %and3A_443 : vector<16xi32>
    %parallel_loop3A = arith.constant 0 : i32
    %parallel_loop3A_445 = arith.constant 128 : i32
    %parallel_loop3A_446 = arith.constant 1 : i32
    scf.for %parallel_loop3A_974 = %parallel_loop3A to %parallel_loop3A_445 step %parallel_loop3A_446  : i32 {
      %parallel_loop3A_975 = arith.constant 0 : i32
      %parallel_loop3A_976 = vector.broadcast %parallel_loop3A_975 : i32 to vector<16xi32>
      %parallel_loop3A_977 = arith.muli %iota3A, %parallel_loop3A_976 : vector<16xi32>
      %parallel_loop3A_978 = vector.broadcast %parallel_loop3A_974 : i32 to vector<16xi32>
      %parallel_loop3A_979 = arith.addi %parallel_loop3A_977, %parallel_loop3A_978 : vector<16xi32>
      %parallel_loop3A_980 = arith.constant 0 : i32
      %parallel_loop3A_981 = arith.index_cast %parallel_loop3A_980 : i32 to index
      %parallel_loop3A_982 = arith.index_cast %parallel_loop3A_974 : i32 to index
      %parallel_loop3A_983 = arith.constant 0 : index
      %parallel_loop3A_984 = tpu.vector_load %arg11[%parallel_loop3A_981, %parallel_loop3A_982, %parallel_loop3A_983] {strides = array<i32>} : memref<3x128x32xf32, #tpu.memory_space<vmem>>, vector<16xf32>,
      %parallel_loop3A_985 = arith.addf %parallel_loop3A_984, %get3A_376 : vector<16xf32>
      tpu.vector_store_idx %arg14[%shift_right_logical3A_411, %and3A_429, %parallel_loop3A_979], %parallel_loop3A_985 : memref<12x8x129xf32, #tpu.memory_space<vmem>>[vector<16xi32>, vector<16xi32>, vector<16xi32>], vector<16xf32>,
      %parallel_loop3A_986 = arith.constant 0 : i32
      %parallel_loop3A_987 = arith.index_cast %parallel_loop3A_986 : i32 to index
      %parallel_loop3A_988 = arith.index_cast %parallel_loop3A_974 : i32 to index
      %parallel_loop3A_989 = arith.constant 16 : index
      %parallel_loop3A_990 = tpu.vector_load %arg11[%parallel_loop3A_987, %parallel_loop3A_988, %parallel_loop3A_989] {strides = array<i32>} : memref<3x128x32xf32, #tpu.memory_space<vmem>>, vector<16xf32>,
      %parallel_loop3A_991 = arith.addf %parallel_loop3A_990, %get3A_379 : vector<16xf32>
      tpu.vector_store_idx %arg14[%shift_right_logical3A_414, %and3A_432, %parallel_loop3A_979], %parallel_loop3A_991 : memref<12x8x129xf32, #tpu.memory_space<vmem>>[vector<16xi32>, vector<16xi32>, vector<16xi32>], vector<16xf32>,
      %parallel_loop3A_992 = arith.constant 1 : i32
      %parallel_loop3A_993 = arith.index_cast %parallel_loop3A_992 : i32 to index
      %parallel_loop3A_994 = arith.index_cast %parallel_loop3A_974 : i32 to index
      %parallel_loop3A_995 = arith.constant 0 : index
      %parallel_loop3A_996 = tpu.vector_load %arg11[%parallel_loop3A_993, %parallel_loop3A_994, %parallel_loop3A_995] {strides = array<i32>} : memref<3x128x32xf32, #tpu.memory_space<vmem>>, vector<16xf32>,
      %parallel_loop3A_997 = arith.addf %parallel_loop3A_996, %get3A_382 : vector<16xf32>
      tpu.vector_store_idx %arg14[%shift_right_logical3A_417, %and3A_435, %parallel_loop3A_979], %parallel_loop3A_997 : memref<12x8x129xf32, #tpu.memory_space<vmem>>[vector<16xi32>, vector<16xi32>, vector<16xi32>], vector<16xf32>,
      %parallel_loop3A_998 = arith.constant 1 : i32
      %parallel_loop3A_999 = arith.index_cast %parallel_loop3A_998 : i32 to index
      %parallel_loop3A_1000 = arith.index_cast %parallel_loop3A_974 : i32 to index
      %parallel_loop3A_1001 = arith.constant 16 : index
      %parallel_loop3A_1002 = tpu.vector_load %arg11[%parallel_loop3A_999, %parallel_loop3A_1000, %parallel_loop3A_1001] {strides = array<i32>} : memref<3x128x32xf32, #tpu.memory_space<vmem>>, vector<16xf32>,
      %parallel_loop3A_1003 = arith.addf %parallel_loop3A_1002, %get3A_385 : vector<16xf32>
      tpu.vector_store_idx %arg14[%shift_right_logical3A_420, %and3A_438, %parallel_loop3A_979], %parallel_loop3A_1003 : memref<12x8x129xf32, #tpu.memory_space<vmem>>[vector<16xi32>, vector<16xi32>, vector<16xi32>], vector<16xf32>,
      %parallel_loop3A_1004 = arith.constant 2 : i32
      %parallel_loop3A_1005 = arith.index_cast %parallel_loop3A_1004 : i32 to index
      %parallel_loop3A_1006 = arith.index_cast %parallel_loop3A_974 : i32 to index
      %parallel_loop3A_1007 = arith.constant 0 : index
      %parallel_loop3A_1008 = tpu.vector_load %arg11[%parallel_loop3A_1005, %parallel_loop3A_1006, %parallel_loop3A_1007] {strides = array<i32>} : memref<3x128x32xf32, #tpu.memory_space<vmem>>, vector<16xf32>,
      %parallel_loop3A_1009 = arith.addf %parallel_loop3A_1008, %get3A_388 : vector<16xf32>
      tpu.vector_store_idx %arg14[%shift_right_logical3A_423, %and3A_441, %parallel_loop3A_979], %parallel_loop3A_1009 : memref<12x8x129xf32, #tpu.memory_space<vmem>>[vector<16xi32>, vector<16xi32>, vector<16xi32>], vector<16xf32>,
      %parallel_loop3A_1010 = arith.constant 2 : i32
      %parallel_loop3A_1011 = arith.index_cast %parallel_loop3A_1010 : i32 to index
      %parallel_loop3A_1012 = arith.index_cast %parallel_loop3A_974 : i32 to index
      %parallel_loop3A_1013 = arith.constant 16 : index
      %parallel_loop3A_1014 = tpu.vector_load %arg11[%parallel_loop3A_1011, %parallel_loop3A_1012, %parallel_loop3A_1013] {strides = array<i32>} : memref<3x128x32xf32, #tpu.memory_space<vmem>>, vector<16xf32>,
      %parallel_loop3A_1015 = arith.addf %parallel_loop3A_1014, %get3A_391 : vector<16xf32>
      tpu.vector_store_idx %arg14[%shift_right_logical3A_426, %and3A_444, %parallel_loop3A_979], %parallel_loop3A_1015 : memref<12x8x129xf32, #tpu.memory_space<vmem>>[vector<16xi32>, vector<16xi32>, vector<16xi32>], vector<16xf32>,
    } {sc.loop_unroll_factor = 4 : i64, sc.parallel_access}
    %mul3A_447 = arith.constant 50 : i32
    %mul3A_448 = arith.muli %add3A, %mul3A_447 : i32
    %add3A_449 = arith.constant 48 : i32
    %add3A_450 = arith.addi %mul3A_448, %add3A_449 : i32
    %jit3A_451 = arith.constant 8 : i32
    %div3A_452 = arith.divsi %add3A_450, %jit3A_451 : i32
    %sign3A_453 = arith.constant 0 : i32
    %sign3A_454 = arith.cmpi sgt, %add3A_450, %sign3A_453 : i32
    %sign3A_455 = arith.extui %sign3A_454 : i1 to i32
    %sign3A_456 = arith.constant 0 : i32
    %sign3A_457 = arith.cmpi slt, %add3A_450, %sign3A_456 : i32
    %sign3A_458 = arith.extui %sign3A_457 : i1 to i32
    %sign3A_459 = arith.subi %sign3A_455, %sign3A_458 : i32
    %sign3A_460 = arith.constant 0 : i32
    %sign3A_461 = arith.cmpi sgt, %jit3A_451, %sign3A_460 : i32
    %sign3A_462 = arith.extui %sign3A_461 : i1 to i32
    %sign3A_463 = arith.constant 0 : i32
    %sign3A_464 = arith.cmpi slt, %jit3A_451, %sign3A_463 : i32
    %sign3A_465 = arith.extui %sign3A_464 : i1 to i32
    %sign3A_466 = arith.subi %sign3A_462, %sign3A_465 : i32
    %ne3A_467 = arith.cmpi ne, %sign3A_459, %sign3A_466 : i32
    %rem3A_468 = arith.remsi %add3A_450, %jit3A_451 : i32
    %ne3A_469 = arith.constant 0 : i32
    %ne3A_470 = arith.cmpi ne, %rem3A_468, %ne3A_469 : i32
    %and3A_471 = arith.andi %ne3A_467, %ne3A_470 : i1
    %sub3A_472 = arith.constant 1 : i32
    %sub3A_473 = arith.subi %div3A_452, %sub3A_472 : i32
    %select_n3A_474 = arith.select %and3A_471, %sub3A_473, %div3A_452 : i32
    %jit3A_475 = arith.constant 8 : i32
    %eq3A_476 = arith.constant 0 : i32
    %eq3A_477 = arith.cmpi eq, %jit3A_475, %eq3A_476 : i32
    %jit3A_478 = arith.constant 1 : i32
    %select_n3A_479 = arith.select %eq3A_477, %jit3A_478, %jit3A_475 : i32
    %rem3A_480 = arith.remsi %add3A_450, %select_n3A_479 : i32
    %ne3A_481 = arith.constant 0 : i32
    %ne3A_482 = arith.cmpi ne, %rem3A_480, %ne3A_481 : i32
    %lt3A_483 = arith.constant 0 : i32
    %lt3A_484 = arith.cmpi slt, %rem3A_480, %lt3A_483 : i32
    %lt3A_485 = arith.constant 0 : i32
    %lt3A_486 = arith.cmpi slt, %select_n3A_479, %lt3A_485 : i32
    %ne3A_487 = arith.xori %lt3A_484, %lt3A_486 : i1
    %and3A_488 = arith.andi %ne3A_487, %ne3A_482 : i1
    %add3A_489 = arith.addi %rem3A_480, %select_n3A_479 : i32
    %select_n3A_490 = arith.select %and3A_488, %add3A_489, %rem3A_480 : i32
    %dma_start3A_491 = arith.constant 0 : i32
    %dma_start3A_492 = arith.constant 0 : i32
    %dma_start3A_493 = arith.constant 0 : i32
    %dma_start3A_494 = tpu.memref_slice %arg14[%dma_start3A_491, %dma_start3A_492, %dma_start3A_493] : memref<12x8x129xf32, #tpu.memory_space<vmem>> -> memref<12x8x128xf32, #tpu.memory_space<vmem>>
    %dma_start3A_495 = arith.constant 0 : i32
    %dma_start3A_496 = arith.constant 0 : i32
    %dma_start3A_497 = arith.constant 0 : i32
    %dma_start3A_498 = tpu.memref_slice %arg7[%select_n3A_474, %dma_start3A_495, %select_n3A_490, %dma_start3A_496, %dma_start3A_497] : memref<200x12x8x8x128xf32, #tpu.memory_space<hbm>> -> memref<1x12x1x8x128xf32, #tpu.memory_space<hbm>>
    %dma_start3A_499 = tpu.memref_squeeze %dma_start3A_498 : memref<1x12x1x8x128xf32, #tpu.memory_space<hbm>> -> memref<12x8x128xf32, #tpu.memory_space<hbm>>
    %dma_start3A_500 = arith.constant 0 : i32
    %dma_start3A_501 = arith.constant 0 : i32
    %dma_start3A_502 = arith.constant 0 : i32
    %dma_start3A_503 = tpu.memref_slice %arg7[%select_n3A_474, %dma_start3A_500, %select_n3A_490, %dma_start3A_501, %dma_start3A_502] : memref<200x12x8x8x128xf32, #tpu.memory_space<hbm>> -> memref<1x12x1x8x128xf32, #tpu.memory_space<hbm>>
    %dma_start3A_504 = tpu.memref_squeeze %dma_start3A_503 : memref<1x12x1x8x128xf32, #tpu.memory_space<hbm>> -> memref<12x8x128xf32, #tpu.memory_space<hbm>>
    %dma_start3A_505 = arith.constant 0 : i32
    %dma_start3A_506 = arith.constant 0 : i32
    %dma_start3A_507 = arith.constant 0 : i32
    %dma_start3A_508 = tpu.memref_slice %arg14[%dma_start3A_505, %dma_start3A_506, %dma_start3A_507] : memref<12x8x129xf32, #tpu.memory_space<vmem>> -> memref<12x8x128xf32, #tpu.memory_space<vmem>>
    tpu.enqueue_dma source(%dma_start3A_508 : memref<12x8x128xf32, #tpu.memory_space<vmem>>) target(%dma_start3A_504 : memref<12x8x128xf32, #tpu.memory_space<hbm>>) target_semaphore(%arg21 : memref<!tpu.dma_semaphore, #tpu.memory_space<semaphore_mem>>)
    %dma_wait3A_509 = arith.constant 0 : i32
    %dma_wait3A_510 = arith.constant 0 : i32
    %dma_wait3A_511 = arith.constant 0 : i32
    %dma_wait3A_512 = arith.constant 0 : i32
    %dma_wait3A_513 = tpu.memref_slice %arg12[%dma_wait3A_510, %dma_wait3A_511, %dma_wait3A_512] : memref<3x128x32xf32, #tpu.memory_space<vmem>> -> memref<1x128x32xf32, #tpu.memory_space<vmem>>
    %dma_wait3A_514 = tpu.memref_squeeze %dma_wait3A_513 : memref<1x128x32xf32, #tpu.memory_space<vmem>> -> memref<128x32xf32, #tpu.memory_space<vmem>>
    %dma_wait3A_515 = arith.constant 0 : i32
    %dma_wait3A_516 = tpu.memref_slice %arg9[%dma_wait3A_509, %dma_wait3A_515] : memref<3x128xi32, #tpu.memory_space<vmem>> -> memref<1x128xi32, #tpu.memory_space<vmem>>
    %dma_wait3A_517 = tpu.memref_squeeze %dma_wait3A_516 : memref<1x128xi32, #tpu.memory_space<vmem>> -> memref<128xi32, #tpu.memory_space<vmem>>
    %dma_wait3A_518 = arith.constant 0 : i32
    %dma_wait3A_519 = arith.constant 0 : i32
    %dma_wait3A_520 = tpu.memref_slice %arg3[%dma_wait3A_518, %dma_wait3A_519] : memref<100000x32xf32, #tpu.memory_space<hbm>> -> memref<100000x32xf32, #tpu.memory_space<hbm>>
    tpu.wait_indirect_dma semaphore(%arg19 : memref<!tpu.dma_semaphore, #tpu.memory_space<semaphore_mem>>) src(%dma_wait3A_520 : memref<100000x32xf32, #tpu.memory_space<hbm>>) dst(%dma_wait3A_514 : memref<128x32xf32, #tpu.memory_space<vmem>>)
    %dma_wait3A_521 = arith.constant 1 : i32
    %dma_wait3A_522 = arith.constant 1 : i32
    %dma_wait3A_523 = arith.constant 0 : i32
    %dma_wait3A_524 = arith.constant 0 : i32
    %dma_wait3A_525 = tpu.memref_slice %arg12[%dma_wait3A_522, %dma_wait3A_523, %dma_wait3A_524] : memref<3x128x32xf32, #tpu.memory_space<vmem>> -> memref<1x128x32xf32, #tpu.memory_space<vmem>>
    %dma_wait3A_526 = tpu.memref_squeeze %dma_wait3A_525 : memref<1x128x32xf32, #tpu.memory_space<vmem>> -> memref<128x32xf32, #tpu.memory_space<vmem>>
    %dma_wait3A_527 = arith.constant 0 : i32
    %dma_wait3A_528 = tpu.memref_slice %arg9[%dma_wait3A_521, %dma_wait3A_527] : memref<3x128xi32, #tpu.memory_space<vmem>> -> memref<1x128xi32, #tpu.memory_space<vmem>>
    %dma_wait3A_529 = tpu.memref_squeeze %dma_wait3A_528 : memref<1x128xi32, #tpu.memory_space<vmem>> -> memref<128xi32, #tpu.memory_space<vmem>>
    %dma_wait3A_530 = arith.constant 0 : i32
    %dma_wait3A_531 = arith.constant 0 : i32
    %dma_wait3A_532 = tpu.memref_slice %arg4[%dma_wait3A_530, %dma_wait3A_531] : memref<100000x32xf32, #tpu.memory_space<hbm>> -> memref<100000x32xf32, #tpu.memory_space<hbm>>
    tpu.wait_indirect_dma semaphore(%arg19 : memref<!tpu.dma_semaphore, #tpu.memory_space<semaphore_mem>>) src(%dma_wait3A_532 : memref<100000x32xf32, #tpu.memory_space<hbm>>) dst(%dma_wait3A_526 : memref<128x32xf32, #tpu.memory_space<vmem>>)
    %dma_wait3A_533 = arith.constant 2 : i32
    %dma_wait3A_534 = arith.constant 2 : i32
    %dma_wait3A_535 = arith.constant 0 : i32
    %dma_wait3A_536 = arith.constant 0 : i32
    %dma_wait3A_537 = tpu.memref_slice %arg12[%dma_wait3A_534, %dma_wait3A_535, %dma_wait3A_536] : memref<3x128x32xf32, #tpu.memory_space<vmem>> -> memref<1x128x32xf32, #tpu.memory_space<vmem>>
    %dma_wait3A_538 = tpu.memref_squeeze %dma_wait3A_537 : memref<1x128x32xf32, #tpu.memory_space<vmem>> -> memref<128x32xf32, #tpu.memory_space<vmem>>
    %dma_wait3A_539 = arith.constant 0 : i32
    %dma_wait3A_540 = tpu.memref_slice %arg9[%dma_wait3A_533, %dma_wait3A_539] : memref<3x128xi32, #tpu.memory_space<vmem>> -> memref<1x128xi32, #tpu.memory_space<vmem>>
    %dma_wait3A_541 = tpu.memref_squeeze %dma_wait3A_540 : memref<1x128xi32, #tpu.memory_space<vmem>> -> memref<128xi32, #tpu.memory_space<vmem>>
    %dma_wait3A_542 = arith.constant 0 : i32
    %dma_wait3A_543 = arith.constant 0 : i32
    %dma_wait3A_544 = tpu.memref_slice %arg5[%dma_wait3A_542, %dma_wait3A_543] : memref<100000x32xf32, #tpu.memory_space<hbm>> -> memref<100000x32xf32, #tpu.memory_space<hbm>>
    tpu.wait_indirect_dma semaphore(%arg19 : memref<!tpu.dma_semaphore, #tpu.memory_space<semaphore_mem>>) src(%dma_wait3A_544 : memref<100000x32xf32, #tpu.memory_space<hbm>>) dst(%dma_wait3A_538 : memref<128x32xf32, #tpu.memory_space<vmem>>)
    %mul3A_545 = arith.constant 50 : i32
    %mul3A_546 = arith.muli %add3A, %mul3A_545 : i32
    %add3A_547 = arith.constant 46 : i32
    %add3A_548 = arith.addi %mul3A_546, %add3A_547 : i32
    %jit3A_549 = arith.constant 8 : i32
    %div3A_550 = arith.divsi %add3A_548, %jit3A_549 : i32
    %sign3A_551 = arith.constant 0 : i32
    %sign3A_552 = arith.cmpi sgt, %add3A_548, %sign3A_551 : i32
    %sign3A_553 = arith.extui %sign3A_552 : i1 to i32
    %sign3A_554 = arith.constant 0 : i32
    %sign3A_555 = arith.cmpi slt, %add3A_548, %sign3A_554 : i32
    %sign3A_556 = arith.extui %sign3A_555 : i1 to i32
    %sign3A_557 = arith.subi %sign3A_553, %sign3A_556 : i32
    %sign3A_558 = arith.constant 0 : i32
    %sign3A_559 = arith.cmpi sgt, %jit3A_549, %sign3A_558 : i32
    %sign3A_560 = arith.extui %sign3A_559 : i1 to i32
    %sign3A_561 = arith.constant 0 : i32
    %sign3A_562 = arith.cmpi slt, %jit3A_549, %sign3A_561 : i32
    %sign3A_563 = arith.extui %sign3A_562 : i1 to i32
    %sign3A_564 = arith.subi %sign3A_560, %sign3A_563 : i32
    %ne3A_565 = arith.cmpi ne, %sign3A_557, %sign3A_564 : i32
    %rem3A_566 = arith.remsi %add3A_548, %jit3A_549 : i32
    %ne3A_567 = arith.constant 0 : i32
    %ne3A_568 = arith.cmpi ne, %rem3A_566, %ne3A_567 : i32
    %and3A_569 = arith.andi %ne3A_565, %ne3A_568 : i1
    %sub3A_570 = arith.constant 1 : i32
    %sub3A_571 = arith.subi %div3A_550, %sub3A_570 : i32
    %select_n3A_572 = arith.select %and3A_569, %sub3A_571, %div3A_550 : i32
    %jit3A_573 = arith.constant 8 : i32
    %eq3A_574 = arith.constant 0 : i32
    %eq3A_575 = arith.cmpi eq, %jit3A_573, %eq3A_574 : i32
    %jit3A_576 = arith.constant 1 : i32
    %select_n3A_577 = arith.select %eq3A_575, %jit3A_576, %jit3A_573 : i32
    %rem3A_578 = arith.remsi %add3A_548, %select_n3A_577 : i32
    %ne3A_579 = arith.constant 0 : i32
    %ne3A_580 = arith.cmpi ne, %rem3A_578, %ne3A_579 : i32
    %lt3A_581 = arith.constant 0 : i32
    %lt3A_582 = arith.cmpi slt, %rem3A_578, %lt3A_581 : i32
    %lt3A_583 = arith.constant 0 : i32
    %lt3A_584 = arith.cmpi slt, %select_n3A_577, %lt3A_583 : i32
    %ne3A_585 = arith.xori %lt3A_582, %lt3A_584 : i1
    %and3A_586 = arith.andi %ne3A_585, %ne3A_580 : i1
    %add3A_587 = arith.addi %rem3A_578, %select_n3A_577 : i32
    %select_n3A_588 = arith.select %and3A_586, %add3A_587, %rem3A_578 : i32
    %dma_wait3A_589 = arith.constant 0 : i32
    %dma_wait3A_590 = arith.constant 0 : i32
    %dma_wait3A_591 = arith.constant 0 : i32
    %dma_wait3A_592 = tpu.memref_slice %arg15[%dma_wait3A_589, %dma_wait3A_590, %dma_wait3A_591] : memref<12x8x129xf32, #tpu.memory_space<vmem>> -> memref<12x8x128xf32, #tpu.memory_space<vmem>>
    %dma_wait3A_593 = arith.constant 0 : i32
    %dma_wait3A_594 = arith.constant 0 : i32
    %dma_wait3A_595 = arith.constant 0 : i32
    %dma_wait3A_596 = tpu.memref_slice %arg7[%select_n3A_572, %dma_wait3A_593, %select_n3A_588, %dma_wait3A_594, %dma_wait3A_595] : memref<200x12x8x8x128xf32, #tpu.memory_space<hbm>> -> memref<1x12x1x8x128xf32, #tpu.memory_space<hbm>>
    %dma_wait3A_597 = tpu.memref_squeeze %dma_wait3A_596 : memref<1x12x1x8x128xf32, #tpu.memory_space<hbm>> -> memref<12x8x128xf32, #tpu.memory_space<hbm>>
    %dma_wait3A_598 = arith.constant 0 : i32
    %dma_wait3A_599 = arith.constant 0 : i32
    %dma_wait3A_600 = arith.constant 0 : i32
    %dma_wait3A_601 = tpu.memref_slice %arg7[%select_n3A_572, %dma_wait3A_598, %select_n3A_588, %dma_wait3A_599, %dma_wait3A_600] : memref<200x12x8x8x128xf32, #tpu.memory_space<hbm>> -> memref<1x12x1x8x128xf32, #tpu.memory_space<hbm>>
    %dma_wait3A_602 = tpu.memref_squeeze %dma_wait3A_601 : memref<1x12x1x8x128xf32, #tpu.memory_space<hbm>> -> memref<12x8x128xf32, #tpu.memory_space<hbm>>
    %dma_wait3A_603 = arith.constant 0 : i32
    %dma_wait3A_604 = arith.constant 0 : i32
    %dma_wait3A_605 = arith.constant 0 : i32
    %dma_wait3A_606 = tpu.memref_slice %arg15[%dma_wait3A_603, %dma_wait3A_604, %dma_wait3A_605] : memref<12x8x129xf32, #tpu.memory_space<vmem>> -> memref<12x8x128xf32, #tpu.memory_space<vmem>>
    tpu.wait_dma2 semaphore(%arg22 : memref<!tpu.dma_semaphore, #tpu.memory_space<semaphore_mem>>) src(%dma_wait3A_606 : memref<12x8x128xf32, #tpu.memory_space<vmem>>) dst(%dma_wait3A_602 : memref<12x8x128xf32, #tpu.memory_space<hbm>>)
    %mul3A_607 = arith.constant 50 : i32
    %mul3A_608 = arith.muli %add3A, %mul3A_607 : i32
    %add3A_609 = arith.constant 49 : i32
    %add3A_610 = arith.addi %mul3A_608, %add3A_609 : i32
    %jit3A_611 = arith.constant 8 : i32
    %div3A_612 = arith.divsi %add3A_610, %jit3A_611 : i32
    %sign3A_613 = arith.constant 0 : i32
    %sign3A_614 = arith.cmpi sgt, %add3A_610, %sign3A_613 : i32
    %sign3A_615 = arith.extui %sign3A_614 : i1 to i32
    %sign3A_616 = arith.constant 0 : i32
    %sign3A_617 = arith.cmpi slt, %add3A_610, %sign3A_616 : i32
    %sign3A_618 = arith.extui %sign3A_617 : i1 to i32
    %sign3A_619 = arith.subi %sign3A_615, %sign3A_618 : i32
    %sign3A_620 = arith.constant 0 : i32
    %sign3A_621 = arith.cmpi sgt, %jit3A_611, %sign3A_620 : i32
    %sign3A_622 = arith.extui %sign3A_621 : i1 to i32
    %sign3A_623 = arith.constant 0 : i32
    %sign3A_624 = arith.cmpi slt, %jit3A_611, %sign3A_623 : i32
    %sign3A_625 = arith.extui %sign3A_624 : i1 to i32
    %sign3A_626 = arith.subi %sign3A_622, %sign3A_625 : i32
    %ne3A_627 = arith.cmpi ne, %sign3A_619, %sign3A_626 : i32
    %rem3A_628 = arith.remsi %add3A_610, %jit3A_611 : i32
    %ne3A_629 = arith.constant 0 : i32
    %ne3A_630 = arith.cmpi ne, %rem3A_628, %ne3A_629 : i32
    %and3A_631 = arith.andi %ne3A_627, %ne3A_630 : i1
    %sub3A_632 = arith.constant 1 : i32
    %sub3A_633 = arith.subi %div3A_612, %sub3A_632 : i32
    %select_n3A_634 = arith.select %and3A_631, %sub3A_633, %div3A_612 : i32
    %jit3A_635 = arith.constant 8 : i32
    %eq3A_636 = arith.constant 0 : i32
    %eq3A_637 = arith.cmpi eq, %jit3A_635, %eq3A_636 : i32
    %jit3A_638 = arith.constant 1 : i32
    %select_n3A_639 = arith.select %eq3A_637, %jit3A_638, %jit3A_635 : i32
    %rem3A_640 = arith.remsi %add3A_610, %select_n3A_639 : i32
    %ne3A_641 = arith.constant 0 : i32
    %ne3A_642 = arith.cmpi ne, %rem3A_640, %ne3A_641 : i32
    %lt3A_643 = arith.constant 0 : i32
    %lt3A_644 = arith.cmpi slt, %rem3A_640, %lt3A_643 : i32
    %lt3A_645 = arith.constant 0 : i32
    %lt3A_646 = arith.cmpi slt, %select_n3A_639, %lt3A_645 : i32
    %ne3A_647 = arith.xori %lt3A_644, %lt3A_646 : i1
    %and3A_648 = arith.andi %ne3A_647, %ne3A_642 : i1
    %add3A_649 = arith.addi %rem3A_640, %select_n3A_639 : i32
    %select_n3A_650 = arith.select %and3A_648, %add3A_649, %rem3A_640 : i32
    %get3A_651 = arith.index_cast %select_n3A_634 : i32 to index
    %get3A_652 = arith.constant 0 : index
    %get3A_653 = tpu.vector_load %arg17[%get3A_651, %get3A_652] {strides = array<i32>} : memref<200x96xf32, #tpu.memory_space<vmem>>, vector<16xf32>,
    %get3A_654 = arith.index_cast %select_n3A_634 : i32 to index
    %get3A_655 = arith.constant 16 : index
    %get3A_656 = tpu.vector_load %arg17[%get3A_654, %get3A_655] {strides = array<i32>} : memref<200x96xf32, #tpu.memory_space<vmem>>, vector<16xf32>,
    %get3A_657 = arith.index_cast %select_n3A_634 : i32 to index
    %get3A_658 = arith.constant 32 : index
    %get3A_659 = tpu.vector_load %arg17[%get3A_657, %get3A_658] {strides = array<i32>} : memref<200x96xf32, #tpu.memory_space<vmem>>, vector<16xf32>,
    %get3A_660 = arith.index_cast %select_n3A_634 : i32 to index
    %get3A_661 = arith.constant 48 : index
    %get3A_662 = tpu.vector_load %arg17[%get3A_660, %get3A_661] {strides = array<i32>} : memref<200x96xf32, #tpu.memory_space<vmem>>, vector<16xf32>,
    %get3A_663 = arith.index_cast %select_n3A_634 : i32 to index
    %get3A_664 = arith.constant 64 : index
    %get3A_665 = tpu.vector_load %arg17[%get3A_663, %get3A_664] {strides = array<i32>} : memref<200x96xf32, #tpu.memory_space<vmem>>, vector<16xf32>,
    %get3A_666 = arith.index_cast %select_n3A_634 : i32 to index
    %get3A_667 = arith.constant 80 : index
    %get3A_668 = tpu.vector_load %arg17[%get3A_666, %get3A_667] {strides = array<i32>} : memref<200x96xf32, #tpu.memory_space<vmem>>, vector<16xf32>,
    %add3A_669 = arith.constant 0 : i32
    %add3A_670 = vector.broadcast %add3A_669 : i32 to vector<16xi32>
    %add3A_671 = arith.addi %add3A_670, %iota3A : vector<16xi32>
    %add3A_672 = arith.constant 16 : i32
    %add3A_673 = vector.broadcast %add3A_672 : i32 to vector<16xi32>
    %add3A_674 = arith.addi %add3A_673, %iota3A : vector<16xi32>
    %add3A_675 = arith.constant 32 : i32
    %add3A_676 = vector.broadcast %add3A_675 : i32 to vector<16xi32>
    %add3A_677 = arith.addi %add3A_676, %iota3A : vector<16xi32>
    %add3A_678 = arith.constant 48 : i32
    %add3A_679 = vector.broadcast %add3A_678 : i32 to vector<16xi32>
    %add3A_680 = arith.addi %add3A_679, %iota3A : vector<16xi32>
    %add3A_681 = arith.constant 64 : i32
    %add3A_682 = vector.broadcast %add3A_681 : i32 to vector<16xi32>
    %add3A_683 = arith.addi %add3A_682, %iota3A : vector<16xi32>
    %add3A_684 = arith.constant 80 : i32
    %add3A_685 = vector.broadcast %add3A_684 : i32 to vector<16xi32>
    %add3A_686 = arith.addi %add3A_685, %iota3A : vector<16xi32>
    %shift_right_logical3A_687 = arith.constant 3 : i32
    %shift_right_logical3A_688 = vector.broadcast %shift_right_logical3A_687 : i32 to vector<16xi32>
    %shift_right_logical3A_689 = arith.shrui %add3A_671, %shift_right_logical3A_688 : vector<16xi32>
    %shift_right_logical3A_690 = arith.constant 3 : i32
    %shift_right_logical3A_691 = vector.broadcast %shift_right_logical3A_690 : i32 to vector<16xi32>
    %shift_right_logical3A_692 = arith.shrui %add3A_674, %shift_right_logical3A_691 : vector<16xi32>
    %shift_right_logical3A_693 = arith.constant 3 : i32
    %shift_right_logical3A_694 = vector.broadcast %shift_right_logical3A_693 : i32 to vector<16xi32>
    %shift_right_logical3A_695 = arith.shrui %add3A_677, %shift_right_logical3A_694 : vector<16xi32>
    %shift_right_logical3A_696 = arith.constant 3 : i32
    %shift_right_logical3A_697 = vector.broadcast %shift_right_logical3A_696 : i32 to vector<16xi32>
    %shift_right_logical3A_698 = arith.shrui %add3A_680, %shift_right_logical3A_697 : vector<16xi32>
    %shift_right_logical3A_699 = arith.constant 3 : i32
    %shift_right_logical3A_700 = vector.broadcast %shift_right_logical3A_699 : i32 to vector<16xi32>
    %shift_right_logical3A_701 = arith.shrui %add3A_683, %shift_right_logical3A_700 : vector<16xi32>
    %shift_right_logical3A_702 = arith.constant 3 : i32
    %shift_right_logical3A_703 = vector.broadcast %shift_right_logical3A_702 : i32 to vector<16xi32>
    %shift_right_logical3A_704 = arith.shrui %add3A_686, %shift_right_logical3A_703 : vector<16xi32>
    %and3A_705 = arith.constant 7 : i32
    %and3A_706 = vector.broadcast %and3A_705 : i32 to vector<16xi32>
    %and3A_707 = arith.andi %add3A_671, %and3A_706 : vector<16xi32>
    %and3A_708 = arith.constant 7 : i32
    %and3A_709 = vector.broadcast %and3A_708 : i32 to vector<16xi32>
    %and3A_710 = arith.andi %add3A_674, %and3A_709 : vector<16xi32>
    %and3A_711 = arith.constant 7 : i32
    %and3A_712 = vector.broadcast %and3A_711 : i32 to vector<16xi32>
    %and3A_713 = arith.andi %add3A_677, %and3A_712 : vector<16xi32>
    %and3A_714 = arith.constant 7 : i32
    %and3A_715 = vector.broadcast %and3A_714 : i32 to vector<16xi32>
    %and3A_716 = arith.andi %add3A_680, %and3A_715 : vector<16xi32>
    %and3A_717 = arith.constant 7 : i32
    %and3A_718 = vector.broadcast %and3A_717 : i32 to vector<16xi32>
    %and3A_719 = arith.andi %add3A_683, %and3A_718 : vector<16xi32>
    %and3A_720 = arith.constant 7 : i32
    %and3A_721 = vector.broadcast %and3A_720 : i32 to vector<16xi32>
    %and3A_722 = arith.andi %add3A_686, %and3A_721 : vector<16xi32>
    %parallel_loop3A_723 = arith.constant 0 : i32
    %parallel_loop3A_724 = arith.constant 128 : i32
    %parallel_loop3A_725 = arith.constant 1 : i32
    scf.for %parallel_loop3A_974 = %parallel_loop3A_723 to %parallel_loop3A_724 step %parallel_loop3A_725  : i32 {
      %parallel_loop3A_975 = arith.constant 0 : i32
      %parallel_loop3A_976 = vector.broadcast %parallel_loop3A_975 : i32 to vector<16xi32>
      %parallel_loop3A_977 = arith.muli %iota3A, %parallel_loop3A_976 : vector<16xi32>
      %parallel_loop3A_978 = vector.broadcast %parallel_loop3A_974 : i32 to vector<16xi32>
      %parallel_loop3A_979 = arith.addi %parallel_loop3A_977, %parallel_loop3A_978 : vector<16xi32>
      %parallel_loop3A_980 = arith.constant 0 : i32
      %parallel_loop3A_981 = arith.index_cast %parallel_loop3A_980 : i32 to index
      %parallel_loop3A_982 = arith.index_cast %parallel_loop3A_974 : i32 to index
      %parallel_loop3A_983 = arith.constant 0 : index
      %parallel_loop3A_984 = tpu.vector_load %arg12[%parallel_loop3A_981, %parallel_loop3A_982, %parallel_loop3A_983] {strides = array<i32>} : memref<3x128x32xf32, #tpu.memory_space<vmem>>, vector<16xf32>,
      %parallel_loop3A_985 = arith.addf %parallel_loop3A_984, %get3A_653 : vector<16xf32>
      tpu.vector_store_idx %arg15[%shift_right_logical3A_689, %and3A_707, %parallel_loop3A_979], %parallel_loop3A_985 : memref<12x8x129xf32, #tpu.memory_space<vmem>>[vector<16xi32>, vector<16xi32>, vector<16xi32>], vector<16xf32>,
      %parallel_loop3A_986 = arith.constant 0 : i32
      %parallel_loop3A_987 = arith.index_cast %parallel_loop3A_986 : i32 to index
      %parallel_loop3A_988 = arith.index_cast %parallel_loop3A_974 : i32 to index
      %parallel_loop3A_989 = arith.constant 16 : index
      %parallel_loop3A_990 = tpu.vector_load %arg12[%parallel_loop3A_987, %parallel_loop3A_988, %parallel_loop3A_989] {strides = array<i32>} : memref<3x128x32xf32, #tpu.memory_space<vmem>>, vector<16xf32>,
      %parallel_loop3A_991 = arith.addf %parallel_loop3A_990, %get3A_656 : vector<16xf32>
      tpu.vector_store_idx %arg15[%shift_right_logical3A_692, %and3A_710, %parallel_loop3A_979], %parallel_loop3A_991 : memref<12x8x129xf32, #tpu.memory_space<vmem>>[vector<16xi32>, vector<16xi32>, vector<16xi32>], vector<16xf32>,
      %parallel_loop3A_992 = arith.constant 1 : i32
      %parallel_loop3A_993 = arith.index_cast %parallel_loop3A_992 : i32 to index
      %parallel_loop3A_994 = arith.index_cast %parallel_loop3A_974 : i32 to index
      %parallel_loop3A_995 = arith.constant 0 : index
      %parallel_loop3A_996 = tpu.vector_load %arg12[%parallel_loop3A_993, %parallel_loop3A_994, %parallel_loop3A_995] {strides = array<i32>} : memref<3x128x32xf32, #tpu.memory_space<vmem>>, vector<16xf32>,
      %parallel_loop3A_997 = arith.addf %parallel_loop3A_996, %get3A_659 : vector<16xf32>
      tpu.vector_store_idx %arg15[%shift_right_logical3A_695, %and3A_713, %parallel_loop3A_979], %parallel_loop3A_997 : memref<12x8x129xf32, #tpu.memory_space<vmem>>[vector<16xi32>, vector<16xi32>, vector<16xi32>], vector<16xf32>,
      %parallel_loop3A_998 = arith.constant 1 : i32
      %parallel_loop3A_999 = arith.index_cast %parallel_loop3A_998 : i32 to index
      %parallel_loop3A_1000 = arith.index_cast %parallel_loop3A_974 : i32 to index
      %parallel_loop3A_1001 = arith.constant 16 : index
      %parallel_loop3A_1002 = tpu.vector_load %arg12[%parallel_loop3A_999, %parallel_loop3A_1000, %parallel_loop3A_1001] {strides = array<i32>} : memref<3x128x32xf32, #tpu.memory_space<vmem>>, vector<16xf32>,
      %parallel_loop3A_1003 = arith.addf %parallel_loop3A_1002, %get3A_662 : vector<16xf32>
      tpu.vector_store_idx %arg15[%shift_right_logical3A_698, %and3A_716, %parallel_loop3A_979], %parallel_loop3A_1003 : memref<12x8x129xf32, #tpu.memory_space<vmem>>[vector<16xi32>, vector<16xi32>, vector<16xi32>], vector<16xf32>,
      %parallel_loop3A_1004 = arith.constant 2 : i32
      %parallel_loop3A_1005 = arith.index_cast %parallel_loop3A_1004 : i32 to index
      %parallel_loop3A_1006 = arith.index_cast %parallel_loop3A_974 : i32 to index
      %parallel_loop3A_1007 = arith.constant 0 : index
      %parallel_loop3A_1008 = tpu.vector_load %arg12[%parallel_loop3A_1005, %parallel_loop3A_1006, %parallel_loop3A_1007] {strides = array<i32>} : memref<3x128x32xf32, #tpu.memory_space<vmem>>, vector<16xf32>,
      %parallel_loop3A_1009 = arith.addf %parallel_loop3A_1008, %get3A_665 : vector<16xf32>
      tpu.vector_store_idx %arg15[%shift_right_logical3A_701, %and3A_719, %parallel_loop3A_979], %parallel_loop3A_1009 : memref<12x8x129xf32, #tpu.memory_space<vmem>>[vector<16xi32>, vector<16xi32>, vector<16xi32>], vector<16xf32>,
      %parallel_loop3A_1010 = arith.constant 2 : i32
      %parallel_loop3A_1011 = arith.index_cast %parallel_loop3A_1010 : i32 to index
      %parallel_loop3A_1012 = arith.index_cast %parallel_loop3A_974 : i32 to index
      %parallel_loop3A_1013 = arith.constant 16 : index
      %parallel_loop3A_1014 = tpu.vector_load %arg12[%parallel_loop3A_1011, %parallel_loop3A_1012, %parallel_loop3A_1013] {strides = array<i32>} : memref<3x128x32xf32, #tpu.memory_space<vmem>>, vector<16xf32>,
      %parallel_loop3A_1015 = arith.addf %parallel_loop3A_1014, %get3A_668 : vector<16xf32>
      tpu.vector_store_idx %arg15[%shift_right_logical3A_704, %and3A_722, %parallel_loop3A_979], %parallel_loop3A_1015 : memref<12x8x129xf32, #tpu.memory_space<vmem>>[vector<16xi32>, vector<16xi32>, vector<16xi32>], vector<16xf32>,
    } {sc.loop_unroll_factor = 4 : i64, sc.parallel_access}
    %mul3A_726 = arith.constant 50 : i32
    %mul3A_727 = arith.muli %add3A, %mul3A_726 : i32
    %add3A_728 = arith.constant 49 : i32
    %add3A_729 = arith.addi %mul3A_727, %add3A_728 : i32
    %jit3A_730 = arith.constant 8 : i32
    %div3A_731 = arith.divsi %add3A_729, %jit3A_730 : i32
    %sign3A_732 = arith.constant 0 : i32
    %sign3A_733 = arith.cmpi sgt, %add3A_729, %sign3A_732 : i32
    %sign3A_734 = arith.extui %sign3A_733 : i1 to i32
    %sign3A_735 = arith.constant 0 : i32
    %sign3A_736 = arith.cmpi slt, %add3A_729, %sign3A_735 : i32
    %sign3A_737 = arith.extui %sign3A_736 : i1 to i32
    %sign3A_738 = arith.subi %sign3A_734, %sign3A_737 : i32
    %sign3A_739 = arith.constant 0 : i32
    %sign3A_740 = arith.cmpi sgt, %jit3A_730, %sign3A_739 : i32
    %sign3A_741 = arith.extui %sign3A_740 : i1 to i32
    %sign3A_742 = arith.constant 0 : i32
    %sign3A_743 = arith.cmpi slt, %jit3A_730, %sign3A_742 : i32
    %sign3A_744 = arith.extui %sign3A_743 : i1 to i32
    %sign3A_745 = arith.subi %sign3A_741, %sign3A_744 : i32
    %ne3A_746 = arith.cmpi ne, %sign3A_738, %sign3A_745 : i32
    %rem3A_747 = arith.remsi %add3A_729, %jit3A_730 : i32
    %ne3A_748 = arith.constant 0 : i32
    %ne3A_749 = arith.cmpi ne, %rem3A_747, %ne3A_748 : i32
    %and3A_750 = arith.andi %ne3A_746, %ne3A_749 : i1
    %sub3A_751 = arith.constant 1 : i32
    %sub3A_752 = arith.subi %div3A_731, %sub3A_751 : i32
    %select_n3A_753 = arith.select %and3A_750, %sub3A_752, %div3A_731 : i32
    %jit3A_754 = arith.constant 8 : i32
    %eq3A_755 = arith.constant 0 : i32
    %eq3A_756 = arith.cmpi eq, %jit3A_754, %eq3A_755 : i32
    %jit3A_757 = arith.constant 1 : i32
    %select_n3A_758 = arith.select %eq3A_756, %jit3A_757, %jit3A_754 : i32
    %rem3A_759 = arith.remsi %add3A_729, %select_n3A_758 : i32
    %ne3A_760 = arith.constant 0 : i32
    %ne3A_761 = arith.cmpi ne, %rem3A_759, %ne3A_760 : i32
    %lt3A_762 = arith.constant 0 : i32
    %lt3A_763 = arith.cmpi slt, %rem3A_759, %lt3A_762 : i32
    %lt3A_764 = arith.constant 0 : i32
    %lt3A_765 = arith.cmpi slt, %select_n3A_758, %lt3A_764 : i32
    %ne3A_766 = arith.xori %lt3A_763, %lt3A_765 : i1
    %and3A_767 = arith.andi %ne3A_766, %ne3A_761 : i1
    %add3A_768 = arith.addi %rem3A_759, %select_n3A_758 : i32
    %select_n3A_769 = arith.select %and3A_767, %add3A_768, %rem3A_759 : i32
    %dma_start3A_770 = arith.constant 0 : i32
    %dma_start3A_771 = arith.constant 0 : i32
    %dma_start3A_772 = arith.constant 0 : i32
    %dma_start3A_773 = tpu.memref_slice %arg15[%dma_start3A_770, %dma_start3A_771, %dma_start3A_772] : memref<12x8x129xf32, #tpu.memory_space<vmem>> -> memref<12x8x128xf32, #tpu.memory_space<vmem>>
    %dma_start3A_774 = arith.constant 0 : i32
    %dma_start3A_775 = arith.constant 0 : i32
    %dma_start3A_776 = arith.constant 0 : i32
    %dma_start3A_777 = tpu.memref_slice %arg7[%select_n3A_753, %dma_start3A_774, %select_n3A_769, %dma_start3A_775, %dma_start3A_776] : memref<200x12x8x8x128xf32, #tpu.memory_space<hbm>> -> memref<1x12x1x8x128xf32, #tpu.memory_space<hbm>>
    %dma_start3A_778 = tpu.memref_squeeze %dma_start3A_777 : memref<1x12x1x8x128xf32, #tpu.memory_space<hbm>> -> memref<12x8x128xf32, #tpu.memory_space<hbm>>
    %dma_start3A_779 = arith.constant 0 : i32
    %dma_start3A_780 = arith.constant 0 : i32
    %dma_start3A_781 = arith.constant 0 : i32
    %dma_start3A_782 = tpu.memref_slice %arg7[%select_n3A_753, %dma_start3A_779, %select_n3A_769, %dma_start3A_780, %dma_start3A_781] : memref<200x12x8x8x128xf32, #tpu.memory_space<hbm>> -> memref<1x12x1x8x128xf32, #tpu.memory_space<hbm>>
    %dma_start3A_783 = tpu.memref_squeeze %dma_start3A_782 : memref<1x12x1x8x128xf32, #tpu.memory_space<hbm>> -> memref<12x8x128xf32, #tpu.memory_space<hbm>>
    %dma_start3A_784 = arith.constant 0 : i32
    %dma_start3A_785 = arith.constant 0 : i32
    %dma_start3A_786 = arith.constant 0 : i32
    %dma_start3A_787 = tpu.memref_slice %arg15[%dma_start3A_784, %dma_start3A_785, %dma_start3A_786] : memref<12x8x129xf32, #tpu.memory_space<vmem>> -> memref<12x8x128xf32, #tpu.memory_space<vmem>>
    tpu.enqueue_dma source(%dma_start3A_787 : memref<12x8x128xf32, #tpu.memory_space<vmem>>) target(%dma_start3A_783 : memref<12x8x128xf32, #tpu.memory_space<hbm>>) target_semaphore(%arg22 : memref<!tpu.dma_semaphore, #tpu.memory_space<semaphore_mem>>)
    %mul3A_788 = arith.constant 50 : i32
    %mul3A_789 = arith.muli %add3A, %mul3A_788 : i32
    %add3A_790 = arith.constant 47 : i32
    %add3A_791 = arith.addi %mul3A_789, %add3A_790 : i32
    %jit3A_792 = arith.constant 8 : i32
    %div3A_793 = arith.divsi %add3A_791, %jit3A_792 : i32
    %sign3A_794 = arith.constant 0 : i32
    %sign3A_795 = arith.cmpi sgt, %add3A_791, %sign3A_794 : i32
    %sign3A_796 = arith.extui %sign3A_795 : i1 to i32
    %sign3A_797 = arith.constant 0 : i32
    %sign3A_798 = arith.cmpi slt, %add3A_791, %sign3A_797 : i32
    %sign3A_799 = arith.extui %sign3A_798 : i1 to i32
    %sign3A_800 = arith.subi %sign3A_796, %sign3A_799 : i32
    %sign3A_801 = arith.constant 0 : i32
    %sign3A_802 = arith.cmpi sgt, %jit3A_792, %sign3A_801 : i32
    %sign3A_803 = arith.extui %sign3A_802 : i1 to i32
    %sign3A_804 = arith.constant 0 : i32
    %sign3A_805 = arith.cmpi slt, %jit3A_792, %sign3A_804 : i32
    %sign3A_806 = arith.extui %sign3A_805 : i1 to i32
    %sign3A_807 = arith.subi %sign3A_803, %sign3A_806 : i32
    %ne3A_808 = arith.cmpi ne, %sign3A_800, %sign3A_807 : i32
    %rem3A_809 = arith.remsi %add3A_791, %jit3A_792 : i32
    %ne3A_810 = arith.constant 0 : i32
    %ne3A_811 = arith.cmpi ne, %rem3A_809, %ne3A_810 : i32
    %and3A_812 = arith.andi %ne3A_808, %ne3A_811 : i1
    %sub3A_813 = arith.constant 1 : i32
    %sub3A_814 = arith.subi %div3A_793, %sub3A_813 : i32
    %select_n3A_815 = arith.select %and3A_812, %sub3A_814, %div3A_793 : i32
    %jit3A_816 = arith.constant 8 : i32
    %eq3A_817 = arith.constant 0 : i32
    %eq3A_818 = arith.cmpi eq, %jit3A_816, %eq3A_817 : i32
    %jit3A_819 = arith.constant 1 : i32
    %select_n3A_820 = arith.select %eq3A_818, %jit3A_819, %jit3A_816 : i32
    %rem3A_821 = arith.remsi %add3A_791, %select_n3A_820 : i32
    %ne3A_822 = arith.constant 0 : i32
    %ne3A_823 = arith.cmpi ne, %rem3A_821, %ne3A_822 : i32
    %lt3A_824 = arith.constant 0 : i32
    %lt3A_825 = arith.cmpi slt, %rem3A_821, %lt3A_824 : i32
    %lt3A_826 = arith.constant 0 : i32
    %lt3A_827 = arith.cmpi slt, %select_n3A_820, %lt3A_826 : i32
    %ne3A_828 = arith.xori %lt3A_825, %lt3A_827 : i1
    %and3A_829 = arith.andi %ne3A_828, %ne3A_823 : i1
    %add3A_830 = arith.addi %rem3A_821, %select_n3A_820 : i32
    %select_n3A_831 = arith.select %and3A_829, %add3A_830, %rem3A_821 : i32
    %dma_wait3A_832 = arith.constant 0 : i32
    %dma_wait3A_833 = arith.constant 0 : i32
    %dma_wait3A_834 = arith.constant 0 : i32
    %dma_wait3A_835 = tpu.memref_slice %arg16[%dma_wait3A_832, %dma_wait3A_833, %dma_wait3A_834] : memref<12x8x129xf32, #tpu.memory_space<vmem>> -> memref<12x8x128xf32, #tpu.memory_space<vmem>>
    %dma_wait3A_836 = arith.constant 0 : i32
    %dma_wait3A_837 = arith.constant 0 : i32
    %dma_wait3A_838 = arith.constant 0 : i32
    %dma_wait3A_839 = tpu.memref_slice %arg7[%select_n3A_815, %dma_wait3A_836, %select_n3A_831, %dma_wait3A_837, %dma_wait3A_838] : memref<200x12x8x8x128xf32, #tpu.memory_space<hbm>> -> memref<1x12x1x8x128xf32, #tpu.memory_space<hbm>>
    %dma_wait3A_840 = tpu.memref_squeeze %dma_wait3A_839 : memref<1x12x1x8x128xf32, #tpu.memory_space<hbm>> -> memref<12x8x128xf32, #tpu.memory_space<hbm>>
    %dma_wait3A_841 = arith.constant 0 : i32
    %dma_wait3A_842 = arith.constant 0 : i32
    %dma_wait3A_843 = arith.constant 0 : i32
    %dma_wait3A_844 = tpu.memref_slice %arg7[%select_n3A_815, %dma_wait3A_841, %select_n3A_831, %dma_wait3A_842, %dma_wait3A_843] : memref<200x12x8x8x128xf32, #tpu.memory_space<hbm>> -> memref<1x12x1x8x128xf32, #tpu.memory_space<hbm>>
    %dma_wait3A_845 = tpu.memref_squeeze %dma_wait3A_844 : memref<1x12x1x8x128xf32, #tpu.memory_space<hbm>> -> memref<12x8x128xf32, #tpu.memory_space<hbm>>
    %dma_wait3A_846 = arith.constant 0 : i32
    %dma_wait3A_847 = arith.constant 0 : i32
    %dma_wait3A_848 = arith.constant 0 : i32
    %dma_wait3A_849 = tpu.memref_slice %arg16[%dma_wait3A_846, %dma_wait3A_847, %dma_wait3A_848] : memref<12x8x129xf32, #tpu.memory_space<vmem>> -> memref<12x8x128xf32, #tpu.memory_space<vmem>>
    tpu.wait_dma2 semaphore(%arg23 : memref<!tpu.dma_semaphore, #tpu.memory_space<semaphore_mem>>) src(%dma_wait3A_849 : memref<12x8x128xf32, #tpu.memory_space<vmem>>) dst(%dma_wait3A_845 : memref<12x8x128xf32, #tpu.memory_space<hbm>>)
    %mul3A_850 = arith.constant 50 : i32
    %mul3A_851 = arith.muli %add3A, %mul3A_850 : i32
    %add3A_852 = arith.constant 48 : i32
    %add3A_853 = arith.addi %mul3A_851, %add3A_852 : i32
    %jit3A_854 = arith.constant 8 : i32
    %div3A_855 = arith.divsi %add3A_853, %jit3A_854 : i32
    %sign3A_856 = arith.constant 0 : i32
    %sign3A_857 = arith.cmpi sgt, %add3A_853, %sign3A_856 : i32
    %sign3A_858 = arith.extui %sign3A_857 : i1 to i32
    %sign3A_859 = arith.constant 0 : i32
    %sign3A_860 = arith.cmpi slt, %add3A_853, %sign3A_859 : i32
    %sign3A_861 = arith.extui %sign3A_860 : i1 to i32
    %sign3A_862 = arith.subi %sign3A_858, %sign3A_861 : i32
    %sign3A_863 = arith.constant 0 : i32
    %sign3A_864 = arith.cmpi sgt, %jit3A_854, %sign3A_863 : i32
    %sign3A_865 = arith.extui %sign3A_864 : i1 to i32
    %sign3A_866 = arith.constant 0 : i32
    %sign3A_867 = arith.cmpi slt, %jit3A_854, %sign3A_866 : i32
    %sign3A_868 = arith.extui %sign3A_867 : i1 to i32
    %sign3A_869 = arith.subi %sign3A_865, %sign3A_868 : i32
    %ne3A_870 = arith.cmpi ne, %sign3A_862, %sign3A_869 : i32
    %rem3A_871 = arith.remsi %add3A_853, %jit3A_854 : i32
    %ne3A_872 = arith.constant 0 : i32
    %ne3A_873 = arith.cmpi ne, %rem3A_871, %ne3A_872 : i32
    %and3A_874 = arith.andi %ne3A_870, %ne3A_873 : i1
    %sub3A_875 = arith.constant 1 : i32
    %sub3A_876 = arith.subi %div3A_855, %sub3A_875 : i32
    %select_n3A_877 = arith.select %and3A_874, %sub3A_876, %div3A_855 : i32
    %jit3A_878 = arith.constant 8 : i32
    %eq3A_879 = arith.constant 0 : i32
    %eq3A_880 = arith.cmpi eq, %jit3A_878, %eq3A_879 : i32
    %jit3A_881 = arith.constant 1 : i32
    %select_n3A_882 = arith.select %eq3A_880, %jit3A_881, %jit3A_878 : i32
    %rem3A_883 = arith.remsi %add3A_853, %select_n3A_882 : i32
    %ne3A_884 = arith.constant 0 : i32
    %ne3A_885 = arith.cmpi ne, %rem3A_883, %ne3A_884 : i32
    %lt3A_886 = arith.constant 0 : i32
    %lt3A_887 = arith.cmpi slt, %rem3A_883, %lt3A_886 : i32
    %lt3A_888 = arith.constant 0 : i32
    %lt3A_889 = arith.cmpi slt, %select_n3A_882, %lt3A_888 : i32
    %ne3A_890 = arith.xori %lt3A_887, %lt3A_889 : i1
    %and3A_891 = arith.andi %ne3A_890, %ne3A_885 : i1
    %add3A_892 = arith.addi %rem3A_883, %select_n3A_882 : i32
    %select_n3A_893 = arith.select %and3A_891, %add3A_892, %rem3A_883 : i32
    %dma_wait3A_894 = arith.constant 0 : i32
    %dma_wait3A_895 = arith.constant 0 : i32
    %dma_wait3A_896 = arith.constant 0 : i32
    %dma_wait3A_897 = tpu.memref_slice %arg14[%dma_wait3A_894, %dma_wait3A_895, %dma_wait3A_896] : memref<12x8x129xf32, #tpu.memory_space<vmem>> -> memref<12x8x128xf32, #tpu.memory_space<vmem>>
    %dma_wait3A_898 = arith.constant 0 : i32
    %dma_wait3A_899 = arith.constant 0 : i32
    %dma_wait3A_900 = arith.constant 0 : i32
    %dma_wait3A_901 = tpu.memref_slice %arg7[%select_n3A_877, %dma_wait3A_898, %select_n3A_893, %dma_wait3A_899, %dma_wait3A_900] : memref<200x12x8x8x128xf32, #tpu.memory_space<hbm>> -> memref<1x12x1x8x128xf32, #tpu.memory_space<hbm>>
    %dma_wait3A_902 = tpu.memref_squeeze %dma_wait3A_901 : memref<1x12x1x8x128xf32, #tpu.memory_space<hbm>> -> memref<12x8x128xf32, #tpu.memory_space<hbm>>
    %dma_wait3A_903 = arith.constant 0 : i32
    %dma_wait3A_904 = arith.constant 0 : i32
    %dma_wait3A_905 = arith.constant 0 : i32
    %dma_wait3A_906 = tpu.memref_slice %arg7[%select_n3A_877, %dma_wait3A_903, %select_n3A_893, %dma_wait3A_904, %dma_wait3A_905] : memref<200x12x8x8x128xf32, #tpu.memory_space<hbm>> -> memref<1x12x1x8x128xf32, #tpu.memory_space<hbm>>
    %dma_wait3A_907 = tpu.memref_squeeze %dma_wait3A_906 : memref<1x12x1x8x128xf32, #tpu.memory_space<hbm>> -> memref<12x8x128xf32, #tpu.memory_space<hbm>>
    %dma_wait3A_908 = arith.constant 0 : i32
    %dma_wait3A_909 = arith.constant 0 : i32
    %dma_wait3A_910 = arith.constant 0 : i32
    %dma_wait3A_911 = tpu.memref_slice %arg14[%dma_wait3A_908, %dma_wait3A_909, %dma_wait3A_910] : memref<12x8x129xf32, #tpu.memory_space<vmem>> -> memref<12x8x128xf32, #tpu.memory_space<vmem>>
    tpu.wait_dma2 semaphore(%arg21 : memref<!tpu.dma_semaphore, #tpu.memory_space<semaphore_mem>>) src(%dma_wait3A_911 : memref<12x8x128xf32, #tpu.memory_space<vmem>>) dst(%dma_wait3A_907 : memref<12x8x128xf32, #tpu.memory_space<hbm>>)
    %mul3A_912 = arith.constant 50 : i32
    %mul3A_913 = arith.muli %add3A, %mul3A_912 : i32
    %add3A_914 = arith.constant 49 : i32
    %add3A_915 = arith.addi %mul3A_913, %add3A_914 : i32
    %jit3A_916 = arith.constant 8 : i32
    %div3A_917 = arith.divsi %add3A_915, %jit3A_916 : i32
    %sign3A_918 = arith.constant 0 : i32
    %sign3A_919 = arith.cmpi sgt, %add3A_915, %sign3A_918 : i32
    %sign3A_920 = arith.extui %sign3A_919 : i1 to i32
    %sign3A_921 = arith.constant 0 : i32
    %sign3A_922 = arith.cmpi slt, %add3A_915, %sign3A_921 : i32
    %sign3A_923 = arith.extui %sign3A_922 : i1 to i32
    %sign3A_924 = arith.subi %sign3A_920, %sign3A_923 : i32
    %sign3A_925 = arith.constant 0 : i32
    %sign3A_926 = arith.cmpi sgt, %jit3A_916, %sign3A_925 : i32
    %sign3A_927 = arith.extui %sign3A_926 : i1 to i32
    %sign3A_928 = arith.constant 0 : i32
    %sign3A_929 = arith.cmpi slt, %jit3A_916, %sign3A_928 : i32
    %sign3A_930 = arith.extui %sign3A_929 : i1 to i32
    %sign3A_931 = arith.subi %sign3A_927, %sign3A_930 : i32
    %ne3A_932 = arith.cmpi ne, %sign3A_924, %sign3A_931 : i32
    %rem3A_933 = arith.remsi %add3A_915, %jit3A_916 : i32
    %ne3A_934 = arith.constant 0 : i32
    %ne3A_935 = arith.cmpi ne, %rem3A_933, %ne3A_934 : i32
    %and3A_936 = arith.andi %ne3A_932, %ne3A_935 : i1
    %sub3A_937 = arith.constant 1 : i32
    %sub3A_938 = arith.subi %div3A_917, %sub3A_937 : i32
    %select_n3A_939 = arith.select %and3A_936, %sub3A_938, %div3A_917 : i32
    %jit3A_940 = arith.constant 8 : i32
    %eq3A_941 = arith.constant 0 : i32
    %eq3A_942 = arith.cmpi eq, %jit3A_940, %eq3A_941 : i32
    %jit3A_943 = arith.constant 1 : i32
    %select_n3A_944 = arith.select %eq3A_942, %jit3A_943, %jit3A_940 : i32
    %rem3A_945 = arith.remsi %add3A_915, %select_n3A_944 : i32
    %ne3A_946 = arith.constant 0 : i32
    %ne3A_947 = arith.cmpi ne, %rem3A_945, %ne3A_946 : i32
    %lt3A_948 = arith.constant 0 : i32
    %lt3A_949 = arith.cmpi slt, %rem3A_945, %lt3A_948 : i32
    %lt3A_950 = arith.constant 0 : i32
    %lt3A_951 = arith.cmpi slt, %select_n3A_944, %lt3A_950 : i32
    %ne3A_952 = arith.xori %lt3A_949, %lt3A_951 : i1
    %and3A_953 = arith.andi %ne3A_952, %ne3A_947 : i1
    %add3A_954 = arith.addi %rem3A_945, %select_n3A_944 : i32
    %select_n3A_955 = arith.select %and3A_953, %add3A_954, %rem3A_945 : i32
    %dma_wait3A_956 = arith.constant 0 : i32
    %dma_wait3A_957 = arith.constant 0 : i32
    %dma_wait3A_958 = arith.constant 0 : i32
    %dma_wait3A_959 = tpu.memref_slice %arg15[%dma_wait3A_956, %dma_wait3A_957, %dma_wait3A_958] : memref<12x8x129xf32, #tpu.memory_space<vmem>> -> memref<12x8x128xf32, #tpu.memory_space<vmem>>
    %dma_wait3A_960 = arith.constant 0 : i32
    %dma_wait3A_961 = arith.constant 0 : i32
    %dma_wait3A_962 = arith.constant 0 : i32
    %dma_wait3A_963 = tpu.memref_slice %arg7[%select_n3A_939, %dma_wait3A_960, %select_n3A_955, %dma_wait3A_961, %dma_wait3A_962] : memref<200x12x8x8x128xf32, #tpu.memory_space<hbm>> -> memref<1x12x1x8x128xf32, #tpu.memory_space<hbm>>
    %dma_wait3A_964 = tpu.memref_squeeze %dma_wait3A_963 : memref<1x12x1x8x128xf32, #tpu.memory_space<hbm>> -> memref<12x8x128xf32, #tpu.memory_space<hbm>>
    %dma_wait3A_965 = arith.constant 0 : i32
    %dma_wait3A_966 = arith.constant 0 : i32
    %dma_wait3A_967 = arith.constant 0 : i32
    %dma_wait3A_968 = tpu.memref_slice %arg7[%select_n3A_939, %dma_wait3A_965, %select_n3A_955, %dma_wait3A_966, %dma_wait3A_967] : memref<200x12x8x8x128xf32, #tpu.memory_space<hbm>> -> memref<1x12x1x8x128xf32, #tpu.memory_space<hbm>>
    %dma_wait3A_969 = tpu.memref_squeeze %dma_wait3A_968 : memref<1x12x1x8x128xf32, #tpu.memory_space<hbm>> -> memref<12x8x128xf32, #tpu.memory_space<hbm>>
    %dma_wait3A_970 = arith.constant 0 : i32
    %dma_wait3A_971 = arith.constant 0 : i32
    %dma_wait3A_972 = arith.constant 0 : i32
    %dma_wait3A_973 = tpu.memref_slice %arg15[%dma_wait3A_970, %dma_wait3A_971, %dma_wait3A_972] : memref<12x8x129xf32, #tpu.memory_space<vmem>> -> memref<12x8x128xf32, #tpu.memory_space<vmem>>
    tpu.wait_dma2 semaphore(%arg22 : memref<!tpu.dma_semaphore, #tpu.memory_space<semaphore_mem>>) src(%dma_wait3A_973 : memref<12x8x128xf32, #tpu.memory_space<vmem>>) dst(%dma_wait3A_969 : memref<12x8x128xf32, #tpu.memory_space<hbm>>)
    return
  }
}

</mosaic_0001>

<sc_bundles>
// kernel: kernel.3.cloned.1.call-start
scs
__scs_entry_jumppad:
0x0: {  	(pc) =	sbr.rel $0x88, $3  }
0x1: {  	(tag) =	ssettag $0x0;
	lr =	simm.s32 $0x1  }
0x2: {  	[smem:$0x3F9C] =	sst lr;
	_ =	strace $0xD0000000  }
0x3: {  	_ = 	snop  }
0x4: {  	_ = 	snop  }
0x5: {  	_ = 	snop  }
0x6: {  	_ = 	snop  }
0x7: {  	_ = 	snop  }
__scs_overlays_trampoline_lowered:
0x8: {  	[smem:$0x3FAB] =	sst s0  }
0x9: {  	[smem:$0x3FAC] =	sst s1  }
0xa: {  	[smem:$0x3FAD] =	sst s2  }
0xb: {  	[smem:$0x3FAE] =	sst s3  }
0xc: {  	[smem:$0x3FAF] =	sst s4  }
0xd: {  	[smem:$0x3FB0] =	sst s5  }
0xe: {  	[smem:$0x3FB1] =	sst s6  }
0xf: {  	[smem:$0x3FB2] =	sst s7  }
0x10: {  	[smem:$0x3FB3] =	sst s8  }
0x11: {  	[smem:$0x3FB4] =	sst s9;
	s0 =	simm.s32 @!p0 $0x0  }
0x12: {  	s1 =	sld [smem:$0x3F9A];
	s0 =	simm.s32 @p0 $0x1  }
0x13: {  	[smem:$0x3FB5] =	sst s0;
	s0 =	simm.s32 @!p1 $0x0  }
0x14: {  	s2 =	sld [smem:$0x3F99];
	s0 =	simm.s32 @p1 $0x1  }
0x15: {  	[smem:$0x3FB6] =	sst s0;
	s0 =	simm.s32 @!p2 $0x0  }
0x16: {  	s3 =	sld [smem:$0x3FDB];
	s0 =	simm.s32 @p2 $0x1  }
0x17: {  	s4 =	simm.s32 $0x1BF5;
	[smem:$0x3FB8] =	sst s0  }
0x18: {  	s0 =	sld [smem:$0x3F9B];
	_ =	swait.ge [sflag:s4], $0x0  }
0x19: {  	s7 =	sld [smem:$0x3F9C]  }
0x1a: {  	s8 =	sadd.s32 $0xFFFFE003, lr  }
0x1b: {  	s9 =	sadd.s32 $0xFFFFFEF7, lr;
	s5 =	simm.s32 $0xFFFFFFFF;
	p2 =	slt.u32 s8, $0xFFFFF086  }
0x1c: {  	p1 =	slt.u32 s9, $0xF7A;
	s5 =	simm.s32 @!p2 $0x0  }
0x1d: {  	s5 =	simm.s32 @p1 $0x1;
	p0 =	seq.s32 s7, s2  }
0x1e: {  	s7 =	smul.u32 @!p0 $0xF7A, s2;
	p2 =	seq.s32 @!p0 s5, $0x0  }
0x1f: {  	s9 =	smul.u32 $0xF7A, s1;
	s8 =	simm.s32 @!p0 $0x1BF5;
	p2 =	por !p2, p0  }
0x20: {  	[sflag:s8] =	ssyncset.s32 @!p0 $0xFFFFF086;
	s6 =	sadd.s32 @!p0 s3, s7;
	s7 =	simm.s32 @!p0 $0x108  }
0x21: {  	s3 =	sadd.s32 s3, s9;
	s6 =	sadd.s32 @!p0 $0x88, s6;
	s7 =	simm.s32 @p2 $0x1082  }
0x22: {  	[simem:s7], [sflag:s8] =	dma.local @!p0 [hbm:s6], $0xF7A  }
0x23: {  	s9 =	sor.u32 $0xD0000000, s2;
	s6 =	simm.s32 $0x108;
	_ =	swait.ge @!p0 [sflag:s8], $0x0  }
0x24: {  	s3 =	sadd.s32 $0x88, s3;
	s6 =	simm.s32 @!p1 $0x1082;
	[sflag:s4] =	ssyncset.s32 $0xFFFFF086  }
0x25: {  	[simem:s6], [sflag:s4] =	dma.local [hbm:s3], $0xF7A  }
0x26: {  	[smem:$0x3F9C] =	sst s1;
	(tag) =	ssettag s2;
	_ =	strace s9  }
0x27: {  	s1 =	sld [smem:$0x3FAC]  }
0x28: {  	s2 =	sld [smem:$0x3FAD]  }
0x29: {  	s4 =	sld [smem:$0x3FAF]  }
0x2a: {  	p0 =	seq.s32 s5, $0x0;
	s5 =	sld [smem:$0x3FB0]  }
0x2b: {  	s6 =	sld [smem:$0x3FB1]  }
0x2c: {  	s7 =	sld [smem:$0x3FB2]  }
0x2d: {  	s3 =	simm.s32 $0x108;
	s8 =	sld [smem:$0x3FB3]  }
0x2e: {  	s3 =	simm.s32 @!p0 $0x1082;
	s9 =	sld [smem:$0x3FB4]  }
0x2f: {  	lr =	sadd.s32 s0, s3;
	s0 =	sld [smem:$0x3FAB]  }
0x30: {  	s3 =	sld [smem:$0x3FAE]  }
0x31: {  	[smem:$0x3FB7] =	sst s10  }
0x32: {  	s10 =	sld [smem:$0x3FB5];
	_ =	sdelay $0x3  }
0x33: {  	p0 =	seq.s32 s10, $0x1;
	s10 =	sld [smem:$0x3FB7];
	_ =	sdelay $0x3  }
0x34: {  	[smem:$0x3FB7] =	sst s10  }
0x35: {  	s10 =	sld [smem:$0x3FB6];
	_ =	sdelay $0x3  }
0x36: {  	p1 =	seq.s32 s10, $0x1;
	s10 =	sld [smem:$0x3FB7];
	_ =	sdelay $0x3  }
0x37: {  	[smem:$0x3FB7] =	sst s10  }
0x38: {  	s10 =	sld [smem:$0x3FB8]  }
0x39: {  	_ = 	snop;
	(pc) =	sbr.ind lr, $3  }
0x3a: {  	_ = 	snop  }
0x3b: {  	_ = 	snop  }
0x3c: {  	p2 =	seq.s32 s10, $0x1;
	s10 =	sld [smem:$0x3FB7]  }
0x3d: {  	_ =	shalt  }
0x3e: {  	_ =	shalt  }
0x3f: {  	_ =	shalt  }
0x40: {  	_ =	shalt  }
0x41: {  	_ =	shalt  }
0x42: {  	_ =	shalt  }
0x43: {  	_ =	shalt  }
0x44: {  	_ =	shalt  }
0x45: {  	_ =	shalt  }
0x46: {  	_ =	shalt  }
0x47: {  	_ =	shalt  }
0x48: {  	_ =	shalt  }
0x49: {  	_ =	shalt  }
0x4a: {  	_ =	shalt  }
0x4b: {  	_ =	shalt  }
0x4c: {  	_ =	shalt  }
0x4d: {  	_ =	shalt  }
0x4e: {  	_ =	shalt  }
0x4f: {  	_ =	shalt  }
0x50: {  	_ =	shalt  }
0x51: {  	_ =	shalt  }
0x52: {  	_ =	shalt  }
0x53: {  	_ =	shalt  }
0x54: {  	_ =	shalt  }
0x55: {  	_ =	shalt  }
0x56: {  	_ =	shalt  }
0x57: {  	_ =	shalt  }
0x58: {  	_ =	shalt  }
0x59: {  	_ =	shalt  }
0x5a: {  	_ =	shalt  }
0x5b: {  	_ =	shalt  }
0x5c: {  	_ =	shalt  }
0x5d: {  	_ =	shalt  }
0x5e: {  	_ =	shalt  }
0x5f: {  	_ =	shalt  }
0x60: {  	_ =	shalt  }
0x61: {  	_ =	shalt  }
0x62: {  	_ =	shalt  }
0x63: {  	_ =	shalt  }
0x64: {  	_ =	shalt  }
0x65: {  	_ =	shalt  }
0x66: {  	_ =	shalt  }
0x67: {  	_ =	shalt  }
0x68: {  	_ =	shalt  }
0x69: {  	_ =	shalt  }
0x6a: {  	_ =	shalt  }
0x6b: {  	_ =	shalt  }
0x6c: {  	_ =	shalt  }
0x6d: {  	_ =	shalt  }
0x6e: {  	_ =	shalt  }
0x6f: {  	_ =	shalt  }
0x70: {  	_ =	shalt  }
0x71: {  	_ =	shalt  }
0x72: {  	_ =	shalt  }
0x73: {  	_ =	shalt  }
0x74: {  	_ =	shalt  }
0x75: {  	_ =	shalt  }
0x76: {  	_ =	shalt  }
0x77: {  	_ =	shalt  }
0x78: {  	_ =	shalt  }
0x79: {  	_ =	shalt  }
0x7a: {  	_ =	shalt  }
0x7b: {  	_ =	shalt  }
0x7c: {  	_ =	shalt  }
0x7d: {  	_ =	shalt  }
0x7e: {  	_ =	shalt  }
0x7f: {  	_ =	shalt  }
0x80: {  	_ =	shalt  }
0x81: {  	_ =	shalt  }
0x82: {  	_ =	shalt  }
0x83: {  	_ =	shalt  }
0x84: {  	_ =	shalt  }
0x85: {  	_ =	shalt  }
0x86: {  	_ =	shalt  }
0x87: {  	_ =	shalt  }
.Lfunc_end0:
.L_simem_size_0:
called_computation_lowered:
.L_overlay_start_0:
0x88: {  	s2 =	sld [smem:$0x3FD9]  }
0x89: {  	s3 =	sld [smem:$0x3FFE];
	_ =	sdelay $0x1  }
0x8a: {  	s1 =	srdreg.scid  }
0x8b: {  	s0 =	sand.u32 $0x1, s1  }
0x8c: {  	s17 =	sshll.u32 s0, $0xA;
	s2 =	sadd.s32 s3, s2  }
0x8d: {  	s2 =	sadd.s32 s2, s17  }
0x8e: {  	[smem:$0x3FC3] =	sst s2  }
0x8f: {  	_ = 	snop  }
0x90: {  	s2 =	sld [smem:$0x3FD0];
	(tm) =	ssettm $0x1  }
0x91: {  	s18 =	sld [smem:$0x3FFB];
	_ =	sdelay $0x3  }
0x92: {  	_ =	strace s18  }
0x93: {  	s3 =	sld [smem:$0x3FFC];
	_ =	sdelay $0x3  }
0x94: {  	_ =	strace s3  }
0x95: {  	s3 =	sld [smem:$0x3FFD];
	_ =	sdelay $0x3  }
0x96: {  	_ =	strace s3  }
0x97: {  	_ =	strace $0x8FFFFFFF  }
0x98: {  	s19 =	sld [smem:$0x3FDB];
	_ =	sdelay $0x1  }
0x99: {  	s4 =	simm.s32 $_scs_section_size  }
0x9a: {  	s5 =	simm.s32 $_size__tile_overlayer_lowered;
	s6 =	simm.s32 $_tile_overlayer_lowered  }
0x9b: {  	s22 =	simm.s32 $0x1BFF;
	s21 =	sshll.u32 s6, $0x1;
	s3 =	sadd.s32 s4, s19  }
0x9c: {  	s7 =	simm.s32 $0x0;
	s20 =	sshll.u32 s5, $0x1;
	s5 =	sadd.s32 s21, s3  }
0x9d: {  	[timem:s7], [sflag:s22] =	dma.local [hbm:s5], s20  }
0x9e: {  	_ =	swait.ge [sflag:s22], s20  }
0x9f: {  	s4 =	ssub.s32 $0x0, s20;
	[sflag:s22] =	ssyncset.done $0x0  }
0xa0: {  	[sflag:s22] =	ssyncadd.s32 s4;
	_ =	sdelay $0x1  }
0xa1: {  	s23 =	simm.s32 $0x1B8B  }
0xa2: {  	_ =	swait.ge [sflag:s23], $0x1  }
0xa3: {  	[sflag:s23] =	ssyncset.done $0x0  }
0xa4: {  	s25 =	simm.s32 $0x1B8E;
	s24 =	sld [smem:$0x3FFE];
	[sflag:s23] =	ssyncadd.s32 $0xFFFFFFFF  }
0xa5: {  	s26 =	simm.s32 $execute0_lowered;
	[smem:$0x3FD2] =	sst s25  }
0xa6: {  	s5 =	sshll.u32 s26, $0x1;
	_ =	strace $0x80000046;
	[dreg:$0x1] =	wrdreg $0xFFFFFFFF  }
0xa7: {  	s28 =	simm.s32 $_size_execute0_lowered;
	s3 =	sadd.s32 s3, s5;
	[dreg:$0x0] =	wrdreg $0x0  }
0xa8: {  	s5 =	sshll.u32 s28, $0x1;
	[dreg:$0x2] =	wrdreg s3  }
0xa9: {  	[dreg:$0x3] =	wrdreg s5  }
0xaa: {  	[dreg:$0x4] =	wrdreg $0xC0  }
0xab: {  	_ =	task [dreg:s7], $0x5FFFF  }
0xac: {  	[dreg:$0x1] =	wrdreg $0xFFFFFFFF  }
0xad: {  	[dreg:$0x0] =	wrdreg $0x60  }
0xae: {  	[dreg:$0x2] =	wrdreg s24  }
0xaf: {  	[dreg:$0x3] =	wrdreg s2  }
0xb0: {  	[dreg:$0x4] =	wrdreg $0x9  }
0xb1: {  	_ =	task.clear_ibuf [dreg:s7], $0x5FFFF;
	_ =	strace $0x90000046  }
0xb2: {  	s29 =	simm.s32 $0x9;
	_ =	strace $0x80000048  }
0xb3: {  	_ =	swait.ge [sflag:s29], $0x1  }
0xb4: {  	[sflag:s29] =	ssyncadd.s32 $0xFFFFFFFF  }
0xb5: {  	_ =	strace $0x90000048  }
0xb6: {  	_ =	sfence  }
0xb7: {  	s30 =	sld [smem:$0x0];
	_ =	sdelay $0x2  }
0xb8: {  	s31 =	sshll.u32 s1, $0xD;
	s1 =	sshrl.u32 s1, $0x2  }
0xb9: {  	s3 =	sand.u32 $0x4000, s31;
	s1 =	sadd.s32 s1, s30  }
0xba: {  	s0 =	sor.u32 s3, s0;
	s1 =	sshll.u32 s1, $0x11  }
0xbb: {  	s0 =	sor.u32 s1, s0  }
0xbc: {  	s0 =	sadd.s32 $0x8F2B, s0  }
0xbd: {  	[sflag:s0] =	ssyncadd.remote.s32 $0x1  }
0xbe: {  	_ =	sfence.sel $0xFFFF  }
0xbf: {  	[dreg:$0x0] =	wrdreg $0xFFFFFFFF;
	(pc) =	sbr.abs _section_cstart, $3  }
0xc0: {  	[dreg:$0x1] =	wrdreg $0xFFFFFFFF  }
0xc1: {  	_ =	task.clear_ibuf [dreg:s7], $0x2FFFF;
	_ =	strace $0x9FFFFFFF  }
0xc2: {  	(tm) =	ssettm $0x7FFFFFFF  }
0xc3: {  	_ =	shalt  }
tec
execute0_lowered:
.L_overlay_start_1:
0x0: {  	(tag) =	ssettag $0x1  }
0x1: {  	s0 =	rddreg [dreg:$0x0]  }
0x2: {  	s1 =	srdreg.scid;
	s3 =	stileid.u32  }
0x3: {  	s2 =	rddreg [dreg:$0x1];
	s31 =	simm.s32 $0x7;
	s30 =	simm.s32 $0x3  }
0x4: {  	s1 =	sand.u32 $0x1, s1;
	s4 =	sshll.u32 s3, $0x1;
	s3 =	simm.s32 $0x0  }
0x5: {  	s5 =	sadd.s32 $0x16800, s0;
	s8 =	sor.u32 s1, s4;
	[smem:$0x7FF] =	sst s3  }
0x6: {  	s4 =	sadd.s32 $0x3C00, s0;
	s1 =	ssub.s32 $0x2, s1;
	s9 =	smul.u32 $0x1900, s8  }
0x7: {  	_ =	strace $0x80000047;
	s6 =	sshll.u32 s8, $0x8;
	s11 =	sshrl.u32 s1, $0x1  }
0x8: {  	s13 =	smul.u32 $0x32, s8;
	s8 =	sshll.u32 s8, $0xB;
	s7 =	sand.u32 $0x300, s6  }
0x9: {  	s6 =	sadd.s32 $0x78400, s0;
	s19 =	sand.u32 $0x1800, s8;
	s10 =	sand.u32 $0x3FC00, s9  }
0xa: {  	s12 =	sshrl.u32 s9, $0x3;
	s15 =	sshrl.u32 s13, $0x3;
	s22 =	sadd.s32 $0x3, s13  }
0xb: {  	s23 =	sadd.s32 $0x4, s13;
	s28 =	sadd.s32 $0x5, s13;
	s29 =	sadd.s32 $0x2, s13  }
0xc: {  	s10 =	sor.u32 s7, s10;
	s7 =	sadd.s32 $0xDA000, s0;
	[dreg:$0xd] =	wrdreg s22  }
0xd: {  	s0 =	sadd.s32 $0x2400, s0;
	s9 =	sadd.s32 $0x6, s15;
	[dreg:$0xe] =	wrdreg s23  }
0xe: {  	s23 =	simm.s32 $0x2;
	s10 =	sshrl.u32 s10, $0x3;
	[dreg:$0x3] =	wrdreg s0  }
0xf: {  	s0 =	ssub.s32 s1, s11;
	s1 =	sadd.s32 s4, s12;
	s10 =	sadd.s32 s4, s10  }
0x10: {  	s22 =	simm.s32 $0xC780;
	s16 =	sadd.s32 $0x20, s1;
	[dreg:$0x4] =	wrdreg s10  }
0x11: {  	s18 =	smul.u32 $0x18000, s9;
	s17 =	sadd.s32 $0x6420, s1;
	[dreg:$0xa] =	wrdreg s16  }
0x12: {  	s12 =	sadd.s32 $0x31, s13;
	s1 =	sadd.s32 $0xC820, s1;
	[dreg:$0xb] =	wrdreg s17  }
0x13: {  	s9 =	smul.u32 $0x180, s9;
	s0 =	smax.u32 s0, $0x1;
	[dreg:$0xc] =	wrdreg s1  }
0x14: {  	s20 =	sshrl.u32 s12, $0x3;
	s24 =	sadd.s32 $0x6400, s10;
	[dreg:$0x13] =	wrdreg s0  }
0x15: {  	s12 =	sshll.u32 s12, $0xA;
	s25 =	sadd.s32 $0xC800, s10;
	[dreg:$0x5] =	wrdreg s24  }
0x16: {  	s26 =	sadd.s32 $0x10, s10;
	s11 =	sadd.s32 $0x6410, s10;
	[dreg:$0x6] =	wrdreg s25  }
0x17: {  	s14 =	sadd.s32 $0xC810, s10;
	s1 =	sor.u32 s19, s18;
	[dreg:$0x7] =	wrdreg s26  }
0x18: {  	s21 =	smul.u32 $0x18000, s20;
	s12 =	sand.u32 $0x1C00, s12;
	[dreg:$0x8] =	wrdreg s11  }
0x19: {  	s8 =	smul.u32 $0x180, s20;
	s9 =	sshra.s32 s9, $0x2;
	[dreg:$0x9] =	wrdreg s14  }
0x1a: {  	s20 =	smov.u32 s13;
	s0 =	simm.s32 $0x100;
	[dreg:$0xf] =	wrdreg s9  }
0x1b: {  	s1 =	sshrl.u32 s1, $0x3;
	s14 =	simm.s32 $0x280;
	s11 =	sor.u32 s12, s21  }
0x1c: {  	v0 =	vlaneseq.u32;
	s1 =	sadd.s32 s2, s1;
	s25 =	sshra.s32 s8, $0x2;
	s12 =	simm.s32 $0x180  }
0x1d: {  	v0 =	vmul.u32 $0x88, v0;
	s21 =	simm.s32 $0x9480;
	s8 =	simm.s32 $0xFA80;
	[dreg:$0x10] =	wrdreg s1  }
0x1e: {  	s24 =	sshrl.u32 s11, $0x3;
	[dreg:$0x11] =	wrdreg s25;
	s1 =	simm.s32 $0x80  }
0x1f: {  	v1 =	vadd.s32 $0x880, v0;
	v2 =	vadd.s32 $0x1100, v0;
	s11 =	simm.s32 $0x0;
	s26 =	sadd.s32 s2, s24;
	s24 =	simm.s32 $0x1  }
0x20: {  	v3 =	vadd.s32 $0x1980, v0;
	v4 =	vadd.s32 $0x2200, v0;
	v5 =	vadd.s32 $0x2A80, v0;
	[dreg:$0x12] =	wrdreg s26;
	s26 =	sor.u32 $0x1, s13;
	s13 =	simm.s32 $0x200  }
.LBB2_1:
0x21: {  	[dreg:$0x14] =	wrdreg s11  }
0x22: {  	s9 =	rddreg [dreg:$0x3];
	s10 =	simm.s32 $0x12D80  }
0x23: {  	[tilespmem:s10], [sflag:$0x7] =	stream.linear.gather [hbm4b:s9+s3], $0x4B00, $0x38;
	[tilespmem:$0x17880] =	vst v63  }
0x24: {  	_ =	swait.ge [sflag:s31], $0x4B00  }
0x25: {  	[sflag:s31] =	ssyncset.done $0x0  }
0x26: {  	s19 =	rddreg [dreg:$0x4];
	[sflag:s31] =	ssyncadd.s32 $0xFFFFB500  }
0x27: {  	[tilespmem:s3], [sflag:$0x7] =	stream.linear.gather [hbm4b:s19+s3], $0x80, $0x38;
	[tilespmem:$0x17880] =	vst v63  }
0x28: {  	_ =	swait.ge [sflag:s31], $0x80  }
0x29: {  	[sflag:s31] =	ssyncset.done $0x0  }
0x2a: {  	s25 =	rddreg [dreg:$0x5];
	[sflag:s31] =	ssyncadd.s32 $0xFFFFFF80  }
0x2b: {  	[tilespmem:s1], [sflag:$0x7] =	stream.linear.gather [hbm4b:s25+s3], $0x80, $0x38;
	[tilespmem:$0x17880] =	vst v63  }
0x2c: {  	_ =	swait.ge [sflag:s31], $0x80  }
0x2d: {  	[sflag:s31] =	ssyncset.done $0x0  }
0x2e: {  	s10 =	rddreg [dreg:$0x6];
	[sflag:s31] =	ssyncadd.s32 $0xFFFFFF80  }
0x2f: {  	[tilespmem:s0], [sflag:$0x7] =	stream.linear.gather [hbm4b:s10+s3], $0x80, $0x38;
	[tilespmem:$0x17880] =	vst v63  }
0x30: {  	_ =	swait.ge [sflag:s31], $0x80  }
0x31: {  	[sflag:s31] =	ssyncset.done $0x0  }
0x32: {  	s11 =	simm.s32 $0x480;
	[sflag:s31] =	ssyncadd.s32 $0xFFFFFF80  }
0x33: {  	[tilespmem:s11], [sflag:$0x1] =	stream.indirect.gather [hbm4b:s5+s1], $0x20, s3, s1, $0xb8;
	[tilespmem:$0x17880] =	vst v63  }
0x34: {  	s15 =	simm.s32 $0x1480  }
0x35: {  	[tilespmem:s15], [sflag:$0x1] =	stream.indirect.gather [hbm4b:s6+s1], $0x20, s1, s1, $0xb8;
	[tilespmem:$0x17880] =	vst v63  }
0x36: {  	s16 =	simm.s32 $0x2480  }
0x37: {  	[tilespmem:s16], [sflag:$0x1] =	stream.indirect.gather [hbm4b:s7+s1], $0x20, s0, s1, $0xb8;
	[tilespmem:$0x17880] =	vst v63  }
0x38: {  	s17 =	rddreg [dreg:$0x7]  }
0x39: {  	[tilespmem:s12], [sflag:$0x7] =	stream.linear.gather [hbm4b:s17+s3], $0x80, $0x38;
	[tilespmem:$0x17880] =	vst v63  }
0x3a: {  	_ =	swait.ge [sflag:s31], $0x80  }
0x3b: {  	[sflag:s31] =	ssyncset.done $0x0  }
0x3c: {  	s18 =	rddreg [dreg:$0x8];
	[sflag:s31] =	ssyncadd.s32 $0xFFFFFF80  }
0x3d: {  	[tilespmem:s13], [sflag:$0x7] =	stream.linear.gather [hbm4b:s18+s3], $0x80, $0x38;
	[tilespmem:$0x17880] =	vst v63  }
0x3e: {  	_ =	swait.ge [sflag:s31], $0x80  }
0x3f: {  	[sflag:s31] =	ssyncset.done $0x0  }
0x40: {  	s19 =	rddreg [dreg:$0x9];
	[sflag:s31] =	ssyncadd.s32 $0xFFFFFF80  }
0x41: {  	[tilespmem:s14], [sflag:$0x7] =	stream.linear.gather [hbm4b:s19+s3], $0x80, $0x38;
	[tilespmem:$0x17880] =	vst v63  }
0x42: {  	_ =	swait.ge [sflag:s31], $0x80  }
0x43: {  	[sflag:s31] =	ssyncset.done $0x0  }
0x44: {  	s25 =	simm.s32 $0x3480;
	[sflag:s31] =	ssyncadd.s32 $0xFFFFFF80  }
0x45: {  	[tilespmem:s25], [sflag:$0x2] =	stream.indirect.gather [hbm4b:s5+s1], $0x20, s12, s1, $0xb8;
	[tilespmem:$0x17880] =	vst v63  }
0x46: {  	s10 =	simm.s32 $0x4480  }
0x47: {  	[tilespmem:s10], [sflag:$0x2] =	stream.indirect.gather [hbm4b:s6+s1], $0x20, s13, s1, $0xb8;
	[tilespmem:$0x17880] =	vst v63  }
0x48: {  	s11 =	simm.s32 $0x5480  }
0x49: {  	[tilespmem:s11], [sflag:$0x2] =	stream.indirect.gather [hbm4b:s7+s1], $0x20, s14, s1, $0xb8;
	[tilespmem:$0x17880] =	vst v63  }
0x4a: {  	s16 =	simm.s32 $0x300;
	s15 =	rddreg [dreg:$0xa]  }
0x4b: {  	[tilespmem:s16], [sflag:$0x7] =	stream.linear.gather [hbm4b:s15+s3], $0x80, $0x38;
	[tilespmem:$0x17880] =	vst v63  }
0x4c: {  	_ =	swait.ge [sflag:s31], $0x80  }
0x4d: {  	[sflag:s31] =	ssyncset.done $0x0  }
0x4e: {  	s18 =	simm.s32 $0x380;
	s17 =	rddreg [dreg:$0xb];
	[sflag:s31] =	ssyncadd.s32 $0xFFFFFF80  }
0x4f: {  	[tilespmem:s18], [sflag:$0x7] =	stream.linear.gather [hbm4b:s17+s3], $0x80, $0x38;
	[tilespmem:$0x17880] =	vst v63  }
0x50: {  	_ =	swait.ge [sflag:s31], $0x80  }
0x51: {  	[sflag:s31] =	ssyncset.done $0x0  }
0x52: {  	s25 =	simm.s32 $0x400;
	s19 =	rddreg [dreg:$0xc];
	[sflag:s31] =	ssyncadd.s32 $0xFFFFFF80  }
0x53: {  	[tilespmem:s25], [sflag:$0x7] =	stream.linear.gather [hbm4b:s19+s3], $0x80, $0x38;
	[tilespmem:$0x17880] =	vst v63  }
0x54: {  	_ =	swait.ge [sflag:s31], $0x80  }
0x55: {  	[sflag:s31] =	ssyncset.done $0x0  }
0x56: {  	s15 =	simm.s32 $0x0;
	[sflag:s31] =	ssyncadd.s32 $0xFFFFFF80  }
.LBB2_2:
0x57: {  	s9 =	simm.s32 $0x300;
	s10 =	simm.s32 $0x6480  }
0x58: {  	[tilespmem:s10], [sflag:$0x3] =	stream.indirect.gather [hbm4b:s5+s1], $0x20, s9, s1, $0xb8;
	[tilespmem:$0x17880] =	vst v63  }
0x59: {  	s19 =	simm.s32 $0x380;
	s25 =	simm.s32 $0x7480  }
0x5a: {  	[tilespmem:s25], [sflag:$0x3] =	stream.indirect.gather [hbm4b:s6+s1], $0x20, s19, s1, $0xb8;
	[tilespmem:$0x17880] =	vst v63  }
0x5b: {  	s11 =	simm.s32 $0x400;
	s16 =	simm.s32 $0x8480  }
0x5c: {  	[tilespmem:s16], [sflag:$0x3] =	stream.indirect.gather [hbm4b:s7+s1], $0x20, s11, s1, $0xb8;
	[tilespmem:$0x17880] =	vst v63  }
0x5d: {  	_ =	swait.ge [sflag:s24], $0x1000  }
0x5e: {  	[sflag:s24] =	ssyncset.done $0x0  }
0x5f: {  	[sflag:s24] =	ssyncadd.s32 $0xFFFFF000  }
0x60: {  	_ =	swait.ge [sflag:s24], $0x1000  }
0x61: {  	[sflag:s24] =	ssyncset.done $0x0  }
0x62: {  	[sflag:s24] =	ssyncadd.s32 $0xFFFFF000  }
0x63: {  	s16 =	smul.u32 $0x3, s15;
	_ =	swait.ge [sflag:s24], $0x1000  }
0x64: {  	s17 =	rddreg [dreg:$0xd]  }
0x65: {  	s9 =	sadd.s32 s16, s17  }
0x66: {  	[sflag:s24] =	ssyncset.done $0x0;
	s9 =	sshll.u32 s9, $0x4  }
0x67: {  	[sflag:s24] =	ssyncadd.s32 $0xFFFFF000;
	s11 =	sadd.s32 s4, s9  }
0x68: {  	[tilespmem:s3], [sflag:$0x7] =	stream.linear.gather [hbm4b:s11+s3], $0x80, $0x38;
	[tilespmem:$0x17880] =	vst v63  }
0x69: {  	s9 =	sand.u32 $0x1FFFFFF0, s9;
	_ =	swait.ge [sflag:s31], $0x80  }
0x6a: {  	s9 =	sadd.s32 s4, s9;
	[sflag:s31] =	ssyncset.done $0x0  }
0x6b: {  	s18 =	sadd.s32 $0x6400, s9;
	[sflag:s31] =	ssyncadd.s32 $0xFFFFFF80  }
0x6c: {  	[tilespmem:s1], [sflag:$0x7] =	stream.linear.gather [hbm4b:s18+s3], $0x80, $0x38;
	[tilespmem:$0x17880] =	vst v63  }
0x6d: {  	_ =	swait.ge [sflag:s31], $0x80  }
0x6e: {  	[sflag:s31] =	ssyncset.done $0x0  }
0x6f: {  	s9 =	sadd.s32 $0xC800, s9;
	[sflag:s31] =	ssyncadd.s32 $0xFFFFFF80  }
0x70: {  	[tilespmem:s0], [sflag:$0x7] =	stream.linear.gather [hbm4b:s9+s3], $0x80, $0x38;
	[tilespmem:$0x17880] =	vst v63  }
0x71: {  	_ =	swait.ge [sflag:s31], $0x80  }
0x72: {  	p0 =	seq.s32 s15, $0x0;
	s17 =	sadd.s32 s20, s16;
	[sflag:s31] =	ssyncset.done $0x0  }
0x73: {  	s18 =	sshrl.u32 s17, $0x3;
	s9 =	simm.s32 @!p0 $0x4;
	[sflag:s31] =	ssyncadd.s32 $0xFFFFFF80  }
0x74: {  	s19 =	smul.u32 $0x180, s18;
	_ =	swait.ge @!p0 [sflag:s9], $0x3000  }
0x75: {  	[sflag:s9] =	ssyncset.done @!p0 $0x0  }
0x76: {  	s11 =	sshra.s32 s19, $0x2;
	[sflag:s9] =	ssyncadd.s32 @!p0 $0xFFFFD000  }
0x77: {  	v15 =	vld [tilespmem:s11+$0x12D80]  }
0x78: {  	s19 =	simm.s32 $0x3;
	s9 =	simm.s32 $0x14C0;
	v13 =	vld [tilespmem:s11+$0x12D90]  }
0x79: {  	v6 =	vmov s19;
	v10 =	vld [tilespmem:s9+$0xFFFFF020]  }
0x7a: {  	v17 =	vand.u32 $0x7F, v6;
	v9 =	vld [tilespmem:s11+$0x12DA0]  }
0x7b: {  	s25 =	simm.s32 $0x0;
	v11 =	vadd.s32 v0, v17;
	v8 =	vld [tilespmem:s11+$0x12DB0]  }
0x7c: {  	s10 =	simm.s32 $0x1;
	v6 =	vmov s25;
	s25 =	simm.s32 $0x2;
	v12 =	vld [tilespmem:s9+$0xFFFFEFC0]  }
0x7d: {  	v16 =	vand.u32 $0x7C, v6;
	v6 =	vmov s10;
	v19 =	vmov s25;
	v14 =	vld [tilespmem:s9+$0xFFFFEFE0]  }
0x7e: {  	v20 =	vadd.s32 v0, v16;
	v18 =	vand.u32 $0x7D, v6;
	v21 =	vld [tilespmem:s9+$0xFFFFF000];
	v10 =	vadd.f32 v10, v15  }
0x7f: {  	v19 =	vand.u32 $0x7E, v19;
	v22 =	vadd.s32 v0, v18;
	v7 =	vld [tilespmem:s11+$0x12DC0]  }
0x80: {  	v23 =	vadd.s32 v0, v19;
	v6 =	vld [tilespmem:s11+$0x12DD0];
	[tilespmem:v11+s21+$0x0] =	vst.idx.msk $0xffff, v10  }
0x81: {  	v10 =	vadd.f32 v12, v15;
	v11 =	vld [tilespmem:s9+$0xFFFFF030]  }
0x82: {  	v12 =	vadd.f32 v14, v15  }
0x83: {  	v14 =	vadd.s32 v1, v17;
	[tilespmem:v20+s21+$0x0] =	vst.idx.msk $0xffff, v10;
	v10 =	vadd.f32 v21, v15  }
0x84: {  	[tilespmem:v22+s21+$0x0] =	vst.idx.msk $0xffff, v12;
	v20 =	vld [tilespmem:s9+$0xFFFFEFD0]  }
0x85: {  	v12 =	vld [tilespmem:s9+$0xFFFFEFF0];
	[tilespmem:v23+s21+$0x0] =	vst.idx.msk $0xffff, v10  }
0x86: {  	v10 =	vadd.s32 v1, v16;
	v21 =	vld [tilespmem:s9+$0xFFFFF010];
	v11 =	vadd.f32 v11, v13  }
0x87: {  	v22 =	vadd.s32 v1, v18  }
0x88: {  	v23 =	vadd.s32 v1, v19;
	[tilespmem:v14+s21+$0x0] =	vst.idx.msk $0xffff, v11  }
0x89: {  	v11 =	vadd.f32 v20, v13;
	v14 =	vld [tilespmem:s9+$0x20]  }
0x8a: {  	v12 =	vadd.f32 v12, v13  }
0x8b: {  	[tilespmem:v10+s21+$0x0] =	vst.idx.msk $0xffff, v11;
	v10 =	vadd.f32 v21, v13;
	v11 =	vadd.s32 v2, v17  }
0x8c: {  	[tilespmem:v22+s21+$0x0] =	vst.idx.msk $0xffff, v12;
	v20 =	vld [tilespmem:s9+$0xFFFFFFC0]  }
0x8d: {  	v12 =	vld [tilespmem:s9+$0xFFFFFFE0];
	[tilespmem:v23+s21+$0x0] =	vst.idx.msk $0xffff, v10  }
0x8e: {  	v21 =	vld [tilespmem:s9+$0x0];
	v10 =	vadd.f32 v14, v9  }
0x8f: {  	s19 =	simm.s32 $0x4;
	s10 =	simm.s32 $0x7;
	s25 =	simm.s32 $0x1540;
	v14 =	vadd.s32 v2, v18  }
0x90: {  	v24 =	vld [tilespmem:s25+$0xFFFFF020];
	v22 =	vmov s19;
	v23 =	vadd.s32 v2, v19;
	[tilespmem:v11+s21+$0x0] =	vst.idx.msk $0xffff, v10;
	v10 =	vmov s10  }
0x91: {  	v25 =	vadd.s32 v2, v16;
	v11 =	vand.u32 $0x7C, v22;
	v10 =	vand.u32 $0x7F, v10;
	v22 =	vld [tilespmem:s9+$0x30]  }
0x92: {  	v30 =	vadd.s32 v3, v17;
	v26 =	vld [tilespmem:s25+$0xFFFFEFC0];
	v12 =	vadd.f32 v12, v9;
	s10 =	simm.s32 $0x5;
	v27 =	vadd.s32 v0, v10  }
0x93: {  	v29 =	vld [tilespmem:s25+$0xFFFFEFE0];
	s19 =	simm.s32 $0x6;
	v20 =	vadd.f32 v20, v9;
	v28 =	vmov s10;
	v21 =	vadd.f32 v21, v9  }
0x94: {  	v31 =	vadd.s32 v0, v11;
	[tilespmem:v14+s21+$0x0] =	vst.idx.msk $0xffff, v12;
	v14 =	vmov s19;
	v12 =	vand.u32 $0x7D, v28;
	v28 =	vld [tilespmem:s25+$0xFFFFF000]  }
0x95: {  	[tilespmem:v23+s21+$0x0] =	vst.idx.msk $0xffff, v21;
	v21 =	vadd.s32 v0, v12;
	v14 =	vand.u32 $0x7E, v14;
	v23 =	vadd.f32 v24, v15;
	v24 =	vld [tilespmem:s9+$0xFFFFFFF0]  }
0x96: {  	[tilespmem:v25+s21+$0x0] =	vst.idx.msk $0xffff, v20;
	v20 =	vadd.s32 v0, v14;
	v25 =	vld [tilespmem:s9+$0x10];
	v22 =	vadd.f32 v22, v8  }
0x97: {  	v26 =	vadd.f32 v26, v15;
	[tilespmem:v27+s21+$0x0] =	vst.idx.msk $0xffff, v23;
	v23 =	vld [tilespmem:s9+$0xFFFFFFD0];
	v27 =	vadd.s32 v3, v18  }
0x98: {  	v33 =	vadd.s32 v3, v19;
	v29 =	vadd.f32 v29, v15;
	v32 =	vld [tilespmem:s25+$0xFFFFF030];
	[tilespmem:v30+s21+$0x0] =	vst.idx.msk $0xffff, v22  }
0x99: {  	[tilespmem:v31+s21+$0x0] =	vst.idx.msk $0xffff, v26;
	v26 =	vadd.s32 v3, v16;
	v22 =	vadd.f32 v28, v15;
	v28 =	vld [tilespmem:s9+$0x1020]  }
0x9a: {  	v30 =	vld [tilespmem:s25+$0xFFFFEFD0];
	[tilespmem:v21+s21+$0x0] =	vst.idx.msk $0xffff, v29;
	v21 =	vadd.s32 v1, v10;
	v24 =	vadd.f32 v24, v8  }
0x9b: {  	v29 =	vld [tilespmem:s25+$0xFFFFEFF0];
	[tilespmem:v20+s21+$0x0] =	vst.idx.msk $0xffff, v22;
	v20 =	vadd.f32 v25, v8;
	v22 =	vadd.s32 v4, v17  }
0x9c: {  	v25 =	vadd.s32 v1, v11;
	v31 =	vld [tilespmem:s25+$0xFFFFF010];
	v23 =	vadd.f32 v23, v8;
	[tilespmem:v27+s21+$0x0] =	vst.idx.msk $0xffff, v24  }
0x9d: {  	v24 =	vadd.s32 v1, v12;
	[tilespmem:v33+s21+$0x0] =	vst.idx.msk $0xffff, v20;
	v27 =	vadd.f32 v32, v13;
	v60 =	vld [tilespmem:s9+$0xFE0]  }
0x9e: {  	v20 =	vadd.s32 v1, v14;
	[tilespmem:v26+s21+$0x0] =	vst.idx.msk $0xffff, v23;
	v23 =	vld [tilespmem:s9+$0x1000];
	v26 =	vadd.f32 v28, v7  }
0x9f: {  	v28 =	vadd.f32 v30, v13;
	[tilespmem:v21+s21+$0x0] =	vst.idx.msk $0xffff, v27;
	v21 =	vld [tilespmem:s9+$0xFC0];
	v27 =	vadd.s32 v4, v18  }
0xa0: {  	v61 =	vadd.s32 v4, v19;
	v29 =	vadd.f32 v29, v13;
	v30 =	vld [tilespmem:s25+$0x20];
	[tilespmem:v22+s21+$0x0] =	vst.idx.msk $0xffff, v26  }
0xa1: {  	[tilespmem:v25+s21+$0x0] =	vst.idx.msk $0xffff, v28;
	v22 =	vadd.f32 v31, v13;
	v25 =	vadd.s32 v4, v16;
	v26 =	vld [tilespmem:s9+$0x1030]  }
0xa2: {  	v34 =	vadd.s32 v2, v10;
	v31 =	vld [tilespmem:s25+$0xFFFFFFC0];
	[tilespmem:v24+s21+$0x0] =	vst.idx.msk $0xffff, v29;
	v28 =	vadd.f32 v60, v7  }
0xa3: {  	v35 =	vadd.s32 v5, v17;
	v62 =	vld [tilespmem:s25+$0xFFFFFFE0];
	[tilespmem:v20+s21+$0x0] =	vst.idx.msk $0xffff, v22;
	v20 =	vadd.f32 v23, v7  }
0xa4: {  	v29 =	vadd.s32 v2, v11;
	v24 =	vld [tilespmem:s25+$0x0];
	v17 =	vadd.f32 v21, v7;
	[tilespmem:v27+s21+$0x0] =	vst.idx.msk $0xffff, v28  }
0xa5: {  	s11 =	simm.s32 $0x8;
	v28 =	vadd.s32 v2, v12;
	v27 =	vadd.f32 v30, v9;
	v23 =	vld [tilespmem:s9+$0xFF0];
	[tilespmem:v61+s21+$0x0] =	vst.idx.msk $0xffff, v20  }
0xa6: {  	v21 =	vadd.s32 v2, v14;
	v20 =	vmov s11;
	[tilespmem:v25+s21+$0x0] =	vst.idx.msk $0xffff, v17;
	v22 =	vld [tilespmem:s9+$0x1010];
	v63 =	vadd.f32 v26, v6  }
0xa7: {  	s10 =	simm.s32 $0xB;
	v17 =	vand.u32 $0x7C, v20;
	v30 =	vadd.f32 v31, v9;
	v26 =	vadd.s32 v5, v18;
	[tilespmem:v34+s21+$0x0] =	vst.idx.msk $0xffff, v27;
	v25 =	vld [tilespmem:s9+$0xFD0];
	s9 =	simm.s32 $0x15C0  }
0xa8: {  	s19 =	simm.s32 $0xC;
	v18 =	vmov s10;
	v32 =	vadd.f32 v62, v9;
	v27 =	vadd.s32 v5, v19;
	v31 =	vld [tilespmem:s9+$0xFFFFF020];
	[tilespmem:v35+s21+$0x0] =	vst.idx.msk $0xffff, v63  }
.LBB2_3:
0xa9: {  	p1 =	slt.u32 s19, $0x7C;
	s10 =	sadd.s32 $0x1, s11;
	v18 =	vand.u32 $0x7F, v18;
	[tilespmem:v29+s21+$0x0] =	vst.idx.msk $0xffff, v30;
	v19 =	vadd.f32 v24, v9;
	v20 =	vld [tilespmem:s25+$0x30];
	v24 =	vadd.s32 v5, v16  }
0xaa: {  	v34 =	vmovc v14;
	v29 =	vld [tilespmem:s9+$0xFFFFEFC0];
	v30 =	vmov s10;
	s10 =	sadd.s32 $0x2, s11;
	v33 =	vadd.s32 v0, v18;
	[tilespmem:v28+s21+$0x0] =	vst.idx.msk $0xffff, v32;
	v23 =	vadd.f32 v23, v6;
	s11 =	smov.u32 s19  }
0xab: {  	v16 =	vmovc v11;
	v28 =	vld [tilespmem:s9+$0xFFFFEFE0];
	v14 =	vmov s10;
	[tilespmem:v21+s21+$0x0] =	vst.idx.msk $0xffff, v19;
	v19 =	vadd.s32 v3, v10;
	v21 =	vadd.f32 v22, v6  }
0xac: {  	v22 =	vadd.s32 v0, v17;
	v35 =	vand.u32 $0x7D, v30;
	v30 =	vld [tilespmem:s9+$0xFFFFF000];
	v32 =	vadd.f32 v25, v6;
	[tilespmem:v26+s21+$0x0] =	vst.idx.msk $0xffff, v23  }
0xad: {  	v23 =	vadd.s32 v0, v35;
	v14 =	vand.u32 $0x7E, v14;
	v25 =	vadd.f32 v31, v15;
	v26 =	vld [tilespmem:s25+$0xFFFFFFF0];
	[tilespmem:v27+s21+$0x0] =	vst.idx.msk $0xffff, v21  }
0xae: {  	v11 =	vmov v17;
	v21 =	vadd.s32 v0, v14;
	v27 =	vld [tilespmem:s25+$0x10];
	v20 =	vadd.f32 v20, v8;
	[tilespmem:v24+s21+$0x0] =	vst.idx.msk $0xffff, v32  }
0xaf: {  	v17 =	vadd.f32 v29, v15;
	[tilespmem:v33+s21+$0x0] =	vst.idx.msk $0xffff, v25;
	v24 =	vld [tilespmem:s25+$0xFFFFFFD0];
	v25 =	vadd.s32 v3, v12  }
0xb0: {  	v31 =	vadd.s32 v3, v34;
	v28 =	vadd.f32 v28, v15;
	v29 =	vld [tilespmem:s9+$0xFFFFF030];
	[tilespmem:v19+s21+$0x0] =	vst.idx.msk $0xffff, v20  }
0xb1: {  	v19 =	vadd.s32 v3, v16;
	[tilespmem:v22+s21+$0x0] =	vst.idx.msk $0xffff, v17;
	v17 =	vadd.f32 v30, v15;
	v20 =	vld [tilespmem:s25+$0x1020]  }
0xb2: {  	v22 =	vld [tilespmem:s9+$0xFFFFEFD0];
	[tilespmem:v23+s21+$0x0] =	vst.idx.msk $0xffff, v28;
	v23 =	vadd.s32 v1, v18;
	v26 =	vadd.f32 v26, v8  }
0xb3: {  	v28 =	vld [tilespmem:s9+$0xFFFFEFF0];
	[tilespmem:v21+s21+$0x0] =	vst.idx.msk $0xffff, v17;
	v17 =	vadd.f32 v27, v8;
	v21 =	vadd.s32 v4, v10  }
0xb4: {  	v27 =	vadd.s32 v1, v11;
	v30 =	vld [tilespmem:s9+$0xFFFFF010];
	v24 =	vadd.f32 v24, v8;
	[tilespmem:v25+s21+$0x0] =	vst.idx.msk $0xffff, v26  }
0xb5: {  	v25 =	vadd.s32 v1, v35;
	v26 =	vadd.f32 v29, v13;
	v29 =	vld [tilespmem:s25+$0xFE0];
	[tilespmem:v31+s21+$0x0] =	vst.idx.msk $0xffff, v17  }
0xb6: {  	v17 =	vadd.s32 v1, v14;
	[tilespmem:v19+s21+$0x0] =	vst.idx.msk $0xffff, v24;
	v19 =	vld [tilespmem:s25+$0x1000];
	v20 =	vadd.f32 v20, v7  }
0xb7: {  	v22 =	vadd.f32 v22, v13;
	[tilespmem:v23+s21+$0x0] =	vst.idx.msk $0xffff, v26;
	v23 =	vld [tilespmem:s25+$0xFC0];
	v26 =	vadd.s32 v4, v12  }
0xb8: {  	v32 =	vadd.s32 v4, v34;
	v24 =	vadd.f32 v28, v13;
	v31 =	vld [tilespmem:s9+$0x20];
	[tilespmem:v21+s21+$0x0] =	vst.idx.msk $0xffff, v20  }
0xb9: {  	[tilespmem:v27+s21+$0x0] =	vst.idx.msk $0xffff, v22;
	v20 =	vadd.f32 v30, v13;
	v22 =	vadd.s32 v4, v16;
	v27 =	vld [tilespmem:s25+$0x1030]  }
0xba: {  	v30 =	vld [tilespmem:s9+$0xFFFFFFC0];
	[tilespmem:v25+s21+$0x0] =	vst.idx.msk $0xffff, v24;
	v25 =	vadd.s32 v2, v18;
	v21 =	vadd.f32 v29, v7  }
0xbb: {  	v33 =	vld [tilespmem:s9+$0xFFFFFFE0];
	[tilespmem:v17+s21+$0x0] =	vst.idx.msk $0xffff, v20;
	v17 =	vadd.f32 v19, v7;
	v19 =	vadd.s32 v5, v10;
	v10 =	vmov v18  }
.Ltmp0:
0xbc: {  	v29 =	vadd.s32 v2, v11;
	v24 =	vld [tilespmem:s9+$0x0];
	v18 =	vadd.f32 v23, v7;
	[tilespmem:v26+s21+$0x0] =	vst.idx.msk $0xffff, v21;
	(pc) =	sbr.rel @p1 .LBB2_3-.Ltmp0, $4  }
0xbd: {  	v28 =	vadd.s32 v2, v35;
	v20 =	vadd.f32 v31, v9;
	v23 =	vld [tilespmem:s25+$0xFF0];
	[tilespmem:v32+s21+$0x0] =	vst.idx.msk $0xffff, v17  }
0xbe: {  	v21 =	vadd.s32 v2, v14;
	v17 =	vmov s19;
	[tilespmem:v22+s21+$0x0] =	vst.idx.msk $0xffff, v18;
	v22 =	vld [tilespmem:s25+$0x1010];
	v36 =	vadd.f32 v27, v6  }
0xbf: {  	s10 =	sadd.s32 $0x3, s19;
	v26 =	vadd.s32 v5, v12;
	v17 =	vand.u32 $0x7C, v17;
	v30 =	vadd.f32 v30, v9;
	[tilespmem:v25+s21+$0x0] =	vst.idx.msk $0xffff, v20;
	v25 =	vld [tilespmem:s25+$0xFD0];
	s25 =	smov.u32 s9;
	s9 =	sadd.s32 $0x80, s9  }
0xc0: {  	v12 =	vmovc v35;
	s19 =	sadd.s32 $0x4, s19;
	v18 =	vmov s10;
	v27 =	vadd.s32 v5, v34;
	v31 =	vld [tilespmem:s9+$0xFFFFF020];
	v32 =	vadd.f32 v33, v9;
	[tilespmem:v19+s21+$0x0] =	vst.idx.msk $0xffff, v36  }
0xc1: {  	s10 =	sadd.s32 $0x1, s11  }
0xc2: {  	v18 =	vand.u32 $0x7F, v18;
	s11 =	sadd.s32 $0x2, s11;
	v33 =	vld [tilespmem:s9+$0xFFFFEFE0];
	v19 =	vmov s10  }
0xc3: {  	v35 =	vld [tilespmem:s9+$0xFFFFF000];
	v34 =	vadd.s32 v0, v18;
	v20 =	vmov s11;
	v19 =	vand.u32 $0x7D, v19  }
0xc4: {  	v36 =	vld [tilespmem:s9+$0xFFFFEFC0];
	v20 =	vand.u32 $0x7E, v20;
	v37 =	vadd.s32 v0, v19  }
0xc5: {  	v38 =	vadd.s32 v0, v20  }
0xc6: {  	v39 =	vadd.s32 v0, v17;
	v31 =	vadd.f32 v31, v15  }
0xc7: {  	v33 =	vadd.f32 v33, v15  }
0xc8: {  	v45 =	vadd.f32 v35, v15;
	[tilespmem:v34+s21+$0x0] =	vst.idx.msk $0xffff, v31  }
0xc9: {  	v46 =	vadd.f32 v36, v15;
	v34 =	vld [tilespmem:s9+$0xFFFFF030];
	[tilespmem:v37+s21+$0x0] =	vst.idx.msk $0xffff, v33  }
0xca: {  	[tilespmem:v38+s21+$0x0] =	vst.idx.msk $0xffff, v45;
	v33 =	vld [tilespmem:s9+$0xFFFFEFF0]  }
0xcb: {  	v47 =	vadd.s32 v1, v18;
	[tilespmem:v39+s21+$0x0] =	vst.idx.msk $0xffff, v46;
	v31 =	vld [tilespmem:s9+$0xFFFFF010]  }
0xcc: {  	v49 =	vadd.s32 v1, v19;
	v48 =	vld [tilespmem:s9+$0xFFFFEFD0]  }
0xcd: {  	v50 =	vadd.s32 v1, v20  }
0xce: {  	[tilespmem:v29+s21+$0x0] =	vst.idx.msk $0xffff, v30;
	v51 =	vadd.s32 v1, v17;
	v52 =	vadd.f32 v34, v13  }
0xcf: {  	[tilespmem:v28+s21+$0x0] =	vst.idx.msk $0xffff, v32;
	v53 =	vadd.f32 v33, v13  }
0xd0: {  	[tilespmem:v47+s21+$0x0] =	vst.idx.msk $0xffff, v52;
	v54 =	vadd.f32 v31, v13  }
0xd1: {  	v55 =	vadd.f32 v48, v13;
	v30 =	vld [tilespmem:s9+$0x20];
	[tilespmem:v49+s21+$0x0] =	vst.idx.msk $0xffff, v53  }
0xd2: {  	v24 =	vadd.f32 v24, v9;
	v16 =	vadd.s32 v5, v16;
	[tilespmem:v50+s21+$0x0] =	vst.idx.msk $0xffff, v54;
	v28 =	vld [tilespmem:s9+$0xFFFFFFE0]  }
0xd3: {  	v56 =	vadd.f32 v23, v6;
	v57 =	vadd.s32 v2, v18;
	[tilespmem:v51+s21+$0x0] =	vst.idx.msk $0xffff, v55;
	v58 =	vld [tilespmem:s9+$0x0]  }
0xd4: {  	[tilespmem:v21+s21+$0x0] =	vst.idx.msk $0xffff, v24;
	v59 =	vadd.f32 v22, v6;
	v61 =	vadd.s32 v2, v19;
	v60 =	vld [tilespmem:s9+$0xFFFFFFC0]  }
0xd5: {  	v62 =	vld [tilespmem:s25+$0x30];
	v25 =	vadd.f32 v25, v6;
	[tilespmem:v26+s21+$0x0] =	vst.idx.msk $0xffff, v56;
	v63 =	vadd.s32 v2, v20  }
0xd6: {  	[tilespmem:v27+s21+$0x0] =	vst.idx.msk $0xffff, v59;
	v37 =	vld [tilespmem:s25+$0x10];
	v34 =	vadd.s32 v2, v17;
	v35 =	vadd.f32 v30, v9  }
0xd7: {  	v36 =	vadd.s32 v3, v10;
	[tilespmem:v16+s21+$0x0] =	vst.idx.msk $0xffff, v25;
	v39 =	vld [tilespmem:s25+$0xFFFFFFD0];
	v38 =	vadd.f32 v28, v9  }
0xd8: {  	v42 =	vadd.s32 v3, v14;
	v33 =	vld [tilespmem:s25+$0xFFFFFFF0];
	[tilespmem:v57+s21+$0x0] =	vst.idx.msk $0xffff, v35;
	v41 =	vadd.f32 v58, v9  }
0xd9: {  	v46 =	vadd.s32 v3, v11;
	v43 =	vadd.f32 v60, v9;
	v44 =	vld [tilespmem:s9+$0x30];
	[tilespmem:v61+s21+$0x0] =	vst.idx.msk $0xffff, v38  }
0xda: {  	v40 =	vadd.s32 v3, v12;
	v45 =	vadd.f32 v62, v8;
	[tilespmem:v63+s21+$0x0] =	vst.idx.msk $0xffff, v41;
	v47 =	vld [tilespmem:s9+$0xFFFFFFF0]  }
0xdb: {  	v51 =	vadd.f32 v37, v8;
	v49 =	vadd.s32 v3, v18;
	[tilespmem:v34+s21+$0x0] =	vst.idx.msk $0xffff, v43;
	v50 =	vld [tilespmem:s9+$0x10]  }
0xdc: {  	[tilespmem:v36+s21+$0x0] =	vst.idx.msk $0xffff, v45;
	v25 =	vadd.f32 v39, v8;
	v53 =	vadd.s32 v3, v19;
	v52 =	vld [tilespmem:s9+$0xFFFFFFD0]  }
0xdd: {  	v55 =	vadd.s32 v3, v20;
	v54 =	vld [tilespmem:s25+$0x1020];
	[tilespmem:v42+s21+$0x0] =	vst.idx.msk $0xffff, v51;
	v48 =	vadd.f32 v33, v8  }
0xde: {  	[tilespmem:v46+s21+$0x0] =	vst.idx.msk $0xffff, v25;
	v59 =	vld [tilespmem:s25+$0x1000];
	v57 =	vadd.s32 v3, v17;
	v56 =	vadd.f32 v44, v8  }
0xdf: {  	v25 =	vld [tilespmem:s25+$0xFC0];
	[tilespmem:v40+s21+$0x0] =	vst.idx.msk $0xffff, v48;
	v58 =	vadd.s32 v4, v10;
	v13 =	vadd.f32 v47, v8  }
0xe0: {  	v62 =	vadd.s32 v4, v14;
	v28 =	vld [tilespmem:s25+$0xFE0];
	[tilespmem:v49+s21+$0x0] =	vst.idx.msk $0xffff, v56;
	v61 =	vadd.f32 v50, v8  }
0xe1: {  	v34 =	vadd.s32 v4, v11;
	v32 =	vadd.f32 v52, v8;
	v63 =	vld [tilespmem:s9+$0x1020];
	[tilespmem:v53+s21+$0x0] =	vst.idx.msk $0xffff, v13  }
0xe2: {  	v60 =	vadd.s32 v4, v12;
	v33 =	vadd.f32 v54, v7;
	[tilespmem:v55+s21+$0x0] =	vst.idx.msk $0xffff, v61;
	v27 =	vld [tilespmem:s9+$0xFE0]  }
0xe3: {  	v36 =	vadd.s32 v4, v18;
	v38 =	vadd.f32 v59, v7;
	[tilespmem:v57+s21+$0x0] =	vst.idx.msk $0xffff, v32;
	v37 =	vld [tilespmem:s9+$0x1000]  }
0xe4: {  	v39 =	vadd.s32 v4, v19;
	v25 =	vadd.f32 v25, v7;
	[tilespmem:v58+s21+$0x0] =	vst.idx.msk $0xffff, v33;
	v22 =	vld [tilespmem:s9+$0xFC0]  }
0xe5: {  	v41 =	vadd.s32 v4, v20;
	[tilespmem:v62+s21+$0x0] =	vst.idx.msk $0xffff, v38;
	v35 =	vadd.f32 v28, v7;
	v40 =	vld [tilespmem:s25+$0x1030]  }
0xe6: {  	v46 =	vld [tilespmem:s25+$0x1010];
	v44 =	vadd.s32 v4, v17;
	[tilespmem:v34+s21+$0x0] =	vst.idx.msk $0xffff, v25;
	v43 =	vadd.f32 v63, v7  }
0xe7: {  	v45 =	vadd.s32 v5, v10;
	[tilespmem:v60+s21+$0x0] =	vst.idx.msk $0xffff, v35;
	v26 =	vld [tilespmem:s25+$0xFD0];
	v47 =	vadd.f32 v27, v7  }
0xe8: {  	v42 =	vld [tilespmem:s25+$0xFF0];
	v49 =	vadd.s32 v5, v14;
	[tilespmem:v36+s21+$0x0] =	vst.idx.msk $0xffff, v43;
	v8 =	vadd.f32 v37, v7  }
0xe9: {  	v52 =	vadd.s32 v5, v11;
	v7 =	vadd.f32 v22, v7;
	v50 =	vld [tilespmem:s9+$0x1030];
	[tilespmem:v39+s21+$0x0] =	vst.idx.msk $0xffff, v47  }
0xea: {  	v48 =	vadd.s32 v5, v12;
	v51 =	vadd.f32 v40, v6;
	[tilespmem:v41+s21+$0x0] =	vst.idx.msk $0xffff, v8;
	v53 =	vld [tilespmem:s9+$0xFF0]  }
0xeb: {  	v55 =	vadd.s32 v5, v18;
	v56 =	vadd.f32 v46, v6;
	[tilespmem:v44+s21+$0x0] =	vst.idx.msk $0xffff, v7;
	v7 =	vld [tilespmem:s9+$0x1010]  }
0xec: {  	v58 =	vadd.s32 v5, v19;
	v59 =	vadd.f32 v26, v6;
	[tilespmem:v45+s21+$0x0] =	vst.idx.msk $0xffff, v51;
	v57 =	vld [tilespmem:s9+$0xFD0]  }
0xed: {  	v60 =	vadd.s32 v5, v20;
	v54 =	vadd.f32 v42, v6;
	[tilespmem:v49+s21+$0x0] =	vst.idx.msk $0xffff, v56  }
0xee: {  	v62 =	vadd.s32 v5, v17;
	[tilespmem:v52+s21+$0x0] =	vst.idx.msk $0xffff, v59;
	v61 =	vadd.f32 v50, v6  }
0xef: {  	s19 =	smul.u32 $0x18000, s18;
	s25 =	sshll.u32 s17, $0xA;
	[tilespmem:v48+s21+$0x0] =	vst.idx.msk $0xffff, v54;
	v63 =	vadd.f32 v53, v6  }
0xf0: {  	s10 =	sand.u32 $0x1C00, s25;
	[tilespmem:v55+s21+$0x0] =	vst.idx.msk $0xffff, v61;
	v7 =	vadd.f32 v7, v6  }
0xf1: {  	s9 =	sor.u32 s10, s19;
	v6 =	vadd.f32 v57, v6;
	[tilespmem:v58+s21+$0x0] =	vst.idx.msk $0xffff, v63  }
0xf2: {  	s9 =	sshrl.u32 s9, $0x3;
	[tilespmem:v60+s21+$0x0] =	vst.idx.msk $0xffff, v7  }
0xf3: {  	s11 =	simm.s32 $0x9480;
	s10 =	sadd.s32 s2, s9;
	[tilespmem:v62+s21+$0x0] =	vst.idx.msk $0xffff, v6  }
0xf4: {  	[hbm4b:s10+s3] =	stream.linear.scatter [tilespmem:s11], [sflag:$0x4], $0x80, $0x38;
	[tilespmem:$0x17880] =	vst v63  }
0xf5: {  	s17 =	simm.s32 $0x9508;
	s18 =	sadd.s32 $0x10, s10  }
0xf6: {  	[hbm4b:s18+s3] =	stream.linear.scatter [tilespmem:s17], [sflag:$0x4], $0x80, $0x38;
	[tilespmem:$0x17880] =	vst v63  }
0xf7: {  	s19 =	simm.s32 $0x9590;
	s25 =	sadd.s32 $0x20, s10  }
0xf8: {  	[hbm4b:s25+s3] =	stream.linear.scatter [tilespmem:s19], [sflag:$0x4], $0x80, $0x38;
	[tilespmem:$0x17880] =	vst v63  }
0xf9: {  	s17 =	simm.s32 $0x9618;
	s18 =	sadd.s32 $0x30, s10  }
0xfa: {  	[hbm4b:s18+s3] =	stream.linear.scatter [tilespmem:s17], [sflag:$0x4], $0x80, $0x38;
	[tilespmem:$0x17880] =	vst v63  }
0xfb: {  	s19 =	simm.s32 $0x96A0;
	s25 =	sadd.s32 $0x40, s10  }
0xfc: {  	[hbm4b:s25+s3] =	stream.linear.scatter [tilespmem:s19], [sflag:$0x4], $0x80, $0x38;
	[tilespmem:$0x17880] =	vst v63  }
0xfd: {  	s9 =	simm.s32 $0x440;
	s17 =	simm.s32 $0x9728;
	s18 =	sadd.s32 $0x50, s10  }
0xfe: {  	[hbm4b:s18+s3] =	stream.linear.scatter [tilespmem:s17], [sflag:$0x4], $0x80, $0x38;
	[tilespmem:$0x17880] =	vst v63  }
0xff: {  	s11 =	sadd.s32 $0x400, s10;
	s19 =	simm.s32 $0x97B0;
	s25 =	sadd.s32 $0x60, s10  }
0x100: {  	[hbm4b:s25+s3] =	stream.linear.scatter [tilespmem:s19], [sflag:$0x4], $0x80, $0x38;
	[tilespmem:$0x17880] =	vst v63  }
0x101: {  	s17 =	simm.s32 $0x2200;
	s18 =	simm.s32 $0x9838;
	s19 =	sadd.s32 $0x70, s10  }
.LBB2_5:
0x102: {  	[hbm4b:s19+s3] =	stream.linear.scatter [tilespmem:s18], [sflag:$0x4], $0x80, $0x38;
	[tilespmem:$0x17880] =	vst v63  }
0x103: {  	s10 =	smov.u32 s9;
	s9 =	smov.u32 s17  }
0x104: {  	s25 =	sadd.s32 $0x1100, s17;
	s9 =	sshra.s32 s9, $0x2;
	s18 =	sadd.s32 $0x9480, s10  }
0x105: {  	[hbm4b:s11+s3] =	stream.linear.scatter [tilespmem:s18], [sflag:$0x4], $0x80, $0x38;
	[tilespmem:$0x17880] =	vst v63  }
0x106: {  	p1 =	sne.s32 s17, $0xBB00;
	s17 =	sadd.s32 $0x9508, s10;
	s18 =	sadd.s32 $0x10, s11  }
0x107: {  	[hbm4b:s18+s3] =	stream.linear.scatter [tilespmem:s17], [sflag:$0x4], $0x80, $0x38;
	[tilespmem:$0x17880] =	vst v63  }
0x108: {  	s17 =	sadd.s32 $0x9590, s10;
	s18 =	sadd.s32 $0x20, s11  }
0x109: {  	[hbm4b:s18+s3] =	stream.linear.scatter [tilespmem:s17], [sflag:$0x4], $0x80, $0x38;
	[tilespmem:$0x17880] =	vst v63  }
0x10a: {  	s17 =	sadd.s32 $0x9618, s10;
	s18 =	sadd.s32 $0x30, s11  }
0x10b: {  	[hbm4b:s18+s3] =	stream.linear.scatter [tilespmem:s17], [sflag:$0x4], $0x80, $0x38;
	[tilespmem:$0x17880] =	vst v63  }
0x10c: {  	s17 =	sadd.s32 $0x96A0, s10;
	s18 =	sadd.s32 $0x40, s11  }
0x10d: {  	[hbm4b:s18+s3] =	stream.linear.scatter [tilespmem:s17], [sflag:$0x4], $0x80, $0x38;
	[tilespmem:$0x17880] =	vst v63  }
.Ltmp1:
0x10e: {  	s17 =	sadd.s32 $0x9728, s10;
	s18 =	sadd.s32 $0x50, s11;
	(pc) =	sbr.rel @p1 .LBB2_5-.Ltmp1, $4  }
0x10f: {  	[hbm4b:s18+s3] =	stream.linear.scatter [tilespmem:s17], [sflag:$0x4], $0x80, $0x38;
	[tilespmem:$0x17880] =	vst v63  }
0x110: {  	s19 =	sadd.s32 $0x70, s11;
	s17 =	sadd.s32 $0x97B0, s10;
	s18 =	sadd.s32 $0x60, s11  }
0x111: {  	[hbm4b:s18+s3] =	stream.linear.scatter [tilespmem:s17], [sflag:$0x4], $0x80, $0x38;
	[tilespmem:$0x17880] =	vst v63  }
0x112: {  	s11 =	sadd.s32 $0x400, s11;
	s18 =	sadd.s32 $0x9838, s10;
	s17 =	smov.u32 s25  }
0x113: {  	[hbm4b:s19+s3] =	stream.linear.scatter [tilespmem:s18], [sflag:$0x4], $0x80, $0x38;
	[tilespmem:$0x17880] =	vst v63  }
0x114: {  	s10 =	sadd.s32 $0x9480, s9  }
0x115: {  	[hbm4b:s11+s3] =	stream.linear.scatter [tilespmem:s10], [sflag:$0x4], $0x80, $0x38;
	[tilespmem:$0x17880] =	vst v63  }
0x116: {  	s18 =	sadd.s32 $0x9508, s9;
	s17 =	sadd.s32 $0x10, s11  }
0x117: {  	[hbm4b:s17+s3] =	stream.linear.scatter [tilespmem:s18], [sflag:$0x4], $0x80, $0x38;
	[tilespmem:$0x17880] =	vst v63  }
0x118: {  	s19 =	sadd.s32 $0x9590, s9;
	s25 =	sadd.s32 $0x20, s11  }
0x119: {  	[hbm4b:s25+s3] =	stream.linear.scatter [tilespmem:s19], [sflag:$0x4], $0x80, $0x38;
	[tilespmem:$0x17880] =	vst v63  }
0x11a: {  	s17 =	sadd.s32 $0x9618, s9;
	s18 =	sadd.s32 $0x30, s11  }
0x11b: {  	[hbm4b:s18+s3] =	stream.linear.scatter [tilespmem:s17], [sflag:$0x4], $0x80, $0x38;
	[tilespmem:$0x17880] =	vst v63  }
0x11c: {  	s19 =	sadd.s32 $0x96A0, s9;
	s25 =	sadd.s32 $0x40, s11  }
0x11d: {  	[hbm4b:s25+s3] =	stream.linear.scatter [tilespmem:s19], [sflag:$0x4], $0x80, $0x38;
	[tilespmem:$0x17880] =	vst v63  }
0x11e: {  	s17 =	sadd.s32 $0x9728, s9;
	s18 =	sadd.s32 $0x50, s11  }
0x11f: {  	[hbm4b:s18+s3] =	stream.linear.scatter [tilespmem:s17], [sflag:$0x4], $0x80, $0x38;
	[tilespmem:$0x17880] =	vst v63  }
0x120: {  	s19 =	sadd.s32 $0x97B0, s9;
	s25 =	sadd.s32 $0x60, s11  }
0x121: {  	[hbm4b:s25+s3] =	stream.linear.scatter [tilespmem:s19], [sflag:$0x4], $0x80, $0x38;
	[tilespmem:$0x17880] =	vst v63  }
0x122: {  	s18 =	sadd.s32 $0x9838, s9;
	s19 =	sadd.s32 $0x70, s11  }
0x123: {  	[hbm4b:s19+s3] =	stream.linear.scatter [tilespmem:s18], [sflag:$0x4], $0x80, $0x38;
	[tilespmem:$0x17880] =	vst v63  }
0x124: {  	s25 =	simm.s32 $0x480  }
0x125: {  	[tilespmem:s25], [sflag:$0x1] =	stream.indirect.gather [hbm4b:s5+s1], $0x20, s3, s1, $0xb8;
	[tilespmem:$0x17880] =	vst v63  }
0x126: {  	s10 =	simm.s32 $0x1480  }
0x127: {  	[tilespmem:s10], [sflag:$0x1] =	stream.indirect.gather [hbm4b:s6+s1], $0x20, s1, s1, $0xb8;
	[tilespmem:$0x17880] =	vst v63  }
0x128: {  	s11 =	simm.s32 $0x2480  }
0x129: {  	[tilespmem:s11], [sflag:$0x1] =	stream.indirect.gather [hbm4b:s7+s1], $0x20, s0, s1, $0xb8;
	[tilespmem:$0x17880] =	vst v63  }
0x12a: {  	_ =	swait.ge [sflag:s23], $0x1000  }
0x12b: {  	[sflag:s23] =	ssyncset.done $0x0  }
0x12c: {  	[sflag:s23] =	ssyncadd.s32 $0xFFFFF000  }
0x12d: {  	_ =	swait.ge [sflag:s23], $0x1000  }
0x12e: {  	[sflag:s23] =	ssyncset.done $0x0  }
0x12f: {  	[sflag:s23] =	ssyncadd.s32 $0xFFFFF000  }
0x130: {  	_ =	swait.ge [sflag:s23], $0x1000  }
0x131: {  	s17 =	rddreg [dreg:$0xe]  }
0x132: {  	s9 =	sadd.s32 s16, s17  }
0x133: {  	[sflag:s23] =	ssyncset.done $0x0;
	s9 =	sshll.u32 s9, $0x4  }
0x134: {  	[sflag:s23] =	ssyncadd.s32 $0xFFFFF000;
	s18 =	sadd.s32 s4, s9  }
0x135: {  	[tilespmem:s12], [sflag:$0x7] =	stream.linear.gather [hbm4b:s18+s3], $0x80, $0x38;
	[tilespmem:$0x17880] =	vst v63  }
0x136: {  	s9 =	sand.u32 $0x1FFFFFF0, s9;
	_ =	swait.ge [sflag:s31], $0x80  }
0x137: {  	s9 =	sadd.s32 s4, s9;
	[sflag:s31] =	ssyncset.done $0x0  }
0x138: {  	s19 =	sadd.s32 $0x6400, s9;
	[sflag:s31] =	ssyncadd.s32 $0xFFFFFF80  }
0x139: {  	[tilespmem:s13], [sflag:$0x7] =	stream.linear.gather [hbm4b:s19+s3], $0x80, $0x38;
	[tilespmem:$0x17880] =	vst v63  }
0x13a: {  	_ =	swait.ge [sflag:s31], $0x80  }
0x13b: {  	[sflag:s31] =	ssyncset.done $0x0  }
0x13c: {  	s9 =	sadd.s32 $0xC800, s9;
	[sflag:s31] =	ssyncadd.s32 $0xFFFFFF80  }
0x13d: {  	[tilespmem:s14], [sflag:$0x7] =	stream.linear.gather [hbm4b:s9+s3], $0x80, $0x38;
	[tilespmem:$0x17880] =	vst v63  }
0x13e: {  	_ =	swait.ge [sflag:s31], $0x80  }
0x13f: {  	s17 =	sadd.s32 s16, s26;
	[sflag:s31] =	ssyncset.done $0x0  }
0x140: {  	s18 =	sshrl.u32 s17, $0x3;
	s9 =	simm.s32 @!p0 $0x5;
	[sflag:s31] =	ssyncadd.s32 $0xFFFFFF80  }
0x141: {  	s25 =	smul.u32 $0x180, s18;
	_ =	swait.ge @!p0 [sflag:s9], $0x3000  }
0x142: {  	[sflag:s9] =	ssyncset.done @!p0 $0x0  }
0x143: {  	[sflag:s9] =	ssyncadd.s32 @!p0 $0xFFFFD000;
	s9 =	sshra.s32 s25, $0x2  }
0x144: {  	v15 =	vld [tilespmem:s9+$0x12D80]  }
0x145: {  	s11 =	simm.s32 $0x3;
	s19 =	simm.s32 $0x44C0;
	v13 =	vld [tilespmem:s9+$0x12D90]  }
0x146: {  	v6 =	vmov s11;
	v10 =	vld [tilespmem:s19+$0xFFFFF020]  }
0x147: {  	v17 =	vand.u32 $0x7F, v6;
	v9 =	vld [tilespmem:s9+$0x12DA0]  }
0x148: {  	v11 =	vadd.s32 v0, v17;
	s25 =	simm.s32 $0x0;
	v8 =	vld [tilespmem:s9+$0x12DB0]  }
0x149: {  	s11 =	simm.s32 $0x1;
	v6 =	vmov s25;
	v12 =	vld [tilespmem:s19+$0xFFFFEFC0];
	s25 =	simm.s32 $0x2  }
0x14a: {  	v14 =	vld [tilespmem:s19+$0xFFFFEFE0];
	v16 =	vand.u32 $0x7C, v6;
	v6 =	vmov s11;
	v19 =	vmov s25  }
0x14b: {  	v21 =	vld [tilespmem:s19+$0xFFFFF000];
	v20 =	vadd.s32 v0, v16;
	v18 =	vand.u32 $0x7D, v6;
	v10 =	vadd.f32 v10, v15  }
0x14c: {  	v7 =	vld [tilespmem:s9+$0x12DC0];
	v19 =	vand.u32 $0x7E, v19;
	v22 =	vadd.s32 v0, v18  }
0x14d: {  	v6 =	vld [tilespmem:s9+$0x12DD0];
	v23 =	vadd.s32 v0, v19;
	[tilespmem:v11+s22+$0x0] =	vst.idx.msk $0xffff, v10  }
0x14e: {  	v10 =	vadd.f32 v12, v15;
	v11 =	vld [tilespmem:s19+$0xFFFFF030]  }
0x14f: {  	v12 =	vadd.f32 v14, v15  }
0x150: {  	v14 =	vadd.s32 v1, v17;
	[tilespmem:v20+s22+$0x0] =	vst.idx.msk $0xffff, v10;
	v10 =	vadd.f32 v21, v15  }
0x151: {  	[tilespmem:v22+s22+$0x0] =	vst.idx.msk $0xffff, v12;
	v20 =	vld [tilespmem:s19+$0xFFFFEFD0]  }
0x152: {  	v12 =	vld [tilespmem:s19+$0xFFFFEFF0];
	[tilespmem:v23+s22+$0x0] =	vst.idx.msk $0xffff, v10  }
0x153: {  	v10 =	vadd.s32 v1, v16;
	v21 =	vld [tilespmem:s19+$0xFFFFF010];
	v11 =	vadd.f32 v11, v13  }
0x154: {  	v22 =	vadd.s32 v1, v18  }
0x155: {  	v23 =	vadd.s32 v1, v19;
	[tilespmem:v14+s22+$0x0] =	vst.idx.msk $0xffff, v11  }
0x156: {  	v11 =	vadd.f32 v20, v13;
	v14 =	vld [tilespmem:s19+$0x20]  }
0x157: {  	v12 =	vadd.f32 v12, v13  }
0x158: {  	[tilespmem:v10+s22+$0x0] =	vst.idx.msk $0xffff, v11;
	v10 =	vadd.f32 v21, v13;
	v11 =	vadd.s32 v2, v17  }
0x159: {  	[tilespmem:v22+s22+$0x0] =	vst.idx.msk $0xffff, v12;
	v20 =	vld [tilespmem:s19+$0xFFFFFFC0]  }
0x15a: {  	v12 =	vld [tilespmem:s19+$0xFFFFFFE0];
	[tilespmem:v23+s22+$0x0] =	vst.idx.msk $0xffff, v10  }
0x15b: {  	v21 =	vld [tilespmem:s19+$0x0];
	v10 =	vadd.f32 v14, v9  }
0x15c: {  	s10 =	simm.s32 $0x4;
	s11 =	simm.s32 $0x7;
	s25 =	simm.s32 $0x4540;
	v14 =	vadd.s32 v2, v18  }
0x15d: {  	v24 =	vld [tilespmem:s25+$0xFFFFF020];
	v22 =	vmov s10;
	v23 =	vadd.s32 v2, v19;
	[tilespmem:v11+s22+$0x0] =	vst.idx.msk $0xffff, v10;
	v10 =	vmov s11  }
0x15e: {  	v25 =	vadd.s32 v2, v16;
	v11 =	vand.u32 $0x7C, v22;
	v10 =	vand.u32 $0x7F, v10;
	v22 =	vld [tilespmem:s19+$0x30]  }
0x15f: {  	v30 =	vadd.s32 v3, v17;
	v26 =	vld [tilespmem:s25+$0xFFFFEFC0];
	s10 =	simm.s32 $0x5;
	v12 =	vadd.f32 v12, v9;
	v27 =	vadd.s32 v0, v10  }
0x160: {  	v29 =	vld [tilespmem:s25+$0xFFFFEFE0];
	v28 =	vmov s10;
	v20 =	vadd.f32 v20, v9;
	s11 =	simm.s32 $0x6;
	v21 =	vadd.f32 v21, v9  }
0x161: {  	v31 =	vadd.s32 v0, v11;
	[tilespmem:v14+s22+$0x0] =	vst.idx.msk $0xffff, v12;
	v14 =	vmov s11;
	v12 =	vand.u32 $0x7D, v28;
	v28 =	vld [tilespmem:s25+$0xFFFFF000]  }
0x162: {  	[tilespmem:v23+s22+$0x0] =	vst.idx.msk $0xffff, v21;
	v21 =	vadd.s32 v0, v12;
	v14 =	vand.u32 $0x7E, v14;
	v23 =	vadd.f32 v24, v15;
	v24 =	vld [tilespmem:s19+$0xFFFFFFF0]  }
0x163: {  	[tilespmem:v25+s22+$0x0] =	vst.idx.msk $0xffff, v20;
	v20 =	vadd.s32 v0, v14;
	v25 =	vld [tilespmem:s19+$0x10];
	v22 =	vadd.f32 v22, v8  }
0x164: {  	v26 =	vadd.f32 v26, v15;
	[tilespmem:v27+s22+$0x0] =	vst.idx.msk $0xffff, v23;
	v23 =	vld [tilespmem:s19+$0xFFFFFFD0];
	v27 =	vadd.s32 v3, v18  }
0x165: {  	v33 =	vadd.s32 v3, v19;
	v29 =	vadd.f32 v29, v15;
	v32 =	vld [tilespmem:s25+$0xFFFFF030];
	[tilespmem:v30+s22+$0x0] =	vst.idx.msk $0xffff, v22  }
0x166: {  	[tilespmem:v31+s22+$0x0] =	vst.idx.msk $0xffff, v26;
	v26 =	vadd.s32 v3, v16;
	v22 =	vadd.f32 v28, v15;
	v28 =	vld [tilespmem:s19+$0x1020]  }
0x167: {  	v30 =	vld [tilespmem:s25+$0xFFFFEFD0];
	[tilespmem:v21+s22+$0x0] =	vst.idx.msk $0xffff, v29;
	v21 =	vadd.s32 v1, v10;
	v24 =	vadd.f32 v24, v8  }
0x168: {  	v29 =	vld [tilespmem:s25+$0xFFFFEFF0];
	[tilespmem:v20+s22+$0x0] =	vst.idx.msk $0xffff, v22;
	v20 =	vadd.f32 v25, v8;
	v22 =	vadd.s32 v4, v17  }
0x169: {  	v25 =	vadd.s32 v1, v11;
	v31 =	vld [tilespmem:s25+$0xFFFFF010];
	v23 =	vadd.f32 v23, v8;
	[tilespmem:v27+s22+$0x0] =	vst.idx.msk $0xffff, v24  }
0x16a: {  	v24 =	vadd.s32 v1, v12;
	[tilespmem:v33+s22+$0x0] =	vst.idx.msk $0xffff, v20;
	v27 =	vadd.f32 v32, v13;
	v60 =	vld [tilespmem:s19+$0xFE0]  }
0x16b: {  	v20 =	vadd.s32 v1, v14;
	[tilespmem:v26+s22+$0x0] =	vst.idx.msk $0xffff, v23;
	v23 =	vld [tilespmem:s19+$0x1000];
	v26 =	vadd.f32 v28, v7  }
0x16c: {  	v28 =	vadd.f32 v30, v13;
	[tilespmem:v21+s22+$0x0] =	vst.idx.msk $0xffff, v27;
	v21 =	vld [tilespmem:s19+$0xFC0];
	v27 =	vadd.s32 v4, v18  }
0x16d: {  	v61 =	vadd.s32 v4, v19;
	v29 =	vadd.f32 v29, v13;
	v30 =	vld [tilespmem:s25+$0x20];
	[tilespmem:v22+s22+$0x0] =	vst.idx.msk $0xffff, v26  }
0x16e: {  	[tilespmem:v25+s22+$0x0] =	vst.idx.msk $0xffff, v28;
	v22 =	vadd.f32 v31, v13;
	v25 =	vadd.s32 v4, v16;
	v26 =	vld [tilespmem:s19+$0x1030]  }
0x16f: {  	v34 =	vadd.s32 v2, v10;
	v31 =	vld [tilespmem:s25+$0xFFFFFFC0];
	[tilespmem:v24+s22+$0x0] =	vst.idx.msk $0xffff, v29;
	v28 =	vadd.f32 v60, v7  }
0x170: {  	v35 =	vadd.s32 v5, v17;
	v62 =	vld [tilespmem:s25+$0xFFFFFFE0];
	[tilespmem:v20+s22+$0x0] =	vst.idx.msk $0xffff, v22;
	v20 =	vadd.f32 v23, v7  }
0x171: {  	v29 =	vadd.s32 v2, v11;
	v24 =	vld [tilespmem:s25+$0x0];
	v17 =	vadd.f32 v21, v7;
	[tilespmem:v27+s22+$0x0] =	vst.idx.msk $0xffff, v28  }
0x172: {  	s11 =	simm.s32 $0x8;
	v28 =	vadd.s32 v2, v12;
	v27 =	vadd.f32 v30, v9;
	v23 =	vld [tilespmem:s19+$0xFF0];
	[tilespmem:v61+s22+$0x0] =	vst.idx.msk $0xffff, v20  }
0x173: {  	v21 =	vadd.s32 v2, v14;
	v20 =	vmov s11;
	[tilespmem:v25+s22+$0x0] =	vst.idx.msk $0xffff, v17;
	v22 =	vld [tilespmem:s19+$0x1010];
	v63 =	vadd.f32 v26, v6  }
0x174: {  	s9 =	simm.s32 $0x45C0;
	s10 =	simm.s32 $0xB;
	v17 =	vand.u32 $0x7C, v20;
	v30 =	vadd.f32 v31, v9;
	v26 =	vadd.s32 v5, v18;
	[tilespmem:v34+s22+$0x0] =	vst.idx.msk $0xffff, v27;
	v25 =	vld [tilespmem:s19+$0xFD0]  }
0x175: {  	v18 =	vmov s10;
	v31 =	vld [tilespmem:s9+$0xFFFFF020];
	s19 =	simm.s32 $0xC;
	v32 =	vadd.f32 v62, v9;
	v27 =	vadd.s32 v5, v19;
	[tilespmem:v35+s22+$0x0] =	vst.idx.msk $0xffff, v63  }
.LBB2_7:
0x176: {  	p0 =	slt.u32 s19, $0x7C;
	s10 =	sadd.s32 $0x1, s11;
	v18 =	vand.u32 $0x7F, v18;
	[tilespmem:v29+s22+$0x0] =	vst.idx.msk $0xffff, v30;
	v19 =	vadd.f32 v24, v9;
	v20 =	vld [tilespmem:s25+$0x30];
	v24 =	vadd.s32 v5, v16  }
0x177: {  	v34 =	vmovc v14;
	v29 =	vld [tilespmem:s9+$0xFFFFEFC0];
	v30 =	vmov s10;
	s10 =	sadd.s32 $0x2, s11;
	v33 =	vadd.s32 v0, v18;
	[tilespmem:v28+s22+$0x0] =	vst.idx.msk $0xffff, v32;
	v23 =	vadd.f32 v23, v6;
	s11 =	smov.u32 s19  }
0x178: {  	v16 =	vmovc v11;
	v28 =	vld [tilespmem:s9+$0xFFFFEFE0];
	v14 =	vmov s10;
	[tilespmem:v21+s22+$0x0] =	vst.idx.msk $0xffff, v19;
	v19 =	vadd.s32 v3, v10;
	v21 =	vadd.f32 v22, v6  }
0x179: {  	v22 =	vadd.s32 v0, v17;
	v35 =	vand.u32 $0x7D, v30;
	v30 =	vld [tilespmem:s9+$0xFFFFF000];
	v32 =	vadd.f32 v25, v6;
	[tilespmem:v26+s22+$0x0] =	vst.idx.msk $0xffff, v23  }
0x17a: {  	v23 =	vadd.s32 v0, v35;
	v14 =	vand.u32 $0x7E, v14;
	v25 =	vadd.f32 v31, v15;
	v26 =	vld [tilespmem:s25+$0xFFFFFFF0];
	[tilespmem:v27+s22+$0x0] =	vst.idx.msk $0xffff, v21  }
0x17b: {  	v11 =	vmov v17;
	v21 =	vadd.s32 v0, v14;
	v27 =	vld [tilespmem:s25+$0x10];
	v20 =	vadd.f32 v20, v8;
	[tilespmem:v24+s22+$0x0] =	vst.idx.msk $0xffff, v32  }
0x17c: {  	v17 =	vadd.f32 v29, v15;
	[tilespmem:v33+s22+$0x0] =	vst.idx.msk $0xffff, v25;
	v24 =	vld [tilespmem:s25+$0xFFFFFFD0];
	v25 =	vadd.s32 v3, v12  }
0x17d: {  	v31 =	vadd.s32 v3, v34;
	v28 =	vadd.f32 v28, v15;
	v29 =	vld [tilespmem:s9+$0xFFFFF030];
	[tilespmem:v19+s22+$0x0] =	vst.idx.msk $0xffff, v20  }
0x17e: {  	v19 =	vadd.s32 v3, v16;
	[tilespmem:v22+s22+$0x0] =	vst.idx.msk $0xffff, v17;
	v17 =	vadd.f32 v30, v15;
	v20 =	vld [tilespmem:s25+$0x1020]  }
0x17f: {  	v22 =	vld [tilespmem:s9+$0xFFFFEFD0];
	[tilespmem:v23+s22+$0x0] =	vst.idx.msk $0xffff, v28;
	v23 =	vadd.s32 v1, v18;
	v26 =	vadd.f32 v26, v8  }
0x180: {  	v28 =	vld [tilespmem:s9+$0xFFFFEFF0];
	[tilespmem:v21+s22+$0x0] =	vst.idx.msk $0xffff, v17;
	v17 =	vadd.f32 v27, v8;
	v21 =	vadd.s32 v4, v10  }
0x181: {  	v27 =	vadd.s32 v1, v11;
	v30 =	vld [tilespmem:s9+$0xFFFFF010];
	v24 =	vadd.f32 v24, v8;
	[tilespmem:v25+s22+$0x0] =	vst.idx.msk $0xffff, v26  }
0x182: {  	v25 =	vadd.s32 v1, v35;
	v26 =	vadd.f32 v29, v13;
	v29 =	vld [tilespmem:s25+$0xFE0];
	[tilespmem:v31+s22+$0x0] =	vst.idx.msk $0xffff, v17  }
0x183: {  	v17 =	vadd.s32 v1, v14;
	[tilespmem:v19+s22+$0x0] =	vst.idx.msk $0xffff, v24;
	v19 =	vld [tilespmem:s25+$0x1000];
	v20 =	vadd.f32 v20, v7  }
0x184: {  	v22 =	vadd.f32 v22, v13;
	[tilespmem:v23+s22+$0x0] =	vst.idx.msk $0xffff, v26;
	v23 =	vld [tilespmem:s25+$0xFC0];
	v26 =	vadd.s32 v4, v12  }
0x185: {  	v32 =	vadd.s32 v4, v34;
	v24 =	vadd.f32 v28, v13;
	v31 =	vld [tilespmem:s9+$0x20];
	[tilespmem:v21+s22+$0x0] =	vst.idx.msk $0xffff, v20  }
0x186: {  	[tilespmem:v27+s22+$0x0] =	vst.idx.msk $0xffff, v22;
	v20 =	vadd.f32 v30, v13;
	v22 =	vadd.s32 v4, v16;
	v27 =	vld [tilespmem:s25+$0x1030]  }
0x187: {  	v30 =	vld [tilespmem:s9+$0xFFFFFFC0];
	[tilespmem:v25+s22+$0x0] =	vst.idx.msk $0xffff, v24;
	v25 =	vadd.s32 v2, v18;
	v21 =	vadd.f32 v29, v7  }
0x188: {  	v33 =	vld [tilespmem:s9+$0xFFFFFFE0];
	[tilespmem:v17+s22+$0x0] =	vst.idx.msk $0xffff, v20;
	v17 =	vadd.f32 v19, v7;
	v19 =	vadd.s32 v5, v10;
	v10 =	vmov v18  }
.Ltmp2:
0x189: {  	v29 =	vadd.s32 v2, v11;
	v24 =	vld [tilespmem:s9+$0x0];
	v18 =	vadd.f32 v23, v7;
	[tilespmem:v26+s22+$0x0] =	vst.idx.msk $0xffff, v21;
	(pc) =	sbr.rel @p0 .LBB2_7-.Ltmp2, $4  }
0x18a: {  	v28 =	vadd.s32 v2, v35;
	v20 =	vadd.f32 v31, v9;
	v23 =	vld [tilespmem:s25+$0xFF0];
	[tilespmem:v32+s22+$0x0] =	vst.idx.msk $0xffff, v17  }
0x18b: {  	v21 =	vadd.s32 v2, v14;
	v17 =	vmov s19;
	[tilespmem:v22+s22+$0x0] =	vst.idx.msk $0xffff, v18;
	v22 =	vld [tilespmem:s25+$0x1010];
	v36 =	vadd.f32 v27, v6  }
0x18c: {  	s10 =	sadd.s32 $0x3, s19;
	v26 =	vadd.s32 v5, v12;
	v17 =	vand.u32 $0x7C, v17;
	v30 =	vadd.f32 v30, v9;
	[tilespmem:v25+s22+$0x0] =	vst.idx.msk $0xffff, v20;
	v25 =	vld [tilespmem:s25+$0xFD0];
	s25 =	smov.u32 s9;
	s9 =	sadd.s32 $0x80, s9  }
0x18d: {  	v12 =	vmovc v35;
	s19 =	sadd.s32 $0x4, s19;
	v18 =	vmov s10;
	v27 =	vadd.s32 v5, v34;
	v31 =	vld [tilespmem:s9+$0xFFFFF020];
	v32 =	vadd.f32 v33, v9;
	[tilespmem:v19+s22+$0x0] =	vst.idx.msk $0xffff, v36  }
0x18e: {  	s10 =	sadd.s32 $0x1, s11  }
0x18f: {  	v18 =	vand.u32 $0x7F, v18;
	s11 =	sadd.s32 $0x2, s11;
	v33 =	vld [tilespmem:s9+$0xFFFFEFE0];
	v19 =	vmov s10  }
0x190: {  	v35 =	vld [tilespmem:s9+$0xFFFFF000];
	v34 =	vadd.s32 v0, v18;
	v20 =	vmov s11;
	v19 =	vand.u32 $0x7D, v19  }
0x191: {  	v36 =	vld [tilespmem:s9+$0xFFFFEFC0];
	v20 =	vand.u32 $0x7E, v20;
	v37 =	vadd.s32 v0, v19  }
0x192: {  	v38 =	vadd.s32 v0, v20  }
0x193: {  	v39 =	vadd.s32 v0, v17;
	v31 =	vadd.f32 v31, v15  }
0x194: {  	v33 =	vadd.f32 v33, v15  }
0x195: {  	v45 =	vadd.f32 v35, v15;
	[tilespmem:v34+s22+$0x0] =	vst.idx.msk $0xffff, v31  }
0x196: {  	v46 =	vadd.f32 v36, v15;
	v34 =	vld [tilespmem:s9+$0xFFFFF030];
	[tilespmem:v37+s22+$0x0] =	vst.idx.msk $0xffff, v33  }
0x197: {  	[tilespmem:v38+s22+$0x0] =	vst.idx.msk $0xffff, v45;
	v33 =	vld [tilespmem:s9+$0xFFFFEFF0]  }
0x198: {  	v47 =	vadd.s32 v1, v18;
	[tilespmem:v39+s22+$0x0] =	vst.idx.msk $0xffff, v46;
	v31 =	vld [tilespmem:s9+$0xFFFFF010]  }
0x199: {  	v49 =	vadd.s32 v1, v19;
	v48 =	vld [tilespmem:s9+$0xFFFFEFD0]  }
0x19a: {  	v50 =	vadd.s32 v1, v20  }
0x19b: {  	[tilespmem:v29+s22+$0x0] =	vst.idx.msk $0xffff, v30;
	v51 =	vadd.s32 v1, v17;
	v52 =	vadd.f32 v34, v13  }
0x19c: {  	[tilespmem:v28+s22+$0x0] =	vst.idx.msk $0xffff, v32;
	v53 =	vadd.f32 v33, v13  }
0x19d: {  	[tilespmem:v47+s22+$0x0] =	vst.idx.msk $0xffff, v52;
	v54 =	vadd.f32 v31, v13  }
0x19e: {  	v55 =	vadd.f32 v48, v13;
	v30 =	vld [tilespmem:s9+$0x20];
	[tilespmem:v49+s22+$0x0] =	vst.idx.msk $0xffff, v53  }
0x19f: {  	v24 =	vadd.f32 v24, v9;
	v16 =	vadd.s32 v5, v16;
	[tilespmem:v50+s22+$0x0] =	vst.idx.msk $0xffff, v54;
	v28 =	vld [tilespmem:s9+$0xFFFFFFE0]  }
0x1a0: {  	v56 =	vadd.f32 v23, v6;
	v57 =	vadd.s32 v2, v18;
	[tilespmem:v51+s22+$0x0] =	vst.idx.msk $0xffff, v55;
	v58 =	vld [tilespmem:s9+$0x0]  }
0x1a1: {  	[tilespmem:v21+s22+$0x0] =	vst.idx.msk $0xffff, v24;
	v59 =	vadd.f32 v22, v6;
	v61 =	vadd.s32 v2, v19;
	v60 =	vld [tilespmem:s9+$0xFFFFFFC0]  }
0x1a2: {  	v62 =	vld [tilespmem:s25+$0x30];
	v25 =	vadd.f32 v25, v6;
	[tilespmem:v26+s22+$0x0] =	vst.idx.msk $0xffff, v56;
	v63 =	vadd.s32 v2, v20  }
0x1a3: {  	[tilespmem:v27+s22+$0x0] =	vst.idx.msk $0xffff, v59;
	v37 =	vld [tilespmem:s25+$0x10];
	v34 =	vadd.s32 v2, v17;
	v35 =	vadd.f32 v30, v9  }
0x1a4: {  	v36 =	vadd.s32 v3, v10;
	[tilespmem:v16+s22+$0x0] =	vst.idx.msk $0xffff, v25;
	v39 =	vld [tilespmem:s25+$0xFFFFFFD0];
	v38 =	vadd.f32 v28, v9  }
0x1a5: {  	v42 =	vadd.s32 v3, v14;
	v33 =	vld [tilespmem:s25+$0xFFFFFFF0];
	[tilespmem:v57+s22+$0x0] =	vst.idx.msk $0xffff, v35;
	v41 =	vadd.f32 v58, v9  }
0x1a6: {  	v46 =	vadd.s32 v3, v11;
	v43 =	vadd.f32 v60, v9;
	v44 =	vld [tilespmem:s9+$0x30];
	[tilespmem:v61+s22+$0x0] =	vst.idx.msk $0xffff, v38  }
0x1a7: {  	v40 =	vadd.s32 v3, v12;
	v45 =	vadd.f32 v62, v8;
	[tilespmem:v63+s22+$0x0] =	vst.idx.msk $0xffff, v41;
	v47 =	vld [tilespmem:s9+$0xFFFFFFF0]  }
0x1a8: {  	v51 =	vadd.f32 v37, v8;
	v49 =	vadd.s32 v3, v18;
	[tilespmem:v34+s22+$0x0] =	vst.idx.msk $0xffff, v43;
	v50 =	vld [tilespmem:s9+$0x10]  }
0x1a9: {  	[tilespmem:v36+s22+$0x0] =	vst.idx.msk $0xffff, v45;
	v25 =	vadd.f32 v39, v8;
	v53 =	vadd.s32 v3, v19;
	v52 =	vld [tilespmem:s9+$0xFFFFFFD0]  }
0x1aa: {  	v55 =	vadd.s32 v3, v20;
	v54 =	vld [tilespmem:s25+$0x1020];
	[tilespmem:v42+s22+$0x0] =	vst.idx.msk $0xffff, v51;
	v48 =	vadd.f32 v33, v8  }
0x1ab: {  	[tilespmem:v46+s22+$0x0] =	vst.idx.msk $0xffff, v25;
	v59 =	vld [tilespmem:s25+$0x1000];
	v57 =	vadd.s32 v3, v17;
	v56 =	vadd.f32 v44, v8  }
0x1ac: {  	v25 =	vld [tilespmem:s25+$0xFC0];
	[tilespmem:v40+s22+$0x0] =	vst.idx.msk $0xffff, v48;
	v58 =	vadd.s32 v4, v10;
	v13 =	vadd.f32 v47, v8  }
0x1ad: {  	v62 =	vadd.s32 v4, v14;
	v28 =	vld [tilespmem:s25+$0xFE0];
	[tilespmem:v49+s22+$0x0] =	vst.idx.msk $0xffff, v56;
	v61 =	vadd.f32 v50, v8  }
0x1ae: {  	v34 =	vadd.s32 v4, v11;
	v32 =	vadd.f32 v52, v8;
	v63 =	vld [tilespmem:s9+$0x1020];
	[tilespmem:v53+s22+$0x0] =	vst.idx.msk $0xffff, v13  }
0x1af: {  	v60 =	vadd.s32 v4, v12;
	v33 =	vadd.f32 v54, v7;
	[tilespmem:v55+s22+$0x0] =	vst.idx.msk $0xffff, v61;
	v27 =	vld [tilespmem:s9+$0xFE0]  }
0x1b0: {  	v36 =	vadd.s32 v4, v18;
	v38 =	vadd.f32 v59, v7;
	[tilespmem:v57+s22+$0x0] =	vst.idx.msk $0xffff, v32;
	v37 =	vld [tilespmem:s9+$0x1000]  }
0x1b1: {  	v39 =	vadd.s32 v4, v19;
	v25 =	vadd.f32 v25, v7;
	[tilespmem:v58+s22+$0x0] =	vst.idx.msk $0xffff, v33;
	v22 =	vld [tilespmem:s9+$0xFC0]  }
0x1b2: {  	v41 =	vadd.s32 v4, v20;
	[tilespmem:v62+s22+$0x0] =	vst.idx.msk $0xffff, v38;
	v35 =	vadd.f32 v28, v7;
	v40 =	vld [tilespmem:s25+$0x1030]  }
0x1b3: {  	v46 =	vld [tilespmem:s25+$0x1010];
	v44 =	vadd.s32 v4, v17;
	[tilespmem:v34+s22+$0x0] =	vst.idx.msk $0xffff, v25;
	v43 =	vadd.f32 v63, v7  }
0x1b4: {  	v45 =	vadd.s32 v5, v10;
	[tilespmem:v60+s22+$0x0] =	vst.idx.msk $0xffff, v35;
	v26 =	vld [tilespmem:s25+$0xFD0];
	v47 =	vadd.f32 v27, v7  }
0x1b5: {  	v42 =	vld [tilespmem:s25+$0xFF0];
	v49 =	vadd.s32 v5, v14;
	[tilespmem:v36+s22+$0x0] =	vst.idx.msk $0xffff, v43;
	v8 =	vadd.f32 v37, v7  }
0x1b6: {  	v52 =	vadd.s32 v5, v11;
	v7 =	vadd.f32 v22, v7;
	v50 =	vld [tilespmem:s9+$0x1030];
	[tilespmem:v39+s22+$0x0] =	vst.idx.msk $0xffff, v47  }
0x1b7: {  	v48 =	vadd.s32 v5, v12;
	v51 =	vadd.f32 v40, v6;
	[tilespmem:v41+s22+$0x0] =	vst.idx.msk $0xffff, v8;
	v53 =	vld [tilespmem:s9+$0xFF0]  }
0x1b8: {  	v55 =	vadd.s32 v5, v18;
	v56 =	vadd.f32 v46, v6;
	[tilespmem:v44+s22+$0x0] =	vst.idx.msk $0xffff, v7;
	v7 =	vld [tilespmem:s9+$0x1010]  }
0x1b9: {  	v58 =	vadd.s32 v5, v19;
	v59 =	vadd.f32 v26, v6;
	[tilespmem:v45+s22+$0x0] =	vst.idx.msk $0xffff, v51;
	v57 =	vld [tilespmem:s9+$0xFD0]  }
0x1ba: {  	v60 =	vadd.s32 v5, v20;
	v54 =	vadd.f32 v42, v6;
	[tilespmem:v49+s22+$0x0] =	vst.idx.msk $0xffff, v56  }
0x1bb: {  	v62 =	vadd.s32 v5, v17;
	[tilespmem:v52+s22+$0x0] =	vst.idx.msk $0xffff, v59;
	v61 =	vadd.f32 v50, v6  }
0x1bc: {  	s19 =	smul.u32 $0x18000, s18;
	s25 =	sshll.u32 s17, $0xA;
	[tilespmem:v48+s22+$0x0] =	vst.idx.msk $0xffff, v54;
	v63 =	vadd.f32 v53, v6  }
0x1bd: {  	s10 =	sand.u32 $0x1C00, s25;
	[tilespmem:v55+s22+$0x0] =	vst.idx.msk $0xffff, v61;
	v7 =	vadd.f32 v7, v6  }
0x1be: {  	s9 =	sor.u32 s10, s19;
	v6 =	vadd.f32 v57, v6;
	[tilespmem:v58+s22+$0x0] =	vst.idx.msk $0xffff, v63  }
0x1bf: {  	s9 =	sshrl.u32 s9, $0x3;
	[tilespmem:v60+s22+$0x0] =	vst.idx.msk $0xffff, v7  }
0x1c0: {  	s11 =	simm.s32 $0xC780;
	s10 =	sadd.s32 s2, s9;
	[tilespmem:v62+s22+$0x0] =	vst.idx.msk $0xffff, v6  }
0x1c1: {  	[hbm4b:s10+s3] =	stream.linear.scatter [tilespmem:s11], [sflag:$0x5], $0x80, $0x38;
	[tilespmem:$0x17880] =	vst v63  }
0x1c2: {  	s17 =	simm.s32 $0xC808;
	s18 =	sadd.s32 $0x10, s10  }
0x1c3: {  	[hbm4b:s18+s3] =	stream.linear.scatter [tilespmem:s17], [sflag:$0x5], $0x80, $0x38;
	[tilespmem:$0x17880] =	vst v63  }
0x1c4: {  	s19 =	simm.s32 $0xC890;
	s25 =	sadd.s32 $0x20, s10  }
0x1c5: {  	[hbm4b:s25+s3] =	stream.linear.scatter [tilespmem:s19], [sflag:$0x5], $0x80, $0x38;
	[tilespmem:$0x17880] =	vst v63  }
0x1c6: {  	s17 =	simm.s32 $0xC918;
	s18 =	sadd.s32 $0x30, s10  }
0x1c7: {  	[hbm4b:s18+s3] =	stream.linear.scatter [tilespmem:s17], [sflag:$0x5], $0x80, $0x38;
	[tilespmem:$0x17880] =	vst v63  }
0x1c8: {  	s19 =	simm.s32 $0xC9A0;
	s25 =	sadd.s32 $0x40, s10  }
0x1c9: {  	[hbm4b:s25+s3] =	stream.linear.scatter [tilespmem:s19], [sflag:$0x5], $0x80, $0x38;
	[tilespmem:$0x17880] =	vst v63  }
0x1ca: {  	s9 =	simm.s32 $0x440;
	s17 =	simm.s32 $0xCA28;
	s18 =	sadd.s32 $0x50, s10  }
0x1cb: {  	[hbm4b:s18+s3] =	stream.linear.scatter [tilespmem:s17], [sflag:$0x5], $0x80, $0x38;
	[tilespmem:$0x17880] =	vst v63  }
0x1cc: {  	s11 =	sadd.s32 $0x400, s10;
	s19 =	simm.s32 $0xCAB0;
	s25 =	sadd.s32 $0x60, s10  }
0x1cd: {  	[hbm4b:s25+s3] =	stream.linear.scatter [tilespmem:s19], [sflag:$0x5], $0x80, $0x38;
	[tilespmem:$0x17880] =	vst v63  }
0x1ce: {  	s17 =	simm.s32 $0x2200;
	s18 =	simm.s32 $0xCB38;
	s19 =	sadd.s32 $0x70, s10  }
.LBB2_9:
0x1cf: {  	[hbm4b:s19+s3] =	stream.linear.scatter [tilespmem:s18], [sflag:$0x5], $0x80, $0x38;
	[tilespmem:$0x17880] =	vst v63  }
0x1d0: {  	s10 =	smov.u32 s9;
	s9 =	smov.u32 s17  }
0x1d1: {  	s25 =	sadd.s32 $0x1100, s17;
	s9 =	sshra.s32 s9, $0x2;
	s18 =	sadd.s32 $0xC780, s10  }
0x1d2: {  	[hbm4b:s11+s3] =	stream.linear.scatter [tilespmem:s18], [sflag:$0x5], $0x80, $0x38;
	[tilespmem:$0x17880] =	vst v63  }
0x1d3: {  	p0 =	sne.s32 s17, $0xBB00;
	s17 =	sadd.s32 $0xC808, s10;
	s18 =	sadd.s32 $0x10, s11  }
0x1d4: {  	[hbm4b:s18+s3] =	stream.linear.scatter [tilespmem:s17], [sflag:$0x5], $0x80, $0x38;
	[tilespmem:$0x17880] =	vst v63  }
0x1d5: {  	s17 =	sadd.s32 $0xC890, s10;
	s18 =	sadd.s32 $0x20, s11  }
0x1d6: {  	[hbm4b:s18+s3] =	stream.linear.scatter [tilespmem:s17], [sflag:$0x5], $0x80, $0x38;
	[tilespmem:$0x17880] =	vst v63  }
0x1d7: {  	s17 =	sadd.s32 $0xC918, s10;
	s18 =	sadd.s32 $0x30, s11  }
0x1d8: {  	[hbm4b:s18+s3] =	stream.linear.scatter [tilespmem:s17], [sflag:$0x5], $0x80, $0x38;
	[tilespmem:$0x17880] =	vst v63  }
0x1d9: {  	s17 =	sadd.s32 $0xC9A0, s10;
	s18 =	sadd.s32 $0x40, s11  }
0x1da: {  	[hbm4b:s18+s3] =	stream.linear.scatter [tilespmem:s17], [sflag:$0x5], $0x80, $0x38;
	[tilespmem:$0x17880] =	vst v63  }
.Ltmp3:
0x1db: {  	s17 =	sadd.s32 $0xCA28, s10;
	s18 =	sadd.s32 $0x50, s11;
	(pc) =	sbr.rel @p0 .LBB2_9-.Ltmp3, $4  }
0x1dc: {  	[hbm4b:s18+s3] =	stream.linear.scatter [tilespmem:s17], [sflag:$0x5], $0x80, $0x38;
	[tilespmem:$0x17880] =	vst v63  }
0x1dd: {  	s19 =	sadd.s32 $0x70, s11;
	s17 =	sadd.s32 $0xCAB0, s10;
	s18 =	sadd.s32 $0x60, s11  }
0x1de: {  	[hbm4b:s18+s3] =	stream.linear.scatter [tilespmem:s17], [sflag:$0x5], $0x80, $0x38;
	[tilespmem:$0x17880] =	vst v63  }
0x1df: {  	s11 =	sadd.s32 $0x400, s11;
	s18 =	sadd.s32 $0xCB38, s10;
	s17 =	smov.u32 s25  }
0x1e0: {  	[hbm4b:s19+s3] =	stream.linear.scatter [tilespmem:s18], [sflag:$0x5], $0x80, $0x38;
	[tilespmem:$0x17880] =	vst v63  }
0x1e1: {  	s10 =	sadd.s32 $0xC780, s9  }
0x1e2: {  	[hbm4b:s11+s3] =	stream.linear.scatter [tilespmem:s10], [sflag:$0x5], $0x80, $0x38;
	[tilespmem:$0x17880] =	vst v63  }
0x1e3: {  	s25 =	sadd.s32 $0xC808, s9;
	s17 =	sadd.s32 $0x10, s11  }
0x1e4: {  	[hbm4b:s17+s3] =	stream.linear.scatter [tilespmem:s25], [sflag:$0x5], $0x80, $0x38;
	[tilespmem:$0x17880] =	vst v63  }
0x1e5: {  	s18 =	sadd.s32 $0x20, s11;
	s17 =	sadd.s32 $0xC890, s9  }
0x1e6: {  	[hbm4b:s18+s3] =	stream.linear.scatter [tilespmem:s17], [sflag:$0x5], $0x80, $0x38;
	[tilespmem:$0x17880] =	vst v63  }
0x1e7: {  	s19 =	sadd.s32 $0xC918, s9;
	s25 =	sadd.s32 $0x30, s11  }
0x1e8: {  	[hbm4b:s25+s3] =	stream.linear.scatter [tilespmem:s19], [sflag:$0x5], $0x80, $0x38;
	[tilespmem:$0x17880] =	vst v63  }
0x1e9: {  	s17 =	sadd.s32 $0xC9A0, s9;
	s18 =	sadd.s32 $0x40, s11  }
0x1ea: {  	[hbm4b:s18+s3] =	stream.linear.scatter [tilespmem:s17], [sflag:$0x5], $0x80, $0x38;
	[tilespmem:$0x17880] =	vst v63  }
0x1eb: {  	s19 =	sadd.s32 $0xCA28, s9;
	s25 =	sadd.s32 $0x50, s11  }
0x1ec: {  	[hbm4b:s25+s3] =	stream.linear.scatter [tilespmem:s19], [sflag:$0x5], $0x80, $0x38;
	[tilespmem:$0x17880] =	vst v63  }
0x1ed: {  	s17 =	sadd.s32 $0xCAB0, s9;
	s18 =	sadd.s32 $0x60, s11  }
0x1ee: {  	[hbm4b:s18+s3] =	stream.linear.scatter [tilespmem:s17], [sflag:$0x5], $0x80, $0x38;
	[tilespmem:$0x17880] =	vst v63  }
0x1ef: {  	s19 =	sadd.s32 $0xCB38, s9;
	s25 =	sadd.s32 $0x70, s11  }
0x1f0: {  	[hbm4b:s25+s3] =	stream.linear.scatter [tilespmem:s19], [sflag:$0x5], $0x80, $0x38;
	[tilespmem:$0x17880] =	vst v63  }
0x1f1: {  	s11 =	simm.s32 $0x3480  }
0x1f2: {  	[tilespmem:s11], [sflag:$0x2] =	stream.indirect.gather [hbm4b:s5+s1], $0x20, s12, s1, $0xb8;
	[tilespmem:$0x17880] =	vst v63  }
0x1f3: {  	s17 =	simm.s32 $0x4480  }
0x1f4: {  	[tilespmem:s17], [sflag:$0x2] =	stream.indirect.gather [hbm4b:s6+s1], $0x20, s13, s1, $0xb8;
	[tilespmem:$0x17880] =	vst v63  }
0x1f5: {  	s18 =	simm.s32 $0x5480  }
0x1f6: {  	[tilespmem:s18], [sflag:$0x2] =	stream.indirect.gather [hbm4b:s7+s1], $0x20, s14, s1, $0xb8;
	[tilespmem:$0x17880] =	vst v63  }
0x1f7: {  	_ =	swait.ge [sflag:s30], $0x1000  }
0x1f8: {  	[sflag:s30] =	ssyncset.done $0x0  }
0x1f9: {  	[sflag:s30] =	ssyncadd.s32 $0xFFFFF000  }
0x1fa: {  	_ =	swait.ge [sflag:s30], $0x1000  }
0x1fb: {  	p0 =	seq.s32 s15, $0xF;
	[sflag:s30] =	ssyncset.done $0x0  }
0x1fc: {  	s9 =	sadd.s32 @!p0 s16, s28;
	[sflag:s30] =	ssyncadd.s32 $0xFFFFF000  }
0x1fd: {  	s9 =	sshll.u32 @!p0 s9, $0x4;
	_ =	swait.ge [sflag:s30], $0x1000  }
0x1fe: {  	s10 =	sadd.s32 @!p0 s4, s9;
	[sflag:s30] =	ssyncset.done $0x0  }
0x1ff: {  	s11 =	simm.s32 @!p0 $0x0;
	s17 =	simm.s32 @!p0 $0x300;
	[sflag:s30] =	ssyncadd.s32 $0xFFFFF000  }
0x200: {  	[tilespmem:s17], [sflag:$0x7] =	stream.linear.gather @!p0 [hbm4b:s10+s11], $0x80, $0x38;
	[tilespmem:$0x17880] =	vst v63  }
0x201: {  	s10 =	simm.s32 @!p0 $0x7  }
0x202: {  	s9 =	sand.u32 @!p0 $0x1FFFFFF0, s9;
	_ =	swait.ge @!p0 [sflag:s10], $0x80  }
0x203: {  	s9 =	sadd.s32 @!p0 s4, s9;
	[sflag:s10] =	ssyncset.done @!p0 $0x0  }
0x204: {  	s18 =	simm.s32 @!p0 $0x380;
	s17 =	sadd.s32 @!p0 $0x6400, s9;
	[sflag:s10] =	ssyncadd.s32 @!p0 $0xFFFFFF80  }
0x205: {  	[tilespmem:s18], [sflag:$0x7] =	stream.linear.gather @!p0 [hbm4b:s17+s11], $0x80, $0x38;
	[tilespmem:$0x17880] =	vst v63  }
0x206: {  	_ =	swait.ge @!p0 [sflag:s10], $0x80  }
0x207: {  	[sflag:s10] =	ssyncset.done @!p0 $0x0  }
0x208: {  	s9 =	sadd.s32 @!p0 $0xC800, s9;
	s17 =	simm.s32 @!p0 $0x400;
	[sflag:s10] =	ssyncadd.s32 @!p0 $0xFFFFFF80  }
0x209: {  	[tilespmem:s17], [sflag:$0x7] =	stream.linear.gather @!p0 [hbm4b:s9+s11], $0x80, $0x38;
	[tilespmem:$0x17880] =	vst v63  }
0x20a: {  	p1 =	seq.s32 @!p0 s15, $0x0;
	_ =	swait.ge @!p0 [sflag:s10], $0x80  }
0x20b: {  	p1 =	por p0, !p1;
	s16 =	sadd.s32 s16, s29;
	[sflag:s10] =	ssyncset.done @!p0 $0x0  }
0x20c: {  	s9 =	simm.s32 @p1 $0x6;
	s17 =	sshrl.u32 s16, $0x3;
	[sflag:s10] =	ssyncadd.s32 @!p0 $0xFFFFFF80  }
0x20d: {  	s19 =	smul.u32 $0x180, s17;
	_ =	swait.ge @p1 [sflag:s9], $0x3000  }
0x20e: {  	[sflag:s9] =	ssyncset.done @p1 $0x0  }
0x20f: {  	[sflag:s9] =	ssyncadd.s32 @p1 $0xFFFFD000;
	s9 =	sshra.s32 s19, $0x2  }
0x210: {  	v15 =	vld [tilespmem:s9+$0x12D80]  }
0x211: {  	s25 =	simm.s32 $0x3;
	s19 =	simm.s32 $0x74C0;
	v13 =	vld [tilespmem:s9+$0x12D90]  }
0x212: {  	v6 =	vmov s25;
	v10 =	vld [tilespmem:s19+$0xFFFFF020]  }
0x213: {  	v17 =	vand.u32 $0x7F, v6;
	v9 =	vld [tilespmem:s9+$0x12DA0]  }
0x214: {  	v11 =	vadd.s32 v0, v17;
	s11 =	simm.s32 $0x0;
	v8 =	vld [tilespmem:s9+$0x12DB0]  }
0x215: {  	s25 =	simm.s32 $0x2;
	s18 =	simm.s32 $0x1;
	v6 =	vmov s11;
	v12 =	vld [tilespmem:s19+$0xFFFFEFC0]  }
0x216: {  	v19 =	vmov s25;
	v16 =	vand.u32 $0x7C, v6;
	v6 =	vmov s18;
	v14 =	vld [tilespmem:s19+$0xFFFFEFE0]  }
0x217: {  	v20 =	vadd.s32 v0, v16;
	v18 =	vand.u32 $0x7D, v6;
	v21 =	vld [tilespmem:s19+$0xFFFFF000];
	v10 =	vadd.f32 v10, v15  }
0x218: {  	v19 =	vand.u32 $0x7E, v19;
	v22 =	vadd.s32 v0, v18;
	v7 =	vld [tilespmem:s9+$0x12DC0]  }
0x219: {  	v23 =	vadd.s32 v0, v19;
	v6 =	vld [tilespmem:s9+$0x12DD0];
	[tilespmem:v11+s8+$0x0] =	vst.idx.msk $0xffff, v10  }
0x21a: {  	v10 =	vadd.f32 v12, v15;
	v11 =	vld [tilespmem:s19+$0xFFFFF030]  }
0x21b: {  	v12 =	vadd.f32 v14, v15  }
0x21c: {  	v14 =	vadd.s32 v1, v17;
	[tilespmem:v20+s8+$0x0] =	vst.idx.msk $0xffff, v10;
	v10 =	vadd.f32 v21, v15  }
0x21d: {  	[tilespmem:v22+s8+$0x0] =	vst.idx.msk $0xffff, v12;
	v20 =	vld [tilespmem:s19+$0xFFFFEFD0]  }
0x21e: {  	v12 =	vld [tilespmem:s19+$0xFFFFEFF0];
	[tilespmem:v23+s8+$0x0] =	vst.idx.msk $0xffff, v10  }
0x21f: {  	v10 =	vadd.s32 v1, v16;
	v21 =	vld [tilespmem:s19+$0xFFFFF010];
	v11 =	vadd.f32 v11, v13  }
0x220: {  	v22 =	vadd.s32 v1, v18  }
0x221: {  	v23 =	vadd.s32 v1, v19;
	[tilespmem:v14+s8+$0x0] =	vst.idx.msk $0xffff, v11  }
0x222: {  	v11 =	vadd.f32 v20, v13;
	v14 =	vld [tilespmem:s19+$0x20]  }
0x223: {  	v12 =	vadd.f32 v12, v13  }
0x224: {  	[tilespmem:v10+s8+$0x0] =	vst.idx.msk $0xffff, v11;
	v10 =	vadd.f32 v21, v13;
	v11 =	vadd.s32 v2, v17  }
0x225: {  	[tilespmem:v22+s8+$0x0] =	vst.idx.msk $0xffff, v12;
	v20 =	vld [tilespmem:s19+$0xFFFFFFC0]  }
0x226: {  	v12 =	vld [tilespmem:s19+$0xFFFFFFE0];
	[tilespmem:v23+s8+$0x0] =	vst.idx.msk $0xffff, v10  }
0x227: {  	v21 =	vld [tilespmem:s19+$0x0];
	v10 =	vadd.f32 v14, v9  }
0x228: {  	s25 =	simm.s32 $0x7;
	s11 =	simm.s32 $0x4;
	s18 =	simm.s32 $0x7540;
	v14 =	vadd.s32 v2, v18  }
0x229: {  	v24 =	vld [tilespmem:s18+$0xFFFFF020];
	v22 =	vmov s11;
	v23 =	vadd.s32 v2, v19;
	[tilespmem:v11+s8+$0x0] =	vst.idx.msk $0xffff, v10;
	v10 =	vmov s25  }
0x22a: {  	v25 =	vadd.s32 v2, v16;
	v11 =	vand.u32 $0x7C, v22;
	v10 =	vand.u32 $0x7F, v10;
	v22 =	vld [tilespmem:s19+$0x30]  }
0x22b: {  	v30 =	vadd.s32 v3, v17;
	s10 =	simm.s32 $0x5;
	v26 =	vld [tilespmem:s18+$0xFFFFEFC0];
	v12 =	vadd.f32 v12, v9;
	v27 =	vadd.s32 v0, v10  }
0x22c: {  	v28 =	vmov s10;
	v29 =	vld [tilespmem:s18+$0xFFFFEFE0];
	s11 =	simm.s32 $0x6;
	v20 =	vadd.f32 v20, v9;
	v21 =	vadd.f32 v21, v9  }
0x22d: {  	v31 =	vadd.s32 v0, v11;
	[tilespmem:v14+s8+$0x0] =	vst.idx.msk $0xffff, v12;
	v14 =	vmov s11;
	v12 =	vand.u32 $0x7D, v28;
	v28 =	vld [tilespmem:s18+$0xFFFFF000]  }
0x22e: {  	[tilespmem:v23+s8+$0x0] =	vst.idx.msk $0xffff, v21;
	v21 =	vadd.s32 v0, v12;
	v14 =	vand.u32 $0x7E, v14;
	v23 =	vadd.f32 v24, v15;
	v24 =	vld [tilespmem:s19+$0xFFFFFFF0]  }
0x22f: {  	[tilespmem:v25+s8+$0x0] =	vst.idx.msk $0xffff, v20;
	v20 =	vadd.s32 v0, v14;
	v25 =	vld [tilespmem:s19+$0x10];
	v22 =	vadd.f32 v22, v8  }
0x230: {  	v26 =	vadd.f32 v26, v15;
	[tilespmem:v27+s8+$0x0] =	vst.idx.msk $0xffff, v23;
	v23 =	vld [tilespmem:s19+$0xFFFFFFD0];
	v27 =	vadd.s32 v3, v18  }
0x231: {  	v33 =	vadd.s32 v3, v19;
	v29 =	vadd.f32 v29, v15;
	v32 =	vld [tilespmem:s18+$0xFFFFF030];
	[tilespmem:v30+s8+$0x0] =	vst.idx.msk $0xffff, v22  }
0x232: {  	[tilespmem:v31+s8+$0x0] =	vst.idx.msk $0xffff, v26;
	v26 =	vadd.s32 v3, v16;
	v22 =	vadd.f32 v28, v15;
	v28 =	vld [tilespmem:s19+$0x1020]  }
0x233: {  	v30 =	vld [tilespmem:s18+$0xFFFFEFD0];
	[tilespmem:v21+s8+$0x0] =	vst.idx.msk $0xffff, v29;
	v21 =	vadd.s32 v1, v10;
	v24 =	vadd.f32 v24, v8  }
0x234: {  	v29 =	vld [tilespmem:s18+$0xFFFFEFF0];
	[tilespmem:v20+s8+$0x0] =	vst.idx.msk $0xffff, v22;
	v20 =	vadd.f32 v25, v8;
	v22 =	vadd.s32 v4, v17  }
0x235: {  	v25 =	vadd.s32 v1, v11;
	v31 =	vld [tilespmem:s18+$0xFFFFF010];
	v23 =	vadd.f32 v23, v8;
	[tilespmem:v27+s8+$0x0] =	vst.idx.msk $0xffff, v24  }
0x236: {  	v24 =	vadd.s32 v1, v12;
	[tilespmem:v33+s8+$0x0] =	vst.idx.msk $0xffff, v20;
	v27 =	vadd.f32 v32, v13;
	v60 =	vld [tilespmem:s19+$0xFE0]  }
0x237: {  	v20 =	vadd.s32 v1, v14;
	[tilespmem:v26+s8+$0x0] =	vst.idx.msk $0xffff, v23;
	v23 =	vld [tilespmem:s19+$0x1000];
	v26 =	vadd.f32 v28, v7  }
0x238: {  	v28 =	vadd.f32 v30, v13;
	[tilespmem:v21+s8+$0x0] =	vst.idx.msk $0xffff, v27;
	v21 =	vld [tilespmem:s19+$0xFC0];
	v27 =	vadd.s32 v4, v18  }
0x239: {  	v61 =	vadd.s32 v4, v19;
	v29 =	vadd.f32 v29, v13;
	v30 =	vld [tilespmem:s18+$0x20];
	[tilespmem:v22+s8+$0x0] =	vst.idx.msk $0xffff, v26  }
0x23a: {  	[tilespmem:v25+s8+$0x0] =	vst.idx.msk $0xffff, v28;
	v22 =	vadd.f32 v31, v13;
	v25 =	vadd.s32 v4, v16;
	v26 =	vld [tilespmem:s19+$0x1030]  }
0x23b: {  	v34 =	vadd.s32 v2, v10;
	v31 =	vld [tilespmem:s18+$0xFFFFFFC0];
	[tilespmem:v24+s8+$0x0] =	vst.idx.msk $0xffff, v29;
	v28 =	vadd.f32 v60, v7  }
0x23c: {  	v35 =	vadd.s32 v5, v17;
	v62 =	vld [tilespmem:s18+$0xFFFFFFE0];
	[tilespmem:v20+s8+$0x0] =	vst.idx.msk $0xffff, v22;
	v20 =	vadd.f32 v23, v7  }
0x23d: {  	v29 =	vadd.s32 v2, v11;
	v24 =	vld [tilespmem:s18+$0x0];
	v17 =	vadd.f32 v21, v7;
	[tilespmem:v27+s8+$0x0] =	vst.idx.msk $0xffff, v28  }
0x23e: {  	s11 =	simm.s32 $0x8;
	v28 =	vadd.s32 v2, v12;
	v27 =	vadd.f32 v30, v9;
	v23 =	vld [tilespmem:s19+$0xFF0];
	[tilespmem:v61+s8+$0x0] =	vst.idx.msk $0xffff, v20  }
0x23f: {  	v21 =	vadd.s32 v2, v14;
	v20 =	vmov s11;
	[tilespmem:v25+s8+$0x0] =	vst.idx.msk $0xffff, v17;
	v22 =	vld [tilespmem:s19+$0x1010];
	v63 =	vadd.f32 v26, v6  }
0x240: {  	s9 =	simm.s32 $0x75C0;
	s25 =	simm.s32 $0xB;
	v17 =	vand.u32 $0x7C, v20;
	v30 =	vadd.f32 v31, v9;
	v26 =	vadd.s32 v5, v18;
	[tilespmem:v34+s8+$0x0] =	vst.idx.msk $0xffff, v27;
	v25 =	vld [tilespmem:s19+$0xFD0]  }
0x241: {  	v18 =	vmov s25;
	v31 =	vld [tilespmem:s9+$0xFFFFF020];
	s19 =	simm.s32 $0xC;
	v32 =	vadd.f32 v62, v9;
	v27 =	vadd.s32 v5, v19;
	[tilespmem:v35+s8+$0x0] =	vst.idx.msk $0xffff, v63  }
.LBB2_11:
0x242: {  	p0 =	slt.u32 s19, $0x7C;
	s10 =	sadd.s32 $0x1, s11;
	v18 =	vand.u32 $0x7F, v18;
	[tilespmem:v29+s8+$0x0] =	vst.idx.msk $0xffff, v30;
	v19 =	vadd.f32 v24, v9;
	v20 =	vld [tilespmem:s18+$0x30];
	v24 =	vadd.s32 v5, v16  }
0x243: {  	v34 =	vmovc v14;
	v29 =	vld [tilespmem:s9+$0xFFFFEFC0];
	v30 =	vmov s10;
	s10 =	sadd.s32 $0x2, s11;
	v33 =	vadd.s32 v0, v18;
	[tilespmem:v28+s8+$0x0] =	vst.idx.msk $0xffff, v32;
	v23 =	vadd.f32 v23, v6;
	s11 =	smov.u32 s19  }
0x244: {  	v16 =	vmovc v11;
	v28 =	vld [tilespmem:s9+$0xFFFFEFE0];
	v14 =	vmov s10;
	[tilespmem:v21+s8+$0x0] =	vst.idx.msk $0xffff, v19;
	v19 =	vadd.s32 v3, v10;
	v21 =	vadd.f32 v22, v6  }
0x245: {  	v22 =	vadd.s32 v0, v17;
	v35 =	vand.u32 $0x7D, v30;
	v30 =	vld [tilespmem:s9+$0xFFFFF000];
	v32 =	vadd.f32 v25, v6;
	[tilespmem:v26+s8+$0x0] =	vst.idx.msk $0xffff, v23  }
0x246: {  	v23 =	vadd.s32 v0, v35;
	v14 =	vand.u32 $0x7E, v14;
	v25 =	vadd.f32 v31, v15;
	v26 =	vld [tilespmem:s18+$0xFFFFFFF0];
	[tilespmem:v27+s8+$0x0] =	vst.idx.msk $0xffff, v21  }
0x247: {  	v11 =	vmov v17;
	v21 =	vadd.s32 v0, v14;
	v27 =	vld [tilespmem:s18+$0x10];
	v20 =	vadd.f32 v20, v8;
	[tilespmem:v24+s8+$0x0] =	vst.idx.msk $0xffff, v32  }
0x248: {  	v17 =	vadd.f32 v29, v15;
	[tilespmem:v33+s8+$0x0] =	vst.idx.msk $0xffff, v25;
	v24 =	vld [tilespmem:s18+$0xFFFFFFD0];
	v25 =	vadd.s32 v3, v12  }
0x249: {  	v31 =	vadd.s32 v3, v34;
	v28 =	vadd.f32 v28, v15;
	v29 =	vld [tilespmem:s9+$0xFFFFF030];
	[tilespmem:v19+s8+$0x0] =	vst.idx.msk $0xffff, v20  }
0x24a: {  	v19 =	vadd.s32 v3, v16;
	[tilespmem:v22+s8+$0x0] =	vst.idx.msk $0xffff, v17;
	v17 =	vadd.f32 v30, v15;
	v20 =	vld [tilespmem:s18+$0x1020]  }
0x24b: {  	v22 =	vld [tilespmem:s9+$0xFFFFEFD0];
	[tilespmem:v23+s8+$0x0] =	vst.idx.msk $0xffff, v28;
	v23 =	vadd.s32 v1, v18;
	v26 =	vadd.f32 v26, v8  }
0x24c: {  	v28 =	vld [tilespmem:s9+$0xFFFFEFF0];
	[tilespmem:v21+s8+$0x0] =	vst.idx.msk $0xffff, v17;
	v17 =	vadd.f32 v27, v8;
	v21 =	vadd.s32 v4, v10  }
0x24d: {  	v27 =	vadd.s32 v1, v11;
	v30 =	vld [tilespmem:s9+$0xFFFFF010];
	v24 =	vadd.f32 v24, v8;
	[tilespmem:v25+s8+$0x0] =	vst.idx.msk $0xffff, v26  }
0x24e: {  	v25 =	vadd.s32 v1, v35;
	v26 =	vadd.f32 v29, v13;
	v29 =	vld [tilespmem:s18+$0xFE0];
	[tilespmem:v31+s8+$0x0] =	vst.idx.msk $0xffff, v17  }
0x24f: {  	v17 =	vadd.s32 v1, v14;
	[tilespmem:v19+s8+$0x0] =	vst.idx.msk $0xffff, v24;
	v19 =	vld [tilespmem:s18+$0x1000];
	v20 =	vadd.f32 v20, v7  }
0x250: {  	v22 =	vadd.f32 v22, v13;
	[tilespmem:v23+s8+$0x0] =	vst.idx.msk $0xffff, v26;
	v23 =	vld [tilespmem:s18+$0xFC0];
	v26 =	vadd.s32 v4, v12  }
0x251: {  	v32 =	vadd.s32 v4, v34;
	v24 =	vadd.f32 v28, v13;
	v31 =	vld [tilespmem:s9+$0x20];
	[tilespmem:v21+s8+$0x0] =	vst.idx.msk $0xffff, v20  }
0x252: {  	[tilespmem:v27+s8+$0x0] =	vst.idx.msk $0xffff, v22;
	v20 =	vadd.f32 v30, v13;
	v22 =	vadd.s32 v4, v16;
	v27 =	vld [tilespmem:s18+$0x1030]  }
0x253: {  	v30 =	vld [tilespmem:s9+$0xFFFFFFC0];
	[tilespmem:v25+s8+$0x0] =	vst.idx.msk $0xffff, v24;
	v25 =	vadd.s32 v2, v18;
	v21 =	vadd.f32 v29, v7  }
0x254: {  	v33 =	vld [tilespmem:s9+$0xFFFFFFE0];
	[tilespmem:v17+s8+$0x0] =	vst.idx.msk $0xffff, v20;
	v17 =	vadd.f32 v19, v7;
	v19 =	vadd.s32 v5, v10;
	v10 =	vmov v18  }
.Ltmp4:
0x255: {  	v29 =	vadd.s32 v2, v11;
	v24 =	vld [tilespmem:s9+$0x0];
	v18 =	vadd.f32 v23, v7;
	[tilespmem:v26+s8+$0x0] =	vst.idx.msk $0xffff, v21;
	(pc) =	sbr.rel @p0 .LBB2_11-.Ltmp4, $4  }
0x256: {  	v28 =	vadd.s32 v2, v35;
	v20 =	vadd.f32 v31, v9;
	v23 =	vld [tilespmem:s18+$0xFF0];
	[tilespmem:v32+s8+$0x0] =	vst.idx.msk $0xffff, v17  }
0x257: {  	v21 =	vadd.s32 v2, v14;
	v17 =	vmov s19;
	[tilespmem:v22+s8+$0x0] =	vst.idx.msk $0xffff, v18;
	v22 =	vld [tilespmem:s18+$0x1010];
	v36 =	vadd.f32 v27, v6  }
0x258: {  	s10 =	sadd.s32 $0x3, s19;
	v26 =	vadd.s32 v5, v12;
	v17 =	vand.u32 $0x7C, v17;
	v30 =	vadd.f32 v30, v9;
	[tilespmem:v25+s8+$0x0] =	vst.idx.msk $0xffff, v20;
	v25 =	vld [tilespmem:s18+$0xFD0];
	s18 =	smov.u32 s9;
	s9 =	sadd.s32 $0x80, s9  }
0x259: {  	v12 =	vmovc v35;
	s19 =	sadd.s32 $0x4, s19;
	v18 =	vmov s10;
	v27 =	vadd.s32 v5, v34;
	v31 =	vld [tilespmem:s9+$0xFFFFF020];
	v32 =	vadd.f32 v33, v9;
	[tilespmem:v19+s8+$0x0] =	vst.idx.msk $0xffff, v36  }
0x25a: {  	s10 =	sadd.s32 $0x1, s11  }
0x25b: {  	v18 =	vand.u32 $0x7F, v18;
	s11 =	sadd.s32 $0x2, s11;
	v33 =	vld [tilespmem:s9+$0xFFFFEFE0];
	v19 =	vmov s10  }
0x25c: {  	v35 =	vld [tilespmem:s9+$0xFFFFF000];
	v34 =	vadd.s32 v0, v18;
	v20 =	vmov s11;
	v19 =	vand.u32 $0x7D, v19  }
0x25d: {  	v36 =	vld [tilespmem:s9+$0xFFFFEFC0];
	v20 =	vand.u32 $0x7E, v20;
	v37 =	vadd.s32 v0, v19  }
0x25e: {  	v38 =	vadd.s32 v0, v20  }
0x25f: {  	v39 =	vadd.s32 v0, v17;
	v31 =	vadd.f32 v31, v15  }
0x260: {  	v33 =	vadd.f32 v33, v15  }
0x261: {  	v45 =	vadd.f32 v35, v15;
	[tilespmem:v34+s8+$0x0] =	vst.idx.msk $0xffff, v31  }
0x262: {  	v46 =	vadd.f32 v36, v15;
	v34 =	vld [tilespmem:s9+$0xFFFFF030];
	[tilespmem:v37+s8+$0x0] =	vst.idx.msk $0xffff, v33  }
0x263: {  	[tilespmem:v38+s8+$0x0] =	vst.idx.msk $0xffff, v45;
	v33 =	vld [tilespmem:s9+$0xFFFFEFF0]  }
0x264: {  	v47 =	vadd.s32 v1, v18;
	[tilespmem:v39+s8+$0x0] =	vst.idx.msk $0xffff, v46;
	v31 =	vld [tilespmem:s9+$0xFFFFF010]  }
0x265: {  	v49 =	vadd.s32 v1, v19;
	v48 =	vld [tilespmem:s9+$0xFFFFEFD0]  }
0x266: {  	v50 =	vadd.s32 v1, v20  }
0x267: {  	[tilespmem:v29+s8+$0x0] =	vst.idx.msk $0xffff, v30;
	v51 =	vadd.s32 v1, v17;
	v52 =	vadd.f32 v34, v13  }
0x268: {  	[tilespmem:v28+s8+$0x0] =	vst.idx.msk $0xffff, v32;
	v53 =	vadd.f32 v33, v13  }
0x269: {  	[tilespmem:v47+s8+$0x0] =	vst.idx.msk $0xffff, v52;
	v54 =	vadd.f32 v31, v13  }
0x26a: {  	v55 =	vadd.f32 v48, v13;
	v30 =	vld [tilespmem:s9+$0x20];
	[tilespmem:v49+s8+$0x0] =	vst.idx.msk $0xffff, v53  }
0x26b: {  	v24 =	vadd.f32 v24, v9;
	v16 =	vadd.s32 v5, v16;
	[tilespmem:v50+s8+$0x0] =	vst.idx.msk $0xffff, v54;
	v28 =	vld [tilespmem:s9+$0xFFFFFFE0]  }
0x26c: {  	v56 =	vadd.f32 v23, v6;
	v57 =	vadd.s32 v2, v18;
	[tilespmem:v51+s8+$0x0] =	vst.idx.msk $0xffff, v55;
	v58 =	vld [tilespmem:s9+$0x0]  }
0x26d: {  	[tilespmem:v21+s8+$0x0] =	vst.idx.msk $0xffff, v24;
	v59 =	vadd.f32 v22, v6;
	v61 =	vadd.s32 v2, v19;
	v60 =	vld [tilespmem:s9+$0xFFFFFFC0]  }
0x26e: {  	v62 =	vld [tilespmem:s18+$0x30];
	v25 =	vadd.f32 v25, v6;
	[tilespmem:v26+s8+$0x0] =	vst.idx.msk $0xffff, v56;
	v63 =	vadd.s32 v2, v20  }
0x26f: {  	[tilespmem:v27+s8+$0x0] =	vst.idx.msk $0xffff, v59;
	v37 =	vld [tilespmem:s18+$0x10];
	v34 =	vadd.s32 v2, v17;
	v35 =	vadd.f32 v30, v9  }
0x270: {  	v36 =	vadd.s32 v3, v10;
	[tilespmem:v16+s8+$0x0] =	vst.idx.msk $0xffff, v25;
	v39 =	vld [tilespmem:s18+$0xFFFFFFD0];
	v38 =	vadd.f32 v28, v9  }
0x271: {  	v42 =	vadd.s32 v3, v14;
	v33 =	vld [tilespmem:s18+$0xFFFFFFF0];
	[tilespmem:v57+s8+$0x0] =	vst.idx.msk $0xffff, v35;
	v41 =	vadd.f32 v58, v9  }
0x272: {  	v46 =	vadd.s32 v3, v11;
	v43 =	vadd.f32 v60, v9;
	v44 =	vld [tilespmem:s9+$0x30];
	[tilespmem:v61+s8+$0x0] =	vst.idx.msk $0xffff, v38  }
0x273: {  	v40 =	vadd.s32 v3, v12;
	v45 =	vadd.f32 v62, v8;
	[tilespmem:v63+s8+$0x0] =	vst.idx.msk $0xffff, v41;
	v47 =	vld [tilespmem:s9+$0xFFFFFFF0]  }
0x274: {  	v51 =	vadd.f32 v37, v8;
	v49 =	vadd.s32 v3, v18;
	[tilespmem:v34+s8+$0x0] =	vst.idx.msk $0xffff, v43;
	v50 =	vld [tilespmem:s9+$0x10]  }
0x275: {  	[tilespmem:v36+s8+$0x0] =	vst.idx.msk $0xffff, v45;
	v25 =	vadd.f32 v39, v8;
	v53 =	vadd.s32 v3, v19;
	v52 =	vld [tilespmem:s9+$0xFFFFFFD0]  }
0x276: {  	v55 =	vadd.s32 v3, v20;
	v54 =	vld [tilespmem:s18+$0x1020];
	[tilespmem:v42+s8+$0x0] =	vst.idx.msk $0xffff, v51;
	v48 =	vadd.f32 v33, v8  }
0x277: {  	[tilespmem:v46+s8+$0x0] =	vst.idx.msk $0xffff, v25;
	v59 =	vld [tilespmem:s18+$0x1000];
	v57 =	vadd.s32 v3, v17;
	v56 =	vadd.f32 v44, v8  }
0x278: {  	v25 =	vld [tilespmem:s18+$0xFC0];
	[tilespmem:v40+s8+$0x0] =	vst.idx.msk $0xffff, v48;
	v58 =	vadd.s32 v4, v10;
	v13 =	vadd.f32 v47, v8  }
0x279: {  	v62 =	vadd.s32 v4, v14;
	v28 =	vld [tilespmem:s18+$0xFE0];
	[tilespmem:v49+s8+$0x0] =	vst.idx.msk $0xffff, v56;
	v61 =	vadd.f32 v50, v8  }
0x27a: {  	v34 =	vadd.s32 v4, v11;
	v32 =	vadd.f32 v52, v8;
	v63 =	vld [tilespmem:s9+$0x1020];
	[tilespmem:v53+s8+$0x0] =	vst.idx.msk $0xffff, v13  }
0x27b: {  	v60 =	vadd.s32 v4, v12;
	v33 =	vadd.f32 v54, v7;
	[tilespmem:v55+s8+$0x0] =	vst.idx.msk $0xffff, v61;
	v27 =	vld [tilespmem:s9+$0xFE0]  }
0x27c: {  	v36 =	vadd.s32 v4, v18;
	v38 =	vadd.f32 v59, v7;
	[tilespmem:v57+s8+$0x0] =	vst.idx.msk $0xffff, v32;
	v37 =	vld [tilespmem:s9+$0x1000]  }
0x27d: {  	v39 =	vadd.s32 v4, v19;
	v25 =	vadd.f32 v25, v7;
	[tilespmem:v58+s8+$0x0] =	vst.idx.msk $0xffff, v33;
	v22 =	vld [tilespmem:s9+$0xFC0]  }
0x27e: {  	v41 =	vadd.s32 v4, v20;
	[tilespmem:v62+s8+$0x0] =	vst.idx.msk $0xffff, v38;
	v35 =	vadd.f32 v28, v7;
	v40 =	vld [tilespmem:s18+$0x1030]  }
0x27f: {  	v46 =	vld [tilespmem:s18+$0x1010];
	v44 =	vadd.s32 v4, v17;
	[tilespmem:v34+s8+$0x0] =	vst.idx.msk $0xffff, v25;
	v43 =	vadd.f32 v63, v7  }
0x280: {  	v45 =	vadd.s32 v5, v10;
	[tilespmem:v60+s8+$0x0] =	vst.idx.msk $0xffff, v35;
	v26 =	vld [tilespmem:s18+$0xFD0];
	v47 =	vadd.f32 v27, v7  }
0x281: {  	v42 =	vld [tilespmem:s18+$0xFF0];
	v49 =	vadd.s32 v5, v14;
	[tilespmem:v36+s8+$0x0] =	vst.idx.msk $0xffff, v43;
	v8 =	vadd.f32 v37, v7  }
0x282: {  	v52 =	vadd.s32 v5, v11;
	v7 =	vadd.f32 v22, v7;
	v50 =	vld [tilespmem:s9+$0x1030];
	[tilespmem:v39+s8+$0x0] =	vst.idx.msk $0xffff, v47  }
0x283: {  	v48 =	vadd.s32 v5, v12;
	v51 =	vadd.f32 v40, v6;
	[tilespmem:v41+s8+$0x0] =	vst.idx.msk $0xffff, v8;
	v53 =	vld [tilespmem:s9+$0xFF0]  }
0x284: {  	v55 =	vadd.s32 v5, v18;
	v56 =	vadd.f32 v46, v6;
	[tilespmem:v44+s8+$0x0] =	vst.idx.msk $0xffff, v7;
	v7 =	vld [tilespmem:s9+$0x1010]  }
0x285: {  	v58 =	vadd.s32 v5, v19;
	v59 =	vadd.f32 v26, v6;
	[tilespmem:v45+s8+$0x0] =	vst.idx.msk $0xffff, v51;
	v57 =	vld [tilespmem:s9+$0xFD0]  }
0x286: {  	v60 =	vadd.s32 v5, v20;
	v54 =	vadd.f32 v42, v6;
	[tilespmem:v49+s8+$0x0] =	vst.idx.msk $0xffff, v56  }
0x287: {  	v62 =	vadd.s32 v5, v17;
	[tilespmem:v52+s8+$0x0] =	vst.idx.msk $0xffff, v59;
	v61 =	vadd.f32 v50, v6  }
0x288: {  	s19 =	sshll.u32 s16, $0xA;
	s18 =	smul.u32 $0x18000, s17;
	[tilespmem:v48+s8+$0x0] =	vst.idx.msk $0xffff, v54;
	v63 =	vadd.f32 v53, v6  }
0x289: {  	s10 =	sand.u32 $0x1C00, s19;
	[tilespmem:v55+s8+$0x0] =	vst.idx.msk $0xffff, v61;
	v7 =	vadd.f32 v7, v6  }
0x28a: {  	s9 =	sor.u32 s10, s18;
	v6 =	vadd.f32 v57, v6;
	[tilespmem:v58+s8+$0x0] =	vst.idx.msk $0xffff, v63  }
0x28b: {  	s9 =	sshrl.u32 s9, $0x3;
	[tilespmem:v60+s8+$0x0] =	vst.idx.msk $0xffff, v7  }
0x28c: {  	s25 =	simm.s32 $0xFA80;
	s10 =	sadd.s32 s2, s9;
	[tilespmem:v62+s8+$0x0] =	vst.idx.msk $0xffff, v6  }
0x28d: {  	[hbm4b:s10+s3] =	stream.linear.scatter [tilespmem:s25], [sflag:$0x6], $0x80, $0x38;
	[tilespmem:$0x17880] =	vst v63  }
0x28e: {  	s11 =	simm.s32 $0xFB08;
	s16 =	sadd.s32 $0x10, s10  }
0x28f: {  	[hbm4b:s16+s3] =	stream.linear.scatter [tilespmem:s11], [sflag:$0x6], $0x80, $0x38;
	[tilespmem:$0x17880] =	vst v63  }
0x290: {  	s19 =	simm.s32 $0xFC18;
	s17 =	simm.s32 $0xFB90;
	s18 =	sadd.s32 $0x20, s10  }
0x291: {  	[hbm4b:s18+s3] =	stream.linear.scatter [tilespmem:s17], [sflag:$0x6], $0x80, $0x38;
	[tilespmem:$0x17880] =	vst v63  }
0x292: {  	s9 =	simm.s32 $0x440;
	s25 =	sadd.s32 $0x30, s10;
	s11 =	simm.s32 $0xFCA0  }
0x293: {  	[hbm4b:s25+s3] =	stream.linear.scatter [tilespmem:s19], [sflag:$0x6], $0x80, $0x38;
	[tilespmem:$0x17880] =	vst v63  }
0x294: {  	s16 =	sadd.s32 $0x40, s10;
	s17 =	simm.s32 $0xFD28;
	s18 =	sadd.s32 $0x50, s10  }
0x295: {  	[hbm4b:s16+s3] =	stream.linear.scatter [tilespmem:s11], [sflag:$0x6], $0x80, $0x38;
	[tilespmem:$0x17880] =	vst v63  }
0x296: {  	s19 =	simm.s32 $0xFDB0;
	s25 =	sadd.s32 $0x60, s10;
	s16 =	simm.s32 $0x2200  }
0x297: {  	[hbm4b:s18+s3] =	stream.linear.scatter [tilespmem:s17], [sflag:$0x6], $0x80, $0x38;
	[tilespmem:$0x17880] =	vst v63  }
0x298: {  	s11 =	sadd.s32 $0x400, s10;
	s17 =	simm.s32 $0xFE38;
	s18 =	sadd.s32 $0x70, s10  }
0x299: {  	[hbm4b:s25+s3] =	stream.linear.scatter [tilespmem:s19], [sflag:$0x6], $0x80, $0x38;
	[tilespmem:$0x17880] =	vst v63  }
.LBB2_13:
0x29a: {  	[hbm4b:s18+s3] =	stream.linear.scatter [tilespmem:s17], [sflag:$0x6], $0x80, $0x38;
	[tilespmem:$0x17880] =	vst v63  }
0x29b: {  	s10 =	smov.u32 s9;
	s9 =	smov.u32 s16  }
0x29c: {  	s19 =	sadd.s32 $0x1100, s16;
	s9 =	sshra.s32 s9, $0x2;
	s17 =	sadd.s32 $0xFA80, s10  }
0x29d: {  	[hbm4b:s11+s3] =	stream.linear.scatter [tilespmem:s17], [sflag:$0x6], $0x80, $0x38;
	[tilespmem:$0x17880] =	vst v63  }
0x29e: {  	p0 =	sne.s32 s16, $0xBB00;
	s16 =	sadd.s32 $0xFB08, s10;
	s17 =	sadd.s32 $0x10, s11  }
0x29f: {  	[hbm4b:s17+s3] =	stream.linear.scatter [tilespmem:s16], [sflag:$0x6], $0x80, $0x38;
	[tilespmem:$0x17880] =	vst v63  }
0x2a0: {  	s16 =	sadd.s32 $0xFB90, s10;
	s17 =	sadd.s32 $0x20, s11  }
0x2a1: {  	[hbm4b:s17+s3] =	stream.linear.scatter [tilespmem:s16], [sflag:$0x6], $0x80, $0x38;
	[tilespmem:$0x17880] =	vst v63  }
0x2a2: {  	s16 =	sadd.s32 $0xFC18, s10;
	s17 =	sadd.s32 $0x30, s11  }
0x2a3: {  	[hbm4b:s17+s3] =	stream.linear.scatter [tilespmem:s16], [sflag:$0x6], $0x80, $0x38;
	[tilespmem:$0x17880] =	vst v63  }
0x2a4: {  	s16 =	sadd.s32 $0xFCA0, s10;
	s17 =	sadd.s32 $0x40, s11  }
0x2a5: {  	[hbm4b:s17+s3] =	stream.linear.scatter [tilespmem:s16], [sflag:$0x6], $0x80, $0x38;
	[tilespmem:$0x17880] =	vst v63  }
.Ltmp5:
0x2a6: {  	s16 =	sadd.s32 $0xFD28, s10;
	s17 =	sadd.s32 $0x50, s11;
	(pc) =	sbr.rel @p0 .LBB2_13-.Ltmp5, $4  }
0x2a7: {  	[hbm4b:s17+s3] =	stream.linear.scatter [tilespmem:s16], [sflag:$0x6], $0x80, $0x38;
	[tilespmem:$0x17880] =	vst v63  }
0x2a8: {  	s18 =	sadd.s32 $0x70, s11;
	s16 =	sadd.s32 $0xFDB0, s10;
	s17 =	sadd.s32 $0x60, s11  }
0x2a9: {  	[hbm4b:s17+s3] =	stream.linear.scatter [tilespmem:s16], [sflag:$0x6], $0x80, $0x38;
	[tilespmem:$0x17880] =	vst v63  }
0x2aa: {  	s11 =	sadd.s32 $0x400, s11;
	s17 =	sadd.s32 $0xFE38, s10;
	s16 =	smov.u32 s19  }
0x2ab: {  	[hbm4b:s18+s3] =	stream.linear.scatter [tilespmem:s17], [sflag:$0x6], $0x80, $0x38;
	[tilespmem:$0x17880] =	vst v63  }
0x2ac: {  	s10 =	sadd.s32 $0xFA80, s9  }
0x2ad: {  	[hbm4b:s11+s3] =	stream.linear.scatter [tilespmem:s10], [sflag:$0x6], $0x80, $0x38;
	[tilespmem:$0x17880] =	vst v63  }
0x2ae: {  	s25 =	sadd.s32 $0xFB08, s9;
	s16 =	sadd.s32 $0x10, s11  }
0x2af: {  	[hbm4b:s16+s3] =	stream.linear.scatter [tilespmem:s25], [sflag:$0x6], $0x80, $0x38;
	[tilespmem:$0x17880] =	vst v63  }
0x2b0: {  	s17 =	sadd.s32 $0xFB90, s9;
	s18 =	sadd.s32 $0x20, s11  }
0x2b1: {  	[hbm4b:s18+s3] =	stream.linear.scatter [tilespmem:s17], [sflag:$0x6], $0x80, $0x38;
	[tilespmem:$0x17880] =	vst v63  }
0x2b2: {  	s19 =	sadd.s32 $0xFC18, s9;
	s25 =	sadd.s32 $0x30, s11  }
0x2b3: {  	[hbm4b:s25+s3] =	stream.linear.scatter [tilespmem:s19], [sflag:$0x6], $0x80, $0x38;
	[tilespmem:$0x17880] =	vst v63  }
0x2b4: {  	s15 =	sadd.s32 $0x1, s15;
	s17 =	sadd.s32 $0xFCA0, s9;
	s18 =	sadd.s32 $0x40, s11  }
0x2b5: {  	[hbm4b:s18+s3] =	stream.linear.scatter [tilespmem:s17], [sflag:$0x6], $0x80, $0x38;
	[tilespmem:$0x17880] =	vst v63  }
0x2b6: {  	p0 =	sne.s32 s15, $0x10;
	s19 =	sadd.s32 $0xFD28, s9;
	s25 =	sadd.s32 $0x50, s11  }
0x2b7: {  	[hbm4b:s25+s3] =	stream.linear.scatter [tilespmem:s19], [sflag:$0x6], $0x80, $0x38;
	[tilespmem:$0x17880] =	vst v63  }
.Ltmp6:
0x2b8: {  	_ = 	snop;
	(pc) =	sbr.rel @p0 .LBB2_2-.Ltmp6, $4  }
0x2b9: {  	s17 =	sadd.s32 $0xFDB0, s9;
	s18 =	sadd.s32 $0x60, s11  }
0x2ba: {  	[hbm4b:s18+s3] =	stream.linear.scatter [tilespmem:s17], [sflag:$0x6], $0x80, $0x38;
	[tilespmem:$0x17880] =	vst v63  }
0x2bb: {  	s19 =	sadd.s32 $0xFE38, s9;
	s25 =	sadd.s32 $0x70, s11  }
0x2bc: {  	[hbm4b:s25+s3] =	stream.linear.scatter [tilespmem:s19], [sflag:$0x6], $0x80, $0x38;
	[tilespmem:$0x17880] =	vst v63  }
0x2bd: {  	_ =	swait.ge [sflag:s24], $0x1000  }
0x2be: {  	[sflag:s24] =	ssyncset.done $0x0  }
0x2bf: {  	[sflag:s24] =	ssyncadd.s32 $0xFFFFF000  }
0x2c0: {  	_ =	swait.ge [sflag:s24], $0x1000  }
0x2c1: {  	[sflag:s24] =	ssyncset.done $0x0  }
0x2c2: {  	[sflag:s24] =	ssyncadd.s32 $0xFFFFF000  }
0x2c3: {  	_ =	swait.ge [sflag:s24], $0x1000  }
0x2c4: {  	[sflag:s24] =	ssyncset.done $0x0  }
0x2c5: {  	s19 =	simm.s32 $0x4;
	[sflag:s24] =	ssyncadd.s32 $0xFFFFF000  }
0x2c6: {  	_ =	swait.ge [sflag:s19], $0x3000  }
0x2c7: {  	[sflag:s19] =	ssyncset.done $0x0  }
0x2c8: {  	s11 =	rddreg [dreg:$0xf];
	[sflag:s19] =	ssyncadd.s32 $0xFFFFD000  }
0x2c9: {  	v15 =	vld [tilespmem:s11+$0x12D80]  }
0x2ca: {  	s16 =	simm.s32 $0x14C0;
	s9 =	simm.s32 $0x3;
	v13 =	vld [tilespmem:s11+$0x12D90]  }
0x2cb: {  	v6 =	vmov s9;
	v10 =	vld [tilespmem:s16+$0xFFFFF020]  }
0x2cc: {  	v17 =	vand.u32 $0x7F, v6;
	v9 =	vld [tilespmem:s11+$0x12DA0]  }
0x2cd: {  	s18 =	simm.s32 $0x0;
	v11 =	vadd.s32 v0, v17;
	v8 =	vld [tilespmem:s11+$0x12DB0]  }
0x2ce: {  	s25 =	simm.s32 $0x1;
	s10 =	simm.s32 $0x2;
	v6 =	vmov s18;
	v12 =	vld [tilespmem:s16+$0xFFFFEFC0]  }
0x2cf: {  	v19 =	vmov s10;
	v16 =	vand.u32 $0x7C, v6;
	v6 =	vmov s25;
	v14 =	vld [tilespmem:s16+$0xFFFFEFE0]  }
0x2d0: {  	v20 =	vadd.s32 v0, v16;
	v18 =	vand.u32 $0x7D, v6;
	v21 =	vld [tilespmem:s16+$0xFFFFF000];
	v10 =	vadd.f32 v10, v15  }
0x2d1: {  	v19 =	vand.u32 $0x7E, v19;
	v22 =	vadd.s32 v0, v18;
	v7 =	vld [tilespmem:s11+$0x12DC0]  }
0x2d2: {  	v23 =	vadd.s32 v0, v19;
	v6 =	vld [tilespmem:s11+$0x12DD0];
	[tilespmem:v11+s21+$0x0] =	vst.idx.msk $0xffff, v10  }
0x2d3: {  	v10 =	vadd.f32 v12, v15;
	v11 =	vld [tilespmem:s16+$0xFFFFF030]  }
0x2d4: {  	v12 =	vadd.f32 v14, v15  }
0x2d5: {  	v14 =	vadd.s32 v1, v17;
	[tilespmem:v20+s21+$0x0] =	vst.idx.msk $0xffff, v10;
	v10 =	vadd.f32 v21, v15  }
0x2d6: {  	[tilespmem:v22+s21+$0x0] =	vst.idx.msk $0xffff, v12;
	v20 =	vld [tilespmem:s16+$0xFFFFEFD0]  }
0x2d7: {  	v12 =	vld [tilespmem:s16+$0xFFFFEFF0];
	[tilespmem:v23+s21+$0x0] =	vst.idx.msk $0xffff, v10  }
0x2d8: {  	v10 =	vadd.s32 v1, v16;
	v21 =	vld [tilespmem:s16+$0xFFFFF010];
	v11 =	vadd.f32 v11, v13  }
0x2d9: {  	v22 =	vadd.s32 v1, v18  }
0x2da: {  	v23 =	vadd.s32 v1, v19;
	[tilespmem:v14+s21+$0x0] =	vst.idx.msk $0xffff, v11  }
0x2db: {  	v11 =	vadd.f32 v20, v13;
	v14 =	vld [tilespmem:s16+$0x20]  }
0x2dc: {  	v12 =	vadd.f32 v12, v13  }
0x2dd: {  	[tilespmem:v10+s21+$0x0] =	vst.idx.msk $0xffff, v11;
	v10 =	vadd.f32 v21, v13;
	v11 =	vadd.s32 v2, v17  }
0x2de: {  	[tilespmem:v22+s21+$0x0] =	vst.idx.msk $0xffff, v12;
	v20 =	vld [tilespmem:s16+$0xFFFFFFC0]  }
0x2df: {  	v12 =	vld [tilespmem:s16+$0xFFFFFFE0];
	[tilespmem:v23+s21+$0x0] =	vst.idx.msk $0xffff, v10  }
0x2e0: {  	v21 =	vld [tilespmem:s16+$0x0];
	v10 =	vadd.f32 v14, v9  }
0x2e1: {  	s15 =	simm.s32 $0x1540;
	s10 =	simm.s32 $0x4;
	s11 =	simm.s32 $0x7;
	v14 =	vadd.s32 v2, v18  }
0x2e2: {  	v24 =	vld [tilespmem:s15+$0xFFFFF020];
	v22 =	vmov s10;
	v23 =	vadd.s32 v2, v19;
	[tilespmem:v11+s21+$0x0] =	vst.idx.msk $0xffff, v10;
	v10 =	vmov s11  }
0x2e3: {  	s17 =	simm.s32 $0x5;
	v25 =	vadd.s32 v2, v16;
	v11 =	vand.u32 $0x7C, v22;
	v10 =	vand.u32 $0x7F, v10;
	v22 =	vld [tilespmem:s16+$0x30]  }
0x2e4: {  	v28 =	vmov s17;
	v26 =	vld [tilespmem:s15+$0xFFFFEFC0];
	v12 =	vadd.f32 v12, v9;
	v27 =	vadd.s32 v0, v10  }
0x2e5: {  	s18 =	simm.s32 $0x6;
	v30 =	vadd.s32 v3, v17;
	v29 =	vld [tilespmem:s15+$0xFFFFEFE0];
	v20 =	vadd.f32 v20, v9;
	v21 =	vadd.f32 v21, v9  }
0x2e6: {  	v31 =	vadd.s32 v0, v11;
	[tilespmem:v14+s21+$0x0] =	vst.idx.msk $0xffff, v12;
	v14 =	vmov s18;
	v12 =	vand.u32 $0x7D, v28;
	v28 =	vld [tilespmem:s15+$0xFFFFF000]  }
0x2e7: {  	[tilespmem:v23+s21+$0x0] =	vst.idx.msk $0xffff, v21;
	v21 =	vadd.s32 v0, v12;
	v14 =	vand.u32 $0x7E, v14;
	v23 =	vadd.f32 v24, v15;
	v24 =	vld [tilespmem:s16+$0xFFFFFFF0]  }
0x2e8: {  	[tilespmem:v25+s21+$0x0] =	vst.idx.msk $0xffff, v20;
	v20 =	vadd.s32 v0, v14;
	v25 =	vld [tilespmem:s16+$0x10];
	v22 =	vadd.f32 v22, v8  }
0x2e9: {  	v26 =	vadd.f32 v26, v15;
	[tilespmem:v27+s21+$0x0] =	vst.idx.msk $0xffff, v23;
	v23 =	vld [tilespmem:s16+$0xFFFFFFD0];
	v27 =	vadd.s32 v3, v18  }
0x2ea: {  	v33 =	vadd.s32 v3, v19;
	v29 =	vadd.f32 v29, v15;
	v32 =	vld [tilespmem:s15+$0xFFFFF030];
	[tilespmem:v30+s21+$0x0] =	vst.idx.msk $0xffff, v22  }
0x2eb: {  	[tilespmem:v31+s21+$0x0] =	vst.idx.msk $0xffff, v26;
	v26 =	vadd.s32 v3, v16;
	v22 =	vadd.f32 v28, v15;
	v28 =	vld [tilespmem:s16+$0x1020]  }
0x2ec: {  	v30 =	vld [tilespmem:s15+$0xFFFFEFD0];
	[tilespmem:v21+s21+$0x0] =	vst.idx.msk $0xffff, v29;
	v21 =	vadd.s32 v1, v10;
	v24 =	vadd.f32 v24, v8  }
0x2ed: {  	v29 =	vld [tilespmem:s15+$0xFFFFEFF0];
	[tilespmem:v20+s21+$0x0] =	vst.idx.msk $0xffff, v22;
	v20 =	vadd.f32 v25, v8;
	v22 =	vadd.s32 v4, v17  }
0x2ee: {  	v25 =	vadd.s32 v1, v11;
	v31 =	vld [tilespmem:s15+$0xFFFFF010];
	v23 =	vadd.f32 v23, v8;
	[tilespmem:v27+s21+$0x0] =	vst.idx.msk $0xffff, v24  }
0x2ef: {  	v24 =	vadd.s32 v1, v12;
	[tilespmem:v33+s21+$0x0] =	vst.idx.msk $0xffff, v20;
	v27 =	vadd.f32 v32, v13;
	v60 =	vld [tilespmem:s16+$0xFE0]  }
0x2f0: {  	v20 =	vadd.s32 v1, v14;
	[tilespmem:v26+s21+$0x0] =	vst.idx.msk $0xffff, v23;
	v23 =	vld [tilespmem:s16+$0x1000];
	v26 =	vadd.f32 v28, v7  }
0x2f1: {  	v28 =	vadd.f32 v30, v13;
	[tilespmem:v21+s21+$0x0] =	vst.idx.msk $0xffff, v27;
	v21 =	vld [tilespmem:s16+$0xFC0];
	v27 =	vadd.s32 v4, v18  }
0x2f2: {  	v61 =	vadd.s32 v4, v19;
	v29 =	vadd.f32 v29, v13;
	v30 =	vld [tilespmem:s15+$0x20];
	[tilespmem:v22+s21+$0x0] =	vst.idx.msk $0xffff, v26  }
0x2f3: {  	[tilespmem:v25+s21+$0x0] =	vst.idx.msk $0xffff, v28;
	v22 =	vadd.f32 v31, v13;
	v25 =	vadd.s32 v4, v16;
	v26 =	vld [tilespmem:s16+$0x1030]  }
0x2f4: {  	v34 =	vadd.s32 v2, v10;
	v31 =	vld [tilespmem:s15+$0xFFFFFFC0];
	[tilespmem:v24+s21+$0x0] =	vst.idx.msk $0xffff, v29;
	v28 =	vadd.f32 v60, v7  }
0x2f5: {  	v35 =	vadd.s32 v5, v17;
	v62 =	vld [tilespmem:s15+$0xFFFFFFE0];
	[tilespmem:v20+s21+$0x0] =	vst.idx.msk $0xffff, v22;
	v20 =	vadd.f32 v23, v7  }
0x2f6: {  	v29 =	vadd.s32 v2, v11;
	v24 =	vld [tilespmem:s15+$0x0];
	v17 =	vadd.f32 v21, v7;
	[tilespmem:v27+s21+$0x0] =	vst.idx.msk $0xffff, v28  }
0x2f7: {  	s11 =	simm.s32 $0x8;
	v28 =	vadd.s32 v2, v12;
	v27 =	vadd.f32 v30, v9;
	v23 =	vld [tilespmem:s16+$0xFF0];
	[tilespmem:v61+s21+$0x0] =	vst.idx.msk $0xffff, v20  }
0x2f8: {  	v21 =	vadd.s32 v2, v14;
	v20 =	vmov s11;
	[tilespmem:v25+s21+$0x0] =	vst.idx.msk $0xffff, v17;
	v22 =	vld [tilespmem:s16+$0x1010];
	v63 =	vadd.f32 v26, v6  }
0x2f9: {  	s9 =	simm.s32 $0x15C0;
	s25 =	simm.s32 $0xB;
	v17 =	vand.u32 $0x7C, v20;
	v30 =	vadd.f32 v31, v9;
	v26 =	vadd.s32 v5, v18;
	[tilespmem:v34+s21+$0x0] =	vst.idx.msk $0xffff, v27;
	v25 =	vld [tilespmem:s16+$0xFD0]  }
0x2fa: {  	v18 =	vmov s25;
	v31 =	vld [tilespmem:s9+$0xFFFFF020];
	s16 =	simm.s32 $0xC;
	v32 =	vadd.f32 v62, v9;
	v27 =	vadd.s32 v5, v19;
	[tilespmem:v35+s21+$0x0] =	vst.idx.msk $0xffff, v63  }
.LBB2_16:
0x2fb: {  	p0 =	slt.u32 s16, $0x7C;
	s10 =	sadd.s32 $0x1, s11;
	v18 =	vand.u32 $0x7F, v18;
	[tilespmem:v29+s21+$0x0] =	vst.idx.msk $0xffff, v30;
	v19 =	vadd.f32 v24, v9;
	v20 =	vld [tilespmem:s15+$0x30];
	v24 =	vadd.s32 v5, v16  }
0x2fc: {  	v34 =	vmovc v14;
	v29 =	vld [tilespmem:s9+$0xFFFFEFC0];
	v30 =	vmov s10;
	s10 =	sadd.s32 $0x2, s11;
	v33 =	vadd.s32 v0, v18;
	[tilespmem:v28+s21+$0x0] =	vst.idx.msk $0xffff, v32;
	v23 =	vadd.f32 v23, v6;
	s11 =	smov.u32 s16  }
0x2fd: {  	v16 =	vmovc v11;
	v28 =	vld [tilespmem:s9+$0xFFFFEFE0];
	v14 =	vmov s10;
	[tilespmem:v21+s21+$0x0] =	vst.idx.msk $0xffff, v19;
	v19 =	vadd.s32 v3, v10;
	v21 =	vadd.f32 v22, v6  }
0x2fe: {  	v22 =	vadd.s32 v0, v17;
	v35 =	vand.u32 $0x7D, v30;
	v30 =	vld [tilespmem:s9+$0xFFFFF000];
	v32 =	vadd.f32 v25, v6;
	[tilespmem:v26+s21+$0x0] =	vst.idx.msk $0xffff, v23  }
0x2ff: {  	v23 =	vadd.s32 v0, v35;
	v14 =	vand.u32 $0x7E, v14;
	v25 =	vadd.f32 v31, v15;
	v26 =	vld [tilespmem:s15+$0xFFFFFFF0];
	[tilespmem:v27+s21+$0x0] =	vst.idx.msk $0xffff, v21  }
0x300: {  	v11 =	vmov v17;
	v21 =	vadd.s32 v0, v14;
	v27 =	vld [tilespmem:s15+$0x10];
	v20 =	vadd.f32 v20, v8;
	[tilespmem:v24+s21+$0x0] =	vst.idx.msk $0xffff, v32  }
0x301: {  	v17 =	vadd.f32 v29, v15;
	[tilespmem:v33+s21+$0x0] =	vst.idx.msk $0xffff, v25;
	v24 =	vld [tilespmem:s15+$0xFFFFFFD0];
	v25 =	vadd.s32 v3, v12  }
0x302: {  	v31 =	vadd.s32 v3, v34;
	v28 =	vadd.f32 v28, v15;
	v29 =	vld [tilespmem:s9+$0xFFFFF030];
	[tilespmem:v19+s21+$0x0] =	vst.idx.msk $0xffff, v20  }
0x303: {  	v19 =	vadd.s32 v3, v16;
	[tilespmem:v22+s21+$0x0] =	vst.idx.msk $0xffff, v17;
	v17 =	vadd.f32 v30, v15;
	v20 =	vld [tilespmem:s15+$0x1020]  }
0x304: {  	v22 =	vld [tilespmem:s9+$0xFFFFEFD0];
	[tilespmem:v23+s21+$0x0] =	vst.idx.msk $0xffff, v28;
	v23 =	vadd.s32 v1, v18;
	v26 =	vadd.f32 v26, v8  }
0x305: {  	v28 =	vld [tilespmem:s9+$0xFFFFEFF0];
	[tilespmem:v21+s21+$0x0] =	vst.idx.msk $0xffff, v17;
	v17 =	vadd.f32 v27, v8;
	v21 =	vadd.s32 v4, v10  }
0x306: {  	v27 =	vadd.s32 v1, v11;
	v30 =	vld [tilespmem:s9+$0xFFFFF010];
	v24 =	vadd.f32 v24, v8;
	[tilespmem:v25+s21+$0x0] =	vst.idx.msk $0xffff, v26  }
0x307: {  	v25 =	vadd.s32 v1, v35;
	v26 =	vadd.f32 v29, v13;
	v29 =	vld [tilespmem:s15+$0xFE0];
	[tilespmem:v31+s21+$0x0] =	vst.idx.msk $0xffff, v17  }
0x308: {  	v17 =	vadd.s32 v1, v14;
	[tilespmem:v19+s21+$0x0] =	vst.idx.msk $0xffff, v24;
	v19 =	vld [tilespmem:s15+$0x1000];
	v20 =	vadd.f32 v20, v7  }
0x309: {  	v22 =	vadd.f32 v22, v13;
	[tilespmem:v23+s21+$0x0] =	vst.idx.msk $0xffff, v26;
	v23 =	vld [tilespmem:s15+$0xFC0];
	v26 =	vadd.s32 v4, v12  }
0x30a: {  	v32 =	vadd.s32 v4, v34;
	v24 =	vadd.f32 v28, v13;
	v31 =	vld [tilespmem:s9+$0x20];
	[tilespmem:v21+s21+$0x0] =	vst.idx.msk $0xffff, v20  }
0x30b: {  	[tilespmem:v27+s21+$0x0] =	vst.idx.msk $0xffff, v22;
	v20 =	vadd.f32 v30, v13;
	v22 =	vadd.s32 v4, v16;
	v27 =	vld [tilespmem:s15+$0x1030]  }
0x30c: {  	v30 =	vld [tilespmem:s9+$0xFFFFFFC0];
	[tilespmem:v25+s21+$0x0] =	vst.idx.msk $0xffff, v24;
	v25 =	vadd.s32 v2, v18;
	v21 =	vadd.f32 v29, v7  }
0x30d: {  	v33 =	vld [tilespmem:s9+$0xFFFFFFE0];
	[tilespmem:v17+s21+$0x0] =	vst.idx.msk $0xffff, v20;
	v17 =	vadd.f32 v19, v7;
	v19 =	vadd.s32 v5, v10;
	v10 =	vmov v18  }
.Ltmp7:
0x30e: {  	v29 =	vadd.s32 v2, v11;
	v24 =	vld [tilespmem:s9+$0x0];
	v18 =	vadd.f32 v23, v7;
	[tilespmem:v26+s21+$0x0] =	vst.idx.msk $0xffff, v21;
	(pc) =	sbr.rel @p0 .LBB2_16-.Ltmp7, $4  }
0x30f: {  	v28 =	vadd.s32 v2, v35;
	v20 =	vadd.f32 v31, v9;
	v23 =	vld [tilespmem:s15+$0xFF0];
	[tilespmem:v32+s21+$0x0] =	vst.idx.msk $0xffff, v17  }
0x310: {  	v21 =	vadd.s32 v2, v14;
	v17 =	vmov s16;
	[tilespmem:v22+s21+$0x0] =	vst.idx.msk $0xffff, v18;
	v22 =	vld [tilespmem:s15+$0x1010];
	v36 =	vadd.f32 v27, v6  }
0x311: {  	s10 =	sadd.s32 $0x3, s16;
	v26 =	vadd.s32 v5, v12;
	v17 =	vand.u32 $0x7C, v17;
	v30 =	vadd.f32 v30, v9;
	[tilespmem:v25+s21+$0x0] =	vst.idx.msk $0xffff, v20;
	v25 =	vld [tilespmem:s15+$0xFD0];
	s15 =	smov.u32 s9;
	s9 =	sadd.s32 $0x80, s9  }
0x312: {  	v12 =	vmovc v35;
	s16 =	sadd.s32 $0x4, s16;
	v18 =	vmov s10;
	v27 =	vadd.s32 v5, v34;
	v31 =	vld [tilespmem:s9+$0xFFFFF020];
	v32 =	vadd.f32 v33, v9;
	[tilespmem:v19+s21+$0x0] =	vst.idx.msk $0xffff, v36  }
0x313: {  	s10 =	sadd.s32 $0x1, s11  }
0x314: {  	v18 =	vand.u32 $0x7F, v18;
	s18 =	sadd.s32 $0x2, s11;
	v33 =	vld [tilespmem:s9+$0xFFFFEFE0];
	v19 =	vmov s10  }
0x315: {  	v35 =	vld [tilespmem:s9+$0xFFFFF000];
	v34 =	vadd.s32 v0, v18;
	v20 =	vmov s18;
	v19 =	vand.u32 $0x7D, v19  }
0x316: {  	v36 =	vld [tilespmem:s9+$0xFFFFEFC0];
	v20 =	vand.u32 $0x7E, v20;
	v37 =	vadd.s32 v0, v19  }
0x317: {  	v38 =	vadd.s32 v0, v20  }
0x318: {  	v39 =	vadd.s32 v0, v17;
	v31 =	vadd.f32 v31, v15  }
0x319: {  	v33 =	vadd.f32 v33, v15  }
0x31a: {  	v45 =	vadd.f32 v35, v15;
	[tilespmem:v34+s21+$0x0] =	vst.idx.msk $0xffff, v31  }
0x31b: {  	v46 =	vadd.f32 v36, v15;
	v34 =	vld [tilespmem:s9+$0xFFFFF030];
	[tilespmem:v37+s21+$0x0] =	vst.idx.msk $0xffff, v33  }
0x31c: {  	[tilespmem:v38+s21+$0x0] =	vst.idx.msk $0xffff, v45;
	v33 =	vld [tilespmem:s9+$0xFFFFEFF0]  }
0x31d: {  	v47 =	vadd.s32 v1, v18;
	[tilespmem:v39+s21+$0x0] =	vst.idx.msk $0xffff, v46;
	v31 =	vld [tilespmem:s9+$0xFFFFF010]  }
0x31e: {  	v49 =	vadd.s32 v1, v19;
	v48 =	vld [tilespmem:s9+$0xFFFFEFD0]  }
0x31f: {  	v50 =	vadd.s32 v1, v20  }
0x320: {  	[tilespmem:v29+s21+$0x0] =	vst.idx.msk $0xffff, v30;
	v51 =	vadd.s32 v1, v17;
	v52 =	vadd.f32 v34, v13  }
0x321: {  	[tilespmem:v28+s21+$0x0] =	vst.idx.msk $0xffff, v32;
	v53 =	vadd.f32 v33, v13  }
0x322: {  	[tilespmem:v47+s21+$0x0] =	vst.idx.msk $0xffff, v52;
	v54 =	vadd.f32 v31, v13  }
0x323: {  	v55 =	vadd.f32 v48, v13;
	v30 =	vld [tilespmem:s9+$0x20];
	[tilespmem:v49+s21+$0x0] =	vst.idx.msk $0xffff, v53  }
0x324: {  	v24 =	vadd.f32 v24, v9;
	v16 =	vadd.s32 v5, v16;
	[tilespmem:v50+s21+$0x0] =	vst.idx.msk $0xffff, v54;
	v28 =	vld [tilespmem:s9+$0xFFFFFFE0]  }
0x325: {  	v56 =	vadd.f32 v23, v6;
	v57 =	vadd.s32 v2, v18;
	[tilespmem:v51+s21+$0x0] =	vst.idx.msk $0xffff, v55;
	v58 =	vld [tilespmem:s9+$0x0]  }
0x326: {  	[tilespmem:v21+s21+$0x0] =	vst.idx.msk $0xffff, v24;
	v59 =	vadd.f32 v22, v6;
	v61 =	vadd.s32 v2, v19;
	v60 =	vld [tilespmem:s9+$0xFFFFFFC0]  }
0x327: {  	v62 =	vld [tilespmem:s15+$0x30];
	v25 =	vadd.f32 v25, v6;
	[tilespmem:v26+s21+$0x0] =	vst.idx.msk $0xffff, v56;
	v63 =	vadd.s32 v2, v20  }
0x328: {  	[tilespmem:v27+s21+$0x0] =	vst.idx.msk $0xffff, v59;
	v37 =	vld [tilespmem:s15+$0x10];
	v34 =	vadd.s32 v2, v17;
	v35 =	vadd.f32 v30, v9  }
0x329: {  	v36 =	vadd.s32 v3, v10;
	[tilespmem:v16+s21+$0x0] =	vst.idx.msk $0xffff, v25;
	v39 =	vld [tilespmem:s15+$0xFFFFFFD0];
	v38 =	vadd.f32 v28, v9  }
0x32a: {  	v42 =	vadd.s32 v3, v14;
	v33 =	vld [tilespmem:s15+$0xFFFFFFF0];
	[tilespmem:v57+s21+$0x0] =	vst.idx.msk $0xffff, v35;
	v41 =	vadd.f32 v58, v9  }
0x32b: {  	v46 =	vadd.s32 v3, v11;
	v43 =	vadd.f32 v60, v9;
	v44 =	vld [tilespmem:s9+$0x30];
	[tilespmem:v61+s21+$0x0] =	vst.idx.msk $0xffff, v38  }
0x32c: {  	v40 =	vadd.s32 v3, v12;
	v45 =	vadd.f32 v62, v8;
	[tilespmem:v63+s21+$0x0] =	vst.idx.msk $0xffff, v41;
	v47 =	vld [tilespmem:s9+$0xFFFFFFF0]  }
0x32d: {  	v51 =	vadd.f32 v37, v8;
	v49 =	vadd.s32 v3, v18;
	[tilespmem:v34+s21+$0x0] =	vst.idx.msk $0xffff, v43;
	v50 =	vld [tilespmem:s9+$0x10]  }
0x32e: {  	[tilespmem:v36+s21+$0x0] =	vst.idx.msk $0xffff, v45;
	v25 =	vadd.f32 v39, v8;
	v53 =	vadd.s32 v3, v19;
	v52 =	vld [tilespmem:s9+$0xFFFFFFD0]  }
0x32f: {  	v55 =	vadd.s32 v3, v20;
	v54 =	vld [tilespmem:s15+$0x1020];
	[tilespmem:v42+s21+$0x0] =	vst.idx.msk $0xffff, v51;
	v48 =	vadd.f32 v33, v8  }
0x330: {  	[tilespmem:v46+s21+$0x0] =	vst.idx.msk $0xffff, v25;
	v59 =	vld [tilespmem:s15+$0x1000];
	v57 =	vadd.s32 v3, v17;
	v56 =	vadd.f32 v44, v8  }
0x331: {  	v25 =	vld [tilespmem:s15+$0xFC0];
	[tilespmem:v40+s21+$0x0] =	vst.idx.msk $0xffff, v48;
	v58 =	vadd.s32 v4, v10;
	v13 =	vadd.f32 v47, v8  }
0x332: {  	v62 =	vadd.s32 v4, v14;
	v28 =	vld [tilespmem:s15+$0xFE0];
	[tilespmem:v49+s21+$0x0] =	vst.idx.msk $0xffff, v56;
	v61 =	vadd.f32 v50, v8  }
0x333: {  	v34 =	vadd.s32 v4, v11;
	v32 =	vadd.f32 v52, v8;
	v63 =	vld [tilespmem:s9+$0x1020];
	[tilespmem:v53+s21+$0x0] =	vst.idx.msk $0xffff, v13  }
0x334: {  	v60 =	vadd.s32 v4, v12;
	v33 =	vadd.f32 v54, v7;
	[tilespmem:v55+s21+$0x0] =	vst.idx.msk $0xffff, v61;
	v27 =	vld [tilespmem:s9+$0xFE0]  }
0x335: {  	v36 =	vadd.s32 v4, v18;
	v38 =	vadd.f32 v59, v7;
	[tilespmem:v57+s21+$0x0] =	vst.idx.msk $0xffff, v32;
	v37 =	vld [tilespmem:s9+$0x1000]  }
0x336: {  	v39 =	vadd.s32 v4, v19;
	v25 =	vadd.f32 v25, v7;
	[tilespmem:v58+s21+$0x0] =	vst.idx.msk $0xffff, v33;
	v22 =	vld [tilespmem:s9+$0xFC0]  }
0x337: {  	v41 =	vadd.s32 v4, v20;
	[tilespmem:v62+s21+$0x0] =	vst.idx.msk $0xffff, v38;
	v35 =	vadd.f32 v28, v7;
	v40 =	vld [tilespmem:s15+$0x1030]  }
0x338: {  	v46 =	vld [tilespmem:s15+$0x1010];
	v44 =	vadd.s32 v4, v17;
	[tilespmem:v34+s21+$0x0] =	vst.idx.msk $0xffff, v25;
	v43 =	vadd.f32 v63, v7  }
0x339: {  	v45 =	vadd.s32 v5, v10;
	[tilespmem:v60+s21+$0x0] =	vst.idx.msk $0xffff, v35;
	v26 =	vld [tilespmem:s15+$0xFD0];
	v47 =	vadd.f32 v27, v7  }
0x33a: {  	v42 =	vld [tilespmem:s15+$0xFF0];
	v49 =	vadd.s32 v5, v14;
	[tilespmem:v36+s21+$0x0] =	vst.idx.msk $0xffff, v43;
	v8 =	vadd.f32 v37, v7  }
0x33b: {  	v52 =	vadd.s32 v5, v11;
	v7 =	vadd.f32 v22, v7;
	v50 =	vld [tilespmem:s9+$0x1030];
	[tilespmem:v39+s21+$0x0] =	vst.idx.msk $0xffff, v47  }
0x33c: {  	v48 =	vadd.s32 v5, v12;
	v51 =	vadd.f32 v40, v6;
	[tilespmem:v41+s21+$0x0] =	vst.idx.msk $0xffff, v8;
	v53 =	vld [tilespmem:s9+$0xFF0]  }
0x33d: {  	v55 =	vadd.s32 v5, v18;
	v56 =	vadd.f32 v46, v6;
	[tilespmem:v44+s21+$0x0] =	vst.idx.msk $0xffff, v7;
	v7 =	vld [tilespmem:s9+$0x1010]  }
0x33e: {  	v58 =	vadd.s32 v5, v19;
	v59 =	vadd.f32 v26, v6;
	[tilespmem:v45+s21+$0x0] =	vst.idx.msk $0xffff, v51;
	v57 =	vld [tilespmem:s9+$0xFD0]  }
0x33f: {  	v60 =	vadd.s32 v5, v20;
	v54 =	vadd.f32 v42, v6;
	[tilespmem:v49+s21+$0x0] =	vst.idx.msk $0xffff, v56  }
0x340: {  	v62 =	vadd.s32 v5, v17;
	[tilespmem:v52+s21+$0x0] =	vst.idx.msk $0xffff, v59;
	v61 =	vadd.f32 v50, v6  }
0x341: {  	[tilespmem:v48+s21+$0x0] =	vst.idx.msk $0xffff, v54;
	v63 =	vadd.f32 v53, v6  }
0x342: {  	[tilespmem:v55+s21+$0x0] =	vst.idx.msk $0xffff, v61;
	v7 =	vadd.f32 v7, v6  }
0x343: {  	v6 =	vadd.f32 v57, v6;
	[tilespmem:v58+s21+$0x0] =	vst.idx.msk $0xffff, v63  }
0x344: {  	[tilespmem:v60+s21+$0x0] =	vst.idx.msk $0xffff, v7  }
0x345: {  	[tilespmem:v62+s21+$0x0] =	vst.idx.msk $0xffff, v6  }
0x346: {  	s25 =	simm.s32 $0x9480;
	s11 =	rddreg [dreg:$0x10]  }
0x347: {  	[hbm4b:s11+s3] =	stream.linear.scatter [tilespmem:s25], [sflag:$0x4], $0x80, $0x38;
	[tilespmem:$0x17880] =	vst v63  }
0x348: {  	s10 =	simm.s32 $0x9508;
	s15 =	sadd.s32 $0x10, s11  }
0x349: {  	[hbm4b:s15+s3] =	stream.linear.scatter [tilespmem:s10], [sflag:$0x4], $0x80, $0x38;
	[tilespmem:$0x17880] =	vst v63  }
0x34a: {  	s16 =	simm.s32 $0x9590;
	s18 =	simm.s32 $0x9618;
	s17 =	sadd.s32 $0x20, s11  }
0x34b: {  	[hbm4b:s17+s3] =	stream.linear.scatter [tilespmem:s16], [sflag:$0x4], $0x80, $0x38;
	[tilespmem:$0x17880] =	vst v63  }
0x34c: {  	s9 =	simm.s32 $0x440;
	s25 =	sadd.s32 $0x30, s11;
	s10 =	simm.s32 $0x96A0  }
0x34d: {  	[hbm4b:s25+s3] =	stream.linear.scatter [tilespmem:s18], [sflag:$0x4], $0x80, $0x38;
	[tilespmem:$0x17880] =	vst v63  }
0x34e: {  	s15 =	sadd.s32 $0x40, s11;
	s16 =	simm.s32 $0x9728;
	s17 =	sadd.s32 $0x50, s11  }
0x34f: {  	[hbm4b:s15+s3] =	stream.linear.scatter [tilespmem:s10], [sflag:$0x4], $0x80, $0x38;
	[tilespmem:$0x17880] =	vst v63  }
0x350: {  	s18 =	simm.s32 $0x97B0;
	s25 =	sadd.s32 $0x60, s11;
	s15 =	simm.s32 $0x2200  }
0x351: {  	[hbm4b:s17+s3] =	stream.linear.scatter [tilespmem:s16], [sflag:$0x4], $0x80, $0x38;
	[tilespmem:$0x17880] =	vst v63  }
0x352: {  	s16 =	simm.s32 $0x9838;
	s17 =	sadd.s32 $0x70, s11;
	s11 =	sadd.s32 $0x400, s11  }
0x353: {  	[hbm4b:s25+s3] =	stream.linear.scatter [tilespmem:s18], [sflag:$0x4], $0x80, $0x38;
	[tilespmem:$0x17880] =	vst v63  }
.LBB2_18:
0x354: {  	[hbm4b:s17+s3] =	stream.linear.scatter [tilespmem:s16], [sflag:$0x4], $0x80, $0x38;
	[tilespmem:$0x17880] =	vst v63  }
0x355: {  	s10 =	smov.u32 s9;
	s9 =	smov.u32 s15  }
0x356: {  	s18 =	sadd.s32 $0x1100, s15;
	s9 =	sshra.s32 s9, $0x2;
	s16 =	sadd.s32 $0x9480, s10  }
0x357: {  	[hbm4b:s11+s3] =	stream.linear.scatter [tilespmem:s16], [sflag:$0x4], $0x80, $0x38;
	[tilespmem:$0x17880] =	vst v63  }
0x358: {  	p0 =	sne.s32 s15, $0xBB00;
	s15 =	sadd.s32 $0x9508, s10;
	s16 =	sadd.s32 $0x10, s11  }
0x359: {  	[hbm4b:s16+s3] =	stream.linear.scatter [tilespmem:s15], [sflag:$0x4], $0x80, $0x38;
	[tilespmem:$0x17880] =	vst v63  }
0x35a: {  	s15 =	sadd.s32 $0x9590, s10;
	s16 =	sadd.s32 $0x20, s11  }
0x35b: {  	[hbm4b:s16+s3] =	stream.linear.scatter [tilespmem:s15], [sflag:$0x4], $0x80, $0x38;
	[tilespmem:$0x17880] =	vst v63  }
0x35c: {  	s15 =	sadd.s32 $0x9618, s10;
	s16 =	sadd.s32 $0x30, s11  }
0x35d: {  	[hbm4b:s16+s3] =	stream.linear.scatter [tilespmem:s15], [sflag:$0x4], $0x80, $0x38;
	[tilespmem:$0x17880] =	vst v63  }
0x35e: {  	s15 =	sadd.s32 $0x96A0, s10;
	s16 =	sadd.s32 $0x40, s11  }
0x35f: {  	[hbm4b:s16+s3] =	stream.linear.scatter [tilespmem:s15], [sflag:$0x4], $0x80, $0x38;
	[tilespmem:$0x17880] =	vst v63  }
.Ltmp8:
0x360: {  	s15 =	sadd.s32 $0x9728, s10;
	s16 =	sadd.s32 $0x50, s11;
	(pc) =	sbr.rel @p0 .LBB2_18-.Ltmp8, $4  }
0x361: {  	[hbm4b:s16+s3] =	stream.linear.scatter [tilespmem:s15], [sflag:$0x4], $0x80, $0x38;
	[tilespmem:$0x17880] =	vst v63  }
0x362: {  	s17 =	sadd.s32 $0x70, s11;
	s15 =	sadd.s32 $0x97B0, s10;
	s16 =	sadd.s32 $0x60, s11  }
0x363: {  	[hbm4b:s16+s3] =	stream.linear.scatter [tilespmem:s15], [sflag:$0x4], $0x80, $0x38;
	[tilespmem:$0x17880] =	vst v63  }
0x364: {  	s11 =	sadd.s32 $0x400, s11;
	s16 =	sadd.s32 $0x9838, s10;
	s15 =	smov.u32 s18  }
0x365: {  	[hbm4b:s17+s3] =	stream.linear.scatter [tilespmem:s16], [sflag:$0x4], $0x80, $0x38;
	[tilespmem:$0x17880] =	vst v63  }
0x366: {  	s10 =	sadd.s32 $0x9480, s9  }
0x367: {  	[hbm4b:s11+s3] =	stream.linear.scatter [tilespmem:s10], [sflag:$0x4], $0x80, $0x38;
	[tilespmem:$0x17880] =	vst v63  }
0x368: {  	s25 =	sadd.s32 $0x9508, s9;
	s15 =	sadd.s32 $0x10, s11  }
0x369: {  	[hbm4b:s15+s3] =	stream.linear.scatter [tilespmem:s25], [sflag:$0x4], $0x80, $0x38;
	[tilespmem:$0x17880] =	vst v63  }
0x36a: {  	s16 =	sadd.s32 $0x9590, s9;
	s17 =	sadd.s32 $0x20, s11  }
0x36b: {  	[hbm4b:s17+s3] =	stream.linear.scatter [tilespmem:s16], [sflag:$0x4], $0x80, $0x38;
	[tilespmem:$0x17880] =	vst v63  }
0x36c: {  	s18 =	sadd.s32 $0x9618, s9;
	s25 =	sadd.s32 $0x30, s11  }
0x36d: {  	[hbm4b:s25+s3] =	stream.linear.scatter [tilespmem:s18], [sflag:$0x4], $0x80, $0x38;
	[tilespmem:$0x17880] =	vst v63  }
0x36e: {  	s16 =	sadd.s32 $0x96A0, s9;
	s17 =	sadd.s32 $0x40, s11  }
0x36f: {  	[hbm4b:s17+s3] =	stream.linear.scatter [tilespmem:s16], [sflag:$0x4], $0x80, $0x38;
	[tilespmem:$0x17880] =	vst v63  }
0x370: {  	s18 =	sadd.s32 $0x9728, s9;
	s25 =	sadd.s32 $0x50, s11  }
0x371: {  	[hbm4b:s25+s3] =	stream.linear.scatter [tilespmem:s18], [sflag:$0x4], $0x80, $0x38;
	[tilespmem:$0x17880] =	vst v63  }
0x372: {  	s16 =	sadd.s32 $0x97B0, s9;
	s17 =	sadd.s32 $0x60, s11  }
0x373: {  	[hbm4b:s17+s3] =	stream.linear.scatter [tilespmem:s16], [sflag:$0x4], $0x80, $0x38;
	[tilespmem:$0x17880] =	vst v63  }
0x374: {  	s18 =	sadd.s32 $0x9838, s9;
	s25 =	sadd.s32 $0x70, s11  }
0x375: {  	[hbm4b:s25+s3] =	stream.linear.scatter [tilespmem:s18], [sflag:$0x4], $0x80, $0x38;
	[tilespmem:$0x17880] =	vst v63  }
0x376: {  	_ =	swait.ge [sflag:s23], $0x1000  }
0x377: {  	[sflag:s23] =	ssyncset.done $0x0  }
0x378: {  	[sflag:s23] =	ssyncadd.s32 $0xFFFFF000  }
0x379: {  	_ =	swait.ge [sflag:s23], $0x1000  }
0x37a: {  	[sflag:s23] =	ssyncset.done $0x0  }
0x37b: {  	[sflag:s23] =	ssyncadd.s32 $0xFFFFF000  }
0x37c: {  	_ =	swait.ge [sflag:s23], $0x1000  }
0x37d: {  	[sflag:s23] =	ssyncset.done $0x0  }
0x37e: {  	s11 =	simm.s32 $0x5;
	[sflag:s23] =	ssyncadd.s32 $0xFFFFF000  }
0x37f: {  	_ =	swait.ge [sflag:s11], $0x3000  }
0x380: {  	[sflag:s11] =	ssyncset.done $0x0  }
0x381: {  	[sflag:s11] =	ssyncadd.s32 $0xFFFFD000;
	s11 =	rddreg [dreg:$0x11]  }
0x382: {  	v15 =	vld [tilespmem:s11+$0x12D80]  }
0x383: {  	s15 =	simm.s32 $0x3;
	s16 =	simm.s32 $0x44C0;
	v13 =	vld [tilespmem:s11+$0x12D90]  }
0x384: {  	v6 =	vmov s15;
	v10 =	vld [tilespmem:s16+$0xFFFFF020]  }
0x385: {  	v17 =	vand.u32 $0x7F, v6;
	v9 =	vld [tilespmem:s11+$0x12DA0]  }
0x386: {  	v11 =	vadd.s32 v0, v17;
	s17 =	simm.s32 $0x0;
	v8 =	vld [tilespmem:s11+$0x12DB0]  }
0x387: {  	v6 =	vmov s17;
	s18 =	simm.s32 $0x1;
	s25 =	simm.s32 $0x2;
	v12 =	vld [tilespmem:s16+$0xFFFFEFC0]  }
0x388: {  	v16 =	vand.u32 $0x7C, v6;
	v6 =	vmov s18;
	v19 =	vmov s25;
	v14 =	vld [tilespmem:s16+$0xFFFFEFE0]  }
0x389: {  	v20 =	vadd.s32 v0, v16;
	v18 =	vand.u32 $0x7D, v6;
	v21 =	vld [tilespmem:s16+$0xFFFFF000];
	v10 =	vadd.f32 v10, v15  }
0x38a: {  	v19 =	vand.u32 $0x7E, v19;
	v22 =	vadd.s32 v0, v18;
	v7 =	vld [tilespmem:s11+$0x12DC0]  }
0x38b: {  	v23 =	vadd.s32 v0, v19;
	v6 =	vld [tilespmem:s11+$0x12DD0];
	[tilespmem:v11+s22+$0x0] =	vst.idx.msk $0xffff, v10  }
0x38c: {  	v10 =	vadd.f32 v12, v15;
	v11 =	vld [tilespmem:s16+$0xFFFFF030]  }
0x38d: {  	v12 =	vadd.f32 v14, v15  }
0x38e: {  	v14 =	vadd.s32 v1, v17;
	[tilespmem:v20+s22+$0x0] =	vst.idx.msk $0xffff, v10;
	v10 =	vadd.f32 v21, v15  }
0x38f: {  	[tilespmem:v22+s22+$0x0] =	vst.idx.msk $0xffff, v12;
	v20 =	vld [tilespmem:s16+$0xFFFFEFD0]  }
0x390: {  	v12 =	vld [tilespmem:s16+$0xFFFFEFF0];
	[tilespmem:v23+s22+$0x0] =	vst.idx.msk $0xffff, v10  }
0x391: {  	v10 =	vadd.s32 v1, v16;
	v21 =	vld [tilespmem:s16+$0xFFFFF010];
	v11 =	vadd.f32 v11, v13  }
0x392: {  	v22 =	vadd.s32 v1, v18  }
0x393: {  	v23 =	vadd.s32 v1, v19;
	[tilespmem:v14+s22+$0x0] =	vst.idx.msk $0xffff, v11  }
0x394: {  	v11 =	vadd.f32 v20, v13;
	v14 =	vld [tilespmem:s16+$0x20]  }
0x395: {  	v12 =	vadd.f32 v12, v13  }
0x396: {  	[tilespmem:v10+s22+$0x0] =	vst.idx.msk $0xffff, v11;
	v10 =	vadd.f32 v21, v13;
	v11 =	vadd.s32 v2, v17  }
0x397: {  	[tilespmem:v22+s22+$0x0] =	vst.idx.msk $0xffff, v12;
	v20 =	vld [tilespmem:s16+$0xFFFFFFC0]  }
0x398: {  	v12 =	vld [tilespmem:s16+$0xFFFFFFE0];
	[tilespmem:v23+s22+$0x0] =	vst.idx.msk $0xffff, v10  }
0x399: {  	v21 =	vld [tilespmem:s16+$0x0];
	v10 =	vadd.f32 v14, v9  }
0x39a: {  	s10 =	simm.s32 $0x4;
	s15 =	simm.s32 $0x4540;
	s11 =	simm.s32 $0x7;
	v14 =	vadd.s32 v2, v18  }
0x39b: {  	v24 =	vld [tilespmem:s15+$0xFFFFF020];
	v22 =	vmov s10;
	v23 =	vadd.s32 v2, v19;
	[tilespmem:v11+s22+$0x0] =	vst.idx.msk $0xffff, v10;
	v10 =	vmov s11  }
0x39c: {  	v25 =	vadd.s32 v2, v16;
	v11 =	vand.u32 $0x7C, v22;
	v10 =	vand.u32 $0x7F, v10;
	v22 =	vld [tilespmem:s16+$0x30]  }
0x39d: {  	v30 =	vadd.s32 v3, v17;
	s17 =	simm.s32 $0x5;
	v26 =	vld [tilespmem:s15+$0xFFFFEFC0];
	v12 =	vadd.f32 v12, v9;
	v27 =	vadd.s32 v0, v10  }
0x39e: {  	v28 =	vmov s17;
	s18 =	simm.s32 $0x6;
	v29 =	vld [tilespmem:s15+$0xFFFFEFE0];
	v20 =	vadd.f32 v20, v9;
	v21 =	vadd.f32 v21, v9  }
0x39f: {  	v31 =	vadd.s32 v0, v11;
	[tilespmem:v14+s22+$0x0] =	vst.idx.msk $0xffff, v12;
	v14 =	vmov s18;
	v12 =	vand.u32 $0x7D, v28;
	v28 =	vld [tilespmem:s15+$0xFFFFF000]  }
0x3a0: {  	[tilespmem:v23+s22+$0x0] =	vst.idx.msk $0xffff, v21;
	v21 =	vadd.s32 v0, v12;
	v14 =	vand.u32 $0x7E, v14;
	v23 =	vadd.f32 v24, v15;
	v24 =	vld [tilespmem:s16+$0xFFFFFFF0]  }
0x3a1: {  	[tilespmem:v25+s22+$0x0] =	vst.idx.msk $0xffff, v20;
	v20 =	vadd.s32 v0, v14;
	v25 =	vld [tilespmem:s16+$0x10];
	v22 =	vadd.f32 v22, v8  }
0x3a2: {  	v26 =	vadd.f32 v26, v15;
	[tilespmem:v27+s22+$0x0] =	vst.idx.msk $0xffff, v23;
	v23 =	vld [tilespmem:s16+$0xFFFFFFD0];
	v27 =	vadd.s32 v3, v18  }
0x3a3: {  	v33 =	vadd.s32 v3, v19;
	v29 =	vadd.f32 v29, v15;
	v32 =	vld [tilespmem:s15+$0xFFFFF030];
	[tilespmem:v30+s22+$0x0] =	vst.idx.msk $0xffff, v22  }
0x3a4: {  	[tilespmem:v31+s22+$0x0] =	vst.idx.msk $0xffff, v26;
	v26 =	vadd.s32 v3, v16;
	v22 =	vadd.f32 v28, v15;
	v28 =	vld [tilespmem:s16+$0x1020]  }
0x3a5: {  	v30 =	vld [tilespmem:s15+$0xFFFFEFD0];
	[tilespmem:v21+s22+$0x0] =	vst.idx.msk $0xffff, v29;
	v21 =	vadd.s32 v1, v10;
	v24 =	vadd.f32 v24, v8  }
0x3a6: {  	v29 =	vld [tilespmem:s15+$0xFFFFEFF0];
	[tilespmem:v20+s22+$0x0] =	vst.idx.msk $0xffff, v22;
	v20 =	vadd.f32 v25, v8;
	v22 =	vadd.s32 v4, v17  }
0x3a7: {  	v25 =	vadd.s32 v1, v11;
	v31 =	vld [tilespmem:s15+$0xFFFFF010];
	v23 =	vadd.f32 v23, v8;
	[tilespmem:v27+s22+$0x0] =	vst.idx.msk $0xffff, v24  }
0x3a8: {  	v24 =	vadd.s32 v1, v12;
	[tilespmem:v33+s22+$0x0] =	vst.idx.msk $0xffff, v20;
	v27 =	vadd.f32 v32, v13;
	v60 =	vld [tilespmem:s16+$0xFE0]  }
0x3a9: {  	v20 =	vadd.s32 v1, v14;
	[tilespmem:v26+s22+$0x0] =	vst.idx.msk $0xffff, v23;
	v23 =	vld [tilespmem:s16+$0x1000];
	v26 =	vadd.f32 v28, v7  }
0x3aa: {  	v28 =	vadd.f32 v30, v13;
	[tilespmem:v21+s22+$0x0] =	vst.idx.msk $0xffff, v27;
	v21 =	vld [tilespmem:s16+$0xFC0];
	v27 =	vadd.s32 v4, v18  }
0x3ab: {  	v61 =	vadd.s32 v4, v19;
	v29 =	vadd.f32 v29, v13;
	v30 =	vld [tilespmem:s15+$0x20];
	[tilespmem:v22+s22+$0x0] =	vst.idx.msk $0xffff, v26  }
0x3ac: {  	[tilespmem:v25+s22+$0x0] =	vst.idx.msk $0xffff, v28;
	v22 =	vadd.f32 v31, v13;
	v25 =	vadd.s32 v4, v16;
	v26 =	vld [tilespmem:s16+$0x1030]  }
0x3ad: {  	v34 =	vadd.s32 v2, v10;
	v31 =	vld [tilespmem:s15+$0xFFFFFFC0];
	[tilespmem:v24+s22+$0x0] =	vst.idx.msk $0xffff, v29;
	v28 =	vadd.f32 v60, v7  }
0x3ae: {  	v35 =	vadd.s32 v5, v17;
	v62 =	vld [tilespmem:s15+$0xFFFFFFE0];
	[tilespmem:v20+s22+$0x0] =	vst.idx.msk $0xffff, v22;
	v20 =	vadd.f32 v23, v7  }
0x3af: {  	v29 =	vadd.s32 v2, v11;
	v24 =	vld [tilespmem:s15+$0x0];
	v17 =	vadd.f32 v21, v7;
	[tilespmem:v27+s22+$0x0] =	vst.idx.msk $0xffff, v28  }
0x3b0: {  	s11 =	simm.s32 $0x8;
	v28 =	vadd.s32 v2, v12;
	v27 =	vadd.f32 v30, v9;
	v23 =	vld [tilespmem:s16+$0xFF0];
	[tilespmem:v61+s22+$0x0] =	vst.idx.msk $0xffff, v20  }
0x3b1: {  	v21 =	vadd.s32 v2, v14;
	v20 =	vmov s11;
	[tilespmem:v25+s22+$0x0] =	vst.idx.msk $0xffff, v17;
	v22 =	vld [tilespmem:s16+$0x1010];
	v63 =	vadd.f32 v26, v6  }
0x3b2: {  	s9 =	simm.s32 $0x45C0;
	s25 =	simm.s32 $0xB;
	v17 =	vand.u32 $0x7C, v20;
	v30 =	vadd.f32 v31, v9;
	v26 =	vadd.s32 v5, v18;
	[tilespmem:v34+s22+$0x0] =	vst.idx.msk $0xffff, v27;
	v25 =	vld [tilespmem:s16+$0xFD0]  }
0x3b3: {  	v18 =	vmov s25;
	v31 =	vld [tilespmem:s9+$0xFFFFF020];
	s16 =	simm.s32 $0xC;
	v32 =	vadd.f32 v62, v9;
	v27 =	vadd.s32 v5, v19;
	[tilespmem:v35+s22+$0x0] =	vst.idx.msk $0xffff, v63  }
.LBB2_20:
0x3b4: {  	p0 =	slt.u32 s16, $0x7C;
	s10 =	sadd.s32 $0x1, s11;
	v18 =	vand.u32 $0x7F, v18;
	[tilespmem:v29+s22+$0x0] =	vst.idx.msk $0xffff, v30;
	v19 =	vadd.f32 v24, v9;
	v20 =	vld [tilespmem:s15+$0x30];
	v24 =	vadd.s32 v5, v16  }
0x3b5: {  	v34 =	vmovc v14;
	v29 =	vld [tilespmem:s9+$0xFFFFEFC0];
	v30 =	vmov s10;
	s10 =	sadd.s32 $0x2, s11;
	v33 =	vadd.s32 v0, v18;
	[tilespmem:v28+s22+$0x0] =	vst.idx.msk $0xffff, v32;
	v23 =	vadd.f32 v23, v6;
	s11 =	smov.u32 s16  }
0x3b6: {  	v16 =	vmovc v11;
	v28 =	vld [tilespmem:s9+$0xFFFFEFE0];
	v14 =	vmov s10;
	[tilespmem:v21+s22+$0x0] =	vst.idx.msk $0xffff, v19;
	v19 =	vadd.s32 v3, v10;
	v21 =	vadd.f32 v22, v6  }
0x3b7: {  	v22 =	vadd.s32 v0, v17;
	v35 =	vand.u32 $0x7D, v30;
	v30 =	vld [tilespmem:s9+$0xFFFFF000];
	v32 =	vadd.f32 v25, v6;
	[tilespmem:v26+s22+$0x0] =	vst.idx.msk $0xffff, v23  }
0x3b8: {  	v23 =	vadd.s32 v0, v35;
	v14 =	vand.u32 $0x7E, v14;
	v25 =	vadd.f32 v31, v15;
	v26 =	vld [tilespmem:s15+$0xFFFFFFF0];
	[tilespmem:v27+s22+$0x0] =	vst.idx.msk $0xffff, v21  }
0x3b9: {  	v11 =	vmov v17;
	v21 =	vadd.s32 v0, v14;
	v27 =	vld [tilespmem:s15+$0x10];
	v20 =	vadd.f32 v20, v8;
	[tilespmem:v24+s22+$0x0] =	vst.idx.msk $0xffff, v32  }
0x3ba: {  	v17 =	vadd.f32 v29, v15;
	[tilespmem:v33+s22+$0x0] =	vst.idx.msk $0xffff, v25;
	v24 =	vld [tilespmem:s15+$0xFFFFFFD0];
	v25 =	vadd.s32 v3, v12  }
0x3bb: {  	v31 =	vadd.s32 v3, v34;
	v28 =	vadd.f32 v28, v15;
	v29 =	vld [tilespmem:s9+$0xFFFFF030];
	[tilespmem:v19+s22+$0x0] =	vst.idx.msk $0xffff, v20  }
0x3bc: {  	v19 =	vadd.s32 v3, v16;
	[tilespmem:v22+s22+$0x0] =	vst.idx.msk $0xffff, v17;
	v17 =	vadd.f32 v30, v15;
	v20 =	vld [tilespmem:s15+$0x1020]  }
0x3bd: {  	v22 =	vld [tilespmem:s9+$0xFFFFEFD0];
	[tilespmem:v23+s22+$0x0] =	vst.idx.msk $0xffff, v28;
	v23 =	vadd.s32 v1, v18;
	v26 =	vadd.f32 v26, v8  }
0x3be: {  	v28 =	vld [tilespmem:s9+$0xFFFFEFF0];
	[tilespmem:v21+s22+$0x0] =	vst.idx.msk $0xffff, v17;
	v17 =	vadd.f32 v27, v8;
	v21 =	vadd.s32 v4, v10  }
0x3bf: {  	v27 =	vadd.s32 v1, v11;
	v30 =	vld [tilespmem:s9+$0xFFFFF010];
	v24 =	vadd.f32 v24, v8;
	[tilespmem:v25+s22+$0x0] =	vst.idx.msk $0xffff, v26  }
0x3c0: {  	v25 =	vadd.s32 v1, v35;
	v26 =	vadd.f32 v29, v13;
	v29 =	vld [tilespmem:s15+$0xFE0];
	[tilespmem:v31+s22+$0x0] =	vst.idx.msk $0xffff, v17  }
0x3c1: {  	v17 =	vadd.s32 v1, v14;
	[tilespmem:v19+s22+$0x0] =	vst.idx.msk $0xffff, v24;
	v19 =	vld [tilespmem:s15+$0x1000];
	v20 =	vadd.f32 v20, v7  }
0x3c2: {  	v22 =	vadd.f32 v22, v13;
	[tilespmem:v23+s22+$0x0] =	vst.idx.msk $0xffff, v26;
	v23 =	vld [tilespmem:s15+$0xFC0];
	v26 =	vadd.s32 v4, v12  }
0x3c3: {  	v32 =	vadd.s32 v4, v34;
	v24 =	vadd.f32 v28, v13;
	v31 =	vld [tilespmem:s9+$0x20];
	[tilespmem:v21+s22+$0x0] =	vst.idx.msk $0xffff, v20  }
0x3c4: {  	[tilespmem:v27+s22+$0x0] =	vst.idx.msk $0xffff, v22;
	v20 =	vadd.f32 v30, v13;
	v22 =	vadd.s32 v4, v16;
	v27 =	vld [tilespmem:s15+$0x1030]  }
0x3c5: {  	v30 =	vld [tilespmem:s9+$0xFFFFFFC0];
	[tilespmem:v25+s22+$0x0] =	vst.idx.msk $0xffff, v24;
	v25 =	vadd.s32 v2, v18;
	v21 =	vadd.f32 v29, v7  }
0x3c6: {  	v33 =	vld [tilespmem:s9+$0xFFFFFFE0];
	[tilespmem:v17+s22+$0x0] =	vst.idx.msk $0xffff, v20;
	v17 =	vadd.f32 v19, v7;
	v19 =	vadd.s32 v5, v10;
	v10 =	vmov v18  }
.Ltmp9:
0x3c7: {  	v29 =	vadd.s32 v2, v11;
	v24 =	vld [tilespmem:s9+$0x0];
	v18 =	vadd.f32 v23, v7;
	[tilespmem:v26+s22+$0x0] =	vst.idx.msk $0xffff, v21;
	(pc) =	sbr.rel @p0 .LBB2_20-.Ltmp9, $4  }
0x3c8: {  	v28 =	vadd.s32 v2, v35;
	v20 =	vadd.f32 v31, v9;
	v23 =	vld [tilespmem:s15+$0xFF0];
	[tilespmem:v32+s22+$0x0] =	vst.idx.msk $0xffff, v17  }
0x3c9: {  	v21 =	vadd.s32 v2, v14;
	v17 =	vmov s16;
	[tilespmem:v22+s22+$0x0] =	vst.idx.msk $0xffff, v18;
	v22 =	vld [tilespmem:s15+$0x1010];
	v36 =	vadd.f32 v27, v6  }
0x3ca: {  	s10 =	sadd.s32 $0x3, s16;
	v26 =	vadd.s32 v5, v12;
	v17 =	vand.u32 $0x7C, v17;
	v30 =	vadd.f32 v30, v9;
	[tilespmem:v25+s22+$0x0] =	vst.idx.msk $0xffff, v20;
	v25 =	vld [tilespmem:s15+$0xFD0];
	s15 =	smov.u32 s9;
	s9 =	sadd.s32 $0x80, s9  }
0x3cb: {  	v12 =	vmovc v35;
	s16 =	sadd.s32 $0x4, s16;
	v18 =	vmov s10;
	v27 =	vadd.s32 v5, v34;
	v31 =	vld [tilespmem:s9+$0xFFFFF020];
	v32 =	vadd.f32 v33, v9;
	[tilespmem:v19+s22+$0x0] =	vst.idx.msk $0xffff, v36  }
0x3cc: {  	s10 =	sadd.s32 $0x1, s11  }
0x3cd: {  	v18 =	vand.u32 $0x7F, v18;
	s18 =	sadd.s32 $0x2, s11;
	v33 =	vld [tilespmem:s9+$0xFFFFEFE0];
	v19 =	vmov s10  }
0x3ce: {  	v35 =	vld [tilespmem:s9+$0xFFFFF000];
	v34 =	vadd.s32 v0, v18;
	v20 =	vmov s18;
	v19 =	vand.u32 $0x7D, v19  }
0x3cf: {  	v36 =	vld [tilespmem:s9+$0xFFFFEFC0];
	v20 =	vand.u32 $0x7E, v20;
	v37 =	vadd.s32 v0, v19  }
0x3d0: {  	v38 =	vadd.s32 v0, v20  }
0x3d1: {  	v39 =	vadd.s32 v0, v17;
	v31 =	vadd.f32 v31, v15  }
0x3d2: {  	v33 =	vadd.f32 v33, v15  }
0x3d3: {  	v45 =	vadd.f32 v35, v15;
	[tilespmem:v34+s22+$0x0] =	vst.idx.msk $0xffff, v31  }
0x3d4: {  	v46 =	vadd.f32 v36, v15;
	v34 =	vld [tilespmem:s9+$0xFFFFF030];
	[tilespmem:v37+s22+$0x0] =	vst.idx.msk $0xffff, v33  }
0x3d5: {  	[tilespmem:v38+s22+$0x0] =	vst.idx.msk $0xffff, v45;
	v33 =	vld [tilespmem:s9+$0xFFFFEFF0]  }
0x3d6: {  	v47 =	vadd.s32 v1, v18;
	[tilespmem:v39+s22+$0x0] =	vst.idx.msk $0xffff, v46;
	v31 =	vld [tilespmem:s9+$0xFFFFF010]  }
0x3d7: {  	v49 =	vadd.s32 v1, v19;
	v48 =	vld [tilespmem:s9+$0xFFFFEFD0]  }
0x3d8: {  	v50 =	vadd.s32 v1, v20  }
0x3d9: {  	[tilespmem:v29+s22+$0x0] =	vst.idx.msk $0xffff, v30;
	v51 =	vadd.s32 v1, v17;
	v52 =	vadd.f32 v34, v13  }
0x3da: {  	[tilespmem:v28+s22+$0x0] =	vst.idx.msk $0xffff, v32;
	v53 =	vadd.f32 v33, v13  }
0x3db: {  	[tilespmem:v47+s22+$0x0] =	vst.idx.msk $0xffff, v52;
	v54 =	vadd.f32 v31, v13  }
0x3dc: {  	v55 =	vadd.f32 v48, v13;
	v30 =	vld [tilespmem:s9+$0x20];
	[tilespmem:v49+s22+$0x0] =	vst.idx.msk $0xffff, v53  }
0x3dd: {  	v24 =	vadd.f32 v24, v9;
	v16 =	vadd.s32 v5, v16;
	[tilespmem:v50+s22+$0x0] =	vst.idx.msk $0xffff, v54;
	v28 =	vld [tilespmem:s9+$0xFFFFFFE0]  }
0x3de: {  	v56 =	vadd.f32 v23, v6;
	v57 =	vadd.s32 v2, v18;
	[tilespmem:v51+s22+$0x0] =	vst.idx.msk $0xffff, v55;
	v58 =	vld [tilespmem:s9+$0x0]  }
0x3df: {  	[tilespmem:v21+s22+$0x0] =	vst.idx.msk $0xffff, v24;
	v59 =	vadd.f32 v22, v6;
	v61 =	vadd.s32 v2, v19;
	v60 =	vld [tilespmem:s9+$0xFFFFFFC0]  }
0x3e0: {  	v62 =	vld [tilespmem:s15+$0x30];
	v25 =	vadd.f32 v25, v6;
	[tilespmem:v26+s22+$0x0] =	vst.idx.msk $0xffff, v56;
	v63 =	vadd.s32 v2, v20  }
0x3e1: {  	[tilespmem:v27+s22+$0x0] =	vst.idx.msk $0xffff, v59;
	v37 =	vld [tilespmem:s15+$0x10];
	v34 =	vadd.s32 v2, v17;
	v35 =	vadd.f32 v30, v9  }
0x3e2: {  	v36 =	vadd.s32 v3, v10;
	[tilespmem:v16+s22+$0x0] =	vst.idx.msk $0xffff, v25;
	v39 =	vld [tilespmem:s15+$0xFFFFFFD0];
	v38 =	vadd.f32 v28, v9  }
0x3e3: {  	v42 =	vadd.s32 v3, v14;
	v33 =	vld [tilespmem:s15+$0xFFFFFFF0];
	[tilespmem:v57+s22+$0x0] =	vst.idx.msk $0xffff, v35;
	v41 =	vadd.f32 v58, v9  }
0x3e4: {  	v46 =	vadd.s32 v3, v11;
	v43 =	vadd.f32 v60, v9;
	v44 =	vld [tilespmem:s9+$0x30];
	[tilespmem:v61+s22+$0x0] =	vst.idx.msk $0xffff, v38  }
0x3e5: {  	v40 =	vadd.s32 v3, v12;
	v45 =	vadd.f32 v62, v8;
	[tilespmem:v63+s22+$0x0] =	vst.idx.msk $0xffff, v41;
	v47 =	vld [tilespmem:s9+$0xFFFFFFF0]  }
0x3e6: {  	v51 =	vadd.f32 v37, v8;
	v49 =	vadd.s32 v3, v18;
	[tilespmem:v34+s22+$0x0] =	vst.idx.msk $0xffff, v43;
	v50 =	vld [tilespmem:s9+$0x10]  }
0x3e7: {  	[tilespmem:v36+s22+$0x0] =	vst.idx.msk $0xffff, v45;
	v25 =	vadd.f32 v39, v8;
	v53 =	vadd.s32 v3, v19;
	v52 =	vld [tilespmem:s9+$0xFFFFFFD0]  }
0x3e8: {  	v55 =	vadd.s32 v3, v20;
	v54 =	vld [tilespmem:s15+$0x1020];
	[tilespmem:v42+s22+$0x0] =	vst.idx.msk $0xffff, v51;
	v48 =	vadd.f32 v33, v8  }
0x3e9: {  	[tilespmem:v46+s22+$0x0] =	vst.idx.msk $0xffff, v25;
	v59 =	vld [tilespmem:s15+$0x1000];
	v57 =	vadd.s32 v3, v17;
	v56 =	vadd.f32 v44, v8  }
0x3ea: {  	v25 =	vld [tilespmem:s15+$0xFC0];
	[tilespmem:v40+s22+$0x0] =	vst.idx.msk $0xffff, v48;
	v58 =	vadd.s32 v4, v10;
	v13 =	vadd.f32 v47, v8  }
0x3eb: {  	v62 =	vadd.s32 v4, v14;
	v28 =	vld [tilespmem:s15+$0xFE0];
	[tilespmem:v49+s22+$0x0] =	vst.idx.msk $0xffff, v56;
	v61 =	vadd.f32 v50, v8  }
0x3ec: {  	v34 =	vadd.s32 v4, v11;
	v32 =	vadd.f32 v52, v8;
	v63 =	vld [tilespmem:s9+$0x1020];
	[tilespmem:v53+s22+$0x0] =	vst.idx.msk $0xffff, v13  }
0x3ed: {  	v60 =	vadd.s32 v4, v12;
	v33 =	vadd.f32 v54, v7;
	[tilespmem:v55+s22+$0x0] =	vst.idx.msk $0xffff, v61;
	v27 =	vld [tilespmem:s9+$0xFE0]  }
0x3ee: {  	v36 =	vadd.s32 v4, v18;
	v38 =	vadd.f32 v59, v7;
	[tilespmem:v57+s22+$0x0] =	vst.idx.msk $0xffff, v32;
	v37 =	vld [tilespmem:s9+$0x1000]  }
0x3ef: {  	v39 =	vadd.s32 v4, v19;
	v25 =	vadd.f32 v25, v7;
	[tilespmem:v58+s22+$0x0] =	vst.idx.msk $0xffff, v33;
	v22 =	vld [tilespmem:s9+$0xFC0]  }
0x3f0: {  	v41 =	vadd.s32 v4, v20;
	[tilespmem:v62+s22+$0x0] =	vst.idx.msk $0xffff, v38;
	v35 =	vadd.f32 v28, v7;
	v40 =	vld [tilespmem:s15+$0x1030]  }
0x3f1: {  	v46 =	vld [tilespmem:s15+$0x1010];
	v44 =	vadd.s32 v4, v17;
	[tilespmem:v34+s22+$0x0] =	vst.idx.msk $0xffff, v25;
	v43 =	vadd.f32 v63, v7  }
0x3f2: {  	v45 =	vadd.s32 v5, v10;
	[tilespmem:v60+s22+$0x0] =	vst.idx.msk $0xffff, v35;
	v26 =	vld [tilespmem:s15+$0xFD0];
	v47 =	vadd.f32 v27, v7  }
0x3f3: {  	v42 =	vld [tilespmem:s15+$0xFF0];
	v49 =	vadd.s32 v5, v14;
	[tilespmem:v36+s22+$0x0] =	vst.idx.msk $0xffff, v43;
	v8 =	vadd.f32 v37, v7  }
0x3f4: {  	v52 =	vadd.s32 v5, v11;
	v7 =	vadd.f32 v22, v7;
	v50 =	vld [tilespmem:s9+$0x1030];
	[tilespmem:v39+s22+$0x0] =	vst.idx.msk $0xffff, v47  }
0x3f5: {  	v48 =	vadd.s32 v5, v12;
	v51 =	vadd.f32 v40, v6;
	[tilespmem:v41+s22+$0x0] =	vst.idx.msk $0xffff, v8;
	v53 =	vld [tilespmem:s9+$0xFF0]  }
0x3f6: {  	v55 =	vadd.s32 v5, v18;
	v56 =	vadd.f32 v46, v6;
	[tilespmem:v44+s22+$0x0] =	vst.idx.msk $0xffff, v7;
	v7 =	vld [tilespmem:s9+$0x1010]  }
0x3f7: {  	v58 =	vadd.s32 v5, v19;
	v59 =	vadd.f32 v26, v6;
	[tilespmem:v45+s22+$0x0] =	vst.idx.msk $0xffff, v51;
	v57 =	vld [tilespmem:s9+$0xFD0]  }
0x3f8: {  	v60 =	vadd.s32 v5, v20;
	v54 =	vadd.f32 v42, v6;
	[tilespmem:v49+s22+$0x0] =	vst.idx.msk $0xffff, v56  }
0x3f9: {  	v62 =	vadd.s32 v5, v17;
	[tilespmem:v52+s22+$0x0] =	vst.idx.msk $0xffff, v59;
	v61 =	vadd.f32 v50, v6  }
0x3fa: {  	[tilespmem:v48+s22+$0x0] =	vst.idx.msk $0xffff, v54;
	v63 =	vadd.f32 v53, v6  }
0x3fb: {  	[tilespmem:v55+s22+$0x0] =	vst.idx.msk $0xffff, v61;
	v7 =	vadd.f32 v7, v6  }
0x3fc: {  	v6 =	vadd.f32 v57, v6;
	[tilespmem:v58+s22+$0x0] =	vst.idx.msk $0xffff, v63  }
0x3fd: {  	[tilespmem:v60+s22+$0x0] =	vst.idx.msk $0xffff, v7  }
0x3fe: {  	[tilespmem:v62+s22+$0x0] =	vst.idx.msk $0xffff, v6  }
0x3ff: {  	s25 =	simm.s32 $0xC780;
	s11 =	rddreg [dreg:$0x12]  }
0x400: {  	[hbm4b:s11+s3] =	stream.linear.scatter [tilespmem:s25], [sflag:$0x5], $0x80, $0x38;
	[tilespmem:$0x17880] =	vst v63  }
0x401: {  	s10 =	simm.s32 $0xC808;
	s15 =	sadd.s32 $0x10, s11  }
0x402: {  	[hbm4b:s15+s3] =	stream.linear.scatter [tilespmem:s10], [sflag:$0x5], $0x80, $0x38;
	[tilespmem:$0x17880] =	vst v63  }
0x403: {  	s16 =	simm.s32 $0xC890;
	s18 =	simm.s32 $0xC918;
	s17 =	sadd.s32 $0x20, s11  }
0x404: {  	[hbm4b:s17+s3] =	stream.linear.scatter [tilespmem:s16], [sflag:$0x5], $0x80, $0x38;
	[tilespmem:$0x17880] =	vst v63  }
0x405: {  	s9 =	simm.s32 $0x440;
	s25 =	sadd.s32 $0x30, s11;
	s10 =	simm.s32 $0xC9A0  }
0x406: {  	[hbm4b:s25+s3] =	stream.linear.scatter [tilespmem:s18], [sflag:$0x5], $0x80, $0x38;
	[tilespmem:$0x17880] =	vst v63  }
0x407: {  	s15 =	sadd.s32 $0x40, s11;
	s16 =	simm.s32 $0xCA28;
	s17 =	sadd.s32 $0x50, s11  }
0x408: {  	[hbm4b:s15+s3] =	stream.linear.scatter [tilespmem:s10], [sflag:$0x5], $0x80, $0x38;
	[tilespmem:$0x17880] =	vst v63  }
0x409: {  	s18 =	simm.s32 $0xCAB0;
	s25 =	sadd.s32 $0x60, s11;
	s15 =	simm.s32 $0x2200  }
0x40a: {  	[hbm4b:s17+s3] =	stream.linear.scatter [tilespmem:s16], [sflag:$0x5], $0x80, $0x38;
	[tilespmem:$0x17880] =	vst v63  }
0x40b: {  	s16 =	simm.s32 $0xCB38;
	s17 =	sadd.s32 $0x70, s11;
	s11 =	sadd.s32 $0x400, s11  }
0x40c: {  	[hbm4b:s25+s3] =	stream.linear.scatter [tilespmem:s18], [sflag:$0x5], $0x80, $0x38;
	[tilespmem:$0x17880] =	vst v63  }
.LBB2_22:
0x40d: {  	[hbm4b:s17+s3] =	stream.linear.scatter [tilespmem:s16], [sflag:$0x5], $0x80, $0x38;
	[tilespmem:$0x17880] =	vst v63  }
0x40e: {  	s10 =	smov.u32 s9;
	s9 =	smov.u32 s15  }
0x40f: {  	s18 =	sadd.s32 $0x1100, s15;
	s9 =	sshra.s32 s9, $0x2;
	s16 =	sadd.s32 $0xC780, s10  }
0x410: {  	[hbm4b:s11+s3] =	stream.linear.scatter [tilespmem:s16], [sflag:$0x5], $0x80, $0x38;
	[tilespmem:$0x17880] =	vst v63  }
0x411: {  	p0 =	sne.s32 s15, $0xBB00;
	s15 =	sadd.s32 $0xC808, s10;
	s16 =	sadd.s32 $0x10, s11  }
0x412: {  	[hbm4b:s16+s3] =	stream.linear.scatter [tilespmem:s15], [sflag:$0x5], $0x80, $0x38;
	[tilespmem:$0x17880] =	vst v63  }
0x413: {  	s15 =	sadd.s32 $0xC890, s10;
	s16 =	sadd.s32 $0x20, s11  }
0x414: {  	[hbm4b:s16+s3] =	stream.linear.scatter [tilespmem:s15], [sflag:$0x5], $0x80, $0x38;
	[tilespmem:$0x17880] =	vst v63  }
0x415: {  	s15 =	sadd.s32 $0xC918, s10;
	s16 =	sadd.s32 $0x30, s11  }
0x416: {  	[hbm4b:s16+s3] =	stream.linear.scatter [tilespmem:s15], [sflag:$0x5], $0x80, $0x38;
	[tilespmem:$0x17880] =	vst v63  }
0x417: {  	s15 =	sadd.s32 $0xC9A0, s10;
	s16 =	sadd.s32 $0x40, s11  }
0x418: {  	[hbm4b:s16+s3] =	stream.linear.scatter [tilespmem:s15], [sflag:$0x5], $0x80, $0x38;
	[tilespmem:$0x17880] =	vst v63  }
.Ltmp10:
0x419: {  	s15 =	sadd.s32 $0xCA28, s10;
	s16 =	sadd.s32 $0x50, s11;
	(pc) =	sbr.rel @p0 .LBB2_22-.Ltmp10, $4  }
0x41a: {  	[hbm4b:s16+s3] =	stream.linear.scatter [tilespmem:s15], [sflag:$0x5], $0x80, $0x38;
	[tilespmem:$0x17880] =	vst v63  }
0x41b: {  	s17 =	sadd.s32 $0x70, s11;
	s15 =	sadd.s32 $0xCAB0, s10;
	s16 =	sadd.s32 $0x60, s11  }
0x41c: {  	[hbm4b:s16+s3] =	stream.linear.scatter [tilespmem:s15], [sflag:$0x5], $0x80, $0x38;
	[tilespmem:$0x17880] =	vst v63  }
0x41d: {  	s11 =	sadd.s32 $0x400, s11;
	s16 =	sadd.s32 $0xCB38, s10;
	s15 =	smov.u32 s18  }
0x41e: {  	[hbm4b:s17+s3] =	stream.linear.scatter [tilespmem:s16], [sflag:$0x5], $0x80, $0x38;
	[tilespmem:$0x17880] =	vst v63  }
0x41f: {  	s10 =	sadd.s32 $0xC780, s9  }
0x420: {  	[hbm4b:s11+s3] =	stream.linear.scatter [tilespmem:s10], [sflag:$0x5], $0x80, $0x38;
	[tilespmem:$0x17880] =	vst v63  }
0x421: {  	s17 =	sadd.s32 $0xC808, s9;
	s15 =	sadd.s32 $0x10, s11  }
0x422: {  	[hbm4b:s15+s3] =	stream.linear.scatter [tilespmem:s17], [sflag:$0x5], $0x80, $0x38;
	[tilespmem:$0x17880] =	vst v63  }
0x423: {  	s18 =	sadd.s32 $0xC890, s9;
	s25 =	sadd.s32 $0x20, s11  }
0x424: {  	[hbm4b:s25+s3] =	stream.linear.scatter [tilespmem:s18], [sflag:$0x5], $0x80, $0x38;
	[tilespmem:$0x17880] =	vst v63  }
0x425: {  	s16 =	sadd.s32 $0xC918, s9;
	s17 =	sadd.s32 $0x30, s11  }
0x426: {  	[hbm4b:s17+s3] =	stream.linear.scatter [tilespmem:s16], [sflag:$0x5], $0x80, $0x38;
	[tilespmem:$0x17880] =	vst v63  }
0x427: {  	s18 =	sadd.s32 $0xC9A0, s9;
	s25 =	sadd.s32 $0x40, s11  }
0x428: {  	[hbm4b:s25+s3] =	stream.linear.scatter [tilespmem:s18], [sflag:$0x5], $0x80, $0x38;
	[tilespmem:$0x17880] =	vst v63  }
0x429: {  	s16 =	sadd.s32 $0xCA28, s9;
	s17 =	sadd.s32 $0x50, s11  }
0x42a: {  	[hbm4b:s17+s3] =	stream.linear.scatter [tilespmem:s16], [sflag:$0x5], $0x80, $0x38;
	[tilespmem:$0x17880] =	vst v63  }
0x42b: {  	s18 =	sadd.s32 $0xCAB0, s9;
	s25 =	sadd.s32 $0x60, s11  }
0x42c: {  	[hbm4b:s25+s3] =	stream.linear.scatter [tilespmem:s18], [sflag:$0x5], $0x80, $0x38;
	[tilespmem:$0x17880] =	vst v63  }
0x42d: {  	s15 =	sadd.s32 $0xCB38, s9;
	s16 =	sadd.s32 $0x70, s11;
	s17 =	simm.s32 $0x6  }
0x42e: {  	[hbm4b:s16+s3] =	stream.linear.scatter [tilespmem:s15], [sflag:$0x5], $0x80, $0x38;
	[tilespmem:$0x17880] =	vst v63  }
0x42f: {  	_ =	swait.ge [sflag:s17], $0x3000  }
0x430: {  	[sflag:s17] =	ssyncset.done $0x0  }
0x431: {  	[sflag:s17] =	ssyncadd.s32 $0xFFFFD000  }
0x432: {  	_ =	swait.ge [sflag:s19], $0x3000  }
0x433: {  	[sflag:s19] =	ssyncset.done $0x0  }
0x434: {  	s18 =	simm.s32 $0x5;
	[sflag:s19] =	ssyncadd.s32 $0xFFFFD000  }
0x435: {  	_ =	swait.ge [sflag:s18], $0x3000  }
0x436: {  	s19 =	rddreg [dreg:$0x14]  }
0x437: {  	s25 =	rddreg [dreg:$0x13];
	s11 =	sadd.s32 $0x1, s19  }
0x438: {  	p0 =	sne.s32 s11, s25  }
.Ltmp11:
0x439: {  	_ = 	snop;
	(pc) =	sbr.rel @p0 .LBB2_1-.Ltmp11, $3  }
0x43a: {  	_ =	sdelay $0x1  }
0x43b: {  	[sflag:s18] =	ssyncset.done $0x0  }
0x43c: {  	[sflag:s18] =	ssyncadd.s32 $0xFFFFD000  }
0x43d: {  	_ =	sfence.sel $0x180000  }
0x43e: {  	[bflag:$0x0] =	sbarrier.arrive $0xFFFF  }
0x43f: {  	_ =	strace $0x90000047  }
0x440: {  	s0 =	stileid.u32;
	[bflag:$0x2] =	sbarrier.arrive $0xFFFF  }
0x441: {  	p0 =	sne.s32 s0, $0x0;
	s0 =	rddreg [dreg:$0x2]  }
0x442: {  	s0 =	sadd.s32 @!p0 $0x100000, s0  }
0x443: {  	[sflag:s0] =	ssyncadd.tile.s32 @!p0 $0x1;
	_ =	shalt  }
.Lfunc_end2:
_tile_overlayer_lowered:
.L_overlay_start_2:
0x444: {  	(tag) =	ssettag $0x2  }
0x445: {  	s0 =	rddreg [dreg:$0x0];
	s2 =	stileid.u32  }
0x446: {  	s1 =	rddreg [dreg:$0x1];
	p0 =	sne.s32 s2, $0x0  }
0x447: {  	s3 =	rddreg [dreg:$0x2];
	[bflag:$0x3] =	sbarrier.arrive $0xFFFF;
	s2 =	simm.s32 @!p0 $0x1C07  }
0x448: {  	[timem:s3], [sflag:s2] =	dma.local @!p0 [hbm:s0], s1  }
0x449: {  	s0 =	simm.s32 @!p0 $0x7  }
0x44a: {  	_ =	swait.ge @!p0 [sflag:s0], s1  }
0x44b: {  	s1 =	ssub.s32 @!p0 $0x0, s1;
	[sflag:s0] =	ssyncset.done @!p0 $0x0  }
0x44c: {  	[sflag:s0] =	ssyncadd.s32 @!p0 s1  }
0x44d: {  	[bflag:$0x3] =	sbarrier.arrive $0xFFFF  }
0x44e: {  	_ =	shalt  }

</sc_bundles>
